<compile_context>
chip_gen: v7x
topology: tpu7x:2x2x1
jax: 0.10.2.dev20260603
libtpu: 0.0.44.dev20260713+nightly
codegen_flags: <defaults>
</compile_context>

<pallas_src>
import functools

import jax
import jax.numpy as jnp
from jax import lax
from jax.experimental import pallas as pl
from jax.experimental.pallas import tpu as pltpu
from jax.experimental.pallas import tpu_sc as plsc

HIDDEN = 128
XDIM = 13
XPAD = 16
INP = 2 * XPAD
N_NODES = 10000
N_EDGES = 160000

NC, NS, L = 2, 16, 16
NW = NC * NS
EPAD = 163840
CHUNK = EPAD // NW
TILE = 1024
NT = CHUNK // TILE

EBLK = 256
ESORT = EPAD + 4 * EBLK
NBLKS = ESORT // EBLK
BCPAD = 656
NBLK = 400

OTILE = 512
NOT = CHUNK // OTILE

_SC_PARAMS = pltpu.CompilerParams(
    needs_layout_passes=False, use_tc_tiling_on_sc=False)


def _ln(h, g, b):
    m = jnp.mean(h, axis=-1, keepdims=True)
    v = jnp.mean((h - m) * (h - m), axis=-1, keepdims=True)
    return (h - m) / jnp.sqrt(v + 1e-5) * g + b


def _wid():
    return lax.axis_index("s") * NC + lax.axis_index("c")



def _sc_combo_body(s_hbm, e_hbm, vid_hbm, c_hbm, hist_hbm,
                   vid_v, sidx, eidx, cv, hv):
    wid = _wid()
    pltpu.sync_copy(vid_hbm, vid_v)
    lanes = lax.broadcasted_iota(jnp.int32, (L,), 0)
    zero = jnp.zeros((L,), jnp.int32)
    one = jnp.full((L,), 1, jnp.int32)

    def tile(t, cnts):
        base = wid * CHUNK + t * TILE
        pltpu.sync_copy(s_hbm.at[pl.ds(base, TILE)], sidx)
        pltpu.sync_copy(e_hbm.at[pl.ds(base, TILE)], eidx)

        def vr(k, cn):
            sl = pl.ds(k * L, L)
            vs = plsc.load_gather(vid_v, [sidx[sl]])
            ve = plsc.load_gather(vid_v, [eidx[sl]])
            c = 2 * jnp.where(vs >= 3, one, zero) + jnp.where(ve >= 3, one, zero)
            s = jnp.where(c == 3, 2 * one, jnp.where(c == 2, 3 * one, c))
            cv[sl] = s
            return (cn[0] + plsc.all_reduce_population_count(s == 0),
                    cn[1] + plsc.all_reduce_population_count(s == 1),
                    cn[2] + plsc.all_reduce_population_count(s == 2),
                    cn[3] + plsc.all_reduce_population_count(s == 3))

        cnts = lax.fori_loop(0, TILE // L, vr, cnts)
        pltpu.sync_copy(cv, c_hbm.at[pl.ds(base, TILE)])
        return cnts

    c0, c1, c2, c3 = lax.fori_loop(0, NT, tile, (zero, zero, zero, zero))
    comb = jnp.where(lanes == 0, c0,
           jnp.where(lanes == 1, c1,
           jnp.where(lanes == 2, c2,
           jnp.where(lanes == 3, c3, zero))))
    hv[...] = comb
    pltpu.sync_copy(hv, hist_hbm.at[wid])


def _sc_combo(start, end, vid):
    mesh = plsc.VectorSubcoreMesh(core_axis_name="c", subcore_axis_name="s")
    f = functools.partial(
        pl.kernel,
        out_type=(
            jax.ShapeDtypeStruct((EPAD,), jnp.int32),
            jax.ShapeDtypeStruct((NW, L), jnp.int32),
        ),
        mesh=mesh,
        scratch_types=[
            pltpu.VMEM((N_NODES,), jnp.int32),
            pltpu.VMEM((TILE,), jnp.int32),
            pltpu.VMEM((TILE,), jnp.int32),
            pltpu.VMEM((TILE,), jnp.int32),
            pltpu.VMEM((L,), jnp.int32),
        ],
        compiler_params=_SC_PARAMS,
    )(_sc_combo_body)
    return f(start, end, vid)



def _seg_bases(hist_hbm, histv, csv, wid):
    pltpu.sync_copy(hist_hbm, histv)
    lanes = lax.broadcasted_iota(jnp.int32, (L,), 0)
    widv = jnp.full((L,), wid, jnp.int32)
    totals, bases = [], []
    for j in range(4):
        jv = jnp.full((L,), j, jnp.int32)
        h_lo = plsc.load_gather(histv, [lanes, jv])
        h_hi = plsc.load_gather(histv, [lanes + 16, jv])
        cs_lo = plsc.cumsum(h_lo)
        csv[pl.ds(0, L)] = cs_lo
        tot_lo_v = plsc.load_gather(csv, [jnp.full((L,), 15, jnp.int32)])
        cs_hi = plsc.cumsum(h_hi) + tot_lo_v
        csv[pl.ds(L, L)] = cs_hi
        tot_v = plsc.load_gather(csv, [jnp.full((L,), 31, jnp.int32)])
        my_incl = plsc.load_gather(csv, [widv])
        my_cnt = plsc.load_gather(histv, [widv, jv])
        totals.append(tot_v)
        bases.append(my_incl - my_cnt)
    align = lambda v: (v + (EBLK - 1)) & (-EBLK)
    a = [jnp.zeros((L,), jnp.int32)]
    for j in range(3):
        a.append(align(a[j] + totals[j]))
    seg_base = [bases[j] + a[j] for j in range(4)]
    return a, seg_base


def _sc_route_body(xp_hbm, s_hbm, e_hbm, c_hbm, hist_hbm,
                   sortA_hbm, sortB_hbm, dst_hbm, blk_hbm,
                   histv, csv, sidx, eidx, sv, dst3, ra, rb, bv,
                   sem_g, sem_s):
    wid = _wid()
    a, seg = _seg_bases(hist_hbm, histv, csv, wid)
    lanes = lax.broadcasted_iota(jnp.int32, (L,), 0)
    one = jnp.full((L,), 1, jnp.int32)

    @pl.when(wid == 0)
    def _():
        for m in range(BCPAD // L):
            row = (lanes + m * L) * EBLK
            v = jnp.where(row < a[1], 0 * one,
                jnp.where(row < a[2], one,
                jnp.where(row < a[3], 2 * one, 3 * one)))
            bv[pl.ds(m * L, L)] = v
        pltpu.sync_copy(bv, blk_hbm)

    def tile(t, seg_c):
        base = wid * CHUNK + t * TILE
        pltpu.sync_copy(s_hbm.at[pl.ds(base, TILE)], sidx)
        pltpu.sync_copy(e_hbm.at[pl.ds(base, TILE)], eidx)
        pltpu.sync_copy(c_hbm.at[pl.ds(base, TILE)], sv)

        for jj in range(TILE // 128):
            def vr(k, sc):
                b0, b1, b2, b3 = sc
                sl = pl.ds(jj * 128 + k * L, L)
                s = sv[sl]
                m0, m1, m2, m3 = (s == 0), (s == 1), (s == 2), (s == 3)
                d0 = b0 + plsc.cumsum(one, mask=m0) - 1
                d1 = b1 + plsc.cumsum(one, mask=m1) - 1
                d2 = b2 + plsc.cumsum(one, mask=m2) - 1
                d3 = b3 + plsc.cumsum(one, mask=m3) - 1
                dst = jnp.where(m0, d0, jnp.where(m1, d1, jnp.where(m2, d2, d3)))
                dst3[jj, 0, pl.ds(k * L, L)] = dst
                return (b0 + plsc.all_reduce_population_count(m0),
                        b1 + plsc.all_reduce_population_count(m1),
                        b2 + plsc.all_reduce_population_count(m2),
                        b3 + plsc.all_reduce_population_count(m3))

            seg_c = lax.fori_loop(0, 128 // L, vr, seg_c)

        handles = []
        for jj in range(TILE // 128):
            sl = pl.ds(jj * 128, 128)
            handles.append(pltpu.async_copy(xp_hbm.at[sidx.at[sl]], ra.at[sl], sem_g))
            handles.append(pltpu.async_copy(xp_hbm.at[eidx.at[sl]], rb.at[sl], sem_g))
        for h in handles:
            h.wait()
        handles = []
        for jj in range(TILE // 128):
            sl = pl.ds(jj * 128, 128)
            handles.append(pltpu.async_copy(ra.at[sl], sortA_hbm.at[dst3.at[jj, 0]], sem_s))
            handles.append(pltpu.async_copy(rb.at[sl], sortB_hbm.at[dst3.at[jj, 0]], sem_s))
        pltpu.sync_copy(dst3, dst_hbm.at[pl.ds(wid * (CHUNK // 128) + t * (TILE // 128), TILE // 128)])
        for h in handles:
            h.wait()
        return seg_c

    lax.fori_loop(0, NT, tile, tuple(seg))


def _sc_route(xp, start, end, codes, hist):
    mesh = plsc.VectorSubcoreMesh(core_axis_name="c", subcore_axis_name="s")
    f = functools.partial(
        pl.kernel,
        out_type=(
            jax.ShapeDtypeStruct((ESORT, XPAD), jnp.float32),
            jax.ShapeDtypeStruct((ESORT, XPAD), jnp.float32),
            jax.ShapeDtypeStruct((EPAD // 128, 1, 128), jnp.int32),
            jax.ShapeDtypeStruct((BCPAD,), jnp.int32),
        ),
        mesh=mesh,
        scratch_types=[
            pltpu.VMEM((NW, L), jnp.int32),
            pltpu.VMEM((2 * L,), jnp.int32),
            pltpu.VMEM((TILE,), jnp.int32),
            pltpu.VMEM((TILE,), jnp.int32),
            pltpu.VMEM((TILE,), jnp.int32),
            pltpu.VMEM((TILE // 128, 1, 128), jnp.int32),
            pltpu.VMEM((TILE, XPAD), jnp.float32),
            pltpu.VMEM((TILE, XPAD), jnp.float32),
            pltpu.VMEM((BCPAD,), jnp.int32),
            pltpu.SemaphoreType.DMA,
            pltpu.SemaphoreType.DMA,
        ],
        compiler_params=_SC_PARAMS,
    )(_sc_route_body)
    return f(xp, start, end, codes, hist)



def _sc_unsort_body(outs_hbm, dst_hbm, enc_hbm, dstv, rows, sem):
    wid = _wid()

    def tile(t, carry):
        base = wid * CHUNK + t * OTILE
        pltpu.sync_copy(dst_hbm.at[pl.ds(base // 128, OTILE // 128)], dstv)
        handles = []
        for j in range(OTILE // 128):
            handles.append(pltpu.async_copy(
                outs_hbm.at[dstv.at[j, 0]], rows.at[pl.ds(j * 128, 128)], sem))
        for h in handles:
            h.wait()
        pltpu.sync_copy(rows, enc_hbm.at[pl.ds(base, OTILE)])
        return carry

    lax.fori_loop(0, NOT, tile, 0)


def _sc_unsort(out_sorted, dst):
    mesh = plsc.VectorSubcoreMesh(core_axis_name="c", subcore_axis_name="s")
    f = functools.partial(
        pl.kernel,
        out_type=jax.ShapeDtypeStruct((EPAD, HIDDEN), jnp.float32),
        mesh=mesh,
        scratch_types=[
            pltpu.VMEM((OTILE // 128, 1, 128), jnp.int32),
            pltpu.VMEM((OTILE, HIDDEN), jnp.float32),
            pltpu.SemaphoreType.DMA,
        ],
        compiler_params=_SC_PARAMS,
    )(_sc_unsort_body)
    return f(out_sorted, dst)



def _tc_edge_body(cb_ref, a_ref, b_ref, w1_ref, b1_ref, g1_ref, be1_ref,
                  w2_ref, b2_ref, g2_ref, be2_ref, out_ref):
    inp = jnp.concatenate([a_ref[...], b_ref[...]], axis=1)
    h = jnp.dot(inp, w1_ref[0], preferred_element_type=jnp.float32) + b1_ref[0]
    h = jnp.maximum(_ln(h, g1_ref[0], be1_ref[0]), 0.0)
    h = jnp.dot(h, w2_ref[0], preferred_element_type=jnp.float32) + b2_ref[0]
    h = jnp.tanh(_ln(h, g2_ref[0], be2_ref[0]))
    seg = cb_ref[pl.program_id(0)]
    out_ref[...] = jnp.where(seg == 3, jnp.zeros_like(h), h)


def _tc_edges(blkseg, ea, eb, w1, b1, g1, be1, w2, b2, g2, be2):
    grid_spec = pltpu.PrefetchScalarGridSpec(
        num_scalar_prefetch=1,
        grid=(NBLKS,),
        in_specs=[
            pl.BlockSpec((EBLK, XPAD), lambda i, cb: (i, 0)),
            pl.BlockSpec((EBLK, XPAD), lambda i, cb: (i, 0)),
            pl.BlockSpec((1, INP, HIDDEN), lambda i, cb: (cb[i], 0, 0)),
            pl.BlockSpec((1, 1, HIDDEN), lambda i, cb: (cb[i], 0, 0)),
            pl.BlockSpec((1, 1, HIDDEN), lambda i, cb: (cb[i], 0, 0)),
            pl.BlockSpec((1, 1, HIDDEN), lambda i, cb: (cb[i], 0, 0)),
            pl.BlockSpec((1, HIDDEN, HIDDEN), lambda i, cb: (cb[i], 0, 0)),
            pl.BlockSpec((1, 1, HIDDEN), lambda i, cb: (cb[i], 0, 0)),
            pl.BlockSpec((1, 1, HIDDEN), lambda i, cb: (cb[i], 0, 0)),
            pl.BlockSpec((1, 1, HIDDEN), lambda i, cb: (cb[i], 0, 0)),
        ],
        out_specs=pl.BlockSpec((EBLK, HIDDEN), lambda i, cb: (i, 0)),
    )
    return pl.pallas_call(
        _tc_edge_body,
        grid_spec=grid_spec,
        out_shape=jax.ShapeDtypeStruct((ESORT, HIDDEN), jnp.float32),
    )(blkseg, ea, eb, w1, b1, g1, be1, w2, b2, g2, be2)



def _tc_node_body(x_ref, vid_ref, w1_ref, b1_ref, g1_ref, be1_ref,
                  w2_ref, b2_ref, g2_ref, be2_ref, out_ref):
    xb = x_ref[...]
    vid = vid_ref[...]
    hs = []
    for j in range(2):
        h = jnp.dot(xb, w1_ref[j], preferred_element_type=jnp.float32) + b1_ref[j]
        h = jnp.maximum(_ln(h, g1_ref[j], be1_ref[j]), 0.0)
        h = jnp.dot(h, w2_ref[j], preferred_element_type=jnp.float32) + b2_ref[j]
        h = jnp.tanh(_ln(h, g2_ref[j], be2_ref[j]))
        hs.append(h)
    out_ref[...] = jnp.where(vid >= 3, hs[1], hs[0])


def _tc_nodes(xp, vid2d, w1, b1, g1, be1, w2, b2, g2, be2):
    grid = N_NODES // NBLK
    full = lambda s: pl.BlockSpec(s, lambda i: (0,) * len(s))
    return pl.pallas_call(
        _tc_node_body,
        grid=(grid,),
        in_specs=[
            pl.BlockSpec((NBLK, XPAD), lambda i: (i, 0)),
            pl.BlockSpec((NBLK, 1), lambda i: (i, 0)),
            full((2, XPAD, HIDDEN)), full((2, HIDDEN)), full((2, HIDDEN)), full((2, HIDDEN)),
            full((2, HIDDEN, HIDDEN)), full((2, HIDDEN)), full((2, HIDDEN)), full((2, HIDDEN)),
        ],
        out_specs=pl.BlockSpec((NBLK, HIDDEN), lambda i: (i, 0)),
        out_shape=jax.ShapeDtypeStruct((N_NODES, HIDDEN), jnp.float32),
    )(xp, vid2d, w1, b1, g1, be1, w2, b2, g2, be2)



def kernel(x, edge_index, volume_id, node_params, edge_params):
    xp = jnp.pad(x, ((0, 0), (0, XPAD - XDIM)))
    start = jnp.pad(edge_index[0], (0, EPAD - N_EDGES))
    end = jnp.pad(edge_index[1], (0, EPAD - N_EDGES))

    nw1 = jnp.stack([
        jnp.zeros((XPAD, HIDDEN), jnp.float32).at[0:3].set(p[0][0])
        for p in node_params
    ])
    nb1 = jnp.stack([p[0][1] for p in node_params])
    ng1 = jnp.stack([p[0][2] for p in node_params])
    nbe1 = jnp.stack([p[0][3] for p in node_params])
    nw2 = jnp.stack([p[1][0] for p in node_params])
    nb2 = jnp.stack([p[1][1] for p in node_params])
    ng2 = jnp.stack([p[1][2] for p in node_params])
    nbe2 = jnp.stack([p[1][3] for p in node_params])

    def pad_w1(w):
        wp = jnp.zeros((INP, HIDDEN), jnp.float32)
        wp = wp.at[0:XDIM].set(w[0:XDIM])
        wp = wp.at[XPAD:XPAD + XDIM].set(w[XDIM:2 * XDIM])
        return wp

    zv = jnp.zeros((HIDDEN,), jnp.float32)
    ew1 = jnp.stack([pad_w1(p[0][0]) for p in edge_params]
                    + [jnp.zeros((INP, HIDDEN), jnp.float32)])
    eb1 = jnp.stack([p[0][1] for p in edge_params] + [zv])
    eg1 = jnp.stack([p[0][2] for p in edge_params] + [zv])
    ebe1 = jnp.stack([p[0][3] for p in edge_params] + [zv])
    ew2 = jnp.stack([p[1][0] for p in edge_params]
                    + [jnp.zeros((HIDDEN, HIDDEN), jnp.float32)])
    eb2 = jnp.stack([p[1][1] for p in edge_params] + [zv])
    eg2 = jnp.stack([p[1][2] for p in edge_params] + [zv])
    ebe2 = jnp.stack([p[1][3] for p in edge_params] + [zv])

    codes, hist = _sc_combo(start, end, volume_id)
    sortA, sortB, dst, blkseg = _sc_route(xp, start, end, codes, hist)
    r3 = lambda v: v.reshape(4, 1, HIDDEN)
    out_sorted = _tc_edges(blkseg[:NBLKS], sortA, sortB,
                           ew1, r3(eb1), r3(eg1), r3(ebe1),
                           ew2, r3(eb2), r3(eg2), r3(ebe2))
    encoded_edges = _sc_unsort(out_sorted, dst)[:N_EDGES]
    encoded_nodes = _tc_nodes(xp, volume_id.reshape(N_NODES, 1),
                              nw1, nb1, ng1, nbe1, nw2, nb2, ng2, nbe2)
    return (encoded_nodes, encoded_edges)

# --- scband reference (transcript-rebuilt; emitter-appended) ---
"""Pipeline reference for scband-hetero-encoder-2920577761686 (READ-ONLY COPY).

The authoritative reference and input builder live on the scoring server;
editing this copy changes nothing except your own understanding.
"""

import jax, jax.numpy as jnp
import numpy as np

# HeteroEncoder config (mirrors init hparams)
HIDDEN = 128
NUM_FEATURES = [3, 3]
VOLUME_IDS = [[0, 1, 2], [3, 4]]
CELL_CHANNELS = 10
COMBOS = [(0, 0), (0, 1), (1, 1)]  # torch.combinations(arange(2), r=2, with_replacement=True)
NB_NODE_LAYER = 2
NB_EDGE_LAYER = 2
N_NODES = 10000
N_EDGES = 160000
MAX_NF = max(NUM_FEATURES)
X_DIM = MAX_NF + CELL_CHANNELS  # 13; last CELL_CHANNELS columns are cell features


def _make_mlp_params(key, in_dim, sizes):
    params = []
    dims = [in_dim] + list(sizes)
    for i in range(len(sizes)):
        key, k1 = jax.random.split(key)
        W = jax.random.normal(k1, (dims[i], dims[i + 1]), jnp.float32) * (1.0 / np.sqrt(dims[i]))
        b = jnp.zeros((dims[i + 1],), jnp.float32)
        g = jnp.ones((dims[i + 1],), jnp.float32)
        beta = jnp.zeros((dims[i + 1],), jnp.float32)
        params.append((W, b, g, beta))
    return params


def _layernorm(h, g, b):
    m = jnp.mean(h, axis=-1, keepdims=True)
    v = jnp.var(h, axis=-1, keepdims=True)
    return (h - m) / jnp.sqrt(v + 1e-5) * g + b


def _mlp_apply(params, h):
    n = len(params)
    for i, (W, b, g, beta) in enumerate(params):
        h = h @ W + b
        h = _layernorm(h, g, beta)  # layernorm=True
        h = jax.nn.relu(h) if i < n - 1 else jnp.tanh(h)  # hidden=ReLU, output=Tanh
    return h


def setup_inputs(seed: int = 0) -> dict:
    key = jax.random.key(seed)
    kx, ke, kv, kp = jax.random.split(key, 4)
    x = jax.random.normal(kx, (N_NODES, X_DIM), jnp.float32)
    edge_index = jax.random.randint(ke, (2, N_EDGES), 0, N_NODES, jnp.int32)
    volume_id = jax.random.randint(kv, (N_NODES,), 0, 5, jnp.int32)
    node_params = [
        _make_mlp_params(jax.random.fold_in(kp, i), NUM_FEATURES[i], [HIDDEN] * NB_NODE_LAYER)
        for i in range(len(NUM_FEATURES))
    ]
    edge_params = [
        _make_mlp_params(
            jax.random.fold_in(kp, 100 + j),
            NUM_FEATURES[c0] + NUM_FEATURES[c1] + 2 * CELL_CHANNELS,
            [HIDDEN] * NB_EDGE_LAYER,
        )
        for j, (c0, c1) in enumerate(COMBOS)
    ]
    return {
        "x": x,
        "edge_index": edge_index,
        "volume_id": volume_id,
        "node_params": node_params,
        "edge_params": edge_params,
    }


def reference(x, edge_index, volume_id, node_params, edge_params):
    start, end = edge_index[0], edge_index[1]
    # fill_hetero_nodes: route each node through its volume-specific encoder
    encoded_nodes = jnp.zeros((x.shape[0], HIDDEN), jnp.float32)
    for i, (nf, vids) in enumerate(zip(NUM_FEATURES, VOLUME_IDS)):
        mask = jnp.isin(volume_id, jnp.asarray(vids, volume_id.dtype))
        out = _mlp_apply(node_params[i], x[:, :nf])
        encoded_nodes = jnp.where(mask[:, None], out, encoded_nodes)
    # fill_hetero_edges: cell features are the trailing CELL_CHANNELS columns of x
    cell_x = x[:, MAX_NF:MAX_NF + CELL_CHANNELS]
    encoded_edges = jnp.zeros((edge_index.shape[1], HIDDEN), jnp.float32)
    for j, (c0, c1) in enumerate(COMBOS):
        v0 = jnp.asarray(VOLUME_IDS[c0], volume_id.dtype)
        v1 = jnp.asarray(VOLUME_IDS[c1], volume_id.dtype)
        emask = jnp.isin(volume_id[start], v0) & jnp.isin(volume_id[end], v1)
        inp = jnp.concatenate(
            [
                x[start][:, :NUM_FEATURES[c0]],
                cell_x[start],
                x[end][:, :NUM_FEATURES[c1]],
                cell_x[end],
            ],
            axis=-1,
        )
        out = _mlp_apply(edge_params[j], inp)
        encoded_edges = jnp.where(emask[:, None], out, encoded_edges)
    return (encoded_nodes, encoded_edges)

if __name__ == "__main__":
    import jax
    _d = setup_inputs()
    print(jax.jit(kernel)(*tuple(_d.values())))

</pallas_src>

<mosaic_0001>
#map = affine_map<(d0, d1) -> (0)>
#map1 = affine_map<(d0, d1) -> (0, 0)>
module attributes {stable_mosaic.version = 14 : i64} {
  func.func @_sc_combo_body(%arg0: i32, %arg1: i32, %arg2: memref<163840xi32, #tpu.memory_space<hbm>>, %arg3: memref<163840xi32, #tpu.memory_space<hbm>>, %arg4: memref<10000xi32, #tpu.memory_space<hbm>>, %arg5: memref<163840xi32, #tpu.memory_space<hbm>>, %arg6: memref<32x16xi32, #tpu.memory_space<hbm>>, %arg7: memref<10000xi32, #tpu.memory_space<vmem>>, %arg8: memref<1024xi32, #tpu.memory_space<vmem>>, %arg9: memref<1024xi32, #tpu.memory_space<vmem>>, %arg10: memref<1024xi32, #tpu.memory_space<vmem>>, %arg11: memref<16xi32, #tpu.memory_space<vmem>>) attributes {dimension_semantics = [#tpu.dimension_semantics<core_parallel>, #tpu.dimension_semantics<subcore_parallel>], iteration_bounds = array<i64: 2, 16>, scalar_prefetch = 0 : i64, scratch_operands = 5 : i64, tpu.core_type = #tpu.core_type<sc_vector_subcore>, window_params = [{transform_indices = #map}, {transform_indices = #map}, {transform_indices = #map}, {transform_indices = #map}, {transform_indices = #map1}]} {
    %mul3A = arith.constant 2 : i32
    %mul3A_0 = arith.muli %arg1, %mul3A : i32
    %add3A = arith.addi %mul3A_0, %arg0 : i32
    "tpu.region"() ({
      %run_scoped3A = tpu.sem_alloc : memref<!tpu.dma_semaphore, #tpu.memory_space<semaphore_mem>>
      tpu.enqueue_dma source(%arg4 : memref<10000xi32, #tpu.memory_space<hbm>>) target(%arg7 : memref<10000xi32, #tpu.memory_space<vmem>>) target_semaphore(%run_scoped3A : memref<!tpu.dma_semaphore, #tpu.memory_space<semaphore_mem>>)
      tpu.wait_dma2 semaphore(%run_scoped3A : memref<!tpu.dma_semaphore, #tpu.memory_space<semaphore_mem>>) src(%arg4 : memref<10000xi32, #tpu.memory_space<hbm>>) dst(%arg7 : memref<10000xi32, #tpu.memory_space<vmem>>)
      tpu.yield
    }) : () -> ()
    %iota3A = tpu.iota {dimensions = array<i32: 0>} : vector<16xi32>
    %broadcast_in_dim3A = arith.constant 0 : i32
    %broadcast_in_dim3A_1 = vector.broadcast %broadcast_in_dim3A : i32 to vector<16xi32>
    %broadcast_in_dim3A_2 = arith.constant 1 : i32
    %broadcast_in_dim3A_3 = vector.broadcast %broadcast_in_dim3A_2 : i32 to vector<16xi32>
    %scan3A = arith.constant 0 : i32
    %scan3A_4 = arith.constant 5 : i32
    %scan3A_5 = arith.addi %scan3A, %scan3A_4 : i32
    %scan3A_6 = arith.constant 1 : i32
    %scan3A_7:4 = scf.for %scan3A_24 = %scan3A to %scan3A_5 step %scan3A_6 iter_args(%scan3A_25 = %broadcast_in_dim3A_1, %scan3A_26 = %broadcast_in_dim3A_1, %scan3A_27 = %broadcast_in_dim3A_1, %scan3A_28 = %broadcast_in_dim3A_1) -> (vector<16xi32>, vector<16xi32>, vector<16xi32>, vector<16xi32>)  : i32 {
      %mul3A_29 = arith.constant 5120 : i32
      %mul3A_30 = arith.muli %add3A, %mul3A_29 : i32
      %mul3A_31 = arith.constant 1024 : i32
      %mul3A_32 = arith.muli %scan3A_24, %mul3A_31 : i32
      %add3A_33 = arith.addi %mul3A_30, %mul3A_32 : i32
      "tpu.region"() ({
        %run_scoped3A = tpu.sem_alloc : memref<!tpu.dma_semaphore, #tpu.memory_space<semaphore_mem>>
        %dma_start3A = tpu.memref_slice %arg2[%add3A_33] : memref<163840xi32, #tpu.memory_space<hbm>> -> memref<1024xi32, #tpu.memory_space<hbm>>
        %dma_start3A_40 = tpu.memref_slice %arg2[%add3A_33] : memref<163840xi32, #tpu.memory_space<hbm>> -> memref<1024xi32, #tpu.memory_space<hbm>>
        tpu.enqueue_dma source(%dma_start3A_40 : memref<1024xi32, #tpu.memory_space<hbm>>) target(%arg8 : memref<1024xi32, #tpu.memory_space<vmem>>) target_semaphore(%run_scoped3A : memref<!tpu.dma_semaphore, #tpu.memory_space<semaphore_mem>>)
        %dma_wait3A = tpu.memref_slice %arg2[%add3A_33] : memref<163840xi32, #tpu.memory_space<hbm>> -> memref<1024xi32, #tpu.memory_space<hbm>>
        %dma_wait3A_41 = tpu.memref_slice %arg2[%add3A_33] : memref<163840xi32, #tpu.memory_space<hbm>> -> memref<1024xi32, #tpu.memory_space<hbm>>
        tpu.wait_dma2 semaphore(%run_scoped3A : memref<!tpu.dma_semaphore, #tpu.memory_space<semaphore_mem>>) src(%dma_wait3A_41 : memref<1024xi32, #tpu.memory_space<hbm>>) dst(%arg8 : memref<1024xi32, #tpu.memory_space<vmem>>)
        tpu.yield
      }) : () -> ()
      "tpu.region"() ({
        %run_scoped3A = tpu.sem_alloc : memref<!tpu.dma_semaphore, #tpu.memory_space<semaphore_mem>>
        %dma_start3A = tpu.memref_slice %arg3[%add3A_33] : memref<163840xi32, #tpu.memory_space<hbm>> -> memref<1024xi32, #tpu.memory_space<hbm>>
        %dma_start3A_40 = tpu.memref_slice %arg3[%add3A_33] : memref<163840xi32, #tpu.memory_space<hbm>> -> memref<1024xi32, #tpu.memory_space<hbm>>
        tpu.enqueue_dma source(%dma_start3A_40 : memref<1024xi32, #tpu.memory_space<hbm>>) target(%arg9 : memref<1024xi32, #tpu.memory_space<vmem>>) target_semaphore(%run_scoped3A : memref<!tpu.dma_semaphore, #tpu.memory_space<semaphore_mem>>)
        %dma_wait3A = tpu.memref_slice %arg3[%add3A_33] : memref<163840xi32, #tpu.memory_space<hbm>> -> memref<1024xi32, #tpu.memory_space<hbm>>
        %dma_wait3A_41 = tpu.memref_slice %arg3[%add3A_33] : memref<163840xi32, #tpu.memory_space<hbm>> -> memref<1024xi32, #tpu.memory_space<hbm>>
        tpu.wait_dma2 semaphore(%run_scoped3A : memref<!tpu.dma_semaphore, #tpu.memory_space<semaphore_mem>>) src(%dma_wait3A_41 : memref<1024xi32, #tpu.memory_space<hbm>>) dst(%arg9 : memref<1024xi32, #tpu.memory_space<vmem>>)
        tpu.yield
      }) : () -> ()
      %scan3A_34 = arith.constant 0 : i32
      %scan3A_35 = arith.constant 64 : i32
      %scan3A_36 = arith.addi %scan3A_34, %scan3A_35 : i32
      %scan3A_37 = arith.constant 1 : i32
      %scan3A_38:4 = scf.for %scan3A_40 = %scan3A_34 to %scan3A_36 step %scan3A_37 iter_args(%scan3A_41 = %scan3A_25, %scan3A_42 = %scan3A_26, %scan3A_43 = %scan3A_27, %scan3A_44 = %scan3A_28) -> (vector<16xi32>, vector<16xi32>, vector<16xi32>, vector<16xi32>)  : i32 {
        %mul3A_45 = arith.constant 16 : i32
        %mul3A_46 = arith.muli %scan3A_40, %mul3A_45 : i32
        %get3A = arith.index_cast %mul3A_46 : i32 to index
        %get3A_47 = tpu.vector_load %arg8[%get3A] {strides = array<i32>} : memref<1024xi32, #tpu.memory_space<vmem>>, vector<16xi32>,
        %gather3A = tpu.vector_load_idx %arg7[%get3A_47] : memref<10000xi32, #tpu.memory_space<vmem>>[vector<16xi32>], vector<16xi32>,
        %get3A_48 = arith.index_cast %mul3A_46 : i32 to index
        %get3A_49 = tpu.vector_load %arg9[%get3A_48] {strides = array<i32>} : memref<1024xi32, #tpu.memory_space<vmem>>, vector<16xi32>,
        %gather3A_50 = tpu.vector_load_idx %arg7[%get3A_49] : memref<10000xi32, #tpu.memory_space<vmem>>[vector<16xi32>], vector<16xi32>,
        %ge3A = arith.constant 3 : i32
        %ge3A_51 = vector.broadcast %ge3A : i32 to vector<16xi32>
        %ge3A_52 = arith.cmpi sge, %gather3A, %ge3A_51 : vector<16xi32>
        %select_n3A_53 = arith.select %ge3A_52, %broadcast_in_dim3A_3, %broadcast_in_dim3A_1 : vector<16xi1>, vector<16xi32>
        %mul3A_54 = arith.constant 2 : i32
        %mul3A_55 = vector.broadcast %mul3A_54 : i32 to vector<16xi32>
        %mul3A_56 = arith.muli %mul3A_55, %select_n3A_53 : vector<16xi32>
        %ge3A_57 = arith.constant 3 : i32
        %ge3A_58 = vector.broadcast %ge3A_57 : i32 to vector<16xi32>
        %ge3A_59 = arith.cmpi sge, %gather3A_50, %ge3A_58 : vector<16xi32>
        %select_n3A_60 = arith.select %ge3A_59, %broadcast_in_dim3A_3, %broadcast_in_dim3A_1 : vector<16xi1>, vector<16xi32>
        %add3A_61 = arith.addi %mul3A_56, %select_n3A_60 : vector<16xi32>
        %eq3A_62 = arith.constant 3 : i32
        %eq3A_63 = vector.broadcast %eq3A_62 : i32 to vector<16xi32>
        %eq3A_64 = arith.cmpi eq, %add3A_61, %eq3A_63 : vector<16xi32>
        %mul3A_65 = arith.constant 2 : i32
        %mul3A_66 = vector.broadcast %mul3A_65 : i32 to vector<16xi32>
        %mul3A_67 = arith.muli %mul3A_66, %broadcast_in_dim3A_3 : vector<16xi32>
        %eq3A_68 = arith.constant 2 : i32
        %eq3A_69 = vector.broadcast %eq3A_68 : i32 to vector<16xi32>
        %eq3A_70 = arith.cmpi eq, %add3A_61, %eq3A_69 : vector<16xi32>
        %mul3A_71 = arith.constant 3 : i32
        %mul3A_72 = vector.broadcast %mul3A_71 : i32 to vector<16xi32>
        %mul3A_73 = arith.muli %mul3A_72, %broadcast_in_dim3A_3 : vector<16xi32>
        %select_n3A_74 = arith.select %eq3A_70, %mul3A_73, %add3A_61 : vector<16xi1>, vector<16xi32>
        %select_n3A_75 = arith.select %eq3A_64, %mul3A_67, %select_n3A_74 : vector<16xi1>, vector<16xi32>
        %swap3A_76 = arith.index_cast %mul3A_46 : i32 to index
        %swap3A_77 = tpu.vector_load %arg10[%swap3A_76] {strides = array<i32>} : memref<1024xi32, #tpu.memory_space<vmem>>, vector<16xi32>,
        tpu.vector_store %arg10[%swap3A_76], %select_n3A_75 {strides = array<i32>} : memref<1024xi32, #tpu.memory_space<vmem>>, vector<16xi32>,
        %eq3A_78 = arith.constant 0 : i32
        %eq3A_79 = vector.broadcast %eq3A_78 : i32 to vector<16xi32>
        %eq3A_80 = arith.cmpi eq, %select_n3A_75, %eq3A_79 : vector<16xi32>
        %all_reduce_population_count3A = tpu.all_reduce %eq3A_80 {dim = 0 : i64, kind = #tpu.reduction_kind<sum>} : vector<16xi1> -> vector<16xi32>
        %add3A_81 = arith.addi %scan3A_41, %all_reduce_population_count3A : vector<16xi32>
        %eq3A_82 = arith.constant 1 : i32
        %eq3A_83 = vector.broadcast %eq3A_82 : i32 to vector<16xi32>
        %eq3A_84 = arith.cmpi eq, %select_n3A_75, %eq3A_83 : vector<16xi32>
        %all_reduce_population_count3A_85 = tpu.all_reduce %eq3A_84 {dim = 0 : i64, kind = #tpu.reduction_kind<sum>} : vector<16xi1> -> vector<16xi32>
        %add3A_86 = arith.addi %scan3A_42, %all_reduce_population_count3A_85 : vector<16xi32>
        %eq3A_87 = arith.constant 2 : i32
        %eq3A_88 = vector.broadcast %eq3A_87 : i32 to vector<16xi32>
        %eq3A_89 = arith.cmpi eq, %select_n3A_75, %eq3A_88 : vector<16xi32>
        %all_reduce_population_count3A_90 = tpu.all_reduce %eq3A_89 {dim = 0 : i64, kind = #tpu.reduction_kind<sum>} : vector<16xi1> -> vector<16xi32>
        %add3A_91 = arith.addi %scan3A_43, %all_reduce_population_count3A_90 : vector<16xi32>
        %eq3A_92 = arith.constant 3 : i32
        %eq3A_93 = vector.broadcast %eq3A_92 : i32 to vector<16xi32>
        %eq3A_94 = arith.cmpi eq, %select_n3A_75, %eq3A_93 : vector<16xi32>
        %all_reduce_population_count3A_95 = tpu.all_reduce %eq3A_94 {dim = 0 : i64, kind = #tpu.reduction_kind<sum>} : vector<16xi1> -> vector<16xi32>
        %add3A_96 = arith.addi %scan3A_44, %all_reduce_population_count3A_95 : vector<16xi32>
        scf.yield %add3A_81, %add3A_86, %add3A_91, %add3A_96 : vector<16xi32>, vector<16xi32>, vector<16xi32>, vector<16xi32>
      }
      %scan3A_39 = arith.constant 64 : i32
      "tpu.region"() ({
        %run_scoped3A = tpu.sem_alloc : memref<!tpu.dma_semaphore, #tpu.memory_space<semaphore_mem>>
        %dma_start3A = tpu.memref_slice %arg5[%add3A_33] : memref<163840xi32, #tpu.memory_space<hbm>> -> memref<1024xi32, #tpu.memory_space<hbm>>
        %dma_start3A_40 = tpu.memref_slice %arg5[%add3A_33] : memref<163840xi32, #tpu.memory_space<hbm>> -> memref<1024xi32, #tpu.memory_space<hbm>>
        tpu.enqueue_dma source(%arg10 : memref<1024xi32, #tpu.memory_space<vmem>>) target(%dma_start3A_40 : memref<1024xi32, #tpu.memory_space<hbm>>) target_semaphore(%run_scoped3A : memref<!tpu.dma_semaphore, #tpu.memory_space<semaphore_mem>>)
        %dma_wait3A = tpu.memref_slice %arg5[%add3A_33] : memref<163840xi32, #tpu.memory_space<hbm>> -> memref<1024xi32, #tpu.memory_space<hbm>>
        %dma_wait3A_41 = tpu.memref_slice %arg5[%add3A_33] : memref<163840xi32, #tpu.memory_space<hbm>> -> memref<1024xi32, #tpu.memory_space<hbm>>
        tpu.wait_dma2 semaphore(%run_scoped3A : memref<!tpu.dma_semaphore, #tpu.memory_space<semaphore_mem>>) src(%arg10 : memref<1024xi32, #tpu.memory_space<vmem>>) dst(%dma_wait3A_41 : memref<1024xi32, #tpu.memory_space<hbm>>)
        tpu.yield
      }) : () -> ()
      scf.yield %scan3A_38#0, %scan3A_38#1, %scan3A_38#2, %scan3A_38#3 : vector<16xi32>, vector<16xi32>, vector<16xi32>, vector<16xi32>
    }
    %scan3A_8 = arith.constant 5 : i32
    %eq3A = arith.constant 0 : i32
    %eq3A_9 = vector.broadcast %eq3A : i32 to vector<16xi32>
    %eq3A_10 = arith.cmpi eq, %iota3A, %eq3A_9 : vector<16xi32>
    %eq3A_11 = arith.constant 1 : i32
    %eq3A_12 = vector.broadcast %eq3A_11 : i32 to vector<16xi32>
    %eq3A_13 = arith.cmpi eq, %iota3A, %eq3A_12 : vector<16xi32>
    %eq3A_14 = arith.constant 2 : i32
    %eq3A_15 = vector.broadcast %eq3A_14 : i32 to vector<16xi32>
    %eq3A_16 = arith.cmpi eq, %iota3A, %eq3A_15 : vector<16xi32>
    %eq3A_17 = arith.constant 3 : i32
    %eq3A_18 = vector.broadcast %eq3A_17 : i32 to vector<16xi32>
    %eq3A_19 = arith.cmpi eq, %iota3A, %eq3A_18 : vector<16xi32>
    %select_n3A = arith.select %eq3A_19, %scan3A_7#3, %broadcast_in_dim3A_1 : vector<16xi1>, vector<16xi32>
    %select_n3A_20 = arith.select %eq3A_16, %scan3A_7#2, %select_n3A : vector<16xi1>, vector<16xi32>
    %select_n3A_21 = arith.select %eq3A_13, %scan3A_7#1, %select_n3A_20 : vector<16xi1>, vector<16xi32>
    %select_n3A_22 = arith.select %eq3A_10, %scan3A_7#0, %select_n3A_21 : vector<16xi1>, vector<16xi32>
    %swap3A = arith.constant 0 : index
    %swap3A_23 = tpu.vector_load %arg11[%swap3A] {strides = array<i32>} : memref<16xi32, #tpu.memory_space<vmem>>, vector<16xi32>,
    tpu.vector_store %arg11[%swap3A], %select_n3A_22 {strides = array<i32>} : memref<16xi32, #tpu.memory_space<vmem>>, vector<16xi32>,
    "tpu.region"() ({
      %run_scoped3A = tpu.sem_alloc : memref<!tpu.dma_semaphore, #tpu.memory_space<semaphore_mem>>
      %dma_start3A = arith.constant 0 : i32
      %dma_start3A_24 = tpu.memref_slice %arg6[%add3A, %dma_start3A] : memref<32x16xi32, #tpu.memory_space<hbm>> -> memref<1x16xi32, #tpu.memory_space<hbm>>
      %dma_start3A_25 = tpu.memref_squeeze %dma_start3A_24 : memref<1x16xi32, #tpu.memory_space<hbm>> -> memref<16xi32, #tpu.memory_space<hbm>>
      %dma_start3A_26 = arith.constant 0 : i32
      %dma_start3A_27 = tpu.memref_slice %arg6[%add3A, %dma_start3A_26] : memref<32x16xi32, #tpu.memory_space<hbm>> -> memref<1x16xi32, #tpu.memory_space<hbm>>
      %dma_start3A_28 = tpu.memref_squeeze %dma_start3A_27 : memref<1x16xi32, #tpu.memory_space<hbm>> -> memref<16xi32, #tpu.memory_space<hbm>>
      tpu.enqueue_dma source(%arg11 : memref<16xi32, #tpu.memory_space<vmem>>) target(%dma_start3A_28 : memref<16xi32, #tpu.memory_space<hbm>>) target_semaphore(%run_scoped3A : memref<!tpu.dma_semaphore, #tpu.memory_space<semaphore_mem>>)
      %dma_wait3A = arith.constant 0 : i32
      %dma_wait3A_29 = tpu.memref_slice %arg6[%add3A, %dma_wait3A] : memref<32x16xi32, #tpu.memory_space<hbm>> -> memref<1x16xi32, #tpu.memory_space<hbm>>
      %dma_wait3A_30 = tpu.memref_squeeze %dma_wait3A_29 : memref<1x16xi32, #tpu.memory_space<hbm>> -> memref<16xi32, #tpu.memory_space<hbm>>
      %dma_wait3A_31 = arith.constant 0 : i32
      %dma_wait3A_32 = tpu.memref_slice %arg6[%add3A, %dma_wait3A_31] : memref<32x16xi32, #tpu.memory_space<hbm>> -> memref<1x16xi32, #tpu.memory_space<hbm>>
      %dma_wait3A_33 = tpu.memref_squeeze %dma_wait3A_32 : memref<1x16xi32, #tpu.memory_space<hbm>> -> memref<16xi32, #tpu.memory_space<hbm>>
      tpu.wait_dma2 semaphore(%run_scoped3A : memref<!tpu.dma_semaphore, #tpu.memory_space<semaphore_mem>>) src(%arg11 : memref<16xi32, #tpu.memory_space<vmem>>) dst(%dma_wait3A_33 : memref<16xi32, #tpu.memory_space<hbm>>)
      tpu.yield
    }) : () -> ()
    return
  }
}

#map = affine_map<(d0, d1) -> (0, 0)>
#map1 = affine_map<(d0, d1) -> (0, 0, 0)>
module attributes {stable_mosaic.version = 14 : i64} {
  func.func @_sc_unsort_body(%arg0: i32, %arg1: i32, %arg2: memref<164864x128xf32, #tpu.memory_space<hbm>>, %arg3: memref<1280x1x128xi32, #tpu.memory_space<hbm>>, %arg4: memref<163840x128xf32, #tpu.memory_space<hbm>>, %arg5: memref<4x1x128xi32, #tpu.memory_space<vmem>>, %arg6: memref<512x128xf32, #tpu.memory_space<vmem>>, %arg7: memref<!tpu.dma_semaphore, #tpu.memory_space<semaphore_mem>>) attributes {dimension_semantics = [#tpu.dimension_semantics<core_parallel>, #tpu.dimension_semantics<subcore_parallel>], iteration_bounds = array<i64: 2, 16>, scalar_prefetch = 0 : i64, scratch_operands = 3 : i64, tpu.core_type = #tpu.core_type<sc_vector_subcore>, window_params = [{transform_indices = #map}, {transform_indices = #map1}, {transform_indices = #map}]} {
    %mul3A = arith.constant 2 : i32
    %mul3A_0 = arith.muli %arg1, %mul3A : i32
    %add3A = arith.addi %mul3A_0, %arg0 : i32
    %scan3A = arith.constant 0 : i32
    %scan3A_1 = arith.constant 0 : i32
    %scan3A_2 = arith.constant 10 : i32
    %scan3A_3 = arith.addi %scan3A_1, %scan3A_2 : i32
    %scan3A_4 = arith.constant 1 : i32
    scf.for %scan3A_6 = %scan3A_1 to %scan3A_3 step %scan3A_4  : i32 {
      %mul3A_7 = arith.constant 5120 : i32
      %mul3A_8 = arith.muli %add3A, %mul3A_7 : i32
      %mul3A_9 = arith.constant 512 : i32
      %mul3A_10 = arith.muli %scan3A_6, %mul3A_9 : i32
      %add3A_11 = arith.addi %mul3A_8, %mul3A_10 : i32
      %jit3A = arith.constant 128 : i32
      %div3A = arith.divsi %add3A_11, %jit3A : i32
      %sign3A = arith.constant 0 : i32
      %sign3A_12 = arith.cmpi sgt, %add3A_11, %sign3A : i32
      %sign3A_13 = arith.extui %sign3A_12 : i1 to i32
      %sign3A_14 = arith.constant 0 : i32
      %sign3A_15 = arith.cmpi slt, %add3A_11, %sign3A_14 : i32
      %sign3A_16 = arith.extui %sign3A_15 : i1 to i32
      %sign3A_17 = arith.subi %sign3A_13, %sign3A_16 : i32
      %sign3A_18 = arith.constant 0 : i32
      %sign3A_19 = arith.cmpi sgt, %jit3A, %sign3A_18 : i32
      %sign3A_20 = arith.extui %sign3A_19 : i1 to i32
      %sign3A_21 = arith.constant 0 : i32
      %sign3A_22 = arith.cmpi slt, %jit3A, %sign3A_21 : i32
      %sign3A_23 = arith.extui %sign3A_22 : i1 to i32
      %sign3A_24 = arith.subi %sign3A_20, %sign3A_23 : i32
      %ne3A = arith.cmpi ne, %sign3A_17, %sign3A_24 : i32
      %rem3A = arith.remsi %add3A_11, %jit3A : i32
      %ne3A_25 = arith.constant 0 : i32
      %ne3A_26 = arith.cmpi ne, %rem3A, %ne3A_25 : i32
      %and3A = arith.andi %ne3A, %ne3A_26 : i1
      %sub3A = arith.constant 1 : i32
      %sub3A_27 = arith.subi %div3A, %sub3A : i32
      %select_n3A = arith.select %and3A, %sub3A_27, %div3A : i32
      "tpu.region"() ({
        %run_scoped3A = tpu.sem_alloc : memref<!tpu.dma_semaphore, #tpu.memory_space<semaphore_mem>>
        %dma_start3A_114 = arith.constant 0 : i32
        %dma_start3A_115 = arith.constant 0 : i32
        %dma_start3A_116 = tpu.memref_slice %arg3[%select_n3A, %dma_start3A_114, %dma_start3A_115] : memref<1280x1x128xi32, #tpu.memory_space<hbm>> -> memref<4x1x128xi32, #tpu.memory_space<hbm>>
        %dma_start3A_117 = arith.constant 0 : i32
        %dma_start3A_118 = arith.constant 0 : i32
        %dma_start3A_119 = tpu.memref_slice %arg3[%select_n3A, %dma_start3A_117, %dma_start3A_118] : memref<1280x1x128xi32, #tpu.memory_space<hbm>> -> memref<4x1x128xi32, #tpu.memory_space<hbm>>
        tpu.enqueue_dma source(%dma_start3A_119 : memref<4x1x128xi32, #tpu.memory_space<hbm>>) target(%arg5 : memref<4x1x128xi32, #tpu.memory_space<vmem>>) target_semaphore(%run_scoped3A : memref<!tpu.dma_semaphore, #tpu.memory_space<semaphore_mem>>)
        %dma_wait3A_120 = arith.constant 0 : i32
        %dma_wait3A_121 = arith.constant 0 : i32
        %dma_wait3A_122 = tpu.memref_slice %arg3[%select_n3A, %dma_wait3A_120, %dma_wait3A_121] : memref<1280x1x128xi32, #tpu.memory_space<hbm>> -> memref<4x1x128xi32, #tpu.memory_space<hbm>>
        %dma_wait3A_123 = arith.constant 0 : i32
        %dma_wait3A_124 = arith.constant 0 : i32
        %dma_wait3A_125 = tpu.memref_slice %arg3[%select_n3A, %dma_wait3A_123, %dma_wait3A_124] : memref<1280x1x128xi32, #tpu.memory_space<hbm>> -> memref<4x1x128xi32, #tpu.memory_space<hbm>>
        tpu.wait_dma2 semaphore(%run_scoped3A : memref<!tpu.dma_semaphore, #tpu.memory_space<semaphore_mem>>) src(%dma_wait3A_125 : memref<4x1x128xi32, #tpu.memory_space<hbm>>) dst(%arg5 : memref<4x1x128xi32, #tpu.memory_space<vmem>>)
        tpu.yield
      }) : () -> ()
      %dma_start3A = arith.constant 0 : i32
      %dma_start3A_28 = arith.constant 0 : i32
      %dma_start3A_29 = arith.constant 0 : i32
      %dma_start3A_30 = arith.constant 0 : i32
      %dma_start3A_31 = tpu.memref_slice %arg6[%dma_start3A_29, %dma_start3A_30] : memref<512x128xf32, #tpu.memory_space<vmem>> -> memref<128x128xf32, #tpu.memory_space<vmem>>
      %dma_start3A_32 = arith.constant 0 : i32
      %dma_start3A_33 = tpu.memref_slice %arg5[%dma_start3A, %dma_start3A_28, %dma_start3A_32] : memref<4x1x128xi32, #tpu.memory_space<vmem>> -> memref<1x1x128xi32, #tpu.memory_space<vmem>>
      %dma_start3A_34 = tpu.memref_squeeze %dma_start3A_33 : memref<1x1x128xi32, #tpu.memory_space<vmem>> -> memref<128xi32, #tpu.memory_space<vmem>>
      %dma_start3A_35 = arith.constant 0 : i32
      %dma_start3A_36 = arith.constant 0 : i32
      %dma_start3A_37 = tpu.memref_slice %arg2[%dma_start3A_35, %dma_start3A_36] : memref<164864x128xf32, #tpu.memory_space<hbm>> -> memref<164864x128xf32, #tpu.memory_space<hbm>>
      tpu.enqueue_indirect_dma source(%dma_start3A_37 : memref<164864x128xf32, #tpu.memory_space<hbm>>) target(%dma_start3A_31 : memref<128x128xf32, #tpu.memory_space<vmem>>) offsets(%dma_start3A_34 : memref<128xi32, #tpu.memory_space<vmem>>) semaphore(%arg7 : memref<!tpu.dma_semaphore, #tpu.memory_space<semaphore_mem>>)
      %dma_start3A_38 = arith.constant 1 : i32
      %dma_start3A_39 = arith.constant 0 : i32
      %dma_start3A_40 = arith.constant 128 : i32
      %dma_start3A_41 = arith.constant 0 : i32
      %dma_start3A_42 = tpu.memref_slice %arg6[%dma_start3A_40, %dma_start3A_41] : memref<512x128xf32, #tpu.memory_space<vmem>> -> memref<128x128xf32, #tpu.memory_space<vmem>>
      %dma_start3A_43 = arith.constant 0 : i32
      %dma_start3A_44 = tpu.memref_slice %arg5[%dma_start3A_38, %dma_start3A_39, %dma_start3A_43] : memref<4x1x128xi32, #tpu.memory_space<vmem>> -> memref<1x1x128xi32, #tpu.memory_space<vmem>>
      %dma_start3A_45 = tpu.memref_squeeze %dma_start3A_44 : memref<1x1x128xi32, #tpu.memory_space<vmem>> -> memref<128xi32, #tpu.memory_space<vmem>>
      %dma_start3A_46 = arith.constant 0 : i32
      %dma_start3A_47 = arith.constant 0 : i32
      %dma_start3A_48 = tpu.memref_slice %arg2[%dma_start3A_46, %dma_start3A_47] : memref<164864x128xf32, #tpu.memory_space<hbm>> -> memref<164864x128xf32, #tpu.memory_space<hbm>>
      tpu.enqueue_indirect_dma source(%dma_start3A_48 : memref<164864x128xf32, #tpu.memory_space<hbm>>) target(%dma_start3A_42 : memref<128x128xf32, #tpu.memory_space<vmem>>) offsets(%dma_start3A_45 : memref<128xi32, #tpu.memory_space<vmem>>) semaphore(%arg7 : memref<!tpu.dma_semaphore, #tpu.memory_space<semaphore_mem>>)
      %dma_start3A_49 = arith.constant 2 : i32
      %dma_start3A_50 = arith.constant 0 : i32
      %dma_start3A_51 = arith.constant 256 : i32
      %dma_start3A_52 = arith.constant 0 : i32
      %dma_start3A_53 = tpu.memref_slice %arg6[%dma_start3A_51, %dma_start3A_52] : memref<512x128xf32, #tpu.memory_space<vmem>> -> memref<128x128xf32, #tpu.memory_space<vmem>>
      %dma_start3A_54 = arith.constant 0 : i32
      %dma_start3A_55 = tpu.memref_slice %arg5[%dma_start3A_49, %dma_start3A_50, %dma_start3A_54] : memref<4x1x128xi32, #tpu.memory_space<vmem>> -> memref<1x1x128xi32, #tpu.memory_space<vmem>>
      %dma_start3A_56 = tpu.memref_squeeze %dma_start3A_55 : memref<1x1x128xi32, #tpu.memory_space<vmem>> -> memref<128xi32, #tpu.memory_space<vmem>>
      %dma_start3A_57 = arith.constant 0 : i32
      %dma_start3A_58 = arith.constant 0 : i32
      %dma_start3A_59 = tpu.memref_slice %arg2[%dma_start3A_57, %dma_start3A_58] : memref<164864x128xf32, #tpu.memory_space<hbm>> -> memref<164864x128xf32, #tpu.memory_space<hbm>>
      tpu.enqueue_indirect_dma source(%dma_start3A_59 : memref<164864x128xf32, #tpu.memory_space<hbm>>) target(%dma_start3A_53 : memref<128x128xf32, #tpu.memory_space<vmem>>) offsets(%dma_start3A_56 : memref<128xi32, #tpu.memory_space<vmem>>) semaphore(%arg7 : memref<!tpu.dma_semaphore, #tpu.memory_space<semaphore_mem>>)
      %dma_start3A_60 = arith.constant 3 : i32
      %dma_start3A_61 = arith.constant 0 : i32
      %dma_start3A_62 = arith.constant 384 : i32
      %dma_start3A_63 = arith.constant 0 : i32
      %dma_start3A_64 = tpu.memref_slice %arg6[%dma_start3A_62, %dma_start3A_63] : memref<512x128xf32, #tpu.memory_space<vmem>> -> memref<128x128xf32, #tpu.memory_space<vmem>>
      %dma_start3A_65 = arith.constant 0 : i32
      %dma_start3A_66 = tpu.memref_slice %arg5[%dma_start3A_60, %dma_start3A_61, %dma_start3A_65] : memref<4x1x128xi32, #tpu.memory_space<vmem>> -> memref<1x1x128xi32, #tpu.memory_space<vmem>>
      %dma_start3A_67 = tpu.memref_squeeze %dma_start3A_66 : memref<1x1x128xi32, #tpu.memory_space<vmem>> -> memref<128xi32, #tpu.memory_space<vmem>>
      %dma_start3A_68 = arith.constant 0 : i32
      %dma_start3A_69 = arith.constant 0 : i32
      %dma_start3A_70 = tpu.memref_slice %arg2[%dma_start3A_68, %dma_start3A_69] : memref<164864x128xf32, #tpu.memory_space<hbm>> -> memref<164864x128xf32, #tpu.memory_space<hbm>>
      tpu.enqueue_indirect_dma source(%dma_start3A_70 : memref<164864x128xf32, #tpu.memory_space<hbm>>) target(%dma_start3A_64 : memref<128x128xf32, #tpu.memory_space<vmem>>) offsets(%dma_start3A_67 : memref<128xi32, #tpu.memory_space<vmem>>) semaphore(%arg7 : memref<!tpu.dma_semaphore, #tpu.memory_space<semaphore_mem>>)
      %dma_wait3A = arith.constant 0 : i32
      %dma_wait3A_71 = arith.constant 0 : i32
      %dma_wait3A_72 = arith.constant 0 : i32
      %dma_wait3A_73 = arith.constant 0 : i32
      %dma_wait3A_74 = tpu.memref_slice %arg6[%dma_wait3A_72, %dma_wait3A_73] : memref<512x128xf32, #tpu.memory_space<vmem>> -> memref<128x128xf32, #tpu.memory_space<vmem>>
      %dma_wait3A_75 = arith.constant 0 : i32
      %dma_wait3A_76 = tpu.memref_slice %arg5[%dma_wait3A, %dma_wait3A_71, %dma_wait3A_75] : memref<4x1x128xi32, #tpu.memory_space<vmem>> -> memref<1x1x128xi32, #tpu.memory_space<vmem>>
      %dma_wait3A_77 = tpu.memref_squeeze %dma_wait3A_76 : memref<1x1x128xi32, #tpu.memory_space<vmem>> -> memref<128xi32, #tpu.memory_space<vmem>>
      %dma_wait3A_78 = arith.constant 0 : i32
      %dma_wait3A_79 = arith.constant 0 : i32
      %dma_wait3A_80 = tpu.memref_slice %arg2[%dma_wait3A_78, %dma_wait3A_79] : memref<164864x128xf32, #tpu.memory_space<hbm>> -> memref<164864x128xf32, #tpu.memory_space<hbm>>
      tpu.wait_indirect_dma semaphore(%arg7 : memref<!tpu.dma_semaphore, #tpu.memory_space<semaphore_mem>>) src(%dma_wait3A_80 : memref<164864x128xf32, #tpu.memory_space<hbm>>) dst(%dma_wait3A_74 : memref<128x128xf32, #tpu.memory_space<vmem>>)
      %dma_wait3A_81 = arith.constant 1 : i32
      %dma_wait3A_82 = arith.constant 0 : i32
      %dma_wait3A_83 = arith.constant 128 : i32
      %dma_wait3A_84 = arith.constant 0 : i32
      %dma_wait3A_85 = tpu.memref_slice %arg6[%dma_wait3A_83, %dma_wait3A_84] : memref<512x128xf32, #tpu.memory_space<vmem>> -> memref<128x128xf32, #tpu.memory_space<vmem>>
      %dma_wait3A_86 = arith.constant 0 : i32
      %dma_wait3A_87 = tpu.memref_slice %arg5[%dma_wait3A_81, %dma_wait3A_82, %dma_wait3A_86] : memref<4x1x128xi32, #tpu.memory_space<vmem>> -> memref<1x1x128xi32, #tpu.memory_space<vmem>>
      %dma_wait3A_88 = tpu.memref_squeeze %dma_wait3A_87 : memref<1x1x128xi32, #tpu.memory_space<vmem>> -> memref<128xi32, #tpu.memory_space<vmem>>
      %dma_wait3A_89 = arith.constant 0 : i32
      %dma_wait3A_90 = arith.constant 0 : i32
      %dma_wait3A_91 = tpu.memref_slice %arg2[%dma_wait3A_89, %dma_wait3A_90] : memref<164864x128xf32, #tpu.memory_space<hbm>> -> memref<164864x128xf32, #tpu.memory_space<hbm>>
      tpu.wait_indirect_dma semaphore(%arg7 : memref<!tpu.dma_semaphore, #tpu.memory_space<semaphore_mem>>) src(%dma_wait3A_91 : memref<164864x128xf32, #tpu.memory_space<hbm>>) dst(%dma_wait3A_85 : memref<128x128xf32, #tpu.memory_space<vmem>>)
      %dma_wait3A_92 = arith.constant 2 : i32
      %dma_wait3A_93 = arith.constant 0 : i32
      %dma_wait3A_94 = arith.constant 256 : i32
      %dma_wait3A_95 = arith.constant 0 : i32
      %dma_wait3A_96 = tpu.memref_slice %arg6[%dma_wait3A_94, %dma_wait3A_95] : memref<512x128xf32, #tpu.memory_space<vmem>> -> memref<128x128xf32, #tpu.memory_space<vmem>>
      %dma_wait3A_97 = arith.constant 0 : i32
      %dma_wait3A_98 = tpu.memref_slice %arg5[%dma_wait3A_92, %dma_wait3A_93, %dma_wait3A_97] : memref<4x1x128xi32, #tpu.memory_space<vmem>> -> memref<1x1x128xi32, #tpu.memory_space<vmem>>
      %dma_wait3A_99 = tpu.memref_squeeze %dma_wait3A_98 : memref<1x1x128xi32, #tpu.memory_space<vmem>> -> memref<128xi32, #tpu.memory_space<vmem>>
      %dma_wait3A_100 = arith.constant 0 : i32
      %dma_wait3A_101 = arith.constant 0 : i32
      %dma_wait3A_102 = tpu.memref_slice %arg2[%dma_wait3A_100, %dma_wait3A_101] : memref<164864x128xf32, #tpu.memory_space<hbm>> -> memref<164864x128xf32, #tpu.memory_space<hbm>>
      tpu.wait_indirect_dma semaphore(%arg7 : memref<!tpu.dma_semaphore, #tpu.memory_space<semaphore_mem>>) src(%dma_wait3A_102 : memref<164864x128xf32, #tpu.memory_space<hbm>>) dst(%dma_wait3A_96 : memref<128x128xf32, #tpu.memory_space<vmem>>)
      %dma_wait3A_103 = arith.constant 3 : i32
      %dma_wait3A_104 = arith.constant 0 : i32
      %dma_wait3A_105 = arith.constant 384 : i32
      %dma_wait3A_106 = arith.constant 0 : i32
      %dma_wait3A_107 = tpu.memref_slice %arg6[%dma_wait3A_105, %dma_wait3A_106] : memref<512x128xf32, #tpu.memory_space<vmem>> -> memref<128x128xf32, #tpu.memory_space<vmem>>
      %dma_wait3A_108 = arith.constant 0 : i32
      %dma_wait3A_109 = tpu.memref_slice %arg5[%dma_wait3A_103, %dma_wait3A_104, %dma_wait3A_108] : memref<4x1x128xi32, #tpu.memory_space<vmem>> -> memref<1x1x128xi32, #tpu.memory_space<vmem>>
      %dma_wait3A_110 = tpu.memref_squeeze %dma_wait3A_109 : memref<1x1x128xi32, #tpu.memory_space<vmem>> -> memref<128xi32, #tpu.memory_space<vmem>>
      %dma_wait3A_111 = arith.constant 0 : i32
      %dma_wait3A_112 = arith.constant 0 : i32
      %dma_wait3A_113 = tpu.memref_slice %arg2[%dma_wait3A_111, %dma_wait3A_112] : memref<164864x128xf32, #tpu.memory_space<hbm>> -> memref<164864x128xf32, #tpu.memory_space<hbm>>
      tpu.wait_indirect_dma semaphore(%arg7 : memref<!tpu.dma_semaphore, #tpu.memory_space<semaphore_mem>>) src(%dma_wait3A_113 : memref<164864x128xf32, #tpu.memory_space<hbm>>) dst(%dma_wait3A_107 : memref<128x128xf32, #tpu.memory_space<vmem>>)
      "tpu.region"() ({
        %run_scoped3A = tpu.sem_alloc : memref<!tpu.dma_semaphore, #tpu.memory_space<semaphore_mem>>
        %dma_start3A_114 = arith.constant 0 : i32
        %dma_start3A_115 = tpu.memref_slice %arg4[%add3A_11, %dma_start3A_114] : memref<163840x128xf32, #tpu.memory_space<hbm>> -> memref<512x128xf32, #tpu.memory_space<hbm>>
        %dma_start3A_116 = arith.constant 0 : i32
        %dma_start3A_117 = tpu.memref_slice %arg4[%add3A_11, %dma_start3A_116] : memref<163840x128xf32, #tpu.memory_space<hbm>> -> memref<512x128xf32, #tpu.memory_space<hbm>>
        tpu.enqueue_dma source(%arg6 : memref<512x128xf32, #tpu.memory_space<vmem>>) target(%dma_start3A_117 : memref<512x128xf32, #tpu.memory_space<hbm>>) target_semaphore(%run_scoped3A : memref<!tpu.dma_semaphore, #tpu.memory_space<semaphore_mem>>)
        %dma_wait3A_118 = arith.constant 0 : i32
        %dma_wait3A_119 = tpu.memref_slice %arg4[%add3A_11, %dma_wait3A_118] : memref<163840x128xf32, #tpu.memory_space<hbm>> -> memref<512x128xf32, #tpu.memory_space<hbm>>
        %dma_wait3A_120 = arith.constant 0 : i32
        %dma_wait3A_121 = tpu.memref_slice %arg4[%add3A_11, %dma_wait3A_120] : memref<163840x128xf32, #tpu.memory_space<hbm>> -> memref<512x128xf32, #tpu.memory_space<hbm>>
        tpu.wait_dma2 semaphore(%run_scoped3A : memref<!tpu.dma_semaphore, #tpu.memory_space<semaphore_mem>>) src(%arg6 : memref<512x128xf32, #tpu.memory_space<vmem>>) dst(%dma_wait3A_121 : memref<512x128xf32, #tpu.memory_space<hbm>>)
        tpu.yield
      }) : () -> ()
    }
    %scan3A_5 = arith.constant 10 : i32
    return
  }
}

#map = affine_map<(d0, d1) -> (0, 0)>
#map1 = affine_map<(d0, d1) -> (0)>
#map2 = affine_map<(d0, d1) -> (0, 0, 0)>
module attributes {stable_mosaic.version = 14 : i64} {
  func.func @_sc_route_body(%arg0: i32, %arg1: i32, %arg2: memref<10000x16xf32, #tpu.memory_space<hbm>>, %arg3: memref<163840xi32, #tpu.memory_space<hbm>>, %arg4: memref<163840xi32, #tpu.memory_space<hbm>>, %arg5: memref<163840xi32, #tpu.memory_space<hbm>>, %arg6: memref<32x16xi32, #tpu.memory_space<hbm>>, %arg7: memref<164864x16xf32, #tpu.memory_space<hbm>>, %arg8: memref<164864x16xf32, #tpu.memory_space<hbm>>, %arg9: memref<1280x1x128xi32, #tpu.memory_space<hbm>>, %arg10: memref<656xi32, #tpu.memory_space<hbm>>, %arg11: memref<32x16xi32, #tpu.memory_space<vmem>>, %arg12: memref<32xi32, #tpu.memory_space<vmem>>, %arg13: memref<1024xi32, #tpu.memory_space<vmem>>, %arg14: memref<1024xi32, #tpu.memory_space<vmem>>, %arg15: memref<1024xi32, #tpu.memory_space<vmem>>, %arg16: memref<8x1x128xi32, #tpu.memory_space<vmem>>, %arg17: memref<1024x16xf32, #tpu.memory_space<vmem>>, %arg18: memref<1024x16xf32, #tpu.memory_space<vmem>>, %arg19: memref<656xi32, #tpu.memory_space<vmem>>, %arg20: memref<!tpu.dma_semaphore, #tpu.memory_space<semaphore_mem>>, %arg21: memref<!tpu.dma_semaphore, #tpu.memory_space<semaphore_mem>>) attributes {dimension_semantics = [#tpu.dimension_semantics<core_parallel>, #tpu.dimension_semantics<subcore_parallel>], iteration_bounds = array<i64: 2, 16>, scalar_prefetch = 0 : i64, scratch_operands = 11 : i64, tpu.core_type = #tpu.core_type<sc_vector_subcore>, window_params = [{transform_indices = #map}, {transform_indices = #map1}, {transform_indices = #map1}, {transform_indices = #map1}, {transform_indices = #map}, {transform_indices = #map}, {transform_indices = #map}, {transform_indices = #map2}, {transform_indices = #map1}]} {
    %mul3A = arith.constant 2 : i32
    %mul3A_0 = arith.muli %arg1, %mul3A : i32
    %add3A = arith.addi %mul3A_0, %arg0 : i32
    "tpu.region"() ({
      %run_scoped3A = tpu.sem_alloc : memref<!tpu.dma_semaphore, #tpu.memory_space<semaphore_mem>>
      tpu.enqueue_dma source(%arg6 : memref<32x16xi32, #tpu.memory_space<hbm>>) target(%arg11 : memref<32x16xi32, #tpu.memory_space<vmem>>) target_semaphore(%run_scoped3A : memref<!tpu.dma_semaphore, #tpu.memory_space<semaphore_mem>>)
      tpu.wait_dma2 semaphore(%run_scoped3A : memref<!tpu.dma_semaphore, #tpu.memory_space<semaphore_mem>>) src(%arg6 : memref<32x16xi32, #tpu.memory_space<hbm>>) dst(%arg11 : memref<32x16xi32, #tpu.memory_space<vmem>>)
      tpu.yield
    }) : () -> ()
    %iota3A = tpu.iota {dimensions = array<i32: 0>} : vector<16xi32>
    %broadcast_in_dim3A = vector.broadcast %add3A : i32 to vector<16xi32>
    %broadcast_in_dim3A_1 = arith.constant 0 : i32
    %broadcast_in_dim3A_2 = vector.broadcast %broadcast_in_dim3A_1 : i32 to vector<16xi32>
    %gather3A = tpu.vector_load_idx %arg11[%iota3A, %broadcast_in_dim3A_2] : memref<32x16xi32, #tpu.memory_space<vmem>>[vector<16xi32>, vector<16xi32>], vector<16xi32>,
    %add3A_3 = arith.constant 16 : i32
    %add3A_4 = vector.broadcast %add3A_3 : i32 to vector<16xi32>
    %add3A_5 = arith.addi %iota3A, %add3A_4 : vector<16xi32>
    %gather3A_6 = tpu.vector_load_idx %arg11[%add3A_5, %broadcast_in_dim3A_2] : memref<32x16xi32, #tpu.memory_space<vmem>>[vector<16xi32>, vector<16xi32>], vector<16xi32>,
    %broadcast_in_dim3A_7 = arith.constant true
    %broadcast_in_dim3A_8 = vector.broadcast %broadcast_in_dim3A_7 : i1 to vector<16xi1>
    %masked_cumsum3A = tpu.scan <sum>, %gather3A masked %broadcast_in_dim3A_8 : vector<16xi32>, vector<16xi1> -> vector<16xi32>
    %swap3A = arith.constant 0 : index
    %swap3A_9 = tpu.vector_load %arg12[%swap3A] {strides = array<i32>} : memref<32xi32, #tpu.memory_space<vmem>>, vector<16xi32>,
    tpu.vector_store %arg12[%swap3A], %masked_cumsum3A {strides = array<i32>} : memref<32xi32, #tpu.memory_space<vmem>>, vector<16xi32>,
    %broadcast_in_dim3A_10 = arith.constant 15 : i32
    %broadcast_in_dim3A_11 = vector.broadcast %broadcast_in_dim3A_10 : i32 to vector<16xi32>
    %gather3A_12 = tpu.vector_load_idx %arg12[%broadcast_in_dim3A_11] : memref<32xi32, #tpu.memory_space<vmem>>[vector<16xi32>], vector<16xi32>,
    %broadcast_in_dim3A_13 = arith.constant true
    %broadcast_in_dim3A_14 = vector.broadcast %broadcast_in_dim3A_13 : i1 to vector<16xi1>
    %masked_cumsum3A_15 = tpu.scan <sum>, %gather3A_6 masked %broadcast_in_dim3A_14 : vector<16xi32>, vector<16xi1> -> vector<16xi32>
    %add3A_16 = arith.addi %masked_cumsum3A_15, %gather3A_12 : vector<16xi32>
    %swap3A_17 = arith.constant 16 : index
    %swap3A_18 = tpu.vector_load %arg12[%swap3A_17] {strides = array<i32>} : memref<32xi32, #tpu.memory_space<vmem>>, vector<16xi32>,
    tpu.vector_store %arg12[%swap3A_17], %add3A_16 {strides = array<i32>} : memref<32xi32, #tpu.memory_space<vmem>>, vector<16xi32>,
    %broadcast_in_dim3A_19 = arith.constant 31 : i32
    %broadcast_in_dim3A_20 = vector.broadcast %broadcast_in_dim3A_19 : i32 to vector<16xi32>
    %gather3A_21 = tpu.vector_load_idx %arg12[%broadcast_in_dim3A_20] : memref<32xi32, #tpu.memory_space<vmem>>[vector<16xi32>], vector<16xi32>,
    %gather3A_22 = tpu.vector_load_idx %arg12[%broadcast_in_dim3A] : memref<32xi32, #tpu.memory_space<vmem>>[vector<16xi32>], vector<16xi32>,
    %gather3A_23 = tpu.vector_load_idx %arg11[%broadcast_in_dim3A, %broadcast_in_dim3A_2] : memref<32x16xi32, #tpu.memory_space<vmem>>[vector<16xi32>, vector<16xi32>], vector<16xi32>,
    %sub3A = arith.subi %gather3A_22, %gather3A_23 : vector<16xi32>
    %broadcast_in_dim3A_24 = arith.constant 1 : i32
    %broadcast_in_dim3A_25 = vector.broadcast %broadcast_in_dim3A_24 : i32 to vector<16xi32>
    %gather3A_26 = tpu.vector_load_idx %arg11[%iota3A, %broadcast_in_dim3A_25] : memref<32x16xi32, #tpu.memory_space<vmem>>[vector<16xi32>, vector<16xi32>], vector<16xi32>,
    %add3A_27 = arith.constant 16 : i32
    %add3A_28 = vector.broadcast %add3A_27 : i32 to vector<16xi32>
    %add3A_29 = arith.addi %iota3A, %add3A_28 : vector<16xi32>
    %gather3A_30 = tpu.vector_load_idx %arg11[%add3A_29, %broadcast_in_dim3A_25] : memref<32x16xi32, #tpu.memory_space<vmem>>[vector<16xi32>, vector<16xi32>], vector<16xi32>,
    %broadcast_in_dim3A_31 = arith.constant true
    %broadcast_in_dim3A_32 = vector.broadcast %broadcast_in_dim3A_31 : i1 to vector<16xi1>
    %masked_cumsum3A_33 = tpu.scan <sum>, %gather3A_26 masked %broadcast_in_dim3A_32 : vector<16xi32>, vector<16xi1> -> vector<16xi32>
    %swap3A_34 = arith.constant 0 : index
    %swap3A_35 = tpu.vector_load %arg12[%swap3A_34] {strides = array<i32>} : memref<32xi32, #tpu.memory_space<vmem>>, vector<16xi32>,
    tpu.vector_store %arg12[%swap3A_34], %masked_cumsum3A_33 {strides = array<i32>} : memref<32xi32, #tpu.memory_space<vmem>>, vector<16xi32>,
    %broadcast_in_dim3A_36 = arith.constant 15 : i32
    %broadcast_in_dim3A_37 = vector.broadcast %broadcast_in_dim3A_36 : i32 to vector<16xi32>
    %gather3A_38 = tpu.vector_load_idx %arg12[%broadcast_in_dim3A_37] : memref<32xi32, #tpu.memory_space<vmem>>[vector<16xi32>], vector<16xi32>,
    %broadcast_in_dim3A_39 = arith.constant true
    %broadcast_in_dim3A_40 = vector.broadcast %broadcast_in_dim3A_39 : i1 to vector<16xi1>
    %masked_cumsum3A_41 = tpu.scan <sum>, %gather3A_30 masked %broadcast_in_dim3A_40 : vector<16xi32>, vector<16xi1> -> vector<16xi32>
    %add3A_42 = arith.addi %masked_cumsum3A_41, %gather3A_38 : vector<16xi32>
    %swap3A_43 = arith.constant 16 : index
    %swap3A_44 = tpu.vector_load %arg12[%swap3A_43] {strides = array<i32>} : memref<32xi32, #tpu.memory_space<vmem>>, vector<16xi32>,
    tpu.vector_store %arg12[%swap3A_43], %add3A_42 {strides = array<i32>} : memref<32xi32, #tpu.memory_space<vmem>>, vector<16xi32>,
    %broadcast_in_dim3A_45 = arith.constant 31 : i32
    %broadcast_in_dim3A_46 = vector.broadcast %broadcast_in_dim3A_45 : i32 to vector<16xi32>
    %gather3A_47 = tpu.vector_load_idx %arg12[%broadcast_in_dim3A_46] : memref<32xi32, #tpu.memory_space<vmem>>[vector<16xi32>], vector<16xi32>,
    %gather3A_48 = tpu.vector_load_idx %arg12[%broadcast_in_dim3A] : memref<32xi32, #tpu.memory_space<vmem>>[vector<16xi32>], vector<16xi32>,
    %gather3A_49 = tpu.vector_load_idx %arg11[%broadcast_in_dim3A, %broadcast_in_dim3A_25] : memref<32x16xi32, #tpu.memory_space<vmem>>[vector<16xi32>, vector<16xi32>], vector<16xi32>,
    %sub3A_50 = arith.subi %gather3A_48, %gather3A_49 : vector<16xi32>
    %broadcast_in_dim3A_51 = arith.constant 2 : i32
    %broadcast_in_dim3A_52 = vector.broadcast %broadcast_in_dim3A_51 : i32 to vector<16xi32>
    %gather3A_53 = tpu.vector_load_idx %arg11[%iota3A, %broadcast_in_dim3A_52] : memref<32x16xi32, #tpu.memory_space<vmem>>[vector<16xi32>, vector<16xi32>], vector<16xi32>,
    %add3A_54 = arith.constant 16 : i32
    %add3A_55 = vector.broadcast %add3A_54 : i32 to vector<16xi32>
    %add3A_56 = arith.addi %iota3A, %add3A_55 : vector<16xi32>
    %gather3A_57 = tpu.vector_load_idx %arg11[%add3A_56, %broadcast_in_dim3A_52] : memref<32x16xi32, #tpu.memory_space<vmem>>[vector<16xi32>, vector<16xi32>], vector<16xi32>,
    %broadcast_in_dim3A_58 = arith.constant true
    %broadcast_in_dim3A_59 = vector.broadcast %broadcast_in_dim3A_58 : i1 to vector<16xi1>
    %masked_cumsum3A_60 = tpu.scan <sum>, %gather3A_53 masked %broadcast_in_dim3A_59 : vector<16xi32>, vector<16xi1> -> vector<16xi32>
    %swap3A_61 = arith.constant 0 : index
    %swap3A_62 = tpu.vector_load %arg12[%swap3A_61] {strides = array<i32>} : memref<32xi32, #tpu.memory_space<vmem>>, vector<16xi32>,
    tpu.vector_store %arg12[%swap3A_61], %masked_cumsum3A_60 {strides = array<i32>} : memref<32xi32, #tpu.memory_space<vmem>>, vector<16xi32>,
    %broadcast_in_dim3A_63 = arith.constant 15 : i32
    %broadcast_in_dim3A_64 = vector.broadcast %broadcast_in_dim3A_63 : i32 to vector<16xi32>
    %gather3A_65 = tpu.vector_load_idx %arg12[%broadcast_in_dim3A_64] : memref<32xi32, #tpu.memory_space<vmem>>[vector<16xi32>], vector<16xi32>,
    %broadcast_in_dim3A_66 = arith.constant true
    %broadcast_in_dim3A_67 = vector.broadcast %broadcast_in_dim3A_66 : i1 to vector<16xi1>
    %masked_cumsum3A_68 = tpu.scan <sum>, %gather3A_57 masked %broadcast_in_dim3A_67 : vector<16xi32>, vector<16xi1> -> vector<16xi32>
    %add3A_69 = arith.addi %masked_cumsum3A_68, %gather3A_65 : vector<16xi32>
    %swap3A_70 = arith.constant 16 : index
    %swap3A_71 = tpu.vector_load %arg12[%swap3A_70] {strides = array<i32>} : memref<32xi32, #tpu.memory_space<vmem>>, vector<16xi32>,
    tpu.vector_store %arg12[%swap3A_70], %add3A_69 {strides = array<i32>} : memref<32xi32, #tpu.memory_space<vmem>>, vector<16xi32>,
    %broadcast_in_dim3A_72 = arith.constant 31 : i32
    %broadcast_in_dim3A_73 = vector.broadcast %broadcast_in_dim3A_72 : i32 to vector<16xi32>
    %gather3A_74 = tpu.vector_load_idx %arg12[%broadcast_in_dim3A_73] : memref<32xi32, #tpu.memory_space<vmem>>[vector<16xi32>], vector<16xi32>,
    %gather3A_75 = tpu.vector_load_idx %arg12[%broadcast_in_dim3A] : memref<32xi32, #tpu.memory_space<vmem>>[vector<16xi32>], vector<16xi32>,
    %gather3A_76 = tpu.vector_load_idx %arg11[%broadcast_in_dim3A, %broadcast_in_dim3A_52] : memref<32x16xi32, #tpu.memory_space<vmem>>[vector<16xi32>, vector<16xi32>], vector<16xi32>,
    %sub3A_77 = arith.subi %gather3A_75, %gather3A_76 : vector<16xi32>
    %broadcast_in_dim3A_78 = arith.constant 3 : i32
    %broadcast_in_dim3A_79 = vector.broadcast %broadcast_in_dim3A_78 : i32 to vector<16xi32>
    %gather3A_80 = tpu.vector_load_idx %arg11[%iota3A, %broadcast_in_dim3A_79] : memref<32x16xi32, #tpu.memory_space<vmem>>[vector<16xi32>, vector<16xi32>], vector<16xi32>,
    %add3A_81 = arith.constant 16 : i32
    %add3A_82 = vector.broadcast %add3A_81 : i32 to vector<16xi32>
    %add3A_83 = arith.addi %iota3A, %add3A_82 : vector<16xi32>
    %gather3A_84 = tpu.vector_load_idx %arg11[%add3A_83, %broadcast_in_dim3A_79] : memref<32x16xi32, #tpu.memory_space<vmem>>[vector<16xi32>, vector<16xi32>], vector<16xi32>,
    %broadcast_in_dim3A_85 = arith.constant true
    %broadcast_in_dim3A_86 = vector.broadcast %broadcast_in_dim3A_85 : i1 to vector<16xi1>
    %masked_cumsum3A_87 = tpu.scan <sum>, %gather3A_80 masked %broadcast_in_dim3A_86 : vector<16xi32>, vector<16xi1> -> vector<16xi32>
    %swap3A_88 = arith.constant 0 : index
    %swap3A_89 = tpu.vector_load %arg12[%swap3A_88] {strides = array<i32>} : memref<32xi32, #tpu.memory_space<vmem>>, vector<16xi32>,
    tpu.vector_store %arg12[%swap3A_88], %masked_cumsum3A_87 {strides = array<i32>} : memref<32xi32, #tpu.memory_space<vmem>>, vector<16xi32>,
    %broadcast_in_dim3A_90 = arith.constant 15 : i32
    %broadcast_in_dim3A_91 = vector.broadcast %broadcast_in_dim3A_90 : i32 to vector<16xi32>
    %gather3A_92 = tpu.vector_load_idx %arg12[%broadcast_in_dim3A_91] : memref<32xi32, #tpu.memory_space<vmem>>[vector<16xi32>], vector<16xi32>,
    %broadcast_in_dim3A_93 = arith.constant true
    %broadcast_in_dim3A_94 = vector.broadcast %broadcast_in_dim3A_93 : i1 to vector<16xi1>
    %masked_cumsum3A_95 = tpu.scan <sum>, %gather3A_84 masked %broadcast_in_dim3A_94 : vector<16xi32>, vector<16xi1> -> vector<16xi32>
    %add3A_96 = arith.addi %masked_cumsum3A_95, %gather3A_92 : vector<16xi32>
    %swap3A_97 = arith.constant 16 : index
    %swap3A_98 = tpu.vector_load %arg12[%swap3A_97] {strides = array<i32>} : memref<32xi32, #tpu.memory_space<vmem>>, vector<16xi32>,
    tpu.vector_store %arg12[%swap3A_97], %add3A_96 {strides = array<i32>} : memref<32xi32, #tpu.memory_space<vmem>>, vector<16xi32>,
    %broadcast_in_dim3A_99 = arith.constant 31 : i32
    %broadcast_in_dim3A_100 = vector.broadcast %broadcast_in_dim3A_99 : i32 to vector<16xi32>
    %gather3A_101 = tpu.vector_load_idx %arg12[%broadcast_in_dim3A_100] : memref<32xi32, #tpu.memory_space<vmem>>[vector<16xi32>], vector<16xi32>,
    %gather3A_102 = tpu.vector_load_idx %arg12[%broadcast_in_dim3A] : memref<32xi32, #tpu.memory_space<vmem>>[vector<16xi32>], vector<16xi32>,
    %gather3A_103 = tpu.vector_load_idx %arg11[%broadcast_in_dim3A, %broadcast_in_dim3A_79] : memref<32x16xi32, #tpu.memory_space<vmem>>[vector<16xi32>, vector<16xi32>], vector<16xi32>,
    %sub3A_104 = arith.subi %gather3A_102, %gather3A_103 : vector<16xi32>
    %broadcast_in_dim3A_105 = arith.constant 0 : i32
    %broadcast_in_dim3A_106 = vector.broadcast %broadcast_in_dim3A_105 : i32 to vector<16xi32>
    %add3A_107 = arith.addi %broadcast_in_dim3A_106, %gather3A_21 : vector<16xi32>
    %add3A_108 = arith.constant 255 : i32
    %add3A_109 = vector.broadcast %add3A_108 : i32 to vector<16xi32>
    %add3A_110 = arith.addi %add3A_107, %add3A_109 : vector<16xi32>
    %and3A = arith.constant -256 : i32
    %and3A_111 = vector.broadcast %and3A : i32 to vector<16xi32>
    %and3A_112 = arith.andi %add3A_110, %and3A_111 : vector<16xi32>
    %add3A_113 = arith.addi %and3A_112, %gather3A_47 : vector<16xi32>
    %add3A_114 = arith.constant 255 : i32
    %add3A_115 = vector.broadcast %add3A_114 : i32 to vector<16xi32>
    %add3A_116 = arith.addi %add3A_113, %add3A_115 : vector<16xi32>
    %and3A_117 = arith.constant -256 : i32
    %and3A_118 = vector.broadcast %and3A_117 : i32 to vector<16xi32>
    %and3A_119 = arith.andi %add3A_116, %and3A_118 : vector<16xi32>
    %add3A_120 = arith.addi %and3A_119, %gather3A_74 : vector<16xi32>
    %add3A_121 = arith.constant 255 : i32
    %add3A_122 = vector.broadcast %add3A_121 : i32 to vector<16xi32>
    %add3A_123 = arith.addi %add3A_120, %add3A_122 : vector<16xi32>
    %and3A_124 = arith.constant -256 : i32
    %and3A_125 = vector.broadcast %and3A_124 : i32 to vector<16xi32>
    %and3A_126 = arith.andi %add3A_123, %and3A_125 : vector<16xi32>
    %add3A_127 = arith.addi %sub3A, %broadcast_in_dim3A_106 : vector<16xi32>
    %add3A_128 = arith.addi %sub3A_50, %and3A_112 : vector<16xi32>
    %add3A_129 = arith.addi %sub3A_77, %and3A_119 : vector<16xi32>
    %add3A_130 = arith.addi %sub3A_104, %and3A_126 : vector<16xi32>
    %iota3A_131 = tpu.iota {dimensions = array<i32: 0>} : vector<16xi32>
    %broadcast_in_dim3A_132 = arith.constant 1 : i32
    %broadcast_in_dim3A_133 = vector.broadcast %broadcast_in_dim3A_132 : i32 to vector<16xi32>
    %eq3A = arith.constant 0 : i32
    %eq3A_134 = arith.cmpi eq, %add3A, %eq3A : i32
    %convert_element_type3A = arith.extui %eq3A_134 : i1 to i32
    %cond3A = arith.constant 0 : i32
    %cond3A_135 = arith.cmpi ne, %convert_element_type3A, %cond3A : i32
    scf.if %cond3A_135 {
      %add3A_141 = arith.constant 0 : i32
      %add3A_142 = vector.broadcast %add3A_141 : i32 to vector<16xi32>
      %add3A_143 = arith.addi %iota3A_131, %add3A_142 : vector<16xi32>
      %mul3A_144 = arith.constant 256 : i32
      %mul3A_145 = vector.broadcast %mul3A_144 : i32 to vector<16xi32>
      %mul3A_146 = arith.muli %add3A_143, %mul3A_145 : vector<16xi32>
      %lt3A = arith.cmpi slt, %mul3A_146, %and3A_112 : vector<16xi32>
      %mul3A_147 = arith.constant 0 : i32
      %mul3A_148 = vector.broadcast %mul3A_147 : i32 to vector<16xi32>
      %mul3A_149 = arith.muli %mul3A_148, %broadcast_in_dim3A_133 : vector<16xi32>
      %lt3A_150 = arith.cmpi slt, %mul3A_146, %and3A_119 : vector<16xi32>
      %lt3A_151 = arith.cmpi slt, %mul3A_146, %and3A_126 : vector<16xi32>
      %mul3A_152 = arith.constant 2 : i32
      %mul3A_153 = vector.broadcast %mul3A_152 : i32 to vector<16xi32>
      %mul3A_154 = arith.muli %mul3A_153, %broadcast_in_dim3A_133 : vector<16xi32>
      %mul3A_155 = arith.constant 3 : i32
      %mul3A_156 = vector.broadcast %mul3A_155 : i32 to vector<16xi32>
      %mul3A_157 = arith.muli %mul3A_156, %broadcast_in_dim3A_133 : vector<16xi32>
      %select_n3A = arith.select %lt3A_151, %mul3A_154, %mul3A_157 : vector<16xi1>, vector<16xi32>
      %select_n3A_158 = arith.select %lt3A_150, %broadcast_in_dim3A_133, %select_n3A : vector<16xi1>, vector<16xi32>
      %select_n3A_159 = arith.select %lt3A, %mul3A_149, %select_n3A_158 : vector<16xi1>, vector<16xi32>
      %swap3A_160 = arith.constant 0 : index
      %swap3A_161 = tpu.vector_load %arg19[%swap3A_160] {strides = array<i32>} : memref<656xi32, #tpu.memory_space<vmem>>, vector<16xi32>,
      tpu.vector_store %arg19[%swap3A_160], %select_n3A_159 {strides = array<i32>} : memref<656xi32, #tpu.memory_space<vmem>>, vector<16xi32>,
      %add3A_162 = arith.constant 16 : i32
      %add3A_163 = vector.broadcast %add3A_162 : i32 to vector<16xi32>
      %add3A_164 = arith.addi %iota3A_131, %add3A_163 : vector<16xi32>
      %mul3A_165 = arith.constant 256 : i32
      %mul3A_166 = vector.broadcast %mul3A_165 : i32 to vector<16xi32>
      %mul3A_167 = arith.muli %add3A_164, %mul3A_166 : vector<16xi32>
      %lt3A_168 = arith.cmpi slt, %mul3A_167, %and3A_112 : vector<16xi32>
      %mul3A_169 = arith.constant 0 : i32
      %mul3A_170 = vector.broadcast %mul3A_169 : i32 to vector<16xi32>
      %mul3A_171 = arith.muli %mul3A_170, %broadcast_in_dim3A_133 : vector<16xi32>
      %lt3A_172 = arith.cmpi slt, %mul3A_167, %and3A_119 : vector<16xi32>
      %lt3A_173 = arith.cmpi slt, %mul3A_167, %and3A_126 : vector<16xi32>
      %mul3A_174 = arith.constant 2 : i32
      %mul3A_175 = vector.broadcast %mul3A_174 : i32 to vector<16xi32>
      %mul3A_176 = arith.muli %mul3A_175, %broadcast_in_dim3A_133 : vector<16xi32>
      %mul3A_177 = arith.constant 3 : i32
      %mul3A_178 = vector.broadcast %mul3A_177 : i32 to vector<16xi32>
      %mul3A_179 = arith.muli %mul3A_178, %broadcast_in_dim3A_133 : vector<16xi32>
      %select_n3A_180 = arith.select %lt3A_173, %mul3A_176, %mul3A_179 : vector<16xi1>, vector<16xi32>
      %select_n3A_181 = arith.select %lt3A_172, %broadcast_in_dim3A_133, %select_n3A_180 : vector<16xi1>, vector<16xi32>
      %select_n3A_182 = arith.select %lt3A_168, %mul3A_171, %select_n3A_181 : vector<16xi1>, vector<16xi32>
      %swap3A_183 = arith.constant 16 : index
      %swap3A_184 = tpu.vector_load %arg19[%swap3A_183] {strides = array<i32>} : memref<656xi32, #tpu.memory_space<vmem>>, vector<16xi32>,
      tpu.vector_store %arg19[%swap3A_183], %select_n3A_182 {strides = array<i32>} : memref<656xi32, #tpu.memory_space<vmem>>, vector<16xi32>,
      %add3A_185 = arith.constant 32 : i32
      %add3A_186 = vector.broadcast %add3A_185 : i32 to vector<16xi32>
      %add3A_187 = arith.addi %iota3A_131, %add3A_186 : vector<16xi32>
      %mul3A_188 = arith.constant 256 : i32
      %mul3A_189 = vector.broadcast %mul3A_188 : i32 to vector<16xi32>
      %mul3A_190 = arith.muli %add3A_187, %mul3A_189 : vector<16xi32>
      %lt3A_191 = arith.cmpi slt, %mul3A_190, %and3A_112 : vector<16xi32>
      %mul3A_192 = arith.constant 0 : i32
      %mul3A_193 = vector.broadcast %mul3A_192 : i32 to vector<16xi32>
      %mul3A_194 = arith.muli %mul3A_193, %broadcast_in_dim3A_133 : vector<16xi32>
      %lt3A_195 = arith.cmpi slt, %mul3A_190, %and3A_119 : vector<16xi32>
      %lt3A_196 = arith.cmpi slt, %mul3A_190, %and3A_126 : vector<16xi32>
      %mul3A_197 = arith.constant 2 : i32
      %mul3A_198 = vector.broadcast %mul3A_197 : i32 to vector<16xi32>
      %mul3A_199 = arith.muli %mul3A_198, %broadcast_in_dim3A_133 : vector<16xi32>
      %mul3A_200 = arith.constant 3 : i32
      %mul3A_201 = vector.broadcast %mul3A_200 : i32 to vector<16xi32>
      %mul3A_202 = arith.muli %mul3A_201, %broadcast_in_dim3A_133 : vector<16xi32>
      %select_n3A_203 = arith.select %lt3A_196, %mul3A_199, %mul3A_202 : vector<16xi1>, vector<16xi32>
      %select_n3A_204 = arith.select %lt3A_195, %broadcast_in_dim3A_133, %select_n3A_203 : vector<16xi1>, vector<16xi32>
      %select_n3A_205 = arith.select %lt3A_191, %mul3A_194, %select_n3A_204 : vector<16xi1>, vector<16xi32>
      %swap3A_206 = arith.constant 32 : index
      %swap3A_207 = tpu.vector_load %arg19[%swap3A_206] {strides = array<i32>} : memref<656xi32, #tpu.memory_space<vmem>>, vector<16xi32>,
      tpu.vector_store %arg19[%swap3A_206], %select_n3A_205 {strides = array<i32>} : memref<656xi32, #tpu.memory_space<vmem>>, vector<16xi32>,
      %add3A_208 = arith.constant 48 : i32
      %add3A_209 = vector.broadcast %add3A_208 : i32 to vector<16xi32>
      %add3A_210 = arith.addi %iota3A_131, %add3A_209 : vector<16xi32>
      %mul3A_211 = arith.constant 256 : i32
      %mul3A_212 = vector.broadcast %mul3A_211 : i32 to vector<16xi32>
      %mul3A_213 = arith.muli %add3A_210, %mul3A_212 : vector<16xi32>
      %lt3A_214 = arith.cmpi slt, %mul3A_213, %and3A_112 : vector<16xi32>
      %mul3A_215 = arith.constant 0 : i32
      %mul3A_216 = vector.broadcast %mul3A_215 : i32 to vector<16xi32>
      %mul3A_217 = arith.muli %mul3A_216, %broadcast_in_dim3A_133 : vector<16xi32>
      %lt3A_218 = arith.cmpi slt, %mul3A_213, %and3A_119 : vector<16xi32>
      %lt3A_219 = arith.cmpi slt, %mul3A_213, %and3A_126 : vector<16xi32>
      %mul3A_220 = arith.constant 2 : i32
      %mul3A_221 = vector.broadcast %mul3A_220 : i32 to vector<16xi32>
      %mul3A_222 = arith.muli %mul3A_221, %broadcast_in_dim3A_133 : vector<16xi32>
      %mul3A_223 = arith.constant 3 : i32
      %mul3A_224 = vector.broadcast %mul3A_223 : i32 to vector<16xi32>
      %mul3A_225 = arith.muli %mul3A_224, %broadcast_in_dim3A_133 : vector<16xi32>
      %select_n3A_226 = arith.select %lt3A_219, %mul3A_222, %mul3A_225 : vector<16xi1>, vector<16xi32>
      %select_n3A_227 = arith.select %lt3A_218, %broadcast_in_dim3A_133, %select_n3A_226 : vector<16xi1>, vector<16xi32>
      %select_n3A_228 = arith.select %lt3A_214, %mul3A_217, %select_n3A_227 : vector<16xi1>, vector<16xi32>
      %swap3A_229 = arith.constant 48 : index
      %swap3A_230 = tpu.vector_load %arg19[%swap3A_229] {strides = array<i32>} : memref<656xi32, #tpu.memory_space<vmem>>, vector<16xi32>,
      tpu.vector_store %arg19[%swap3A_229], %select_n3A_228 {strides = array<i32>} : memref<656xi32, #tpu.memory_space<vmem>>, vector<16xi32>,
      %add3A_231 = arith.constant 64 : i32
      %add3A_232 = vector.broadcast %add3A_231 : i32 to vector<16xi32>
      %add3A_233 = arith.addi %iota3A_131, %add3A_232 : vector<16xi32>
      %mul3A_234 = arith.constant 256 : i32
      %mul3A_235 = vector.broadcast %mul3A_234 : i32 to vector<16xi32>
      %mul3A_236 = arith.muli %add3A_233, %mul3A_235 : vector<16xi32>
      %lt3A_237 = arith.cmpi slt, %mul3A_236, %and3A_112 : vector<16xi32>
      %mul3A_238 = arith.constant 0 : i32
      %mul3A_239 = vector.broadcast %mul3A_238 : i32 to vector<16xi32>
      %mul3A_240 = arith.muli %mul3A_239, %broadcast_in_dim3A_133 : vector<16xi32>
      %lt3A_241 = arith.cmpi slt, %mul3A_236, %and3A_119 : vector<16xi32>
      %lt3A_242 = arith.cmpi slt, %mul3A_236, %and3A_126 : vector<16xi32>
      %mul3A_243 = arith.constant 2 : i32
      %mul3A_244 = vector.broadcast %mul3A_243 : i32 to vector<16xi32>
      %mul3A_245 = arith.muli %mul3A_244, %broadcast_in_dim3A_133 : vector<16xi32>
      %mul3A_246 = arith.constant 3 : i32
      %mul3A_247 = vector.broadcast %mul3A_246 : i32 to vector<16xi32>
      %mul3A_248 = arith.muli %mul3A_247, %broadcast_in_dim3A_133 : vector<16xi32>
      %select_n3A_249 = arith.select %lt3A_242, %mul3A_245, %mul3A_248 : vector<16xi1>, vector<16xi32>
      %select_n3A_250 = arith.select %lt3A_241, %broadcast_in_dim3A_133, %select_n3A_249 : vector<16xi1>, vector<16xi32>
      %select_n3A_251 = arith.select %lt3A_237, %mul3A_240, %select_n3A_250 : vector<16xi1>, vector<16xi32>
      %swap3A_252 = arith.constant 64 : index
      %swap3A_253 = tpu.vector_load %arg19[%swap3A_252] {strides = array<i32>} : memref<656xi32, #tpu.memory_space<vmem>>, vector<16xi32>,
      tpu.vector_store %arg19[%swap3A_252], %select_n3A_251 {strides = array<i32>} : memref<656xi32, #tpu.memory_space<vmem>>, vector<16xi32>,
      %add3A_254 = arith.constant 80 : i32
      %add3A_255 = vector.broadcast %add3A_254 : i32 to vector<16xi32>
      %add3A_256 = arith.addi %iota3A_131, %add3A_255 : vector<16xi32>
      %mul3A_257 = arith.constant 256 : i32
      %mul3A_258 = vector.broadcast %mul3A_257 : i32 to vector<16xi32>
      %mul3A_259 = arith.muli %add3A_256, %mul3A_258 : vector<16xi32>
      %lt3A_260 = arith.cmpi slt, %mul3A_259, %and3A_112 : vector<16xi32>
      %mul3A_261 = arith.constant 0 : i32
      %mul3A_262 = vector.broadcast %mul3A_261 : i32 to vector<16xi32>
      %mul3A_263 = arith.muli %mul3A_262, %broadcast_in_dim3A_133 : vector<16xi32>
      %lt3A_264 = arith.cmpi slt, %mul3A_259, %and3A_119 : vector<16xi32>
      %lt3A_265 = arith.cmpi slt, %mul3A_259, %and3A_126 : vector<16xi32>
      %mul3A_266 = arith.constant 2 : i32
      %mul3A_267 = vector.broadcast %mul3A_266 : i32 to vector<16xi32>
      %mul3A_268 = arith.muli %mul3A_267, %broadcast_in_dim3A_133 : vector<16xi32>
      %mul3A_269 = arith.constant 3 : i32
      %mul3A_270 = vector.broadcast %mul3A_269 : i32 to vector<16xi32>
      %mul3A_271 = arith.muli %mul3A_270, %broadcast_in_dim3A_133 : vector<16xi32>
      %select_n3A_272 = arith.select %lt3A_265, %mul3A_268, %mul3A_271 : vector<16xi1>, vector<16xi32>
      %select_n3A_273 = arith.select %lt3A_264, %broadcast_in_dim3A_133, %select_n3A_272 : vector<16xi1>, vector<16xi32>
      %select_n3A_274 = arith.select %lt3A_260, %mul3A_263, %select_n3A_273 : vector<16xi1>, vector<16xi32>
      %swap3A_275 = arith.constant 80 : index
      %swap3A_276 = tpu.vector_load %arg19[%swap3A_275] {strides = array<i32>} : memref<656xi32, #tpu.memory_space<vmem>>, vector<16xi32>,
      tpu.vector_store %arg19[%swap3A_275], %select_n3A_274 {strides = array<i32>} : memref<656xi32, #tpu.memory_space<vmem>>, vector<16xi32>,
      %add3A_277 = arith.constant 96 : i32
      %add3A_278 = vector.broadcast %add3A_277 : i32 to vector<16xi32>
      %add3A_279 = arith.addi %iota3A_131, %add3A_278 : vector<16xi32>
      %mul3A_280 = arith.constant 256 : i32
      %mul3A_281 = vector.broadcast %mul3A_280 : i32 to vector<16xi32>
      %mul3A_282 = arith.muli %add3A_279, %mul3A_281 : vector<16xi32>
      %lt3A_283 = arith.cmpi slt, %mul3A_282, %and3A_112 : vector<16xi32>
      %mul3A_284 = arith.constant 0 : i32
      %mul3A_285 = vector.broadcast %mul3A_284 : i32 to vector<16xi32>
      %mul3A_286 = arith.muli %mul3A_285, %broadcast_in_dim3A_133 : vector<16xi32>
      %lt3A_287 = arith.cmpi slt, %mul3A_282, %and3A_119 : vector<16xi32>
      %lt3A_288 = arith.cmpi slt, %mul3A_282, %and3A_126 : vector<16xi32>
      %mul3A_289 = arith.constant 2 : i32
      %mul3A_290 = vector.broadcast %mul3A_289 : i32 to vector<16xi32>
      %mul3A_291 = arith.muli %mul3A_290, %broadcast_in_dim3A_133 : vector<16xi32>
      %mul3A_292 = arith.constant 3 : i32
      %mul3A_293 = vector.broadcast %mul3A_292 : i32 to vector<16xi32>
      %mul3A_294 = arith.muli %mul3A_293, %broadcast_in_dim3A_133 : vector<16xi32>
      %select_n3A_295 = arith.select %lt3A_288, %mul3A_291, %mul3A_294 : vector<16xi1>, vector<16xi32>
      %select_n3A_296 = arith.select %lt3A_287, %broadcast_in_dim3A_133, %select_n3A_295 : vector<16xi1>, vector<16xi32>
      %select_n3A_297 = arith.select %lt3A_283, %mul3A_286, %select_n3A_296 : vector<16xi1>, vector<16xi32>
      %swap3A_298 = arith.constant 96 : index
      %swap3A_299 = tpu.vector_load %arg19[%swap3A_298] {strides = array<i32>} : memref<656xi32, #tpu.memory_space<vmem>>, vector<16xi32>,
      tpu.vector_store %arg19[%swap3A_298], %select_n3A_297 {strides = array<i32>} : memref<656xi32, #tpu.memory_space<vmem>>, vector<16xi32>,
      %add3A_300 = arith.constant 112 : i32
      %add3A_301 = vector.broadcast %add3A_300 : i32 to vector<16xi32>
      %add3A_302 = arith.addi %iota3A_131, %add3A_301 : vector<16xi32>
      %mul3A_303 = arith.constant 256 : i32
      %mul3A_304 = vector.broadcast %mul3A_303 : i32 to vector<16xi32>
      %mul3A_305 = arith.muli %add3A_302, %mul3A_304 : vector<16xi32>
      %lt3A_306 = arith.cmpi slt, %mul3A_305, %and3A_112 : vector<16xi32>
      %mul3A_307 = arith.constant 0 : i32
      %mul3A_308 = vector.broadcast %mul3A_307 : i32 to vector<16xi32>
      %mul3A_309 = arith.muli %mul3A_308, %broadcast_in_dim3A_133 : vector<16xi32>
      %lt3A_310 = arith.cmpi slt, %mul3A_305, %and3A_119 : vector<16xi32>
      %lt3A_311 = arith.cmpi slt, %mul3A_305, %and3A_126 : vector<16xi32>
      %mul3A_312 = arith.constant 2 : i32
      %mul3A_313 = vector.broadcast %mul3A_312 : i32 to vector<16xi32>
      %mul3A_314 = arith.muli %mul3A_313, %broadcast_in_dim3A_133 : vector<16xi32>
      %mul3A_315 = arith.constant 3 : i32
      %mul3A_316 = vector.broadcast %mul3A_315 : i32 to vector<16xi32>
      %mul3A_317 = arith.muli %mul3A_316, %broadcast_in_dim3A_133 : vector<16xi32>
      %select_n3A_318 = arith.select %lt3A_311, %mul3A_314, %mul3A_317 : vector<16xi1>, vector<16xi32>
      %select_n3A_319 = arith.select %lt3A_310, %broadcast_in_dim3A_133, %select_n3A_318 : vector<16xi1>, vector<16xi32>
      %select_n3A_320 = arith.select %lt3A_306, %mul3A_309, %select_n3A_319 : vector<16xi1>, vector<16xi32>
      %swap3A_321 = arith.constant 112 : index
      %swap3A_322 = tpu.vector_load %arg19[%swap3A_321] {strides = array<i32>} : memref<656xi32, #tpu.memory_space<vmem>>, vector<16xi32>,
      tpu.vector_store %arg19[%swap3A_321], %select_n3A_320 {strides = array<i32>} : memref<656xi32, #tpu.memory_space<vmem>>, vector<16xi32>,
      %add3A_323 = arith.constant 128 : i32
      %add3A_324 = vector.broadcast %add3A_323 : i32 to vector<16xi32>
      %add3A_325 = arith.addi %iota3A_131, %add3A_324 : vector<16xi32>
      %mul3A_326 = arith.constant 256 : i32
      %mul3A_327 = vector.broadcast %mul3A_326 : i32 to vector<16xi32>
      %mul3A_328 = arith.muli %add3A_325, %mul3A_327 : vector<16xi32>
      %lt3A_329 = arith.cmpi slt, %mul3A_328, %and3A_112 : vector<16xi32>
      %mul3A_330 = arith.constant 0 : i32
      %mul3A_331 = vector.broadcast %mul3A_330 : i32 to vector<16xi32>
      %mul3A_332 = arith.muli %mul3A_331, %broadcast_in_dim3A_133 : vector<16xi32>
      %lt3A_333 = arith.cmpi slt, %mul3A_328, %and3A_119 : vector<16xi32>
      %lt3A_334 = arith.cmpi slt, %mul3A_328, %and3A_126 : vector<16xi32>
      %mul3A_335 = arith.constant 2 : i32
      %mul3A_336 = vector.broadcast %mul3A_335 : i32 to vector<16xi32>
      %mul3A_337 = arith.muli %mul3A_336, %broadcast_in_dim3A_133 : vector<16xi32>
      %mul3A_338 = arith.constant 3 : i32
      %mul3A_339 = vector.broadcast %mul3A_338 : i32 to vector<16xi32>
      %mul3A_340 = arith.muli %mul3A_339, %broadcast_in_dim3A_133 : vector<16xi32>
      %select_n3A_341 = arith.select %lt3A_334, %mul3A_337, %mul3A_340 : vector<16xi1>, vector<16xi32>
      %select_n3A_342 = arith.select %lt3A_333, %broadcast_in_dim3A_133, %select_n3A_341 : vector<16xi1>, vector<16xi32>
      %select_n3A_343 = arith.select %lt3A_329, %mul3A_332, %select_n3A_342 : vector<16xi1>, vector<16xi32>
      %swap3A_344 = arith.constant 128 : index
      %swap3A_345 = tpu.vector_load %arg19[%swap3A_344] {strides = array<i32>} : memref<656xi32, #tpu.memory_space<vmem>>, vector<16xi32>,
      tpu.vector_store %arg19[%swap3A_344], %select_n3A_343 {strides = array<i32>} : memref<656xi32, #tpu.memory_space<vmem>>, vector<16xi32>,
      %add3A_346 = arith.constant 144 : i32
      %add3A_347 = vector.broadcast %add3A_346 : i32 to vector<16xi32>
      %add3A_348 = arith.addi %iota3A_131, %add3A_347 : vector<16xi32>
      %mul3A_349 = arith.constant 256 : i32
      %mul3A_350 = vector.broadcast %mul3A_349 : i32 to vector<16xi32>
      %mul3A_351 = arith.muli %add3A_348, %mul3A_350 : vector<16xi32>
      %lt3A_352 = arith.cmpi slt, %mul3A_351, %and3A_112 : vector<16xi32>
      %mul3A_353 = arith.constant 0 : i32
      %mul3A_354 = vector.broadcast %mul3A_353 : i32 to vector<16xi32>
      %mul3A_355 = arith.muli %mul3A_354, %broadcast_in_dim3A_133 : vector<16xi32>
      %lt3A_356 = arith.cmpi slt, %mul3A_351, %and3A_119 : vector<16xi32>
      %lt3A_357 = arith.cmpi slt, %mul3A_351, %and3A_126 : vector<16xi32>
      %mul3A_358 = arith.constant 2 : i32
      %mul3A_359 = vector.broadcast %mul3A_358 : i32 to vector<16xi32>
      %mul3A_360 = arith.muli %mul3A_359, %broadcast_in_dim3A_133 : vector<16xi32>
      %mul3A_361 = arith.constant 3 : i32
      %mul3A_362 = vector.broadcast %mul3A_361 : i32 to vector<16xi32>
      %mul3A_363 = arith.muli %mul3A_362, %broadcast_in_dim3A_133 : vector<16xi32>
      %select_n3A_364 = arith.select %lt3A_357, %mul3A_360, %mul3A_363 : vector<16xi1>, vector<16xi32>
      %select_n3A_365 = arith.select %lt3A_356, %broadcast_in_dim3A_133, %select_n3A_364 : vector<16xi1>, vector<16xi32>
      %select_n3A_366 = arith.select %lt3A_352, %mul3A_355, %select_n3A_365 : vector<16xi1>, vector<16xi32>
      %swap3A_367 = arith.constant 144 : index
      %swap3A_368 = tpu.vector_load %arg19[%swap3A_367] {strides = array<i32>} : memref<656xi32, #tpu.memory_space<vmem>>, vector<16xi32>,
      tpu.vector_store %arg19[%swap3A_367], %select_n3A_366 {strides = array<i32>} : memref<656xi32, #tpu.memory_space<vmem>>, vector<16xi32>,
      %add3A_369 = arith.constant 160 : i32
      %add3A_370 = vector.broadcast %add3A_369 : i32 to vector<16xi32>
      %add3A_371 = arith.addi %iota3A_131, %add3A_370 : vector<16xi32>
      %mul3A_372 = arith.constant 256 : i32
      %mul3A_373 = vector.broadcast %mul3A_372 : i32 to vector<16xi32>
      %mul3A_374 = arith.muli %add3A_371, %mul3A_373 : vector<16xi32>
      %lt3A_375 = arith.cmpi slt, %mul3A_374, %and3A_112 : vector<16xi32>
      %mul3A_376 = arith.constant 0 : i32
      %mul3A_377 = vector.broadcast %mul3A_376 : i32 to vector<16xi32>
      %mul3A_378 = arith.muli %mul3A_377, %broadcast_in_dim3A_133 : vector<16xi32>
      %lt3A_379 = arith.cmpi slt, %mul3A_374, %and3A_119 : vector<16xi32>
      %lt3A_380 = arith.cmpi slt, %mul3A_374, %and3A_126 : vector<16xi32>
      %mul3A_381 = arith.constant 2 : i32
      %mul3A_382 = vector.broadcast %mul3A_381 : i32 to vector<16xi32>
      %mul3A_383 = arith.muli %mul3A_382, %broadcast_in_dim3A_133 : vector<16xi32>
      %mul3A_384 = arith.constant 3 : i32
      %mul3A_385 = vector.broadcast %mul3A_384 : i32 to vector<16xi32>
      %mul3A_386 = arith.muli %mul3A_385, %broadcast_in_dim3A_133 : vector<16xi32>
      %select_n3A_387 = arith.select %lt3A_380, %mul3A_383, %mul3A_386 : vector<16xi1>, vector<16xi32>
      %select_n3A_388 = arith.select %lt3A_379, %broadcast_in_dim3A_133, %select_n3A_387 : vector<16xi1>, vector<16xi32>
      %select_n3A_389 = arith.select %lt3A_375, %mul3A_378, %select_n3A_388 : vector<16xi1>, vector<16xi32>
      %swap3A_390 = arith.constant 160 : index
      %swap3A_391 = tpu.vector_load %arg19[%swap3A_390] {strides = array<i32>} : memref<656xi32, #tpu.memory_space<vmem>>, vector<16xi32>,
      tpu.vector_store %arg19[%swap3A_390], %select_n3A_389 {strides = array<i32>} : memref<656xi32, #tpu.memory_space<vmem>>, vector<16xi32>,
      %add3A_392 = arith.constant 176 : i32
      %add3A_393 = vector.broadcast %add3A_392 : i32 to vector<16xi32>
      %add3A_394 = arith.addi %iota3A_131, %add3A_393 : vector<16xi32>
      %mul3A_395 = arith.constant 256 : i32
      %mul3A_396 = vector.broadcast %mul3A_395 : i32 to vector<16xi32>
      %mul3A_397 = arith.muli %add3A_394, %mul3A_396 : vector<16xi32>
      %lt3A_398 = arith.cmpi slt, %mul3A_397, %and3A_112 : vector<16xi32>
      %mul3A_399 = arith.constant 0 : i32
      %mul3A_400 = vector.broadcast %mul3A_399 : i32 to vector<16xi32>
      %mul3A_401 = arith.muli %mul3A_400, %broadcast_in_dim3A_133 : vector<16xi32>
      %lt3A_402 = arith.cmpi slt, %mul3A_397, %and3A_119 : vector<16xi32>
      %lt3A_403 = arith.cmpi slt, %mul3A_397, %and3A_126 : vector<16xi32>
      %mul3A_404 = arith.constant 2 : i32
      %mul3A_405 = vector.broadcast %mul3A_404 : i32 to vector<16xi32>
      %mul3A_406 = arith.muli %mul3A_405, %broadcast_in_dim3A_133 : vector<16xi32>
      %mul3A_407 = arith.constant 3 : i32
      %mul3A_408 = vector.broadcast %mul3A_407 : i32 to vector<16xi32>
      %mul3A_409 = arith.muli %mul3A_408, %broadcast_in_dim3A_133 : vector<16xi32>
      %select_n3A_410 = arith.select %lt3A_403, %mul3A_406, %mul3A_409 : vector<16xi1>, vector<16xi32>
      %select_n3A_411 = arith.select %lt3A_402, %broadcast_in_dim3A_133, %select_n3A_410 : vector<16xi1>, vector<16xi32>
      %select_n3A_412 = arith.select %lt3A_398, %mul3A_401, %select_n3A_411 : vector<16xi1>, vector<16xi32>
      %swap3A_413 = arith.constant 176 : index
      %swap3A_414 = tpu.vector_load %arg19[%swap3A_413] {strides = array<i32>} : memref<656xi32, #tpu.memory_space<vmem>>, vector<16xi32>,
      tpu.vector_store %arg19[%swap3A_413], %select_n3A_412 {strides = array<i32>} : memref<656xi32, #tpu.memory_space<vmem>>, vector<16xi32>,
      %add3A_415 = arith.constant 192 : i32
      %add3A_416 = vector.broadcast %add3A_415 : i32 to vector<16xi32>
      %add3A_417 = arith.addi %iota3A_131, %add3A_416 : vector<16xi32>
      %mul3A_418 = arith.constant 256 : i32
      %mul3A_419 = vector.broadcast %mul3A_418 : i32 to vector<16xi32>
      %mul3A_420 = arith.muli %add3A_417, %mul3A_419 : vector<16xi32>
      %lt3A_421 = arith.cmpi slt, %mul3A_420, %and3A_112 : vector<16xi32>
      %mul3A_422 = arith.constant 0 : i32
      %mul3A_423 = vector.broadcast %mul3A_422 : i32 to vector<16xi32>
      %mul3A_424 = arith.muli %mul3A_423, %broadcast_in_dim3A_133 : vector<16xi32>
      %lt3A_425 = arith.cmpi slt, %mul3A_420, %and3A_119 : vector<16xi32>
      %lt3A_426 = arith.cmpi slt, %mul3A_420, %and3A_126 : vector<16xi32>
      %mul3A_427 = arith.constant 2 : i32
      %mul3A_428 = vector.broadcast %mul3A_427 : i32 to vector<16xi32>
      %mul3A_429 = arith.muli %mul3A_428, %broadcast_in_dim3A_133 : vector<16xi32>
      %mul3A_430 = arith.constant 3 : i32
      %mul3A_431 = vector.broadcast %mul3A_430 : i32 to vector<16xi32>
      %mul3A_432 = arith.muli %mul3A_431, %broadcast_in_dim3A_133 : vector<16xi32>
      %select_n3A_433 = arith.select %lt3A_426, %mul3A_429, %mul3A_432 : vector<16xi1>, vector<16xi32>
      %select_n3A_434 = arith.select %lt3A_425, %broadcast_in_dim3A_133, %select_n3A_433 : vector<16xi1>, vector<16xi32>
      %select_n3A_435 = arith.select %lt3A_421, %mul3A_424, %select_n3A_434 : vector<16xi1>, vector<16xi32>
      %swap3A_436 = arith.constant 192 : index
      %swap3A_437 = tpu.vector_load %arg19[%swap3A_436] {strides = array<i32>} : memref<656xi32, #tpu.memory_space<vmem>>, vector<16xi32>,
      tpu.vector_store %arg19[%swap3A_436], %select_n3A_435 {strides = array<i32>} : memref<656xi32, #tpu.memory_space<vmem>>, vector<16xi32>,
      %add3A_438 = arith.constant 208 : i32
      %add3A_439 = vector.broadcast %add3A_438 : i32 to vector<16xi32>
      %add3A_440 = arith.addi %iota3A_131, %add3A_439 : vector<16xi32>
      %mul3A_441 = arith.constant 256 : i32
      %mul3A_442 = vector.broadcast %mul3A_441 : i32 to vector<16xi32>
      %mul3A_443 = arith.muli %add3A_440, %mul3A_442 : vector<16xi32>
      %lt3A_444 = arith.cmpi slt, %mul3A_443, %and3A_112 : vector<16xi32>
      %mul3A_445 = arith.constant 0 : i32
      %mul3A_446 = vector.broadcast %mul3A_445 : i32 to vector<16xi32>
      %mul3A_447 = arith.muli %mul3A_446, %broadcast_in_dim3A_133 : vector<16xi32>
      %lt3A_448 = arith.cmpi slt, %mul3A_443, %and3A_119 : vector<16xi32>
      %lt3A_449 = arith.cmpi slt, %mul3A_443, %and3A_126 : vector<16xi32>
      %mul3A_450 = arith.constant 2 : i32
      %mul3A_451 = vector.broadcast %mul3A_450 : i32 to vector<16xi32>
      %mul3A_452 = arith.muli %mul3A_451, %broadcast_in_dim3A_133 : vector<16xi32>
      %mul3A_453 = arith.constant 3 : i32
      %mul3A_454 = vector.broadcast %mul3A_453 : i32 to vector<16xi32>
      %mul3A_455 = arith.muli %mul3A_454, %broadcast_in_dim3A_133 : vector<16xi32>
      %select_n3A_456 = arith.select %lt3A_449, %mul3A_452, %mul3A_455 : vector<16xi1>, vector<16xi32>
      %select_n3A_457 = arith.select %lt3A_448, %broadcast_in_dim3A_133, %select_n3A_456 : vector<16xi1>, vector<16xi32>
      %select_n3A_458 = arith.select %lt3A_444, %mul3A_447, %select_n3A_457 : vector<16xi1>, vector<16xi32>
      %swap3A_459 = arith.constant 208 : index
      %swap3A_460 = tpu.vector_load %arg19[%swap3A_459] {strides = array<i32>} : memref<656xi32, #tpu.memory_space<vmem>>, vector<16xi32>,
      tpu.vector_store %arg19[%swap3A_459], %select_n3A_458 {strides = array<i32>} : memref<656xi32, #tpu.memory_space<vmem>>, vector<16xi32>,
      %add3A_461 = arith.constant 224 : i32
      %add3A_462 = vector.broadcast %add3A_461 : i32 to vector<16xi32>
      %add3A_463 = arith.addi %iota3A_131, %add3A_462 : vector<16xi32>
      %mul3A_464 = arith.constant 256 : i32
      %mul3A_465 = vector.broadcast %mul3A_464 : i32 to vector<16xi32>
      %mul3A_466 = arith.muli %add3A_463, %mul3A_465 : vector<16xi32>
      %lt3A_467 = arith.cmpi slt, %mul3A_466, %and3A_112 : vector<16xi32>
      %mul3A_468 = arith.constant 0 : i32
      %mul3A_469 = vector.broadcast %mul3A_468 : i32 to vector<16xi32>
      %mul3A_470 = arith.muli %mul3A_469, %broadcast_in_dim3A_133 : vector<16xi32>
      %lt3A_471 = arith.cmpi slt, %mul3A_466, %and3A_119 : vector<16xi32>
      %lt3A_472 = arith.cmpi slt, %mul3A_466, %and3A_126 : vector<16xi32>
      %mul3A_473 = arith.constant 2 : i32
      %mul3A_474 = vector.broadcast %mul3A_473 : i32 to vector<16xi32>
      %mul3A_475 = arith.muli %mul3A_474, %broadcast_in_dim3A_133 : vector<16xi32>
      %mul3A_476 = arith.constant 3 : i32
      %mul3A_477 = vector.broadcast %mul3A_476 : i32 to vector<16xi32>
      %mul3A_478 = arith.muli %mul3A_477, %broadcast_in_dim3A_133 : vector<16xi32>
      %select_n3A_479 = arith.select %lt3A_472, %mul3A_475, %mul3A_478 : vector<16xi1>, vector<16xi32>
      %select_n3A_480 = arith.select %lt3A_471, %broadcast_in_dim3A_133, %select_n3A_479 : vector<16xi1>, vector<16xi32>
      %select_n3A_481 = arith.select %lt3A_467, %mul3A_470, %select_n3A_480 : vector<16xi1>, vector<16xi32>
      %swap3A_482 = arith.constant 224 : index
      %swap3A_483 = tpu.vector_load %arg19[%swap3A_482] {strides = array<i32>} : memref<656xi32, #tpu.memory_space<vmem>>, vector<16xi32>,
      tpu.vector_store %arg19[%swap3A_482], %select_n3A_481 {strides = array<i32>} : memref<656xi32, #tpu.memory_space<vmem>>, vector<16xi32>,
      %add3A_484 = arith.constant 240 : i32
      %add3A_485 = vector.broadcast %add3A_484 : i32 to vector<16xi32>
      %add3A_486 = arith.addi %iota3A_131, %add3A_485 : vector<16xi32>
      %mul3A_487 = arith.constant 256 : i32
      %mul3A_488 = vector.broadcast %mul3A_487 : i32 to vector<16xi32>
      %mul3A_489 = arith.muli %add3A_486, %mul3A_488 : vector<16xi32>
      %lt3A_490 = arith.cmpi slt, %mul3A_489, %and3A_112 : vector<16xi32>
      %mul3A_491 = arith.constant 0 : i32
      %mul3A_492 = vector.broadcast %mul3A_491 : i32 to vector<16xi32>
      %mul3A_493 = arith.muli %mul3A_492, %broadcast_in_dim3A_133 : vector<16xi32>
      %lt3A_494 = arith.cmpi slt, %mul3A_489, %and3A_119 : vector<16xi32>
      %lt3A_495 = arith.cmpi slt, %mul3A_489, %and3A_126 : vector<16xi32>
      %mul3A_496 = arith.constant 2 : i32
      %mul3A_497 = vector.broadcast %mul3A_496 : i32 to vector<16xi32>
      %mul3A_498 = arith.muli %mul3A_497, %broadcast_in_dim3A_133 : vector<16xi32>
      %mul3A_499 = arith.constant 3 : i32
      %mul3A_500 = vector.broadcast %mul3A_499 : i32 to vector<16xi32>
      %mul3A_501 = arith.muli %mul3A_500, %broadcast_in_dim3A_133 : vector<16xi32>
      %select_n3A_502 = arith.select %lt3A_495, %mul3A_498, %mul3A_501 : vector<16xi1>, vector<16xi32>
      %select_n3A_503 = arith.select %lt3A_494, %broadcast_in_dim3A_133, %select_n3A_502 : vector<16xi1>, vector<16xi32>
      %select_n3A_504 = arith.select %lt3A_490, %mul3A_493, %select_n3A_503 : vector<16xi1>, vector<16xi32>
      %swap3A_505 = arith.constant 240 : index
      %swap3A_506 = tpu.vector_load %arg19[%swap3A_505] {strides = array<i32>} : memref<656xi32, #tpu.memory_space<vmem>>, vector<16xi32>,
      tpu.vector_store %arg19[%swap3A_505], %select_n3A_504 {strides = array<i32>} : memref<656xi32, #tpu.memory_space<vmem>>, vector<16xi32>,
      %add3A_507 = arith.constant 256 : i32
      %add3A_508 = vector.broadcast %add3A_507 : i32 to vector<16xi32>
      %add3A_509 = arith.addi %iota3A_131, %add3A_508 : vector<16xi32>
      %mul3A_510 = arith.constant 256 : i32
      %mul3A_511 = vector.broadcast %mul3A_510 : i32 to vector<16xi32>
      %mul3A_512 = arith.muli %add3A_509, %mul3A_511 : vector<16xi32>
      %lt3A_513 = arith.cmpi slt, %mul3A_512, %and3A_112 : vector<16xi32>
      %mul3A_514 = arith.constant 0 : i32
      %mul3A_515 = vector.broadcast %mul3A_514 : i32 to vector<16xi32>
      %mul3A_516 = arith.muli %mul3A_515, %broadcast_in_dim3A_133 : vector<16xi32>
      %lt3A_517 = arith.cmpi slt, %mul3A_512, %and3A_119 : vector<16xi32>
      %lt3A_518 = arith.cmpi slt, %mul3A_512, %and3A_126 : vector<16xi32>
      %mul3A_519 = arith.constant 2 : i32
      %mul3A_520 = vector.broadcast %mul3A_519 : i32 to vector<16xi32>
      %mul3A_521 = arith.muli %mul3A_520, %broadcast_in_dim3A_133 : vector<16xi32>
      %mul3A_522 = arith.constant 3 : i32
      %mul3A_523 = vector.broadcast %mul3A_522 : i32 to vector<16xi32>
      %mul3A_524 = arith.muli %mul3A_523, %broadcast_in_dim3A_133 : vector<16xi32>
      %select_n3A_525 = arith.select %lt3A_518, %mul3A_521, %mul3A_524 : vector<16xi1>, vector<16xi32>
      %select_n3A_526 = arith.select %lt3A_517, %broadcast_in_dim3A_133, %select_n3A_525 : vector<16xi1>, vector<16xi32>
      %select_n3A_527 = arith.select %lt3A_513, %mul3A_516, %select_n3A_526 : vector<16xi1>, vector<16xi32>
      %swap3A_528 = arith.constant 256 : index
      %swap3A_529 = tpu.vector_load %arg19[%swap3A_528] {strides = array<i32>} : memref<656xi32, #tpu.memory_space<vmem>>, vector<16xi32>,
      tpu.vector_store %arg19[%swap3A_528], %select_n3A_527 {strides = array<i32>} : memref<656xi32, #tpu.memory_space<vmem>>, vector<16xi32>,
      %add3A_530 = arith.constant 272 : i32
      %add3A_531 = vector.broadcast %add3A_530 : i32 to vector<16xi32>
      %add3A_532 = arith.addi %iota3A_131, %add3A_531 : vector<16xi32>
      %mul3A_533 = arith.constant 256 : i32
      %mul3A_534 = vector.broadcast %mul3A_533 : i32 to vector<16xi32>
      %mul3A_535 = arith.muli %add3A_532, %mul3A_534 : vector<16xi32>
      %lt3A_536 = arith.cmpi slt, %mul3A_535, %and3A_112 : vector<16xi32>
      %mul3A_537 = arith.constant 0 : i32
      %mul3A_538 = vector.broadcast %mul3A_537 : i32 to vector<16xi32>
      %mul3A_539 = arith.muli %mul3A_538, %broadcast_in_dim3A_133 : vector<16xi32>
      %lt3A_540 = arith.cmpi slt, %mul3A_535, %and3A_119 : vector<16xi32>
      %lt3A_541 = arith.cmpi slt, %mul3A_535, %and3A_126 : vector<16xi32>
      %mul3A_542 = arith.constant 2 : i32
      %mul3A_543 = vector.broadcast %mul3A_542 : i32 to vector<16xi32>
      %mul3A_544 = arith.muli %mul3A_543, %broadcast_in_dim3A_133 : vector<16xi32>
      %mul3A_545 = arith.constant 3 : i32
      %mul3A_546 = vector.broadcast %mul3A_545 : i32 to vector<16xi32>
      %mul3A_547 = arith.muli %mul3A_546, %broadcast_in_dim3A_133 : vector<16xi32>
      %select_n3A_548 = arith.select %lt3A_541, %mul3A_544, %mul3A_547 : vector<16xi1>, vector<16xi32>
      %select_n3A_549 = arith.select %lt3A_540, %broadcast_in_dim3A_133, %select_n3A_548 : vector<16xi1>, vector<16xi32>
      %select_n3A_550 = arith.select %lt3A_536, %mul3A_539, %select_n3A_549 : vector<16xi1>, vector<16xi32>
      %swap3A_551 = arith.constant 272 : index
      %swap3A_552 = tpu.vector_load %arg19[%swap3A_551] {strides = array<i32>} : memref<656xi32, #tpu.memory_space<vmem>>, vector<16xi32>,
      tpu.vector_store %arg19[%swap3A_551], %select_n3A_550 {strides = array<i32>} : memref<656xi32, #tpu.memory_space<vmem>>, vector<16xi32>,
      %add3A_553 = arith.constant 288 : i32
      %add3A_554 = vector.broadcast %add3A_553 : i32 to vector<16xi32>
      %add3A_555 = arith.addi %iota3A_131, %add3A_554 : vector<16xi32>
      %mul3A_556 = arith.constant 256 : i32
      %mul3A_557 = vector.broadcast %mul3A_556 : i32 to vector<16xi32>
      %mul3A_558 = arith.muli %add3A_555, %mul3A_557 : vector<16xi32>
      %lt3A_559 = arith.cmpi slt, %mul3A_558, %and3A_112 : vector<16xi32>
      %mul3A_560 = arith.constant 0 : i32
      %mul3A_561 = vector.broadcast %mul3A_560 : i32 to vector<16xi32>
      %mul3A_562 = arith.muli %mul3A_561, %broadcast_in_dim3A_133 : vector<16xi32>
      %lt3A_563 = arith.cmpi slt, %mul3A_558, %and3A_119 : vector<16xi32>
      %lt3A_564 = arith.cmpi slt, %mul3A_558, %and3A_126 : vector<16xi32>
      %mul3A_565 = arith.constant 2 : i32
      %mul3A_566 = vector.broadcast %mul3A_565 : i32 to vector<16xi32>
      %mul3A_567 = arith.muli %mul3A_566, %broadcast_in_dim3A_133 : vector<16xi32>
      %mul3A_568 = arith.constant 3 : i32
      %mul3A_569 = vector.broadcast %mul3A_568 : i32 to vector<16xi32>
      %mul3A_570 = arith.muli %mul3A_569, %broadcast_in_dim3A_133 : vector<16xi32>
      %select_n3A_571 = arith.select %lt3A_564, %mul3A_567, %mul3A_570 : vector<16xi1>, vector<16xi32>
      %select_n3A_572 = arith.select %lt3A_563, %broadcast_in_dim3A_133, %select_n3A_571 : vector<16xi1>, vector<16xi32>
      %select_n3A_573 = arith.select %lt3A_559, %mul3A_562, %select_n3A_572 : vector<16xi1>, vector<16xi32>
      %swap3A_574 = arith.constant 288 : index
      %swap3A_575 = tpu.vector_load %arg19[%swap3A_574] {strides = array<i32>} : memref<656xi32, #tpu.memory_space<vmem>>, vector<16xi32>,
      tpu.vector_store %arg19[%swap3A_574], %select_n3A_573 {strides = array<i32>} : memref<656xi32, #tpu.memory_space<vmem>>, vector<16xi32>,
      %add3A_576 = arith.constant 304 : i32
      %add3A_577 = vector.broadcast %add3A_576 : i32 to vector<16xi32>
      %add3A_578 = arith.addi %iota3A_131, %add3A_577 : vector<16xi32>
      %mul3A_579 = arith.constant 256 : i32
      %mul3A_580 = vector.broadcast %mul3A_579 : i32 to vector<16xi32>
      %mul3A_581 = arith.muli %add3A_578, %mul3A_580 : vector<16xi32>
      %lt3A_582 = arith.cmpi slt, %mul3A_581, %and3A_112 : vector<16xi32>
      %mul3A_583 = arith.constant 0 : i32
      %mul3A_584 = vector.broadcast %mul3A_583 : i32 to vector<16xi32>
      %mul3A_585 = arith.muli %mul3A_584, %broadcast_in_dim3A_133 : vector<16xi32>
      %lt3A_586 = arith.cmpi slt, %mul3A_581, %and3A_119 : vector<16xi32>
      %lt3A_587 = arith.cmpi slt, %mul3A_581, %and3A_126 : vector<16xi32>
      %mul3A_588 = arith.constant 2 : i32
      %mul3A_589 = vector.broadcast %mul3A_588 : i32 to vector<16xi32>
      %mul3A_590 = arith.muli %mul3A_589, %broadcast_in_dim3A_133 : vector<16xi32>
      %mul3A_591 = arith.constant 3 : i32
      %mul3A_592 = vector.broadcast %mul3A_591 : i32 to vector<16xi32>
      %mul3A_593 = arith.muli %mul3A_592, %broadcast_in_dim3A_133 : vector<16xi32>
      %select_n3A_594 = arith.select %lt3A_587, %mul3A_590, %mul3A_593 : vector<16xi1>, vector<16xi32>
      %select_n3A_595 = arith.select %lt3A_586, %broadcast_in_dim3A_133, %select_n3A_594 : vector<16xi1>, vector<16xi32>
      %select_n3A_596 = arith.select %lt3A_582, %mul3A_585, %select_n3A_595 : vector<16xi1>, vector<16xi32>
      %swap3A_597 = arith.constant 304 : index
      %swap3A_598 = tpu.vector_load %arg19[%swap3A_597] {strides = array<i32>} : memref<656xi32, #tpu.memory_space<vmem>>, vector<16xi32>,
      tpu.vector_store %arg19[%swap3A_597], %select_n3A_596 {strides = array<i32>} : memref<656xi32, #tpu.memory_space<vmem>>, vector<16xi32>,
      %add3A_599 = arith.constant 320 : i32
      %add3A_600 = vector.broadcast %add3A_599 : i32 to vector<16xi32>
      %add3A_601 = arith.addi %iota3A_131, %add3A_600 : vector<16xi32>
      %mul3A_602 = arith.constant 256 : i32
      %mul3A_603 = vector.broadcast %mul3A_602 : i32 to vector<16xi32>
      %mul3A_604 = arith.muli %add3A_601, %mul3A_603 : vector<16xi32>
      %lt3A_605 = arith.cmpi slt, %mul3A_604, %and3A_112 : vector<16xi32>
      %mul3A_606 = arith.constant 0 : i32
      %mul3A_607 = vector.broadcast %mul3A_606 : i32 to vector<16xi32>
      %mul3A_608 = arith.muli %mul3A_607, %broadcast_in_dim3A_133 : vector<16xi32>
      %lt3A_609 = arith.cmpi slt, %mul3A_604, %and3A_119 : vector<16xi32>
      %lt3A_610 = arith.cmpi slt, %mul3A_604, %and3A_126 : vector<16xi32>
      %mul3A_611 = arith.constant 2 : i32
      %mul3A_612 = vector.broadcast %mul3A_611 : i32 to vector<16xi32>
      %mul3A_613 = arith.muli %mul3A_612, %broadcast_in_dim3A_133 : vector<16xi32>
      %mul3A_614 = arith.constant 3 : i32
      %mul3A_615 = vector.broadcast %mul3A_614 : i32 to vector<16xi32>
      %mul3A_616 = arith.muli %mul3A_615, %broadcast_in_dim3A_133 : vector<16xi32>
      %select_n3A_617 = arith.select %lt3A_610, %mul3A_613, %mul3A_616 : vector<16xi1>, vector<16xi32>
      %select_n3A_618 = arith.select %lt3A_609, %broadcast_in_dim3A_133, %select_n3A_617 : vector<16xi1>, vector<16xi32>
      %select_n3A_619 = arith.select %lt3A_605, %mul3A_608, %select_n3A_618 : vector<16xi1>, vector<16xi32>
      %swap3A_620 = arith.constant 320 : index
      %swap3A_621 = tpu.vector_load %arg19[%swap3A_620] {strides = array<i32>} : memref<656xi32, #tpu.memory_space<vmem>>, vector<16xi32>,
      tpu.vector_store %arg19[%swap3A_620], %select_n3A_619 {strides = array<i32>} : memref<656xi32, #tpu.memory_space<vmem>>, vector<16xi32>,
      %add3A_622 = arith.constant 336 : i32
      %add3A_623 = vector.broadcast %add3A_622 : i32 to vector<16xi32>
      %add3A_624 = arith.addi %iota3A_131, %add3A_623 : vector<16xi32>
      %mul3A_625 = arith.constant 256 : i32
      %mul3A_626 = vector.broadcast %mul3A_625 : i32 to vector<16xi32>
      %mul3A_627 = arith.muli %add3A_624, %mul3A_626 : vector<16xi32>
      %lt3A_628 = arith.cmpi slt, %mul3A_627, %and3A_112 : vector<16xi32>
      %mul3A_629 = arith.constant 0 : i32
      %mul3A_630 = vector.broadcast %mul3A_629 : i32 to vector<16xi32>
      %mul3A_631 = arith.muli %mul3A_630, %broadcast_in_dim3A_133 : vector<16xi32>
      %lt3A_632 = arith.cmpi slt, %mul3A_627, %and3A_119 : vector<16xi32>
      %lt3A_633 = arith.cmpi slt, %mul3A_627, %and3A_126 : vector<16xi32>
      %mul3A_634 = arith.constant 2 : i32
      %mul3A_635 = vector.broadcast %mul3A_634 : i32 to vector<16xi32>
      %mul3A_636 = arith.muli %mul3A_635, %broadcast_in_dim3A_133 : vector<16xi32>
      %mul3A_637 = arith.constant 3 : i32
      %mul3A_638 = vector.broadcast %mul3A_637 : i32 to vector<16xi32>
      %mul3A_639 = arith.muli %mul3A_638, %broadcast_in_dim3A_133 : vector<16xi32>
      %select_n3A_640 = arith.select %lt3A_633, %mul3A_636, %mul3A_639 : vector<16xi1>, vector<16xi32>
      %select_n3A_641 = arith.select %lt3A_632, %broadcast_in_dim3A_133, %select_n3A_640 : vector<16xi1>, vector<16xi32>
      %select_n3A_642 = arith.select %lt3A_628, %mul3A_631, %select_n3A_641 : vector<16xi1>, vector<16xi32>
      %swap3A_643 = arith.constant 336 : index
      %swap3A_644 = tpu.vector_load %arg19[%swap3A_643] {strides = array<i32>} : memref<656xi32, #tpu.memory_space<vmem>>, vector<16xi32>,
      tpu.vector_store %arg19[%swap3A_643], %select_n3A_642 {strides = array<i32>} : memref<656xi32, #tpu.memory_space<vmem>>, vector<16xi32>,
      %add3A_645 = arith.constant 352 : i32
      %add3A_646 = vector.broadcast %add3A_645 : i32 to vector<16xi32>
      %add3A_647 = arith.addi %iota3A_131, %add3A_646 : vector<16xi32>
      %mul3A_648 = arith.constant 256 : i32
      %mul3A_649 = vector.broadcast %mul3A_648 : i32 to vector<16xi32>
      %mul3A_650 = arith.muli %add3A_647, %mul3A_649 : vector<16xi32>
      %lt3A_651 = arith.cmpi slt, %mul3A_650, %and3A_112 : vector<16xi32>
      %mul3A_652 = arith.constant 0 : i32
      %mul3A_653 = vector.broadcast %mul3A_652 : i32 to vector<16xi32>
      %mul3A_654 = arith.muli %mul3A_653, %broadcast_in_dim3A_133 : vector<16xi32>
      %lt3A_655 = arith.cmpi slt, %mul3A_650, %and3A_119 : vector<16xi32>
      %lt3A_656 = arith.cmpi slt, %mul3A_650, %and3A_126 : vector<16xi32>
      %mul3A_657 = arith.constant 2 : i32
      %mul3A_658 = vector.broadcast %mul3A_657 : i32 to vector<16xi32>
      %mul3A_659 = arith.muli %mul3A_658, %broadcast_in_dim3A_133 : vector<16xi32>
      %mul3A_660 = arith.constant 3 : i32
      %mul3A_661 = vector.broadcast %mul3A_660 : i32 to vector<16xi32>
      %mul3A_662 = arith.muli %mul3A_661, %broadcast_in_dim3A_133 : vector<16xi32>
      %select_n3A_663 = arith.select %lt3A_656, %mul3A_659, %mul3A_662 : vector<16xi1>, vector<16xi32>
      %select_n3A_664 = arith.select %lt3A_655, %broadcast_in_dim3A_133, %select_n3A_663 : vector<16xi1>, vector<16xi32>
      %select_n3A_665 = arith.select %lt3A_651, %mul3A_654, %select_n3A_664 : vector<16xi1>, vector<16xi32>
      %swap3A_666 = arith.constant 352 : index
      %swap3A_667 = tpu.vector_load %arg19[%swap3A_666] {strides = array<i32>} : memref<656xi32, #tpu.memory_space<vmem>>, vector<16xi32>,
      tpu.vector_store %arg19[%swap3A_666], %select_n3A_665 {strides = array<i32>} : memref<656xi32, #tpu.memory_space<vmem>>, vector<16xi32>,
      %add3A_668 = arith.constant 368 : i32
      %add3A_669 = vector.broadcast %add3A_668 : i32 to vector<16xi32>
      %add3A_670 = arith.addi %iota3A_131, %add3A_669 : vector<16xi32>
      %mul3A_671 = arith.constant 256 : i32
      %mul3A_672 = vector.broadcast %mul3A_671 : i32 to vector<16xi32>
      %mul3A_673 = arith.muli %add3A_670, %mul3A_672 : vector<16xi32>
      %lt3A_674 = arith.cmpi slt, %mul3A_673, %and3A_112 : vector<16xi32>
      %mul3A_675 = arith.constant 0 : i32
      %mul3A_676 = vector.broadcast %mul3A_675 : i32 to vector<16xi32>
      %mul3A_677 = arith.muli %mul3A_676, %broadcast_in_dim3A_133 : vector<16xi32>
      %lt3A_678 = arith.cmpi slt, %mul3A_673, %and3A_119 : vector<16xi32>
      %lt3A_679 = arith.cmpi slt, %mul3A_673, %and3A_126 : vector<16xi32>
      %mul3A_680 = arith.constant 2 : i32
      %mul3A_681 = vector.broadcast %mul3A_680 : i32 to vector<16xi32>
      %mul3A_682 = arith.muli %mul3A_681, %broadcast_in_dim3A_133 : vector<16xi32>
      %mul3A_683 = arith.constant 3 : i32
      %mul3A_684 = vector.broadcast %mul3A_683 : i32 to vector<16xi32>
      %mul3A_685 = arith.muli %mul3A_684, %broadcast_in_dim3A_133 : vector<16xi32>
      %select_n3A_686 = arith.select %lt3A_679, %mul3A_682, %mul3A_685 : vector<16xi1>, vector<16xi32>
      %select_n3A_687 = arith.select %lt3A_678, %broadcast_in_dim3A_133, %select_n3A_686 : vector<16xi1>, vector<16xi32>
      %select_n3A_688 = arith.select %lt3A_674, %mul3A_677, %select_n3A_687 : vector<16xi1>, vector<16xi32>
      %swap3A_689 = arith.constant 368 : index
      %swap3A_690 = tpu.vector_load %arg19[%swap3A_689] {strides = array<i32>} : memref<656xi32, #tpu.memory_space<vmem>>, vector<16xi32>,
      tpu.vector_store %arg19[%swap3A_689], %select_n3A_688 {strides = array<i32>} : memref<656xi32, #tpu.memory_space<vmem>>, vector<16xi32>,
      %add3A_691 = arith.constant 384 : i32
      %add3A_692 = vector.broadcast %add3A_691 : i32 to vector<16xi32>
      %add3A_693 = arith.addi %iota3A_131, %add3A_692 : vector<16xi32>
      %mul3A_694 = arith.constant 256 : i32
      %mul3A_695 = vector.broadcast %mul3A_694 : i32 to vector<16xi32>
      %mul3A_696 = arith.muli %add3A_693, %mul3A_695 : vector<16xi32>
      %lt3A_697 = arith.cmpi slt, %mul3A_696, %and3A_112 : vector<16xi32>
      %mul3A_698 = arith.constant 0 : i32
      %mul3A_699 = vector.broadcast %mul3A_698 : i32 to vector<16xi32>
      %mul3A_700 = arith.muli %mul3A_699, %broadcast_in_dim3A_133 : vector<16xi32>
      %lt3A_701 = arith.cmpi slt, %mul3A_696, %and3A_119 : vector<16xi32>
      %lt3A_702 = arith.cmpi slt, %mul3A_696, %and3A_126 : vector<16xi32>
      %mul3A_703 = arith.constant 2 : i32
      %mul3A_704 = vector.broadcast %mul3A_703 : i32 to vector<16xi32>
      %mul3A_705 = arith.muli %mul3A_704, %broadcast_in_dim3A_133 : vector<16xi32>
      %mul3A_706 = arith.constant 3 : i32
      %mul3A_707 = vector.broadcast %mul3A_706 : i32 to vector<16xi32>
      %mul3A_708 = arith.muli %mul3A_707, %broadcast_in_dim3A_133 : vector<16xi32>
      %select_n3A_709 = arith.select %lt3A_702, %mul3A_705, %mul3A_708 : vector<16xi1>, vector<16xi32>
      %select_n3A_710 = arith.select %lt3A_701, %broadcast_in_dim3A_133, %select_n3A_709 : vector<16xi1>, vector<16xi32>
      %select_n3A_711 = arith.select %lt3A_697, %mul3A_700, %select_n3A_710 : vector<16xi1>, vector<16xi32>
      %swap3A_712 = arith.constant 384 : index
      %swap3A_713 = tpu.vector_load %arg19[%swap3A_712] {strides = array<i32>} : memref<656xi32, #tpu.memory_space<vmem>>, vector<16xi32>,
      tpu.vector_store %arg19[%swap3A_712], %select_n3A_711 {strides = array<i32>} : memref<656xi32, #tpu.memory_space<vmem>>, vector<16xi32>,
      %add3A_714 = arith.constant 400 : i32
      %add3A_715 = vector.broadcast %add3A_714 : i32 to vector<16xi32>
      %add3A_716 = arith.addi %iota3A_131, %add3A_715 : vector<16xi32>
      %mul3A_717 = arith.constant 256 : i32
      %mul3A_718 = vector.broadcast %mul3A_717 : i32 to vector<16xi32>
      %mul3A_719 = arith.muli %add3A_716, %mul3A_718 : vector<16xi32>
      %lt3A_720 = arith.cmpi slt, %mul3A_719, %and3A_112 : vector<16xi32>
      %mul3A_721 = arith.constant 0 : i32
      %mul3A_722 = vector.broadcast %mul3A_721 : i32 to vector<16xi32>
      %mul3A_723 = arith.muli %mul3A_722, %broadcast_in_dim3A_133 : vector<16xi32>
      %lt3A_724 = arith.cmpi slt, %mul3A_719, %and3A_119 : vector<16xi32>
      %lt3A_725 = arith.cmpi slt, %mul3A_719, %and3A_126 : vector<16xi32>
      %mul3A_726 = arith.constant 2 : i32
      %mul3A_727 = vector.broadcast %mul3A_726 : i32 to vector<16xi32>
      %mul3A_728 = arith.muli %mul3A_727, %broadcast_in_dim3A_133 : vector<16xi32>
      %mul3A_729 = arith.constant 3 : i32
      %mul3A_730 = vector.broadcast %mul3A_729 : i32 to vector<16xi32>
      %mul3A_731 = arith.muli %mul3A_730, %broadcast_in_dim3A_133 : vector<16xi32>
      %select_n3A_732 = arith.select %lt3A_725, %mul3A_728, %mul3A_731 : vector<16xi1>, vector<16xi32>
      %select_n3A_733 = arith.select %lt3A_724, %broadcast_in_dim3A_133, %select_n3A_732 : vector<16xi1>, vector<16xi32>
      %select_n3A_734 = arith.select %lt3A_720, %mul3A_723, %select_n3A_733 : vector<16xi1>, vector<16xi32>
      %swap3A_735 = arith.constant 400 : index
      %swap3A_736 = tpu.vector_load %arg19[%swap3A_735] {strides = array<i32>} : memref<656xi32, #tpu.memory_space<vmem>>, vector<16xi32>,
      tpu.vector_store %arg19[%swap3A_735], %select_n3A_734 {strides = array<i32>} : memref<656xi32, #tpu.memory_space<vmem>>, vector<16xi32>,
      %add3A_737 = arith.constant 416 : i32
      %add3A_738 = vector.broadcast %add3A_737 : i32 to vector<16xi32>
      %add3A_739 = arith.addi %iota3A_131, %add3A_738 : vector<16xi32>
      %mul3A_740 = arith.constant 256 : i32
      %mul3A_741 = vector.broadcast %mul3A_740 : i32 to vector<16xi32>
      %mul3A_742 = arith.muli %add3A_739, %mul3A_741 : vector<16xi32>
      %lt3A_743 = arith.cmpi slt, %mul3A_742, %and3A_112 : vector<16xi32>
      %mul3A_744 = arith.constant 0 : i32
      %mul3A_745 = vector.broadcast %mul3A_744 : i32 to vector<16xi32>
      %mul3A_746 = arith.muli %mul3A_745, %broadcast_in_dim3A_133 : vector<16xi32>
      %lt3A_747 = arith.cmpi slt, %mul3A_742, %and3A_119 : vector<16xi32>
      %lt3A_748 = arith.cmpi slt, %mul3A_742, %and3A_126 : vector<16xi32>
      %mul3A_749 = arith.constant 2 : i32
      %mul3A_750 = vector.broadcast %mul3A_749 : i32 to vector<16xi32>
      %mul3A_751 = arith.muli %mul3A_750, %broadcast_in_dim3A_133 : vector<16xi32>
      %mul3A_752 = arith.constant 3 : i32
      %mul3A_753 = vector.broadcast %mul3A_752 : i32 to vector<16xi32>
      %mul3A_754 = arith.muli %mul3A_753, %broadcast_in_dim3A_133 : vector<16xi32>
      %select_n3A_755 = arith.select %lt3A_748, %mul3A_751, %mul3A_754 : vector<16xi1>, vector<16xi32>
      %select_n3A_756 = arith.select %lt3A_747, %broadcast_in_dim3A_133, %select_n3A_755 : vector<16xi1>, vector<16xi32>
      %select_n3A_757 = arith.select %lt3A_743, %mul3A_746, %select_n3A_756 : vector<16xi1>, vector<16xi32>
      %swap3A_758 = arith.constant 416 : index
      %swap3A_759 = tpu.vector_load %arg19[%swap3A_758] {strides = array<i32>} : memref<656xi32, #tpu.memory_space<vmem>>, vector<16xi32>,
      tpu.vector_store %arg19[%swap3A_758], %select_n3A_757 {strides = array<i32>} : memref<656xi32, #tpu.memory_space<vmem>>, vector<16xi32>,
      %add3A_760 = arith.constant 432 : i32
      %add3A_761 = vector.broadcast %add3A_760 : i32 to vector<16xi32>
      %add3A_762 = arith.addi %iota3A_131, %add3A_761 : vector<16xi32>
      %mul3A_763 = arith.constant 256 : i32
      %mul3A_764 = vector.broadcast %mul3A_763 : i32 to vector<16xi32>
      %mul3A_765 = arith.muli %add3A_762, %mul3A_764 : vector<16xi32>
      %lt3A_766 = arith.cmpi slt, %mul3A_765, %and3A_112 : vector<16xi32>
      %mul3A_767 = arith.constant 0 : i32
      %mul3A_768 = vector.broadcast %mul3A_767 : i32 to vector<16xi32>
      %mul3A_769 = arith.muli %mul3A_768, %broadcast_in_dim3A_133 : vector<16xi32>
      %lt3A_770 = arith.cmpi slt, %mul3A_765, %and3A_119 : vector<16xi32>
      %lt3A_771 = arith.cmpi slt, %mul3A_765, %and3A_126 : vector<16xi32>
      %mul3A_772 = arith.constant 2 : i32
      %mul3A_773 = vector.broadcast %mul3A_772 : i32 to vector<16xi32>
      %mul3A_774 = arith.muli %mul3A_773, %broadcast_in_dim3A_133 : vector<16xi32>
      %mul3A_775 = arith.constant 3 : i32
      %mul3A_776 = vector.broadcast %mul3A_775 : i32 to vector<16xi32>
      %mul3A_777 = arith.muli %mul3A_776, %broadcast_in_dim3A_133 : vector<16xi32>
      %select_n3A_778 = arith.select %lt3A_771, %mul3A_774, %mul3A_777 : vector<16xi1>, vector<16xi32>
      %select_n3A_779 = arith.select %lt3A_770, %broadcast_in_dim3A_133, %select_n3A_778 : vector<16xi1>, vector<16xi32>
      %select_n3A_780 = arith.select %lt3A_766, %mul3A_769, %select_n3A_779 : vector<16xi1>, vector<16xi32>
      %swap3A_781 = arith.constant 432 : index
      %swap3A_782 = tpu.vector_load %arg19[%swap3A_781] {strides = array<i32>} : memref<656xi32, #tpu.memory_space<vmem>>, vector<16xi32>,
      tpu.vector_store %arg19[%swap3A_781], %select_n3A_780 {strides = array<i32>} : memref<656xi32, #tpu.memory_space<vmem>>, vector<16xi32>,
      %add3A_783 = arith.constant 448 : i32
      %add3A_784 = vector.broadcast %add3A_783 : i32 to vector<16xi32>
      %add3A_785 = arith.addi %iota3A_131, %add3A_784 : vector<16xi32>
      %mul3A_786 = arith.constant 256 : i32
      %mul3A_787 = vector.broadcast %mul3A_786 : i32 to vector<16xi32>
      %mul3A_788 = arith.muli %add3A_785, %mul3A_787 : vector<16xi32>
      %lt3A_789 = arith.cmpi slt, %mul3A_788, %and3A_112 : vector<16xi32>
      %mul3A_790 = arith.constant 0 : i32
      %mul3A_791 = vector.broadcast %mul3A_790 : i32 to vector<16xi32>
      %mul3A_792 = arith.muli %mul3A_791, %broadcast_in_dim3A_133 : vector<16xi32>
      %lt3A_793 = arith.cmpi slt, %mul3A_788, %and3A_119 : vector<16xi32>
      %lt3A_794 = arith.cmpi slt, %mul3A_788, %and3A_126 : vector<16xi32>
      %mul3A_795 = arith.constant 2 : i32
      %mul3A_796 = vector.broadcast %mul3A_795 : i32 to vector<16xi32>
      %mul3A_797 = arith.muli %mul3A_796, %broadcast_in_dim3A_133 : vector<16xi32>
      %mul3A_798 = arith.constant 3 : i32
      %mul3A_799 = vector.broadcast %mul3A_798 : i32 to vector<16xi32>
      %mul3A_800 = arith.muli %mul3A_799, %broadcast_in_dim3A_133 : vector<16xi32>
      %select_n3A_801 = arith.select %lt3A_794, %mul3A_797, %mul3A_800 : vector<16xi1>, vector<16xi32>
      %select_n3A_802 = arith.select %lt3A_793, %broadcast_in_dim3A_133, %select_n3A_801 : vector<16xi1>, vector<16xi32>
      %select_n3A_803 = arith.select %lt3A_789, %mul3A_792, %select_n3A_802 : vector<16xi1>, vector<16xi32>
      %swap3A_804 = arith.constant 448 : index
      %swap3A_805 = tpu.vector_load %arg19[%swap3A_804] {strides = array<i32>} : memref<656xi32, #tpu.memory_space<vmem>>, vector<16xi32>,
      tpu.vector_store %arg19[%swap3A_804], %select_n3A_803 {strides = array<i32>} : memref<656xi32, #tpu.memory_space<vmem>>, vector<16xi32>,
      %add3A_806 = arith.constant 464 : i32
      %add3A_807 = vector.broadcast %add3A_806 : i32 to vector<16xi32>
      %add3A_808 = arith.addi %iota3A_131, %add3A_807 : vector<16xi32>
      %mul3A_809 = arith.constant 256 : i32
      %mul3A_810 = vector.broadcast %mul3A_809 : i32 to vector<16xi32>
      %mul3A_811 = arith.muli %add3A_808, %mul3A_810 : vector<16xi32>
      %lt3A_812 = arith.cmpi slt, %mul3A_811, %and3A_112 : vector<16xi32>
      %mul3A_813 = arith.constant 0 : i32
      %mul3A_814 = vector.broadcast %mul3A_813 : i32 to vector<16xi32>
      %mul3A_815 = arith.muli %mul3A_814, %broadcast_in_dim3A_133 : vector<16xi32>
      %lt3A_816 = arith.cmpi slt, %mul3A_811, %and3A_119 : vector<16xi32>
      %lt3A_817 = arith.cmpi slt, %mul3A_811, %and3A_126 : vector<16xi32>
      %mul3A_818 = arith.constant 2 : i32
      %mul3A_819 = vector.broadcast %mul3A_818 : i32 to vector<16xi32>
      %mul3A_820 = arith.muli %mul3A_819, %broadcast_in_dim3A_133 : vector<16xi32>
      %mul3A_821 = arith.constant 3 : i32
      %mul3A_822 = vector.broadcast %mul3A_821 : i32 to vector<16xi32>
      %mul3A_823 = arith.muli %mul3A_822, %broadcast_in_dim3A_133 : vector<16xi32>
      %select_n3A_824 = arith.select %lt3A_817, %mul3A_820, %mul3A_823 : vector<16xi1>, vector<16xi32>
      %select_n3A_825 = arith.select %lt3A_816, %broadcast_in_dim3A_133, %select_n3A_824 : vector<16xi1>, vector<16xi32>
      %select_n3A_826 = arith.select %lt3A_812, %mul3A_815, %select_n3A_825 : vector<16xi1>, vector<16xi32>
      %swap3A_827 = arith.constant 464 : index
      %swap3A_828 = tpu.vector_load %arg19[%swap3A_827] {strides = array<i32>} : memref<656xi32, #tpu.memory_space<vmem>>, vector<16xi32>,
      tpu.vector_store %arg19[%swap3A_827], %select_n3A_826 {strides = array<i32>} : memref<656xi32, #tpu.memory_space<vmem>>, vector<16xi32>,
      %add3A_829 = arith.constant 480 : i32
      %add3A_830 = vector.broadcast %add3A_829 : i32 to vector<16xi32>
      %add3A_831 = arith.addi %iota3A_131, %add3A_830 : vector<16xi32>
      %mul3A_832 = arith.constant 256 : i32
      %mul3A_833 = vector.broadcast %mul3A_832 : i32 to vector<16xi32>
      %mul3A_834 = arith.muli %add3A_831, %mul3A_833 : vector<16xi32>
      %lt3A_835 = arith.cmpi slt, %mul3A_834, %and3A_112 : vector<16xi32>
      %mul3A_836 = arith.constant 0 : i32
      %mul3A_837 = vector.broadcast %mul3A_836 : i32 to vector<16xi32>
      %mul3A_838 = arith.muli %mul3A_837, %broadcast_in_dim3A_133 : vector<16xi32>
      %lt3A_839 = arith.cmpi slt, %mul3A_834, %and3A_119 : vector<16xi32>
      %lt3A_840 = arith.cmpi slt, %mul3A_834, %and3A_126 : vector<16xi32>
      %mul3A_841 = arith.constant 2 : i32
      %mul3A_842 = vector.broadcast %mul3A_841 : i32 to vector<16xi32>
      %mul3A_843 = arith.muli %mul3A_842, %broadcast_in_dim3A_133 : vector<16xi32>
      %mul3A_844 = arith.constant 3 : i32
      %mul3A_845 = vector.broadcast %mul3A_844 : i32 to vector<16xi32>
      %mul3A_846 = arith.muli %mul3A_845, %broadcast_in_dim3A_133 : vector<16xi32>
      %select_n3A_847 = arith.select %lt3A_840, %mul3A_843, %mul3A_846 : vector<16xi1>, vector<16xi32>
      %select_n3A_848 = arith.select %lt3A_839, %broadcast_in_dim3A_133, %select_n3A_847 : vector<16xi1>, vector<16xi32>
      %select_n3A_849 = arith.select %lt3A_835, %mul3A_838, %select_n3A_848 : vector<16xi1>, vector<16xi32>
      %swap3A_850 = arith.constant 480 : index
      %swap3A_851 = tpu.vector_load %arg19[%swap3A_850] {strides = array<i32>} : memref<656xi32, #tpu.memory_space<vmem>>, vector<16xi32>,
      tpu.vector_store %arg19[%swap3A_850], %select_n3A_849 {strides = array<i32>} : memref<656xi32, #tpu.memory_space<vmem>>, vector<16xi32>,
      %add3A_852 = arith.constant 496 : i32
      %add3A_853 = vector.broadcast %add3A_852 : i32 to vector<16xi32>
      %add3A_854 = arith.addi %iota3A_131, %add3A_853 : vector<16xi32>
      %mul3A_855 = arith.constant 256 : i32
      %mul3A_856 = vector.broadcast %mul3A_855 : i32 to vector<16xi32>
      %mul3A_857 = arith.muli %add3A_854, %mul3A_856 : vector<16xi32>
      %lt3A_858 = arith.cmpi slt, %mul3A_857, %and3A_112 : vector<16xi32>
      %mul3A_859 = arith.constant 0 : i32
      %mul3A_860 = vector.broadcast %mul3A_859 : i32 to vector<16xi32>
      %mul3A_861 = arith.muli %mul3A_860, %broadcast_in_dim3A_133 : vector<16xi32>
      %lt3A_862 = arith.cmpi slt, %mul3A_857, %and3A_119 : vector<16xi32>
      %lt3A_863 = arith.cmpi slt, %mul3A_857, %and3A_126 : vector<16xi32>
      %mul3A_864 = arith.constant 2 : i32
      %mul3A_865 = vector.broadcast %mul3A_864 : i32 to vector<16xi32>
      %mul3A_866 = arith.muli %mul3A_865, %broadcast_in_dim3A_133 : vector<16xi32>
      %mul3A_867 = arith.constant 3 : i32
      %mul3A_868 = vector.broadcast %mul3A_867 : i32 to vector<16xi32>
      %mul3A_869 = arith.muli %mul3A_868, %broadcast_in_dim3A_133 : vector<16xi32>
      %select_n3A_870 = arith.select %lt3A_863, %mul3A_866, %mul3A_869 : vector<16xi1>, vector<16xi32>
      %select_n3A_871 = arith.select %lt3A_862, %broadcast_in_dim3A_133, %select_n3A_870 : vector<16xi1>, vector<16xi32>
      %select_n3A_872 = arith.select %lt3A_858, %mul3A_861, %select_n3A_871 : vector<16xi1>, vector<16xi32>
      %swap3A_873 = arith.constant 496 : index
      %swap3A_874 = tpu.vector_load %arg19[%swap3A_873] {strides = array<i32>} : memref<656xi32, #tpu.memory_space<vmem>>, vector<16xi32>,
      tpu.vector_store %arg19[%swap3A_873], %select_n3A_872 {strides = array<i32>} : memref<656xi32, #tpu.memory_space<vmem>>, vector<16xi32>,
      %add3A_875 = arith.constant 512 : i32
      %add3A_876 = vector.broadcast %add3A_875 : i32 to vector<16xi32>
      %add3A_877 = arith.addi %iota3A_131, %add3A_876 : vector<16xi32>
      %mul3A_878 = arith.constant 256 : i32
      %mul3A_879 = vector.broadcast %mul3A_878 : i32 to vector<16xi32>
      %mul3A_880 = arith.muli %add3A_877, %mul3A_879 : vector<16xi32>
      %lt3A_881 = arith.cmpi slt, %mul3A_880, %and3A_112 : vector<16xi32>
      %mul3A_882 = arith.constant 0 : i32
      %mul3A_883 = vector.broadcast %mul3A_882 : i32 to vector<16xi32>
      %mul3A_884 = arith.muli %mul3A_883, %broadcast_in_dim3A_133 : vector<16xi32>
      %lt3A_885 = arith.cmpi slt, %mul3A_880, %and3A_119 : vector<16xi32>
      %lt3A_886 = arith.cmpi slt, %mul3A_880, %and3A_126 : vector<16xi32>
      %mul3A_887 = arith.constant 2 : i32
      %mul3A_888 = vector.broadcast %mul3A_887 : i32 to vector<16xi32>
      %mul3A_889 = arith.muli %mul3A_888, %broadcast_in_dim3A_133 : vector<16xi32>
      %mul3A_890 = arith.constant 3 : i32
      %mul3A_891 = vector.broadcast %mul3A_890 : i32 to vector<16xi32>
      %mul3A_892 = arith.muli %mul3A_891, %broadcast_in_dim3A_133 : vector<16xi32>
      %select_n3A_893 = arith.select %lt3A_886, %mul3A_889, %mul3A_892 : vector<16xi1>, vector<16xi32>
      %select_n3A_894 = arith.select %lt3A_885, %broadcast_in_dim3A_133, %select_n3A_893 : vector<16xi1>, vector<16xi32>
      %select_n3A_895 = arith.select %lt3A_881, %mul3A_884, %select_n3A_894 : vector<16xi1>, vector<16xi32>
      %swap3A_896 = arith.constant 512 : index
      %swap3A_897 = tpu.vector_load %arg19[%swap3A_896] {strides = array<i32>} : memref<656xi32, #tpu.memory_space<vmem>>, vector<16xi32>,
      tpu.vector_store %arg19[%swap3A_896], %select_n3A_895 {strides = array<i32>} : memref<656xi32, #tpu.memory_space<vmem>>, vector<16xi32>,
      %add3A_898 = arith.constant 528 : i32
      %add3A_899 = vector.broadcast %add3A_898 : i32 to vector<16xi32>
      %add3A_900 = arith.addi %iota3A_131, %add3A_899 : vector<16xi32>
      %mul3A_901 = arith.constant 256 : i32
      %mul3A_902 = vector.broadcast %mul3A_901 : i32 to vector<16xi32>
      %mul3A_903 = arith.muli %add3A_900, %mul3A_902 : vector<16xi32>
      %lt3A_904 = arith.cmpi slt, %mul3A_903, %and3A_112 : vector<16xi32>
      %mul3A_905 = arith.constant 0 : i32
      %mul3A_906 = vector.broadcast %mul3A_905 : i32 to vector<16xi32>
      %mul3A_907 = arith.muli %mul3A_906, %broadcast_in_dim3A_133 : vector<16xi32>
      %lt3A_908 = arith.cmpi slt, %mul3A_903, %and3A_119 : vector<16xi32>
      %lt3A_909 = arith.cmpi slt, %mul3A_903, %and3A_126 : vector<16xi32>
      %mul3A_910 = arith.constant 2 : i32
      %mul3A_911 = vector.broadcast %mul3A_910 : i32 to vector<16xi32>
      %mul3A_912 = arith.muli %mul3A_911, %broadcast_in_dim3A_133 : vector<16xi32>
      %mul3A_913 = arith.constant 3 : i32
      %mul3A_914 = vector.broadcast %mul3A_913 : i32 to vector<16xi32>
      %mul3A_915 = arith.muli %mul3A_914, %broadcast_in_dim3A_133 : vector<16xi32>
      %select_n3A_916 = arith.select %lt3A_909, %mul3A_912, %mul3A_915 : vector<16xi1>, vector<16xi32>
      %select_n3A_917 = arith.select %lt3A_908, %broadcast_in_dim3A_133, %select_n3A_916 : vector<16xi1>, vector<16xi32>
      %select_n3A_918 = arith.select %lt3A_904, %mul3A_907, %select_n3A_917 : vector<16xi1>, vector<16xi32>
      %swap3A_919 = arith.constant 528 : index
      %swap3A_920 = tpu.vector_load %arg19[%swap3A_919] {strides = array<i32>} : memref<656xi32, #tpu.memory_space<vmem>>, vector<16xi32>,
      tpu.vector_store %arg19[%swap3A_919], %select_n3A_918 {strides = array<i32>} : memref<656xi32, #tpu.memory_space<vmem>>, vector<16xi32>,
      %add3A_921 = arith.constant 544 : i32
      %add3A_922 = vector.broadcast %add3A_921 : i32 to vector<16xi32>
      %add3A_923 = arith.addi %iota3A_131, %add3A_922 : vector<16xi32>
      %mul3A_924 = arith.constant 256 : i32
      %mul3A_925 = vector.broadcast %mul3A_924 : i32 to vector<16xi32>
      %mul3A_926 = arith.muli %add3A_923, %mul3A_925 : vector<16xi32>
      %lt3A_927 = arith.cmpi slt, %mul3A_926, %and3A_112 : vector<16xi32>
      %mul3A_928 = arith.constant 0 : i32
      %mul3A_929 = vector.broadcast %mul3A_928 : i32 to vector<16xi32>
      %mul3A_930 = arith.muli %mul3A_929, %broadcast_in_dim3A_133 : vector<16xi32>
      %lt3A_931 = arith.cmpi slt, %mul3A_926, %and3A_119 : vector<16xi32>
      %lt3A_932 = arith.cmpi slt, %mul3A_926, %and3A_126 : vector<16xi32>
      %mul3A_933 = arith.constant 2 : i32
      %mul3A_934 = vector.broadcast %mul3A_933 : i32 to vector<16xi32>
      %mul3A_935 = arith.muli %mul3A_934, %broadcast_in_dim3A_133 : vector<16xi32>
      %mul3A_936 = arith.constant 3 : i32
      %mul3A_937 = vector.broadcast %mul3A_936 : i32 to vector<16xi32>
      %mul3A_938 = arith.muli %mul3A_937, %broadcast_in_dim3A_133 : vector<16xi32>
      %select_n3A_939 = arith.select %lt3A_932, %mul3A_935, %mul3A_938 : vector<16xi1>, vector<16xi32>
      %select_n3A_940 = arith.select %lt3A_931, %broadcast_in_dim3A_133, %select_n3A_939 : vector<16xi1>, vector<16xi32>
      %select_n3A_941 = arith.select %lt3A_927, %mul3A_930, %select_n3A_940 : vector<16xi1>, vector<16xi32>
      %swap3A_942 = arith.constant 544 : index
      %swap3A_943 = tpu.vector_load %arg19[%swap3A_942] {strides = array<i32>} : memref<656xi32, #tpu.memory_space<vmem>>, vector<16xi32>,
      tpu.vector_store %arg19[%swap3A_942], %select_n3A_941 {strides = array<i32>} : memref<656xi32, #tpu.memory_space<vmem>>, vector<16xi32>,
      %add3A_944 = arith.constant 560 : i32
      %add3A_945 = vector.broadcast %add3A_944 : i32 to vector<16xi32>
      %add3A_946 = arith.addi %iota3A_131, %add3A_945 : vector<16xi32>
      %mul3A_947 = arith.constant 256 : i32
      %mul3A_948 = vector.broadcast %mul3A_947 : i32 to vector<16xi32>
      %mul3A_949 = arith.muli %add3A_946, %mul3A_948 : vector<16xi32>
      %lt3A_950 = arith.cmpi slt, %mul3A_949, %and3A_112 : vector<16xi32>
      %mul3A_951 = arith.constant 0 : i32
      %mul3A_952 = vector.broadcast %mul3A_951 : i32 to vector<16xi32>
      %mul3A_953 = arith.muli %mul3A_952, %broadcast_in_dim3A_133 : vector<16xi32>
      %lt3A_954 = arith.cmpi slt, %mul3A_949, %and3A_119 : vector<16xi32>
      %lt3A_955 = arith.cmpi slt, %mul3A_949, %and3A_126 : vector<16xi32>
      %mul3A_956 = arith.constant 2 : i32
      %mul3A_957 = vector.broadcast %mul3A_956 : i32 to vector<16xi32>
      %mul3A_958 = arith.muli %mul3A_957, %broadcast_in_dim3A_133 : vector<16xi32>
      %mul3A_959 = arith.constant 3 : i32
      %mul3A_960 = vector.broadcast %mul3A_959 : i32 to vector<16xi32>
      %mul3A_961 = arith.muli %mul3A_960, %broadcast_in_dim3A_133 : vector<16xi32>
      %select_n3A_962 = arith.select %lt3A_955, %mul3A_958, %mul3A_961 : vector<16xi1>, vector<16xi32>
      %select_n3A_963 = arith.select %lt3A_954, %broadcast_in_dim3A_133, %select_n3A_962 : vector<16xi1>, vector<16xi32>
      %select_n3A_964 = arith.select %lt3A_950, %mul3A_953, %select_n3A_963 : vector<16xi1>, vector<16xi32>
      %swap3A_965 = arith.constant 560 : index
      %swap3A_966 = tpu.vector_load %arg19[%swap3A_965] {strides = array<i32>} : memref<656xi32, #tpu.memory_space<vmem>>, vector<16xi32>,
      tpu.vector_store %arg19[%swap3A_965], %select_n3A_964 {strides = array<i32>} : memref<656xi32, #tpu.memory_space<vmem>>, vector<16xi32>,
      %add3A_967 = arith.constant 576 : i32
      %add3A_968 = vector.broadcast %add3A_967 : i32 to vector<16xi32>
      %add3A_969 = arith.addi %iota3A_131, %add3A_968 : vector<16xi32>
      %mul3A_970 = arith.constant 256 : i32
      %mul3A_971 = vector.broadcast %mul3A_970 : i32 to vector<16xi32>
      %mul3A_972 = arith.muli %add3A_969, %mul3A_971 : vector<16xi32>
      %lt3A_973 = arith.cmpi slt, %mul3A_972, %and3A_112 : vector<16xi32>
      %mul3A_974 = arith.constant 0 : i32
      %mul3A_975 = vector.broadcast %mul3A_974 : i32 to vector<16xi32>
      %mul3A_976 = arith.muli %mul3A_975, %broadcast_in_dim3A_133 : vector<16xi32>
      %lt3A_977 = arith.cmpi slt, %mul3A_972, %and3A_119 : vector<16xi32>
      %lt3A_978 = arith.cmpi slt, %mul3A_972, %and3A_126 : vector<16xi32>
      %mul3A_979 = arith.constant 2 : i32
      %mul3A_980 = vector.broadcast %mul3A_979 : i32 to vector<16xi32>
      %mul3A_981 = arith.muli %mul3A_980, %broadcast_in_dim3A_133 : vector<16xi32>
      %mul3A_982 = arith.constant 3 : i32
      %mul3A_983 = vector.broadcast %mul3A_982 : i32 to vector<16xi32>
      %mul3A_984 = arith.muli %mul3A_983, %broadcast_in_dim3A_133 : vector<16xi32>
      %select_n3A_985 = arith.select %lt3A_978, %mul3A_981, %mul3A_984 : vector<16xi1>, vector<16xi32>
      %select_n3A_986 = arith.select %lt3A_977, %broadcast_in_dim3A_133, %select_n3A_985 : vector<16xi1>, vector<16xi32>
      %select_n3A_987 = arith.select %lt3A_973, %mul3A_976, %select_n3A_986 : vector<16xi1>, vector<16xi32>
      %swap3A_988 = arith.constant 576 : index
      %swap3A_989 = tpu.vector_load %arg19[%swap3A_988] {strides = array<i32>} : memref<656xi32, #tpu.memory_space<vmem>>, vector<16xi32>,
      tpu.vector_store %arg19[%swap3A_988], %select_n3A_987 {strides = array<i32>} : memref<656xi32, #tpu.memory_space<vmem>>, vector<16xi32>,
      %add3A_990 = arith.constant 592 : i32
      %add3A_991 = vector.broadcast %add3A_990 : i32 to vector<16xi32>
      %add3A_992 = arith.addi %iota3A_131, %add3A_991 : vector<16xi32>
      %mul3A_993 = arith.constant 256 : i32
      %mul3A_994 = vector.broadcast %mul3A_993 : i32 to vector<16xi32>
      %mul3A_995 = arith.muli %add3A_992, %mul3A_994 : vector<16xi32>
      %lt3A_996 = arith.cmpi slt, %mul3A_995, %and3A_112 : vector<16xi32>
      %mul3A_997 = arith.constant 0 : i32
      %mul3A_998 = vector.broadcast %mul3A_997 : i32 to vector<16xi32>
      %mul3A_999 = arith.muli %mul3A_998, %broadcast_in_dim3A_133 : vector<16xi32>
      %lt3A_1000 = arith.cmpi slt, %mul3A_995, %and3A_119 : vector<16xi32>
      %lt3A_1001 = arith.cmpi slt, %mul3A_995, %and3A_126 : vector<16xi32>
      %mul3A_1002 = arith.constant 2 : i32
      %mul3A_1003 = vector.broadcast %mul3A_1002 : i32 to vector<16xi32>
      %mul3A_1004 = arith.muli %mul3A_1003, %broadcast_in_dim3A_133 : vector<16xi32>
      %mul3A_1005 = arith.constant 3 : i32
      %mul3A_1006 = vector.broadcast %mul3A_1005 : i32 to vector<16xi32>
      %mul3A_1007 = arith.muli %mul3A_1006, %broadcast_in_dim3A_133 : vector<16xi32>
      %select_n3A_1008 = arith.select %lt3A_1001, %mul3A_1004, %mul3A_1007 : vector<16xi1>, vector<16xi32>
      %select_n3A_1009 = arith.select %lt3A_1000, %broadcast_in_dim3A_133, %select_n3A_1008 : vector<16xi1>, vector<16xi32>
      %select_n3A_1010 = arith.select %lt3A_996, %mul3A_999, %select_n3A_1009 : vector<16xi1>, vector<16xi32>
      %swap3A_1011 = arith.constant 592 : index
      %swap3A_1012 = tpu.vector_load %arg19[%swap3A_1011] {strides = array<i32>} : memref<656xi32, #tpu.memory_space<vmem>>, vector<16xi32>,
      tpu.vector_store %arg19[%swap3A_1011], %select_n3A_1010 {strides = array<i32>} : memref<656xi32, #tpu.memory_space<vmem>>, vector<16xi32>,
      %add3A_1013 = arith.constant 608 : i32
      %add3A_1014 = vector.broadcast %add3A_1013 : i32 to vector<16xi32>
      %add3A_1015 = arith.addi %iota3A_131, %add3A_1014 : vector<16xi32>
      %mul3A_1016 = arith.constant 256 : i32
      %mul3A_1017 = vector.broadcast %mul3A_1016 : i32 to vector<16xi32>
      %mul3A_1018 = arith.muli %add3A_1015, %mul3A_1017 : vector<16xi32>
      %lt3A_1019 = arith.cmpi slt, %mul3A_1018, %and3A_112 : vector<16xi32>
      %mul3A_1020 = arith.constant 0 : i32
      %mul3A_1021 = vector.broadcast %mul3A_1020 : i32 to vector<16xi32>
      %mul3A_1022 = arith.muli %mul3A_1021, %broadcast_in_dim3A_133 : vector<16xi32>
      %lt3A_1023 = arith.cmpi slt, %mul3A_1018, %and3A_119 : vector<16xi32>
      %lt3A_1024 = arith.cmpi slt, %mul3A_1018, %and3A_126 : vector<16xi32>
      %mul3A_1025 = arith.constant 2 : i32
      %mul3A_1026 = vector.broadcast %mul3A_1025 : i32 to vector<16xi32>
      %mul3A_1027 = arith.muli %mul3A_1026, %broadcast_in_dim3A_133 : vector<16xi32>
      %mul3A_1028 = arith.constant 3 : i32
      %mul3A_1029 = vector.broadcast %mul3A_1028 : i32 to vector<16xi32>
      %mul3A_1030 = arith.muli %mul3A_1029, %broadcast_in_dim3A_133 : vector<16xi32>
      %select_n3A_1031 = arith.select %lt3A_1024, %mul3A_1027, %mul3A_1030 : vector<16xi1>, vector<16xi32>
      %select_n3A_1032 = arith.select %lt3A_1023, %broadcast_in_dim3A_133, %select_n3A_1031 : vector<16xi1>, vector<16xi32>
      %select_n3A_1033 = arith.select %lt3A_1019, %mul3A_1022, %select_n3A_1032 : vector<16xi1>, vector<16xi32>
      %swap3A_1034 = arith.constant 608 : index
      %swap3A_1035 = tpu.vector_load %arg19[%swap3A_1034] {strides = array<i32>} : memref<656xi32, #tpu.memory_space<vmem>>, vector<16xi32>,
      tpu.vector_store %arg19[%swap3A_1034], %select_n3A_1033 {strides = array<i32>} : memref<656xi32, #tpu.memory_space<vmem>>, vector<16xi32>,
      %add3A_1036 = arith.constant 624 : i32
      %add3A_1037 = vector.broadcast %add3A_1036 : i32 to vector<16xi32>
      %add3A_1038 = arith.addi %iota3A_131, %add3A_1037 : vector<16xi32>
      %mul3A_1039 = arith.constant 256 : i32
      %mul3A_1040 = vector.broadcast %mul3A_1039 : i32 to vector<16xi32>
      %mul3A_1041 = arith.muli %add3A_1038, %mul3A_1040 : vector<16xi32>
      %lt3A_1042 = arith.cmpi slt, %mul3A_1041, %and3A_112 : vector<16xi32>
      %mul3A_1043 = arith.constant 0 : i32
      %mul3A_1044 = vector.broadcast %mul3A_1043 : i32 to vector<16xi32>
      %mul3A_1045 = arith.muli %mul3A_1044, %broadcast_in_dim3A_133 : vector<16xi32>
      %lt3A_1046 = arith.cmpi slt, %mul3A_1041, %and3A_119 : vector<16xi32>
      %lt3A_1047 = arith.cmpi slt, %mul3A_1041, %and3A_126 : vector<16xi32>
      %mul3A_1048 = arith.constant 2 : i32
      %mul3A_1049 = vector.broadcast %mul3A_1048 : i32 to vector<16xi32>
      %mul3A_1050 = arith.muli %mul3A_1049, %broadcast_in_dim3A_133 : vector<16xi32>
      %mul3A_1051 = arith.constant 3 : i32
      %mul3A_1052 = vector.broadcast %mul3A_1051 : i32 to vector<16xi32>
      %mul3A_1053 = arith.muli %mul3A_1052, %broadcast_in_dim3A_133 : vector<16xi32>
      %select_n3A_1054 = arith.select %lt3A_1047, %mul3A_1050, %mul3A_1053 : vector<16xi1>, vector<16xi32>
      %select_n3A_1055 = arith.select %lt3A_1046, %broadcast_in_dim3A_133, %select_n3A_1054 : vector<16xi1>, vector<16xi32>
      %select_n3A_1056 = arith.select %lt3A_1042, %mul3A_1045, %select_n3A_1055 : vector<16xi1>, vector<16xi32>
      %swap3A_1057 = arith.constant 624 : index
      %swap3A_1058 = tpu.vector_load %arg19[%swap3A_1057] {strides = array<i32>} : memref<656xi32, #tpu.memory_space<vmem>>, vector<16xi32>,
      tpu.vector_store %arg19[%swap3A_1057], %select_n3A_1056 {strides = array<i32>} : memref<656xi32, #tpu.memory_space<vmem>>, vector<16xi32>,
      %add3A_1059 = arith.constant 640 : i32
      %add3A_1060 = vector.broadcast %add3A_1059 : i32 to vector<16xi32>
      %add3A_1061 = arith.addi %iota3A_131, %add3A_1060 : vector<16xi32>
      %mul3A_1062 = arith.constant 256 : i32
      %mul3A_1063 = vector.broadcast %mul3A_1062 : i32 to vector<16xi32>
      %mul3A_1064 = arith.muli %add3A_1061, %mul3A_1063 : vector<16xi32>
      %lt3A_1065 = arith.cmpi slt, %mul3A_1064, %and3A_112 : vector<16xi32>
      %mul3A_1066 = arith.constant 0 : i32
      %mul3A_1067 = vector.broadcast %mul3A_1066 : i32 to vector<16xi32>
      %mul3A_1068 = arith.muli %mul3A_1067, %broadcast_in_dim3A_133 : vector<16xi32>
      %lt3A_1069 = arith.cmpi slt, %mul3A_1064, %and3A_119 : vector<16xi32>
      %lt3A_1070 = arith.cmpi slt, %mul3A_1064, %and3A_126 : vector<16xi32>
      %mul3A_1071 = arith.constant 2 : i32
      %mul3A_1072 = vector.broadcast %mul3A_1071 : i32 to vector<16xi32>
      %mul3A_1073 = arith.muli %mul3A_1072, %broadcast_in_dim3A_133 : vector<16xi32>
      %mul3A_1074 = arith.constant 3 : i32
      %mul3A_1075 = vector.broadcast %mul3A_1074 : i32 to vector<16xi32>
      %mul3A_1076 = arith.muli %mul3A_1075, %broadcast_in_dim3A_133 : vector<16xi32>
      %select_n3A_1077 = arith.select %lt3A_1070, %mul3A_1073, %mul3A_1076 : vector<16xi1>, vector<16xi32>
      %select_n3A_1078 = arith.select %lt3A_1069, %broadcast_in_dim3A_133, %select_n3A_1077 : vector<16xi1>, vector<16xi32>
      %select_n3A_1079 = arith.select %lt3A_1065, %mul3A_1068, %select_n3A_1078 : vector<16xi1>, vector<16xi32>
      %swap3A_1080 = arith.constant 640 : index
      %swap3A_1081 = tpu.vector_load %arg19[%swap3A_1080] {strides = array<i32>} : memref<656xi32, #tpu.memory_space<vmem>>, vector<16xi32>,
      tpu.vector_store %arg19[%swap3A_1080], %select_n3A_1079 {strides = array<i32>} : memref<656xi32, #tpu.memory_space<vmem>>, vector<16xi32>,
      "tpu.region"() ({
        %run_scoped3A = tpu.sem_alloc : memref<!tpu.dma_semaphore, #tpu.memory_space<semaphore_mem>>
        tpu.enqueue_dma source(%arg19 : memref<656xi32, #tpu.memory_space<vmem>>) target(%arg10 : memref<656xi32, #tpu.memory_space<hbm>>) target_semaphore(%run_scoped3A : memref<!tpu.dma_semaphore, #tpu.memory_space<semaphore_mem>>)
        tpu.wait_dma2 semaphore(%run_scoped3A : memref<!tpu.dma_semaphore, #tpu.memory_space<semaphore_mem>>) src(%arg19 : memref<656xi32, #tpu.memory_space<vmem>>) dst(%arg10 : memref<656xi32, #tpu.memory_space<hbm>>)
        tpu.yield
      }) : () -> ()
    } else {
    }
    %scan3A = arith.constant 0 : i32
    %scan3A_136 = arith.constant 5 : i32
    %scan3A_137 = arith.addi %scan3A, %scan3A_136 : i32
    %scan3A_138 = arith.constant 1 : i32
    %scan3A_139:4 = scf.for %scan3A_141 = %scan3A to %scan3A_137 step %scan3A_138 iter_args(%scan3A_142 = %add3A_127, %scan3A_143 = %add3A_128, %scan3A_144 = %add3A_129, %scan3A_145 = %add3A_130) -> (vector<16xi32>, vector<16xi32>, vector<16xi32>, vector<16xi32>)  : i32 {
      %mul3A_146 = arith.constant 5120 : i32
      %mul3A_147 = arith.muli %add3A, %mul3A_146 : i32
      %mul3A_148 = arith.constant 1024 : i32
      %mul3A_149 = arith.muli %scan3A_141, %mul3A_148 : i32
      %add3A_150 = arith.addi %mul3A_147, %mul3A_149 : i32
      "tpu.region"() ({
        %run_scoped3A = tpu.sem_alloc : memref<!tpu.dma_semaphore, #tpu.memory_space<semaphore_mem>>
        %dma_start3A_810 = tpu.memref_slice %arg3[%add3A_150] : memref<163840xi32, #tpu.memory_space<hbm>> -> memref<1024xi32, #tpu.memory_space<hbm>>
        %dma_start3A_811 = tpu.memref_slice %arg3[%add3A_150] : memref<163840xi32, #tpu.memory_space<hbm>> -> memref<1024xi32, #tpu.memory_space<hbm>>
        tpu.enqueue_dma source(%dma_start3A_811 : memref<1024xi32, #tpu.memory_space<hbm>>) target(%arg13 : memref<1024xi32, #tpu.memory_space<vmem>>) target_semaphore(%run_scoped3A : memref<!tpu.dma_semaphore, #tpu.memory_space<semaphore_mem>>)
        %dma_wait3A_812 = tpu.memref_slice %arg3[%add3A_150] : memref<163840xi32, #tpu.memory_space<hbm>> -> memref<1024xi32, #tpu.memory_space<hbm>>
        %dma_wait3A_813 = tpu.memref_slice %arg3[%add3A_150] : memref<163840xi32, #tpu.memory_space<hbm>> -> memref<1024xi32, #tpu.memory_space<hbm>>
        tpu.wait_dma2 semaphore(%run_scoped3A : memref<!tpu.dma_semaphore, #tpu.memory_space<semaphore_mem>>) src(%dma_wait3A_813 : memref<1024xi32, #tpu.memory_space<hbm>>) dst(%arg13 : memref<1024xi32, #tpu.memory_space<vmem>>)
        tpu.yield
      }) : () -> ()
      "tpu.region"() ({
        %run_scoped3A = tpu.sem_alloc : memref<!tpu.dma_semaphore, #tpu.memory_space<semaphore_mem>>
        %dma_start3A_810 = tpu.memref_slice %arg4[%add3A_150] : memref<163840xi32, #tpu.memory_space<hbm>> -> memref<1024xi32, #tpu.memory_space<hbm>>
        %dma_start3A_811 = tpu.memref_slice %arg4[%add3A_150] : memref<163840xi32, #tpu.memory_space<hbm>> -> memref<1024xi32, #tpu.memory_space<hbm>>
        tpu.enqueue_dma source(%dma_start3A_811 : memref<1024xi32, #tpu.memory_space<hbm>>) target(%arg14 : memref<1024xi32, #tpu.memory_space<vmem>>) target_semaphore(%run_scoped3A : memref<!tpu.dma_semaphore, #tpu.memory_space<semaphore_mem>>)
        %dma_wait3A_812 = tpu.memref_slice %arg4[%add3A_150] : memref<163840xi32, #tpu.memory_space<hbm>> -> memref<1024xi32, #tpu.memory_space<hbm>>
        %dma_wait3A_813 = tpu.memref_slice %arg4[%add3A_150] : memref<163840xi32, #tpu.memory_space<hbm>> -> memref<1024xi32, #tpu.memory_space<hbm>>
        tpu.wait_dma2 semaphore(%run_scoped3A : memref<!tpu.dma_semaphore, #tpu.memory_space<semaphore_mem>>) src(%dma_wait3A_813 : memref<1024xi32, #tpu.memory_space<hbm>>) dst(%arg14 : memref<1024xi32, #tpu.memory_space<vmem>>)
        tpu.yield
      }) : () -> ()
      "tpu.region"() ({
        %run_scoped3A = tpu.sem_alloc : memref<!tpu.dma_semaphore, #tpu.memory_space<semaphore_mem>>
        %dma_start3A_810 = tpu.memref_slice %arg5[%add3A_150] : memref<163840xi32, #tpu.memory_space<hbm>> -> memref<1024xi32, #tpu.memory_space<hbm>>
        %dma_start3A_811 = tpu.memref_slice %arg5[%add3A_150] : memref<163840xi32, #tpu.memory_space<hbm>> -> memref<1024xi32, #tpu.memory_space<hbm>>
        tpu.enqueue_dma source(%dma_start3A_811 : memref<1024xi32, #tpu.memory_space<hbm>>) target(%arg15 : memref<1024xi32, #tpu.memory_space<vmem>>) target_semaphore(%run_scoped3A : memref<!tpu.dma_semaphore, #tpu.memory_space<semaphore_mem>>)
        %dma_wait3A_812 = tpu.memref_slice %arg5[%add3A_150] : memref<163840xi32, #tpu.memory_space<hbm>> -> memref<1024xi32, #tpu.memory_space<hbm>>
        %dma_wait3A_813 = tpu.memref_slice %arg5[%add3A_150] : memref<163840xi32, #tpu.memory_space<hbm>> -> memref<1024xi32, #tpu.memory_space<hbm>>
        tpu.wait_dma2 semaphore(%run_scoped3A : memref<!tpu.dma_semaphore, #tpu.memory_space<semaphore_mem>>) src(%dma_wait3A_813 : memref<1024xi32, #tpu.memory_space<hbm>>) dst(%arg15 : memref<1024xi32, #tpu.memory_space<vmem>>)
        tpu.yield
      }) : () -> ()
      %scan3A_151 = arith.constant 0 : i32
      %scan3A_152 = arith.constant 8 : i32
      %scan3A_153 = arith.addi %scan3A_151, %scan3A_152 : i32
      %scan3A_154 = arith.constant 1 : i32
      %scan3A_155:4 = scf.for %scan3A_810 = %scan3A_151 to %scan3A_153 step %scan3A_154 iter_args(%scan3A_811 = %scan3A_142, %scan3A_812 = %scan3A_143, %scan3A_813 = %scan3A_144, %scan3A_814 = %scan3A_145) -> (vector<16xi32>, vector<16xi32>, vector<16xi32>, vector<16xi32>)  : i32 {
        %mul3A_815 = arith.constant 16 : i32
        %mul3A_816 = arith.muli %scan3A_810, %mul3A_815 : i32
        %add3A_817 = arith.constant 0 : i32
        %add3A_818 = arith.addi %add3A_817, %mul3A_816 : i32
        %get3A = arith.index_cast %add3A_818 : i32 to index
        %get3A_819 = tpu.vector_load %arg15[%get3A] {strides = array<i32>} : memref<1024xi32, #tpu.memory_space<vmem>>, vector<16xi32>,
        %eq3A_820 = arith.constant 0 : i32
        %eq3A_821 = vector.broadcast %eq3A_820 : i32 to vector<16xi32>
        %eq3A_822 = arith.cmpi eq, %get3A_819, %eq3A_821 : vector<16xi32>
        %eq3A_823 = arith.constant 1 : i32
        %eq3A_824 = vector.broadcast %eq3A_823 : i32 to vector<16xi32>
        %eq3A_825 = arith.cmpi eq, %get3A_819, %eq3A_824 : vector<16xi32>
        %eq3A_826 = arith.constant 2 : i32
        %eq3A_827 = vector.broadcast %eq3A_826 : i32 to vector<16xi32>
        %eq3A_828 = arith.cmpi eq, %get3A_819, %eq3A_827 : vector<16xi32>
        %eq3A_829 = arith.constant 3 : i32
        %eq3A_830 = vector.broadcast %eq3A_829 : i32 to vector<16xi32>
        %eq3A_831 = arith.cmpi eq, %get3A_819, %eq3A_830 : vector<16xi32>
        %masked_cumsum3A_832 = tpu.scan <sum>, %broadcast_in_dim3A_133 masked %eq3A_822 : vector<16xi32>, vector<16xi1> -> vector<16xi32>
        %add3A_833 = arith.addi %scan3A_811, %masked_cumsum3A_832 : vector<16xi32>
        %sub3A_834 = arith.constant 1 : i32
        %sub3A_835 = vector.broadcast %sub3A_834 : i32 to vector<16xi32>
        %sub3A_836 = arith.subi %add3A_833, %sub3A_835 : vector<16xi32>
        %masked_cumsum3A_837 = tpu.scan <sum>, %broadcast_in_dim3A_133 masked %eq3A_825 : vector<16xi32>, vector<16xi1> -> vector<16xi32>
        %add3A_838 = arith.addi %scan3A_812, %masked_cumsum3A_837 : vector<16xi32>
        %sub3A_839 = arith.constant 1 : i32
        %sub3A_840 = vector.broadcast %sub3A_839 : i32 to vector<16xi32>
        %sub3A_841 = arith.subi %add3A_838, %sub3A_840 : vector<16xi32>
        %masked_cumsum3A_842 = tpu.scan <sum>, %broadcast_in_dim3A_133 masked %eq3A_828 : vector<16xi32>, vector<16xi1> -> vector<16xi32>
        %add3A_843 = arith.addi %scan3A_813, %masked_cumsum3A_842 : vector<16xi32>
        %sub3A_844 = arith.constant 1 : i32
        %sub3A_845 = vector.broadcast %sub3A_844 : i32 to vector<16xi32>
        %sub3A_846 = arith.subi %add3A_843, %sub3A_845 : vector<16xi32>
        %masked_cumsum3A_847 = tpu.scan <sum>, %broadcast_in_dim3A_133 masked %eq3A_831 : vector<16xi32>, vector<16xi1> -> vector<16xi32>
        %add3A_848 = arith.addi %scan3A_814, %masked_cumsum3A_847 : vector<16xi32>
        %sub3A_849 = arith.constant 1 : i32
        %sub3A_850 = vector.broadcast %sub3A_849 : i32 to vector<16xi32>
        %sub3A_851 = arith.subi %add3A_848, %sub3A_850 : vector<16xi32>
        %select_n3A = arith.select %eq3A_828, %sub3A_846, %sub3A_851 : vector<16xi1>, vector<16xi32>
        %select_n3A_852 = arith.select %eq3A_825, %sub3A_841, %select_n3A : vector<16xi1>, vector<16xi32>
        %select_n3A_853 = arith.select %eq3A_822, %sub3A_836, %select_n3A_852 : vector<16xi1>, vector<16xi32>
        %mul3A_854 = arith.constant 16 : i32
        %mul3A_855 = arith.muli %scan3A_810, %mul3A_854 : i32
        %swap3A_856 = arith.constant 0 : i32
        %swap3A_857 = arith.constant 0 : i32
        %swap3A_858 = arith.index_cast %swap3A_856 : i32 to index
        %swap3A_859 = arith.index_cast %swap3A_857 : i32 to index
        %swap3A_860 = arith.index_cast %mul3A_855 : i32 to index
        %swap3A_861 = tpu.vector_load %arg16[%swap3A_858, %swap3A_859, %swap3A_860] {strides = array<i32>} : memref<8x1x128xi32, #tpu.memory_space<vmem>>, vector<16xi32>,
        tpu.vector_store %arg16[%swap3A_858, %swap3A_859, %swap3A_860], %select_n3A_853 {strides = array<i32>} : memref<8x1x128xi32, #tpu.memory_space<vmem>>, vector<16xi32>,
        %all_reduce_population_count3A = tpu.all_reduce %eq3A_822 {dim = 0 : i64, kind = #tpu.reduction_kind<sum>} : vector<16xi1> -> vector<16xi32>
        %add3A_862 = arith.addi %scan3A_811, %all_reduce_population_count3A : vector<16xi32>
        %all_reduce_population_count3A_863 = tpu.all_reduce %eq3A_825 {dim = 0 : i64, kind = #tpu.reduction_kind<sum>} : vector<16xi1> -> vector<16xi32>
        %add3A_864 = arith.addi %scan3A_812, %all_reduce_population_count3A_863 : vector<16xi32>
        %all_reduce_population_count3A_865 = tpu.all_reduce %eq3A_828 {dim = 0 : i64, kind = #tpu.reduction_kind<sum>} : vector<16xi1> -> vector<16xi32>
        %add3A_866 = arith.addi %scan3A_813, %all_reduce_population_count3A_865 : vector<16xi32>
        %all_reduce_population_count3A_867 = tpu.all_reduce %eq3A_831 {dim = 0 : i64, kind = #tpu.reduction_kind<sum>} : vector<16xi1> -> vector<16xi32>
        %add3A_868 = arith.addi %scan3A_814, %all_reduce_population_count3A_867 : vector<16xi32>
        scf.yield %add3A_862, %add3A_864, %add3A_866, %add3A_868 : vector<16xi32>, vector<16xi32>, vector<16xi32>, vector<16xi32>
      }
      %scan3A_156 = arith.constant 8 : i32
      %scan3A_157 = arith.constant 0 : i32
      %scan3A_158 = arith.constant 8 : i32
      %scan3A_159 = arith.addi %scan3A_157, %scan3A_158 : i32
      %scan3A_160 = arith.constant 1 : i32
      %scan3A_161:4 = scf.for %scan3A_810 = %scan3A_157 to %scan3A_159 step %scan3A_160 iter_args(%scan3A_811 = %scan3A_155#0, %scan3A_812 = %scan3A_155#1, %scan3A_813 = %scan3A_155#2, %scan3A_814 = %scan3A_155#3) -> (vector<16xi32>, vector<16xi32>, vector<16xi32>, vector<16xi32>)  : i32 {
        %mul3A_815 = arith.constant 16 : i32
        %mul3A_816 = arith.muli %scan3A_810, %mul3A_815 : i32
        %add3A_817 = arith.constant 128 : i32
        %add3A_818 = arith.addi %add3A_817, %mul3A_816 : i32
        %get3A = arith.index_cast %add3A_818 : i32 to index
        %get3A_819 = tpu.vector_load %arg15[%get3A] {strides = array<i32>} : memref<1024xi32, #tpu.memory_space<vmem>>, vector<16xi32>,
        %eq3A_820 = arith.constant 0 : i32
        %eq3A_821 = vector.broadcast %eq3A_820 : i32 to vector<16xi32>
        %eq3A_822 = arith.cmpi eq, %get3A_819, %eq3A_821 : vector<16xi32>
        %eq3A_823 = arith.constant 1 : i32
        %eq3A_824 = vector.broadcast %eq3A_823 : i32 to vector<16xi32>
        %eq3A_825 = arith.cmpi eq, %get3A_819, %eq3A_824 : vector<16xi32>
        %eq3A_826 = arith.constant 2 : i32
        %eq3A_827 = vector.broadcast %eq3A_826 : i32 to vector<16xi32>
        %eq3A_828 = arith.cmpi eq, %get3A_819, %eq3A_827 : vector<16xi32>
        %eq3A_829 = arith.constant 3 : i32
        %eq3A_830 = vector.broadcast %eq3A_829 : i32 to vector<16xi32>
        %eq3A_831 = arith.cmpi eq, %get3A_819, %eq3A_830 : vector<16xi32>
        %masked_cumsum3A_832 = tpu.scan <sum>, %broadcast_in_dim3A_133 masked %eq3A_822 : vector<16xi32>, vector<16xi1> -> vector<16xi32>
        %add3A_833 = arith.addi %scan3A_811, %masked_cumsum3A_832 : vector<16xi32>
        %sub3A_834 = arith.constant 1 : i32
        %sub3A_835 = vector.broadcast %sub3A_834 : i32 to vector<16xi32>
        %sub3A_836 = arith.subi %add3A_833, %sub3A_835 : vector<16xi32>
        %masked_cumsum3A_837 = tpu.scan <sum>, %broadcast_in_dim3A_133 masked %eq3A_825 : vector<16xi32>, vector<16xi1> -> vector<16xi32>
        %add3A_838 = arith.addi %scan3A_812, %masked_cumsum3A_837 : vector<16xi32>
        %sub3A_839 = arith.constant 1 : i32
        %sub3A_840 = vector.broadcast %sub3A_839 : i32 to vector<16xi32>
        %sub3A_841 = arith.subi %add3A_838, %sub3A_840 : vector<16xi32>
        %masked_cumsum3A_842 = tpu.scan <sum>, %broadcast_in_dim3A_133 masked %eq3A_828 : vector<16xi32>, vector<16xi1> -> vector<16xi32>
        %add3A_843 = arith.addi %scan3A_813, %masked_cumsum3A_842 : vector<16xi32>
        %sub3A_844 = arith.constant 1 : i32
        %sub3A_845 = vector.broadcast %sub3A_844 : i32 to vector<16xi32>
        %sub3A_846 = arith.subi %add3A_843, %sub3A_845 : vector<16xi32>
        %masked_cumsum3A_847 = tpu.scan <sum>, %broadcast_in_dim3A_133 masked %eq3A_831 : vector<16xi32>, vector<16xi1> -> vector<16xi32>
        %add3A_848 = arith.addi %scan3A_814, %masked_cumsum3A_847 : vector<16xi32>
        %sub3A_849 = arith.constant 1 : i32
        %sub3A_850 = vector.broadcast %sub3A_849 : i32 to vector<16xi32>
        %sub3A_851 = arith.subi %add3A_848, %sub3A_850 : vector<16xi32>
        %select_n3A = arith.select %eq3A_828, %sub3A_846, %sub3A_851 : vector<16xi1>, vector<16xi32>
        %select_n3A_852 = arith.select %eq3A_825, %sub3A_841, %select_n3A : vector<16xi1>, vector<16xi32>
        %select_n3A_853 = arith.select %eq3A_822, %sub3A_836, %select_n3A_852 : vector<16xi1>, vector<16xi32>
        %mul3A_854 = arith.constant 16 : i32
        %mul3A_855 = arith.muli %scan3A_810, %mul3A_854 : i32
        %swap3A_856 = arith.constant 1 : i32
        %swap3A_857 = arith.constant 0 : i32
        %swap3A_858 = arith.index_cast %swap3A_856 : i32 to index
        %swap3A_859 = arith.index_cast %swap3A_857 : i32 to index
        %swap3A_860 = arith.index_cast %mul3A_855 : i32 to index
        %swap3A_861 = tpu.vector_load %arg16[%swap3A_858, %swap3A_859, %swap3A_860] {strides = array<i32>} : memref<8x1x128xi32, #tpu.memory_space<vmem>>, vector<16xi32>,
        tpu.vector_store %arg16[%swap3A_858, %swap3A_859, %swap3A_860], %select_n3A_853 {strides = array<i32>} : memref<8x1x128xi32, #tpu.memory_space<vmem>>, vector<16xi32>,
        %all_reduce_population_count3A = tpu.all_reduce %eq3A_822 {dim = 0 : i64, kind = #tpu.reduction_kind<sum>} : vector<16xi1> -> vector<16xi32>
        %add3A_862 = arith.addi %scan3A_811, %all_reduce_population_count3A : vector<16xi32>
        %all_reduce_population_count3A_863 = tpu.all_reduce %eq3A_825 {dim = 0 : i64, kind = #tpu.reduction_kind<sum>} : vector<16xi1> -> vector<16xi32>
        %add3A_864 = arith.addi %scan3A_812, %all_reduce_population_count3A_863 : vector<16xi32>
        %all_reduce_population_count3A_865 = tpu.all_reduce %eq3A_828 {dim = 0 : i64, kind = #tpu.reduction_kind<sum>} : vector<16xi1> -> vector<16xi32>
        %add3A_866 = arith.addi %scan3A_813, %all_reduce_population_count3A_865 : vector<16xi32>
        %all_reduce_population_count3A_867 = tpu.all_reduce %eq3A_831 {dim = 0 : i64, kind = #tpu.reduction_kind<sum>} : vector<16xi1> -> vector<16xi32>
        %add3A_868 = arith.addi %scan3A_814, %all_reduce_population_count3A_867 : vector<16xi32>
        scf.yield %add3A_862, %add3A_864, %add3A_866, %add3A_868 : vector<16xi32>, vector<16xi32>, vector<16xi32>, vector<16xi32>
      }
      %scan3A_162 = arith.constant 8 : i32
      %scan3A_163 = arith.constant 0 : i32
      %scan3A_164 = arith.constant 8 : i32
      %scan3A_165 = arith.addi %scan3A_163, %scan3A_164 : i32
      %scan3A_166 = arith.constant 1 : i32
      %scan3A_167:4 = scf.for %scan3A_810 = %scan3A_163 to %scan3A_165 step %scan3A_166 iter_args(%scan3A_811 = %scan3A_161#0, %scan3A_812 = %scan3A_161#1, %scan3A_813 = %scan3A_161#2, %scan3A_814 = %scan3A_161#3) -> (vector<16xi32>, vector<16xi32>, vector<16xi32>, vector<16xi32>)  : i32 {
        %mul3A_815 = arith.constant 16 : i32
        %mul3A_816 = arith.muli %scan3A_810, %mul3A_815 : i32
        %add3A_817 = arith.constant 256 : i32
        %add3A_818 = arith.addi %add3A_817, %mul3A_816 : i32
        %get3A = arith.index_cast %add3A_818 : i32 to index
        %get3A_819 = tpu.vector_load %arg15[%get3A] {strides = array<i32>} : memref<1024xi32, #tpu.memory_space<vmem>>, vector<16xi32>,
        %eq3A_820 = arith.constant 0 : i32
        %eq3A_821 = vector.broadcast %eq3A_820 : i32 to vector<16xi32>
        %eq3A_822 = arith.cmpi eq, %get3A_819, %eq3A_821 : vector<16xi32>
        %eq3A_823 = arith.constant 1 : i32
        %eq3A_824 = vector.broadcast %eq3A_823 : i32 to vector<16xi32>
        %eq3A_825 = arith.cmpi eq, %get3A_819, %eq3A_824 : vector<16xi32>
        %eq3A_826 = arith.constant 2 : i32
        %eq3A_827 = vector.broadcast %eq3A_826 : i32 to vector<16xi32>
        %eq3A_828 = arith.cmpi eq, %get3A_819, %eq3A_827 : vector<16xi32>
        %eq3A_829 = arith.constant 3 : i32
        %eq3A_830 = vector.broadcast %eq3A_829 : i32 to vector<16xi32>
        %eq3A_831 = arith.cmpi eq, %get3A_819, %eq3A_830 : vector<16xi32>
        %masked_cumsum3A_832 = tpu.scan <sum>, %broadcast_in_dim3A_133 masked %eq3A_822 : vector<16xi32>, vector<16xi1> -> vector<16xi32>
        %add3A_833 = arith.addi %scan3A_811, %masked_cumsum3A_832 : vector<16xi32>
        %sub3A_834 = arith.constant 1 : i32
        %sub3A_835 = vector.broadcast %sub3A_834 : i32 to vector<16xi32>
        %sub3A_836 = arith.subi %add3A_833, %sub3A_835 : vector<16xi32>
        %masked_cumsum3A_837 = tpu.scan <sum>, %broadcast_in_dim3A_133 masked %eq3A_825 : vector<16xi32>, vector<16xi1> -> vector<16xi32>
        %add3A_838 = arith.addi %scan3A_812, %masked_cumsum3A_837 : vector<16xi32>
        %sub3A_839 = arith.constant 1 : i32
        %sub3A_840 = vector.broadcast %sub3A_839 : i32 to vector<16xi32>
        %sub3A_841 = arith.subi %add3A_838, %sub3A_840 : vector<16xi32>
        %masked_cumsum3A_842 = tpu.scan <sum>, %broadcast_in_dim3A_133 masked %eq3A_828 : vector<16xi32>, vector<16xi1> -> vector<16xi32>
        %add3A_843 = arith.addi %scan3A_813, %masked_cumsum3A_842 : vector<16xi32>
        %sub3A_844 = arith.constant 1 : i32
        %sub3A_845 = vector.broadcast %sub3A_844 : i32 to vector<16xi32>
        %sub3A_846 = arith.subi %add3A_843, %sub3A_845 : vector<16xi32>
        %masked_cumsum3A_847 = tpu.scan <sum>, %broadcast_in_dim3A_133 masked %eq3A_831 : vector<16xi32>, vector<16xi1> -> vector<16xi32>
        %add3A_848 = arith.addi %scan3A_814, %masked_cumsum3A_847 : vector<16xi32>
        %sub3A_849 = arith.constant 1 : i32
        %sub3A_850 = vector.broadcast %sub3A_849 : i32 to vector<16xi32>
        %sub3A_851 = arith.subi %add3A_848, %sub3A_850 : vector<16xi32>
        %select_n3A = arith.select %eq3A_828, %sub3A_846, %sub3A_851 : vector<16xi1>, vector<16xi32>
        %select_n3A_852 = arith.select %eq3A_825, %sub3A_841, %select_n3A : vector<16xi1>, vector<16xi32>
        %select_n3A_853 = arith.select %eq3A_822, %sub3A_836, %select_n3A_852 : vector<16xi1>, vector<16xi32>
        %mul3A_854 = arith.constant 16 : i32
        %mul3A_855 = arith.muli %scan3A_810, %mul3A_854 : i32
        %swap3A_856 = arith.constant 2 : i32
        %swap3A_857 = arith.constant 0 : i32
        %swap3A_858 = arith.index_cast %swap3A_856 : i32 to index
        %swap3A_859 = arith.index_cast %swap3A_857 : i32 to index
        %swap3A_860 = arith.index_cast %mul3A_855 : i32 to index
        %swap3A_861 = tpu.vector_load %arg16[%swap3A_858, %swap3A_859, %swap3A_860] {strides = array<i32>} : memref<8x1x128xi32, #tpu.memory_space<vmem>>, vector<16xi32>,
        tpu.vector_store %arg16[%swap3A_858, %swap3A_859, %swap3A_860], %select_n3A_853 {strides = array<i32>} : memref<8x1x128xi32, #tpu.memory_space<vmem>>, vector<16xi32>,
        %all_reduce_population_count3A = tpu.all_reduce %eq3A_822 {dim = 0 : i64, kind = #tpu.reduction_kind<sum>} : vector<16xi1> -> vector<16xi32>
        %add3A_862 = arith.addi %scan3A_811, %all_reduce_population_count3A : vector<16xi32>
        %all_reduce_population_count3A_863 = tpu.all_reduce %eq3A_825 {dim = 0 : i64, kind = #tpu.reduction_kind<sum>} : vector<16xi1> -> vector<16xi32>
        %add3A_864 = arith.addi %scan3A_812, %all_reduce_population_count3A_863 : vector<16xi32>
        %all_reduce_population_count3A_865 = tpu.all_reduce %eq3A_828 {dim = 0 : i64, kind = #tpu.reduction_kind<sum>} : vector<16xi1> -> vector<16xi32>
        %add3A_866 = arith.addi %scan3A_813, %all_reduce_population_count3A_865 : vector<16xi32>
        %all_reduce_population_count3A_867 = tpu.all_reduce %eq3A_831 {dim = 0 : i64, kind = #tpu.reduction_kind<sum>} : vector<16xi1> -> vector<16xi32>
        %add3A_868 = arith.addi %scan3A_814, %all_reduce_population_count3A_867 : vector<16xi32>
        scf.yield %add3A_862, %add3A_864, %add3A_866, %add3A_868 : vector<16xi32>, vector<16xi32>, vector<16xi32>, vector<16xi32>
      }
      %scan3A_168 = arith.constant 8 : i32
      %scan3A_169 = arith.constant 0 : i32
      %scan3A_170 = arith.constant 8 : i32
      %scan3A_171 = arith.addi %scan3A_169, %scan3A_170 : i32
      %scan3A_172 = arith.constant 1 : i32
      %scan3A_173:4 = scf.for %scan3A_810 = %scan3A_169 to %scan3A_171 step %scan3A_172 iter_args(%scan3A_811 = %scan3A_167#0, %scan3A_812 = %scan3A_167#1, %scan3A_813 = %scan3A_167#2, %scan3A_814 = %scan3A_167#3) -> (vector<16xi32>, vector<16xi32>, vector<16xi32>, vector<16xi32>)  : i32 {
        %mul3A_815 = arith.constant 16 : i32
        %mul3A_816 = arith.muli %scan3A_810, %mul3A_815 : i32
        %add3A_817 = arith.constant 384 : i32
        %add3A_818 = arith.addi %add3A_817, %mul3A_816 : i32
        %get3A = arith.index_cast %add3A_818 : i32 to index
        %get3A_819 = tpu.vector_load %arg15[%get3A] {strides = array<i32>} : memref<1024xi32, #tpu.memory_space<vmem>>, vector<16xi32>,
        %eq3A_820 = arith.constant 0 : i32
        %eq3A_821 = vector.broadcast %eq3A_820 : i32 to vector<16xi32>
        %eq3A_822 = arith.cmpi eq, %get3A_819, %eq3A_821 : vector<16xi32>
        %eq3A_823 = arith.constant 1 : i32
        %eq3A_824 = vector.broadcast %eq3A_823 : i32 to vector<16xi32>
        %eq3A_825 = arith.cmpi eq, %get3A_819, %eq3A_824 : vector<16xi32>
        %eq3A_826 = arith.constant 2 : i32
        %eq3A_827 = vector.broadcast %eq3A_826 : i32 to vector<16xi32>
        %eq3A_828 = arith.cmpi eq, %get3A_819, %eq3A_827 : vector<16xi32>
        %eq3A_829 = arith.constant 3 : i32
        %eq3A_830 = vector.broadcast %eq3A_829 : i32 to vector<16xi32>
        %eq3A_831 = arith.cmpi eq, %get3A_819, %eq3A_830 : vector<16xi32>
        %masked_cumsum3A_832 = tpu.scan <sum>, %broadcast_in_dim3A_133 masked %eq3A_822 : vector<16xi32>, vector<16xi1> -> vector<16xi32>
        %add3A_833 = arith.addi %scan3A_811, %masked_cumsum3A_832 : vector<16xi32>
        %sub3A_834 = arith.constant 1 : i32
        %sub3A_835 = vector.broadcast %sub3A_834 : i32 to vector<16xi32>
        %sub3A_836 = arith.subi %add3A_833, %sub3A_835 : vector<16xi32>
        %masked_cumsum3A_837 = tpu.scan <sum>, %broadcast_in_dim3A_133 masked %eq3A_825 : vector<16xi32>, vector<16xi1> -> vector<16xi32>
        %add3A_838 = arith.addi %scan3A_812, %masked_cumsum3A_837 : vector<16xi32>
        %sub3A_839 = arith.constant 1 : i32
        %sub3A_840 = vector.broadcast %sub3A_839 : i32 to vector<16xi32>
        %sub3A_841 = arith.subi %add3A_838, %sub3A_840 : vector<16xi32>
        %masked_cumsum3A_842 = tpu.scan <sum>, %broadcast_in_dim3A_133 masked %eq3A_828 : vector<16xi32>, vector<16xi1> -> vector<16xi32>
        %add3A_843 = arith.addi %scan3A_813, %masked_cumsum3A_842 : vector<16xi32>
        %sub3A_844 = arith.constant 1 : i32
        %sub3A_845 = vector.broadcast %sub3A_844 : i32 to vector<16xi32>
        %sub3A_846 = arith.subi %add3A_843, %sub3A_845 : vector<16xi32>
        %masked_cumsum3A_847 = tpu.scan <sum>, %broadcast_in_dim3A_133 masked %eq3A_831 : vector<16xi32>, vector<16xi1> -> vector<16xi32>
        %add3A_848 = arith.addi %scan3A_814, %masked_cumsum3A_847 : vector<16xi32>
        %sub3A_849 = arith.constant 1 : i32
        %sub3A_850 = vector.broadcast %sub3A_849 : i32 to vector<16xi32>
        %sub3A_851 = arith.subi %add3A_848, %sub3A_850 : vector<16xi32>
        %select_n3A = arith.select %eq3A_828, %sub3A_846, %sub3A_851 : vector<16xi1>, vector<16xi32>
        %select_n3A_852 = arith.select %eq3A_825, %sub3A_841, %select_n3A : vector<16xi1>, vector<16xi32>
        %select_n3A_853 = arith.select %eq3A_822, %sub3A_836, %select_n3A_852 : vector<16xi1>, vector<16xi32>
        %mul3A_854 = arith.constant 16 : i32
        %mul3A_855 = arith.muli %scan3A_810, %mul3A_854 : i32
        %swap3A_856 = arith.constant 3 : i32
        %swap3A_857 = arith.constant 0 : i32
        %swap3A_858 = arith.index_cast %swap3A_856 : i32 to index
        %swap3A_859 = arith.index_cast %swap3A_857 : i32 to index
        %swap3A_860 = arith.index_cast %mul3A_855 : i32 to index
        %swap3A_861 = tpu.vector_load %arg16[%swap3A_858, %swap3A_859, %swap3A_860] {strides = array<i32>} : memref<8x1x128xi32, #tpu.memory_space<vmem>>, vector<16xi32>,
        tpu.vector_store %arg16[%swap3A_858, %swap3A_859, %swap3A_860], %select_n3A_853 {strides = array<i32>} : memref<8x1x128xi32, #tpu.memory_space<vmem>>, vector<16xi32>,
        %all_reduce_population_count3A = tpu.all_reduce %eq3A_822 {dim = 0 : i64, kind = #tpu.reduction_kind<sum>} : vector<16xi1> -> vector<16xi32>
        %add3A_862 = arith.addi %scan3A_811, %all_reduce_population_count3A : vector<16xi32>
        %all_reduce_population_count3A_863 = tpu.all_reduce %eq3A_825 {dim = 0 : i64, kind = #tpu.reduction_kind<sum>} : vector<16xi1> -> vector<16xi32>
        %add3A_864 = arith.addi %scan3A_812, %all_reduce_population_count3A_863 : vector<16xi32>
        %all_reduce_population_count3A_865 = tpu.all_reduce %eq3A_828 {dim = 0 : i64, kind = #tpu.reduction_kind<sum>} : vector<16xi1> -> vector<16xi32>
        %add3A_866 = arith.addi %scan3A_813, %all_reduce_population_count3A_865 : vector<16xi32>
        %all_reduce_population_count3A_867 = tpu.all_reduce %eq3A_831 {dim = 0 : i64, kind = #tpu.reduction_kind<sum>} : vector<16xi1> -> vector<16xi32>
        %add3A_868 = arith.addi %scan3A_814, %all_reduce_population_count3A_867 : vector<16xi32>
        scf.yield %add3A_862, %add3A_864, %add3A_866, %add3A_868 : vector<16xi32>, vector<16xi32>, vector<16xi32>, vector<16xi32>
      }
      %scan3A_174 = arith.constant 8 : i32
      %scan3A_175 = arith.constant 0 : i32
      %scan3A_176 = arith.constant 8 : i32
      %scan3A_177 = arith.addi %scan3A_175, %scan3A_176 : i32
      %scan3A_178 = arith.constant 1 : i32
      %scan3A_179:4 = scf.for %scan3A_810 = %scan3A_175 to %scan3A_177 step %scan3A_178 iter_args(%scan3A_811 = %scan3A_173#0, %scan3A_812 = %scan3A_173#1, %scan3A_813 = %scan3A_173#2, %scan3A_814 = %scan3A_173#3) -> (vector<16xi32>, vector<16xi32>, vector<16xi32>, vector<16xi32>)  : i32 {
        %mul3A_815 = arith.constant 16 : i32
        %mul3A_816 = arith.muli %scan3A_810, %mul3A_815 : i32
        %add3A_817 = arith.constant 512 : i32
        %add3A_818 = arith.addi %add3A_817, %mul3A_816 : i32
        %get3A = arith.index_cast %add3A_818 : i32 to index
        %get3A_819 = tpu.vector_load %arg15[%get3A] {strides = array<i32>} : memref<1024xi32, #tpu.memory_space<vmem>>, vector<16xi32>,
        %eq3A_820 = arith.constant 0 : i32
        %eq3A_821 = vector.broadcast %eq3A_820 : i32 to vector<16xi32>
        %eq3A_822 = arith.cmpi eq, %get3A_819, %eq3A_821 : vector<16xi32>
        %eq3A_823 = arith.constant 1 : i32
        %eq3A_824 = vector.broadcast %eq3A_823 : i32 to vector<16xi32>
        %eq3A_825 = arith.cmpi eq, %get3A_819, %eq3A_824 : vector<16xi32>
        %eq3A_826 = arith.constant 2 : i32
        %eq3A_827 = vector.broadcast %eq3A_826 : i32 to vector<16xi32>
        %eq3A_828 = arith.cmpi eq, %get3A_819, %eq3A_827 : vector<16xi32>
        %eq3A_829 = arith.constant 3 : i32
        %eq3A_830 = vector.broadcast %eq3A_829 : i32 to vector<16xi32>
        %eq3A_831 = arith.cmpi eq, %get3A_819, %eq3A_830 : vector<16xi32>
        %masked_cumsum3A_832 = tpu.scan <sum>, %broadcast_in_dim3A_133 masked %eq3A_822 : vector<16xi32>, vector<16xi1> -> vector<16xi32>
        %add3A_833 = arith.addi %scan3A_811, %masked_cumsum3A_832 : vector<16xi32>
        %sub3A_834 = arith.constant 1 : i32
        %sub3A_835 = vector.broadcast %sub3A_834 : i32 to vector<16xi32>
        %sub3A_836 = arith.subi %add3A_833, %sub3A_835 : vector<16xi32>
        %masked_cumsum3A_837 = tpu.scan <sum>, %broadcast_in_dim3A_133 masked %eq3A_825 : vector<16xi32>, vector<16xi1> -> vector<16xi32>
        %add3A_838 = arith.addi %scan3A_812, %masked_cumsum3A_837 : vector<16xi32>
        %sub3A_839 = arith.constant 1 : i32
        %sub3A_840 = vector.broadcast %sub3A_839 : i32 to vector<16xi32>
        %sub3A_841 = arith.subi %add3A_838, %sub3A_840 : vector<16xi32>
        %masked_cumsum3A_842 = tpu.scan <sum>, %broadcast_in_dim3A_133 masked %eq3A_828 : vector<16xi32>, vector<16xi1> -> vector<16xi32>
        %add3A_843 = arith.addi %scan3A_813, %masked_cumsum3A_842 : vector<16xi32>
        %sub3A_844 = arith.constant 1 : i32
        %sub3A_845 = vector.broadcast %sub3A_844 : i32 to vector<16xi32>
        %sub3A_846 = arith.subi %add3A_843, %sub3A_845 : vector<16xi32>
        %masked_cumsum3A_847 = tpu.scan <sum>, %broadcast_in_dim3A_133 masked %eq3A_831 : vector<16xi32>, vector<16xi1> -> vector<16xi32>
        %add3A_848 = arith.addi %scan3A_814, %masked_cumsum3A_847 : vector<16xi32>
        %sub3A_849 = arith.constant 1 : i32
        %sub3A_850 = vector.broadcast %sub3A_849 : i32 to vector<16xi32>
        %sub3A_851 = arith.subi %add3A_848, %sub3A_850 : vector<16xi32>
        %select_n3A = arith.select %eq3A_828, %sub3A_846, %sub3A_851 : vector<16xi1>, vector<16xi32>
        %select_n3A_852 = arith.select %eq3A_825, %sub3A_841, %select_n3A : vector<16xi1>, vector<16xi32>
        %select_n3A_853 = arith.select %eq3A_822, %sub3A_836, %select_n3A_852 : vector<16xi1>, vector<16xi32>
        %mul3A_854 = arith.constant 16 : i32
        %mul3A_855 = arith.muli %scan3A_810, %mul3A_854 : i32
        %swap3A_856 = arith.constant 4 : i32
        %swap3A_857 = arith.constant 0 : i32
        %swap3A_858 = arith.index_cast %swap3A_856 : i32 to index
        %swap3A_859 = arith.index_cast %swap3A_857 : i32 to index
        %swap3A_860 = arith.index_cast %mul3A_855 : i32 to index
        %swap3A_861 = tpu.vector_load %arg16[%swap3A_858, %swap3A_859, %swap3A_860] {strides = array<i32>} : memref<8x1x128xi32, #tpu.memory_space<vmem>>, vector<16xi32>,
        tpu.vector_store %arg16[%swap3A_858, %swap3A_859, %swap3A_860], %select_n3A_853 {strides = array<i32>} : memref<8x1x128xi32, #tpu.memory_space<vmem>>, vector<16xi32>,
        %all_reduce_population_count3A = tpu.all_reduce %eq3A_822 {dim = 0 : i64, kind = #tpu.reduction_kind<sum>} : vector<16xi1> -> vector<16xi32>
        %add3A_862 = arith.addi %scan3A_811, %all_reduce_population_count3A : vector<16xi32>
        %all_reduce_population_count3A_863 = tpu.all_reduce %eq3A_825 {dim = 0 : i64, kind = #tpu.reduction_kind<sum>} : vector<16xi1> -> vector<16xi32>
        %add3A_864 = arith.addi %scan3A_812, %all_reduce_population_count3A_863 : vector<16xi32>
        %all_reduce_population_count3A_865 = tpu.all_reduce %eq3A_828 {dim = 0 : i64, kind = #tpu.reduction_kind<sum>} : vector<16xi1> -> vector<16xi32>
        %add3A_866 = arith.addi %scan3A_813, %all_reduce_population_count3A_865 : vector<16xi32>
        %all_reduce_population_count3A_867 = tpu.all_reduce %eq3A_831 {dim = 0 : i64, kind = #tpu.reduction_kind<sum>} : vector<16xi1> -> vector<16xi32>
        %add3A_868 = arith.addi %scan3A_814, %all_reduce_population_count3A_867 : vector<16xi32>
        scf.yield %add3A_862, %add3A_864, %add3A_866, %add3A_868 : vector<16xi32>, vector<16xi32>, vector<16xi32>, vector<16xi32>
      }
      %scan3A_180 = arith.constant 8 : i32
      %scan3A_181 = arith.constant 0 : i32
      %scan3A_182 = arith.constant 8 : i32
      %scan3A_183 = arith.addi %scan3A_181, %scan3A_182 : i32
      %scan3A_184 = arith.constant 1 : i32
      %scan3A_185:4 = scf.for %scan3A_810 = %scan3A_181 to %scan3A_183 step %scan3A_184 iter_args(%scan3A_811 = %scan3A_179#0, %scan3A_812 = %scan3A_179#1, %scan3A_813 = %scan3A_179#2, %scan3A_814 = %scan3A_179#3) -> (vector<16xi32>, vector<16xi32>, vector<16xi32>, vector<16xi32>)  : i32 {
        %mul3A_815 = arith.constant 16 : i32
        %mul3A_816 = arith.muli %scan3A_810, %mul3A_815 : i32
        %add3A_817 = arith.constant 640 : i32
        %add3A_818 = arith.addi %add3A_817, %mul3A_816 : i32
        %get3A = arith.index_cast %add3A_818 : i32 to index
        %get3A_819 = tpu.vector_load %arg15[%get3A] {strides = array<i32>} : memref<1024xi32, #tpu.memory_space<vmem>>, vector<16xi32>,
        %eq3A_820 = arith.constant 0 : i32
        %eq3A_821 = vector.broadcast %eq3A_820 : i32 to vector<16xi32>
        %eq3A_822 = arith.cmpi eq, %get3A_819, %eq3A_821 : vector<16xi32>
        %eq3A_823 = arith.constant 1 : i32
        %eq3A_824 = vector.broadcast %eq3A_823 : i32 to vector<16xi32>
        %eq3A_825 = arith.cmpi eq, %get3A_819, %eq3A_824 : vector<16xi32>
        %eq3A_826 = arith.constant 2 : i32
        %eq3A_827 = vector.broadcast %eq3A_826 : i32 to vector<16xi32>
        %eq3A_828 = arith.cmpi eq, %get3A_819, %eq3A_827 : vector<16xi32>
        %eq3A_829 = arith.constant 3 : i32
        %eq3A_830 = vector.broadcast %eq3A_829 : i32 to vector<16xi32>
        %eq3A_831 = arith.cmpi eq, %get3A_819, %eq3A_830 : vector<16xi32>
        %masked_cumsum3A_832 = tpu.scan <sum>, %broadcast_in_dim3A_133 masked %eq3A_822 : vector<16xi32>, vector<16xi1> -> vector<16xi32>
        %add3A_833 = arith.addi %scan3A_811, %masked_cumsum3A_832 : vector<16xi32>
        %sub3A_834 = arith.constant 1 : i32
        %sub3A_835 = vector.broadcast %sub3A_834 : i32 to vector<16xi32>
        %sub3A_836 = arith.subi %add3A_833, %sub3A_835 : vector<16xi32>
        %masked_cumsum3A_837 = tpu.scan <sum>, %broadcast_in_dim3A_133 masked %eq3A_825 : vector<16xi32>, vector<16xi1> -> vector<16xi32>
        %add3A_838 = arith.addi %scan3A_812, %masked_cumsum3A_837 : vector<16xi32>
        %sub3A_839 = arith.constant 1 : i32
        %sub3A_840 = vector.broadcast %sub3A_839 : i32 to vector<16xi32>
        %sub3A_841 = arith.subi %add3A_838, %sub3A_840 : vector<16xi32>
        %masked_cumsum3A_842 = tpu.scan <sum>, %broadcast_in_dim3A_133 masked %eq3A_828 : vector<16xi32>, vector<16xi1> -> vector<16xi32>
        %add3A_843 = arith.addi %scan3A_813, %masked_cumsum3A_842 : vector<16xi32>
        %sub3A_844 = arith.constant 1 : i32
        %sub3A_845 = vector.broadcast %sub3A_844 : i32 to vector<16xi32>
        %sub3A_846 = arith.subi %add3A_843, %sub3A_845 : vector<16xi32>
        %masked_cumsum3A_847 = tpu.scan <sum>, %broadcast_in_dim3A_133 masked %eq3A_831 : vector<16xi32>, vector<16xi1> -> vector<16xi32>
        %add3A_848 = arith.addi %scan3A_814, %masked_cumsum3A_847 : vector<16xi32>
        %sub3A_849 = arith.constant 1 : i32
        %sub3A_850 = vector.broadcast %sub3A_849 : i32 to vector<16xi32>
        %sub3A_851 = arith.subi %add3A_848, %sub3A_850 : vector<16xi32>
        %select_n3A = arith.select %eq3A_828, %sub3A_846, %sub3A_851 : vector<16xi1>, vector<16xi32>
        %select_n3A_852 = arith.select %eq3A_825, %sub3A_841, %select_n3A : vector<16xi1>, vector<16xi32>
        %select_n3A_853 = arith.select %eq3A_822, %sub3A_836, %select_n3A_852 : vector<16xi1>, vector<16xi32>
        %mul3A_854 = arith.constant 16 : i32
        %mul3A_855 = arith.muli %scan3A_810, %mul3A_854 : i32
        %swap3A_856 = arith.constant 5 : i32
        %swap3A_857 = arith.constant 0 : i32
        %swap3A_858 = arith.index_cast %swap3A_856 : i32 to index
        %swap3A_859 = arith.index_cast %swap3A_857 : i32 to index
        %swap3A_860 = arith.index_cast %mul3A_855 : i32 to index
        %swap3A_861 = tpu.vector_load %arg16[%swap3A_858, %swap3A_859, %swap3A_860] {strides = array<i32>} : memref<8x1x128xi32, #tpu.memory_space<vmem>>, vector<16xi32>,
        tpu.vector_store %arg16[%swap3A_858, %swap3A_859, %swap3A_860], %select_n3A_853 {strides = array<i32>} : memref<8x1x128xi32, #tpu.memory_space<vmem>>, vector<16xi32>,
        %all_reduce_population_count3A = tpu.all_reduce %eq3A_822 {dim = 0 : i64, kind = #tpu.reduction_kind<sum>} : vector<16xi1> -> vector<16xi32>
        %add3A_862 = arith.addi %scan3A_811, %all_reduce_population_count3A : vector<16xi32>
        %all_reduce_population_count3A_863 = tpu.all_reduce %eq3A_825 {dim = 0 : i64, kind = #tpu.reduction_kind<sum>} : vector<16xi1> -> vector<16xi32>
        %add3A_864 = arith.addi %scan3A_812, %all_reduce_population_count3A_863 : vector<16xi32>
        %all_reduce_population_count3A_865 = tpu.all_reduce %eq3A_828 {dim = 0 : i64, kind = #tpu.reduction_kind<sum>} : vector<16xi1> -> vector<16xi32>
        %add3A_866 = arith.addi %scan3A_813, %all_reduce_population_count3A_865 : vector<16xi32>
        %all_reduce_population_count3A_867 = tpu.all_reduce %eq3A_831 {dim = 0 : i64, kind = #tpu.reduction_kind<sum>} : vector<16xi1> -> vector<16xi32>
        %add3A_868 = arith.addi %scan3A_814, %all_reduce_population_count3A_867 : vector<16xi32>
        scf.yield %add3A_862, %add3A_864, %add3A_866, %add3A_868 : vector<16xi32>, vector<16xi32>, vector<16xi32>, vector<16xi32>
      }
      %scan3A_186 = arith.constant 8 : i32
      %scan3A_187 = arith.constant 0 : i32
      %scan3A_188 = arith.constant 8 : i32
      %scan3A_189 = arith.addi %scan3A_187, %scan3A_188 : i32
      %scan3A_190 = arith.constant 1 : i32
      %scan3A_191:4 = scf.for %scan3A_810 = %scan3A_187 to %scan3A_189 step %scan3A_190 iter_args(%scan3A_811 = %scan3A_185#0, %scan3A_812 = %scan3A_185#1, %scan3A_813 = %scan3A_185#2, %scan3A_814 = %scan3A_185#3) -> (vector<16xi32>, vector<16xi32>, vector<16xi32>, vector<16xi32>)  : i32 {
        %mul3A_815 = arith.constant 16 : i32
        %mul3A_816 = arith.muli %scan3A_810, %mul3A_815 : i32
        %add3A_817 = arith.constant 768 : i32
        %add3A_818 = arith.addi %add3A_817, %mul3A_816 : i32
        %get3A = arith.index_cast %add3A_818 : i32 to index
        %get3A_819 = tpu.vector_load %arg15[%get3A] {strides = array<i32>} : memref<1024xi32, #tpu.memory_space<vmem>>, vector<16xi32>,
        %eq3A_820 = arith.constant 0 : i32
        %eq3A_821 = vector.broadcast %eq3A_820 : i32 to vector<16xi32>
        %eq3A_822 = arith.cmpi eq, %get3A_819, %eq3A_821 : vector<16xi32>
        %eq3A_823 = arith.constant 1 : i32
        %eq3A_824 = vector.broadcast %eq3A_823 : i32 to vector<16xi32>
        %eq3A_825 = arith.cmpi eq, %get3A_819, %eq3A_824 : vector<16xi32>
        %eq3A_826 = arith.constant 2 : i32
        %eq3A_827 = vector.broadcast %eq3A_826 : i32 to vector<16xi32>
        %eq3A_828 = arith.cmpi eq, %get3A_819, %eq3A_827 : vector<16xi32>
        %eq3A_829 = arith.constant 3 : i32
        %eq3A_830 = vector.broadcast %eq3A_829 : i32 to vector<16xi32>
        %eq3A_831 = arith.cmpi eq, %get3A_819, %eq3A_830 : vector<16xi32>
        %masked_cumsum3A_832 = tpu.scan <sum>, %broadcast_in_dim3A_133 masked %eq3A_822 : vector<16xi32>, vector<16xi1> -> vector<16xi32>
        %add3A_833 = arith.addi %scan3A_811, %masked_cumsum3A_832 : vector<16xi32>
        %sub3A_834 = arith.constant 1 : i32
        %sub3A_835 = vector.broadcast %sub3A_834 : i32 to vector<16xi32>
        %sub3A_836 = arith.subi %add3A_833, %sub3A_835 : vector<16xi32>
        %masked_cumsum3A_837 = tpu.scan <sum>, %broadcast_in_dim3A_133 masked %eq3A_825 : vector<16xi32>, vector<16xi1> -> vector<16xi32>
        %add3A_838 = arith.addi %scan3A_812, %masked_cumsum3A_837 : vector<16xi32>
        %sub3A_839 = arith.constant 1 : i32
        %sub3A_840 = vector.broadcast %sub3A_839 : i32 to vector<16xi32>
        %sub3A_841 = arith.subi %add3A_838, %sub3A_840 : vector<16xi32>
        %masked_cumsum3A_842 = tpu.scan <sum>, %broadcast_in_dim3A_133 masked %eq3A_828 : vector<16xi32>, vector<16xi1> -> vector<16xi32>
        %add3A_843 = arith.addi %scan3A_813, %masked_cumsum3A_842 : vector<16xi32>
        %sub3A_844 = arith.constant 1 : i32
        %sub3A_845 = vector.broadcast %sub3A_844 : i32 to vector<16xi32>
        %sub3A_846 = arith.subi %add3A_843, %sub3A_845 : vector<16xi32>
        %masked_cumsum3A_847 = tpu.scan <sum>, %broadcast_in_dim3A_133 masked %eq3A_831 : vector<16xi32>, vector<16xi1> -> vector<16xi32>
        %add3A_848 = arith.addi %scan3A_814, %masked_cumsum3A_847 : vector<16xi32>
        %sub3A_849 = arith.constant 1 : i32
        %sub3A_850 = vector.broadcast %sub3A_849 : i32 to vector<16xi32>
        %sub3A_851 = arith.subi %add3A_848, %sub3A_850 : vector<16xi32>
        %select_n3A = arith.select %eq3A_828, %sub3A_846, %sub3A_851 : vector<16xi1>, vector<16xi32>
        %select_n3A_852 = arith.select %eq3A_825, %sub3A_841, %select_n3A : vector<16xi1>, vector<16xi32>
        %select_n3A_853 = arith.select %eq3A_822, %sub3A_836, %select_n3A_852 : vector<16xi1>, vector<16xi32>
        %mul3A_854 = arith.constant 16 : i32
        %mul3A_855 = arith.muli %scan3A_810, %mul3A_854 : i32
        %swap3A_856 = arith.constant 6 : i32
        %swap3A_857 = arith.constant 0 : i32
        %swap3A_858 = arith.index_cast %swap3A_856 : i32 to index
        %swap3A_859 = arith.index_cast %swap3A_857 : i32 to index
        %swap3A_860 = arith.index_cast %mul3A_855 : i32 to index
        %swap3A_861 = tpu.vector_load %arg16[%swap3A_858, %swap3A_859, %swap3A_860] {strides = array<i32>} : memref<8x1x128xi32, #tpu.memory_space<vmem>>, vector<16xi32>,
        tpu.vector_store %arg16[%swap3A_858, %swap3A_859, %swap3A_860], %select_n3A_853 {strides = array<i32>} : memref<8x1x128xi32, #tpu.memory_space<vmem>>, vector<16xi32>,
        %all_reduce_population_count3A = tpu.all_reduce %eq3A_822 {dim = 0 : i64, kind = #tpu.reduction_kind<sum>} : vector<16xi1> -> vector<16xi32>
        %add3A_862 = arith.addi %scan3A_811, %all_reduce_population_count3A : vector<16xi32>
        %all_reduce_population_count3A_863 = tpu.all_reduce %eq3A_825 {dim = 0 : i64, kind = #tpu.reduction_kind<sum>} : vector<16xi1> -> vector<16xi32>
        %add3A_864 = arith.addi %scan3A_812, %all_reduce_population_count3A_863 : vector<16xi32>
        %all_reduce_population_count3A_865 = tpu.all_reduce %eq3A_828 {dim = 0 : i64, kind = #tpu.reduction_kind<sum>} : vector<16xi1> -> vector<16xi32>
        %add3A_866 = arith.addi %scan3A_813, %all_reduce_population_count3A_865 : vector<16xi32>
        %all_reduce_population_count3A_867 = tpu.all_reduce %eq3A_831 {dim = 0 : i64, kind = #tpu.reduction_kind<sum>} : vector<16xi1> -> vector<16xi32>
        %add3A_868 = arith.addi %scan3A_814, %all_reduce_population_count3A_867 : vector<16xi32>
        scf.yield %add3A_862, %add3A_864, %add3A_866, %add3A_868 : vector<16xi32>, vector<16xi32>, vector<16xi32>, vector<16xi32>
      }
      %scan3A_192 = arith.constant 8 : i32
      %scan3A_193 = arith.constant 0 : i32
      %scan3A_194 = arith.constant 8 : i32
      %scan3A_195 = arith.addi %scan3A_193, %scan3A_194 : i32
      %scan3A_196 = arith.constant 1 : i32
      %scan3A_197:4 = scf.for %scan3A_810 = %scan3A_193 to %scan3A_195 step %scan3A_196 iter_args(%scan3A_811 = %scan3A_191#0, %scan3A_812 = %scan3A_191#1, %scan3A_813 = %scan3A_191#2, %scan3A_814 = %scan3A_191#3) -> (vector<16xi32>, vector<16xi32>, vector<16xi32>, vector<16xi32>)  : i32 {
        %mul3A_815 = arith.constant 16 : i32
        %mul3A_816 = arith.muli %scan3A_810, %mul3A_815 : i32
        %add3A_817 = arith.constant 896 : i32
        %add3A_818 = arith.addi %add3A_817, %mul3A_816 : i32
        %get3A = arith.index_cast %add3A_818 : i32 to index
        %get3A_819 = tpu.vector_load %arg15[%get3A] {strides = array<i32>} : memref<1024xi32, #tpu.memory_space<vmem>>, vector<16xi32>,
        %eq3A_820 = arith.constant 0 : i32
        %eq3A_821 = vector.broadcast %eq3A_820 : i32 to vector<16xi32>
        %eq3A_822 = arith.cmpi eq, %get3A_819, %eq3A_821 : vector<16xi32>
        %eq3A_823 = arith.constant 1 : i32
        %eq3A_824 = vector.broadcast %eq3A_823 : i32 to vector<16xi32>
        %eq3A_825 = arith.cmpi eq, %get3A_819, %eq3A_824 : vector<16xi32>
        %eq3A_826 = arith.constant 2 : i32
        %eq3A_827 = vector.broadcast %eq3A_826 : i32 to vector<16xi32>
        %eq3A_828 = arith.cmpi eq, %get3A_819, %eq3A_827 : vector<16xi32>
        %eq3A_829 = arith.constant 3 : i32
        %eq3A_830 = vector.broadcast %eq3A_829 : i32 to vector<16xi32>
        %eq3A_831 = arith.cmpi eq, %get3A_819, %eq3A_830 : vector<16xi32>
        %masked_cumsum3A_832 = tpu.scan <sum>, %broadcast_in_dim3A_133 masked %eq3A_822 : vector<16xi32>, vector<16xi1> -> vector<16xi32>
        %add3A_833 = arith.addi %scan3A_811, %masked_cumsum3A_832 : vector<16xi32>
        %sub3A_834 = arith.constant 1 : i32
        %sub3A_835 = vector.broadcast %sub3A_834 : i32 to vector<16xi32>
        %sub3A_836 = arith.subi %add3A_833, %sub3A_835 : vector<16xi32>
        %masked_cumsum3A_837 = tpu.scan <sum>, %broadcast_in_dim3A_133 masked %eq3A_825 : vector<16xi32>, vector<16xi1> -> vector<16xi32>
        %add3A_838 = arith.addi %scan3A_812, %masked_cumsum3A_837 : vector<16xi32>
        %sub3A_839 = arith.constant 1 : i32
        %sub3A_840 = vector.broadcast %sub3A_839 : i32 to vector<16xi32>
        %sub3A_841 = arith.subi %add3A_838, %sub3A_840 : vector<16xi32>
        %masked_cumsum3A_842 = tpu.scan <sum>, %broadcast_in_dim3A_133 masked %eq3A_828 : vector<16xi32>, vector<16xi1> -> vector<16xi32>
        %add3A_843 = arith.addi %scan3A_813, %masked_cumsum3A_842 : vector<16xi32>
        %sub3A_844 = arith.constant 1 : i32
        %sub3A_845 = vector.broadcast %sub3A_844 : i32 to vector<16xi32>
        %sub3A_846 = arith.subi %add3A_843, %sub3A_845 : vector<16xi32>
        %masked_cumsum3A_847 = tpu.scan <sum>, %broadcast_in_dim3A_133 masked %eq3A_831 : vector<16xi32>, vector<16xi1> -> vector<16xi32>
        %add3A_848 = arith.addi %scan3A_814, %masked_cumsum3A_847 : vector<16xi32>
        %sub3A_849 = arith.constant 1 : i32
        %sub3A_850 = vector.broadcast %sub3A_849 : i32 to vector<16xi32>
        %sub3A_851 = arith.subi %add3A_848, %sub3A_850 : vector<16xi32>
        %select_n3A = arith.select %eq3A_828, %sub3A_846, %sub3A_851 : vector<16xi1>, vector<16xi32>
        %select_n3A_852 = arith.select %eq3A_825, %sub3A_841, %select_n3A : vector<16xi1>, vector<16xi32>
        %select_n3A_853 = arith.select %eq3A_822, %sub3A_836, %select_n3A_852 : vector<16xi1>, vector<16xi32>
        %mul3A_854 = arith.constant 16 : i32
        %mul3A_855 = arith.muli %scan3A_810, %mul3A_854 : i32
        %swap3A_856 = arith.constant 7 : i32
        %swap3A_857 = arith.constant 0 : i32
        %swap3A_858 = arith.index_cast %swap3A_856 : i32 to index
        %swap3A_859 = arith.index_cast %swap3A_857 : i32 to index
        %swap3A_860 = arith.index_cast %mul3A_855 : i32 to index
        %swap3A_861 = tpu.vector_load %arg16[%swap3A_858, %swap3A_859, %swap3A_860] {strides = array<i32>} : memref<8x1x128xi32, #tpu.memory_space<vmem>>, vector<16xi32>,
        tpu.vector_store %arg16[%swap3A_858, %swap3A_859, %swap3A_860], %select_n3A_853 {strides = array<i32>} : memref<8x1x128xi32, #tpu.memory_space<vmem>>, vector<16xi32>,
        %all_reduce_population_count3A = tpu.all_reduce %eq3A_822 {dim = 0 : i64, kind = #tpu.reduction_kind<sum>} : vector<16xi1> -> vector<16xi32>
        %add3A_862 = arith.addi %scan3A_811, %all_reduce_population_count3A : vector<16xi32>
        %all_reduce_population_count3A_863 = tpu.all_reduce %eq3A_825 {dim = 0 : i64, kind = #tpu.reduction_kind<sum>} : vector<16xi1> -> vector<16xi32>
        %add3A_864 = arith.addi %scan3A_812, %all_reduce_population_count3A_863 : vector<16xi32>
        %all_reduce_population_count3A_865 = tpu.all_reduce %eq3A_828 {dim = 0 : i64, kind = #tpu.reduction_kind<sum>} : vector<16xi1> -> vector<16xi32>
        %add3A_866 = arith.addi %scan3A_813, %all_reduce_population_count3A_865 : vector<16xi32>
        %all_reduce_population_count3A_867 = tpu.all_reduce %eq3A_831 {dim = 0 : i64, kind = #tpu.reduction_kind<sum>} : vector<16xi1> -> vector<16xi32>
        %add3A_868 = arith.addi %scan3A_814, %all_reduce_population_count3A_867 : vector<16xi32>
        scf.yield %add3A_862, %add3A_864, %add3A_866, %add3A_868 : vector<16xi32>, vector<16xi32>, vector<16xi32>, vector<16xi32>
      }
      %scan3A_198 = arith.constant 8 : i32
      %dma_start3A = arith.constant 0 : i32
      %dma_start3A_199 = arith.constant 0 : i32
      %dma_start3A_200 = tpu.memref_slice %arg17[%dma_start3A, %dma_start3A_199] : memref<1024x16xf32, #tpu.memory_space<vmem>> -> memref<128x16xf32, #tpu.memory_space<vmem>>
      %dma_start3A_201 = arith.constant 0 : i32
      %dma_start3A_202 = tpu.memref_slice %arg13[%dma_start3A_201] : memref<1024xi32, #tpu.memory_space<vmem>> -> memref<128xi32, #tpu.memory_space<vmem>>
      %dma_start3A_203 = arith.constant 0 : i32
      %dma_start3A_204 = arith.constant 0 : i32
      %dma_start3A_205 = tpu.memref_slice %arg2[%dma_start3A_203, %dma_start3A_204] : memref<10000x16xf32, #tpu.memory_space<hbm>> -> memref<10000x16xf32, #tpu.memory_space<hbm>>
      tpu.enqueue_indirect_dma source(%dma_start3A_205 : memref<10000x16xf32, #tpu.memory_space<hbm>>) target(%dma_start3A_200 : memref<128x16xf32, #tpu.memory_space<vmem>>) offsets(%dma_start3A_202 : memref<128xi32, #tpu.memory_space<vmem>>) semaphore(%arg20 : memref<!tpu.dma_semaphore, #tpu.memory_space<semaphore_mem>>)
      %dma_start3A_206 = arith.constant 0 : i32
      %dma_start3A_207 = arith.constant 0 : i32
      %dma_start3A_208 = tpu.memref_slice %arg18[%dma_start3A_206, %dma_start3A_207] : memref<1024x16xf32, #tpu.memory_space<vmem>> -> memref<128x16xf32, #tpu.memory_space<vmem>>
      %dma_start3A_209 = arith.constant 0 : i32
      %dma_start3A_210 = tpu.memref_slice %arg14[%dma_start3A_209] : memref<1024xi32, #tpu.memory_space<vmem>> -> memref<128xi32, #tpu.memory_space<vmem>>
      %dma_start3A_211 = arith.constant 0 : i32
      %dma_start3A_212 = arith.constant 0 : i32
      %dma_start3A_213 = tpu.memref_slice %arg2[%dma_start3A_211, %dma_start3A_212] : memref<10000x16xf32, #tpu.memory_space<hbm>> -> memref<10000x16xf32, #tpu.memory_space<hbm>>
      tpu.enqueue_indirect_dma source(%dma_start3A_213 : memref<10000x16xf32, #tpu.memory_space<hbm>>) target(%dma_start3A_208 : memref<128x16xf32, #tpu.memory_space<vmem>>) offsets(%dma_start3A_210 : memref<128xi32, #tpu.memory_space<vmem>>) semaphore(%arg20 : memref<!tpu.dma_semaphore, #tpu.memory_space<semaphore_mem>>)
      %dma_start3A_214 = arith.constant 128 : i32
      %dma_start3A_215 = arith.constant 0 : i32
      %dma_start3A_216 = tpu.memref_slice %arg17[%dma_start3A_214, %dma_start3A_215] : memref<1024x16xf32, #tpu.memory_space<vmem>> -> memref<128x16xf32, #tpu.memory_space<vmem>>
      %dma_start3A_217 = arith.constant 128 : i32
      %dma_start3A_218 = tpu.memref_slice %arg13[%dma_start3A_217] : memref<1024xi32, #tpu.memory_space<vmem>> -> memref<128xi32, #tpu.memory_space<vmem>>
      %dma_start3A_219 = arith.constant 0 : i32
      %dma_start3A_220 = arith.constant 0 : i32
      %dma_start3A_221 = tpu.memref_slice %arg2[%dma_start3A_219, %dma_start3A_220] : memref<10000x16xf32, #tpu.memory_space<hbm>> -> memref<10000x16xf32, #tpu.memory_space<hbm>>
      tpu.enqueue_indirect_dma source(%dma_start3A_221 : memref<10000x16xf32, #tpu.memory_space<hbm>>) target(%dma_start3A_216 : memref<128x16xf32, #tpu.memory_space<vmem>>) offsets(%dma_start3A_218 : memref<128xi32, #tpu.memory_space<vmem>>) semaphore(%arg20 : memref<!tpu.dma_semaphore, #tpu.memory_space<semaphore_mem>>)
      %dma_start3A_222 = arith.constant 128 : i32
      %dma_start3A_223 = arith.constant 0 : i32
      %dma_start3A_224 = tpu.memref_slice %arg18[%dma_start3A_222, %dma_start3A_223] : memref<1024x16xf32, #tpu.memory_space<vmem>> -> memref<128x16xf32, #tpu.memory_space<vmem>>
      %dma_start3A_225 = arith.constant 128 : i32
      %dma_start3A_226 = tpu.memref_slice %arg14[%dma_start3A_225] : memref<1024xi32, #tpu.memory_space<vmem>> -> memref<128xi32, #tpu.memory_space<vmem>>
      %dma_start3A_227 = arith.constant 0 : i32
      %dma_start3A_228 = arith.constant 0 : i32
      %dma_start3A_229 = tpu.memref_slice %arg2[%dma_start3A_227, %dma_start3A_228] : memref<10000x16xf32, #tpu.memory_space<hbm>> -> memref<10000x16xf32, #tpu.memory_space<hbm>>
      tpu.enqueue_indirect_dma source(%dma_start3A_229 : memref<10000x16xf32, #tpu.memory_space<hbm>>) target(%dma_start3A_224 : memref<128x16xf32, #tpu.memory_space<vmem>>) offsets(%dma_start3A_226 : memref<128xi32, #tpu.memory_space<vmem>>) semaphore(%arg20 : memref<!tpu.dma_semaphore, #tpu.memory_space<semaphore_mem>>)
      %dma_start3A_230 = arith.constant 256 : i32
      %dma_start3A_231 = arith.constant 0 : i32
      %dma_start3A_232 = tpu.memref_slice %arg17[%dma_start3A_230, %dma_start3A_231] : memref<1024x16xf32, #tpu.memory_space<vmem>> -> memref<128x16xf32, #tpu.memory_space<vmem>>
      %dma_start3A_233 = arith.constant 256 : i32
      %dma_start3A_234 = tpu.memref_slice %arg13[%dma_start3A_233] : memref<1024xi32, #tpu.memory_space<vmem>> -> memref<128xi32, #tpu.memory_space<vmem>>
      %dma_start3A_235 = arith.constant 0 : i32
      %dma_start3A_236 = arith.constant 0 : i32
      %dma_start3A_237 = tpu.memref_slice %arg2[%dma_start3A_235, %dma_start3A_236] : memref<10000x16xf32, #tpu.memory_space<hbm>> -> memref<10000x16xf32, #tpu.memory_space<hbm>>
      tpu.enqueue_indirect_dma source(%dma_start3A_237 : memref<10000x16xf32, #tpu.memory_space<hbm>>) target(%dma_start3A_232 : memref<128x16xf32, #tpu.memory_space<vmem>>) offsets(%dma_start3A_234 : memref<128xi32, #tpu.memory_space<vmem>>) semaphore(%arg20 : memref<!tpu.dma_semaphore, #tpu.memory_space<semaphore_mem>>)
      %dma_start3A_238 = arith.constant 256 : i32
      %dma_start3A_239 = arith.constant 0 : i32
      %dma_start3A_240 = tpu.memref_slice %arg18[%dma_start3A_238, %dma_start3A_239] : memref<1024x16xf32, #tpu.memory_space<vmem>> -> memref<128x16xf32, #tpu.memory_space<vmem>>
      %dma_start3A_241 = arith.constant 256 : i32
      %dma_start3A_242 = tpu.memref_slice %arg14[%dma_start3A_241] : memref<1024xi32, #tpu.memory_space<vmem>> -> memref<128xi32, #tpu.memory_space<vmem>>
      %dma_start3A_243 = arith.constant 0 : i32
      %dma_start3A_244 = arith.constant 0 : i32
      %dma_start3A_245 = tpu.memref_slice %arg2[%dma_start3A_243, %dma_start3A_244] : memref<10000x16xf32, #tpu.memory_space<hbm>> -> memref<10000x16xf32, #tpu.memory_space<hbm>>
      tpu.enqueue_indirect_dma source(%dma_start3A_245 : memref<10000x16xf32, #tpu.memory_space<hbm>>) target(%dma_start3A_240 : memref<128x16xf32, #tpu.memory_space<vmem>>) offsets(%dma_start3A_242 : memref<128xi32, #tpu.memory_space<vmem>>) semaphore(%arg20 : memref<!tpu.dma_semaphore, #tpu.memory_space<semaphore_mem>>)
      %dma_start3A_246 = arith.constant 384 : i32
      %dma_start3A_247 = arith.constant 0 : i32
      %dma_start3A_248 = tpu.memref_slice %arg17[%dma_start3A_246, %dma_start3A_247] : memref<1024x16xf32, #tpu.memory_space<vmem>> -> memref<128x16xf32, #tpu.memory_space<vmem>>
      %dma_start3A_249 = arith.constant 384 : i32
      %dma_start3A_250 = tpu.memref_slice %arg13[%dma_start3A_249] : memref<1024xi32, #tpu.memory_space<vmem>> -> memref<128xi32, #tpu.memory_space<vmem>>
      %dma_start3A_251 = arith.constant 0 : i32
      %dma_start3A_252 = arith.constant 0 : i32
      %dma_start3A_253 = tpu.memref_slice %arg2[%dma_start3A_251, %dma_start3A_252] : memref<10000x16xf32, #tpu.memory_space<hbm>> -> memref<10000x16xf32, #tpu.memory_space<hbm>>
      tpu.enqueue_indirect_dma source(%dma_start3A_253 : memref<10000x16xf32, #tpu.memory_space<hbm>>) target(%dma_start3A_248 : memref<128x16xf32, #tpu.memory_space<vmem>>) offsets(%dma_start3A_250 : memref<128xi32, #tpu.memory_space<vmem>>) semaphore(%arg20 : memref<!tpu.dma_semaphore, #tpu.memory_space<semaphore_mem>>)
      %dma_start3A_254 = arith.constant 384 : i32
      %dma_start3A_255 = arith.constant 0 : i32
      %dma_start3A_256 = tpu.memref_slice %arg18[%dma_start3A_254, %dma_start3A_255] : memref<1024x16xf32, #tpu.memory_space<vmem>> -> memref<128x16xf32, #tpu.memory_space<vmem>>
      %dma_start3A_257 = arith.constant 384 : i32
      %dma_start3A_258 = tpu.memref_slice %arg14[%dma_start3A_257] : memref<1024xi32, #tpu.memory_space<vmem>> -> memref<128xi32, #tpu.memory_space<vmem>>
      %dma_start3A_259 = arith.constant 0 : i32
      %dma_start3A_260 = arith.constant 0 : i32
      %dma_start3A_261 = tpu.memref_slice %arg2[%dma_start3A_259, %dma_start3A_260] : memref<10000x16xf32, #tpu.memory_space<hbm>> -> memref<10000x16xf32, #tpu.memory_space<hbm>>
      tpu.enqueue_indirect_dma source(%dma_start3A_261 : memref<10000x16xf32, #tpu.memory_space<hbm>>) target(%dma_start3A_256 : memref<128x16xf32, #tpu.memory_space<vmem>>) offsets(%dma_start3A_258 : memref<128xi32, #tpu.memory_space<vmem>>) semaphore(%arg20 : memref<!tpu.dma_semaphore, #tpu.memory_space<semaphore_mem>>)
      %dma_start3A_262 = arith.constant 512 : i32
      %dma_start3A_263 = arith.constant 0 : i32
      %dma_start3A_264 = tpu.memref_slice %arg17[%dma_start3A_262, %dma_start3A_263] : memref<1024x16xf32, #tpu.memory_space<vmem>> -> memref<128x16xf32, #tpu.memory_space<vmem>>
      %dma_start3A_265 = arith.constant 512 : i32
      %dma_start3A_266 = tpu.memref_slice %arg13[%dma_start3A_265] : memref<1024xi32, #tpu.memory_space<vmem>> -> memref<128xi32, #tpu.memory_space<vmem>>
      %dma_start3A_267 = arith.constant 0 : i32
      %dma_start3A_268 = arith.constant 0 : i32
      %dma_start3A_269 = tpu.memref_slice %arg2[%dma_start3A_267, %dma_start3A_268] : memref<10000x16xf32, #tpu.memory_space<hbm>> -> memref<10000x16xf32, #tpu.memory_space<hbm>>
      tpu.enqueue_indirect_dma source(%dma_start3A_269 : memref<10000x16xf32, #tpu.memory_space<hbm>>) target(%dma_start3A_264 : memref<128x16xf32, #tpu.memory_space<vmem>>) offsets(%dma_start3A_266 : memref<128xi32, #tpu.memory_space<vmem>>) semaphore(%arg20 : memref<!tpu.dma_semaphore, #tpu.memory_space<semaphore_mem>>)
      %dma_start3A_270 = arith.constant 512 : i32
      %dma_start3A_271 = arith.constant 0 : i32
      %dma_start3A_272 = tpu.memref_slice %arg18[%dma_start3A_270, %dma_start3A_271] : memref<1024x16xf32, #tpu.memory_space<vmem>> -> memref<128x16xf32, #tpu.memory_space<vmem>>
      %dma_start3A_273 = arith.constant 512 : i32
      %dma_start3A_274 = tpu.memref_slice %arg14[%dma_start3A_273] : memref<1024xi32, #tpu.memory_space<vmem>> -> memref<128xi32, #tpu.memory_space<vmem>>
      %dma_start3A_275 = arith.constant 0 : i32
      %dma_start3A_276 = arith.constant 0 : i32
      %dma_start3A_277 = tpu.memref_slice %arg2[%dma_start3A_275, %dma_start3A_276] : memref<10000x16xf32, #tpu.memory_space<hbm>> -> memref<10000x16xf32, #tpu.memory_space<hbm>>
      tpu.enqueue_indirect_dma source(%dma_start3A_277 : memref<10000x16xf32, #tpu.memory_space<hbm>>) target(%dma_start3A_272 : memref<128x16xf32, #tpu.memory_space<vmem>>) offsets(%dma_start3A_274 : memref<128xi32, #tpu.memory_space<vmem>>) semaphore(%arg20 : memref<!tpu.dma_semaphore, #tpu.memory_space<semaphore_mem>>)
      %dma_start3A_278 = arith.constant 640 : i32
      %dma_start3A_279 = arith.constant 0 : i32
      %dma_start3A_280 = tpu.memref_slice %arg17[%dma_start3A_278, %dma_start3A_279] : memref<1024x16xf32, #tpu.memory_space<vmem>> -> memref<128x16xf32, #tpu.memory_space<vmem>>
      %dma_start3A_281 = arith.constant 640 : i32
      %dma_start3A_282 = tpu.memref_slice %arg13[%dma_start3A_281] : memref<1024xi32, #tpu.memory_space<vmem>> -> memref<128xi32, #tpu.memory_space<vmem>>
      %dma_start3A_283 = arith.constant 0 : i32
      %dma_start3A_284 = arith.constant 0 : i32
      %dma_start3A_285 = tpu.memref_slice %arg2[%dma_start3A_283, %dma_start3A_284] : memref<10000x16xf32, #tpu.memory_space<hbm>> -> memref<10000x16xf32, #tpu.memory_space<hbm>>
      tpu.enqueue_indirect_dma source(%dma_start3A_285 : memref<10000x16xf32, #tpu.memory_space<hbm>>) target(%dma_start3A_280 : memref<128x16xf32, #tpu.memory_space<vmem>>) offsets(%dma_start3A_282 : memref<128xi32, #tpu.memory_space<vmem>>) semaphore(%arg20 : memref<!tpu.dma_semaphore, #tpu.memory_space<semaphore_mem>>)
      %dma_start3A_286 = arith.constant 640 : i32
      %dma_start3A_287 = arith.constant 0 : i32
      %dma_start3A_288 = tpu.memref_slice %arg18[%dma_start3A_286, %dma_start3A_287] : memref<1024x16xf32, #tpu.memory_space<vmem>> -> memref<128x16xf32, #tpu.memory_space<vmem>>
      %dma_start3A_289 = arith.constant 640 : i32
      %dma_start3A_290 = tpu.memref_slice %arg14[%dma_start3A_289] : memref<1024xi32, #tpu.memory_space<vmem>> -> memref<128xi32, #tpu.memory_space<vmem>>
      %dma_start3A_291 = arith.constant 0 : i32
      %dma_start3A_292 = arith.constant 0 : i32
      %dma_start3A_293 = tpu.memref_slice %arg2[%dma_start3A_291, %dma_start3A_292] : memref<10000x16xf32, #tpu.memory_space<hbm>> -> memref<10000x16xf32, #tpu.memory_space<hbm>>
      tpu.enqueue_indirect_dma source(%dma_start3A_293 : memref<10000x16xf32, #tpu.memory_space<hbm>>) target(%dma_start3A_288 : memref<128x16xf32, #tpu.memory_space<vmem>>) offsets(%dma_start3A_290 : memref<128xi32, #tpu.memory_space<vmem>>) semaphore(%arg20 : memref<!tpu.dma_semaphore, #tpu.memory_space<semaphore_mem>>)
      %dma_start3A_294 = arith.constant 768 : i32
      %dma_start3A_295 = arith.constant 0 : i32
      %dma_start3A_296 = tpu.memref_slice %arg17[%dma_start3A_294, %dma_start3A_295] : memref<1024x16xf32, #tpu.memory_space<vmem>> -> memref<128x16xf32, #tpu.memory_space<vmem>>
      %dma_start3A_297 = arith.constant 768 : i32
      %dma_start3A_298 = tpu.memref_slice %arg13[%dma_start3A_297] : memref<1024xi32, #tpu.memory_space<vmem>> -> memref<128xi32, #tpu.memory_space<vmem>>
      %dma_start3A_299 = arith.constant 0 : i32
      %dma_start3A_300 = arith.constant 0 : i32
      %dma_start3A_301 = tpu.memref_slice %arg2[%dma_start3A_299, %dma_start3A_300] : memref<10000x16xf32, #tpu.memory_space<hbm>> -> memref<10000x16xf32, #tpu.memory_space<hbm>>
      tpu.enqueue_indirect_dma source(%dma_start3A_301 : memref<10000x16xf32, #tpu.memory_space<hbm>>) target(%dma_start3A_296 : memref<128x16xf32, #tpu.memory_space<vmem>>) offsets(%dma_start3A_298 : memref<128xi32, #tpu.memory_space<vmem>>) semaphore(%arg20 : memref<!tpu.dma_semaphore, #tpu.memory_space<semaphore_mem>>)
      %dma_start3A_302 = arith.constant 768 : i32
      %dma_start3A_303 = arith.constant 0 : i32
      %dma_start3A_304 = tpu.memref_slice %arg18[%dma_start3A_302, %dma_start3A_303] : memref<1024x16xf32, #tpu.memory_space<vmem>> -> memref<128x16xf32, #tpu.memory_space<vmem>>
      %dma_start3A_305 = arith.constant 768 : i32
      %dma_start3A_306 = tpu.memref_slice %arg14[%dma_start3A_305] : memref<1024xi32, #tpu.memory_space<vmem>> -> memref<128xi32, #tpu.memory_space<vmem>>
      %dma_start3A_307 = arith.constant 0 : i32
      %dma_start3A_308 = arith.constant 0 : i32
      %dma_start3A_309 = tpu.memref_slice %arg2[%dma_start3A_307, %dma_start3A_308] : memref<10000x16xf32, #tpu.memory_space<hbm>> -> memref<10000x16xf32, #tpu.memory_space<hbm>>
      tpu.enqueue_indirect_dma source(%dma_start3A_309 : memref<10000x16xf32, #tpu.memory_space<hbm>>) target(%dma_start3A_304 : memref<128x16xf32, #tpu.memory_space<vmem>>) offsets(%dma_start3A_306 : memref<128xi32, #tpu.memory_space<vmem>>) semaphore(%arg20 : memref<!tpu.dma_semaphore, #tpu.memory_space<semaphore_mem>>)
      %dma_start3A_310 = arith.constant 896 : i32
      %dma_start3A_311 = arith.constant 0 : i32
      %dma_start3A_312 = tpu.memref_slice %arg17[%dma_start3A_310, %dma_start3A_311] : memref<1024x16xf32, #tpu.memory_space<vmem>> -> memref<128x16xf32, #tpu.memory_space<vmem>>
      %dma_start3A_313 = arith.constant 896 : i32
      %dma_start3A_314 = tpu.memref_slice %arg13[%dma_start3A_313] : memref<1024xi32, #tpu.memory_space<vmem>> -> memref<128xi32, #tpu.memory_space<vmem>>
      %dma_start3A_315 = arith.constant 0 : i32
      %dma_start3A_316 = arith.constant 0 : i32
      %dma_start3A_317 = tpu.memref_slice %arg2[%dma_start3A_315, %dma_start3A_316] : memref<10000x16xf32, #tpu.memory_space<hbm>> -> memref<10000x16xf32, #tpu.memory_space<hbm>>
      tpu.enqueue_indirect_dma source(%dma_start3A_317 : memref<10000x16xf32, #tpu.memory_space<hbm>>) target(%dma_start3A_312 : memref<128x16xf32, #tpu.memory_space<vmem>>) offsets(%dma_start3A_314 : memref<128xi32, #tpu.memory_space<vmem>>) semaphore(%arg20 : memref<!tpu.dma_semaphore, #tpu.memory_space<semaphore_mem>>)
      %dma_start3A_318 = arith.constant 896 : i32
      %dma_start3A_319 = arith.constant 0 : i32
      %dma_start3A_320 = tpu.memref_slice %arg18[%dma_start3A_318, %dma_start3A_319] : memref<1024x16xf32, #tpu.memory_space<vmem>> -> memref<128x16xf32, #tpu.memory_space<vmem>>
      %dma_start3A_321 = arith.constant 896 : i32
      %dma_start3A_322 = tpu.memref_slice %arg14[%dma_start3A_321] : memref<1024xi32, #tpu.memory_space<vmem>> -> memref<128xi32, #tpu.memory_space<vmem>>
      %dma_start3A_323 = arith.constant 0 : i32
      %dma_start3A_324 = arith.constant 0 : i32
      %dma_start3A_325 = tpu.memref_slice %arg2[%dma_start3A_323, %dma_start3A_324] : memref<10000x16xf32, #tpu.memory_space<hbm>> -> memref<10000x16xf32, #tpu.memory_space<hbm>>
      tpu.enqueue_indirect_dma source(%dma_start3A_325 : memref<10000x16xf32, #tpu.memory_space<hbm>>) target(%dma_start3A_320 : memref<128x16xf32, #tpu.memory_space<vmem>>) offsets(%dma_start3A_322 : memref<128xi32, #tpu.memory_space<vmem>>) semaphore(%arg20 : memref<!tpu.dma_semaphore, #tpu.memory_space<semaphore_mem>>)
      %dma_wait3A = arith.constant 0 : i32
      %dma_wait3A_326 = arith.constant 0 : i32
      %dma_wait3A_327 = tpu.memref_slice %arg17[%dma_wait3A, %dma_wait3A_326] : memref<1024x16xf32, #tpu.memory_space<vmem>> -> memref<128x16xf32, #tpu.memory_space<vmem>>
      %dma_wait3A_328 = arith.constant 0 : i32
      %dma_wait3A_329 = tpu.memref_slice %arg13[%dma_wait3A_328] : memref<1024xi32, #tpu.memory_space<vmem>> -> memref<128xi32, #tpu.memory_space<vmem>>
      %dma_wait3A_330 = arith.constant 0 : i32
      %dma_wait3A_331 = arith.constant 0 : i32
      %dma_wait3A_332 = tpu.memref_slice %arg2[%dma_wait3A_330, %dma_wait3A_331] : memref<10000x16xf32, #tpu.memory_space<hbm>> -> memref<10000x16xf32, #tpu.memory_space<hbm>>
      tpu.wait_indirect_dma semaphore(%arg20 : memref<!tpu.dma_semaphore, #tpu.memory_space<semaphore_mem>>) src(%dma_wait3A_332 : memref<10000x16xf32, #tpu.memory_space<hbm>>) dst(%dma_wait3A_327 : memref<128x16xf32, #tpu.memory_space<vmem>>)
      %dma_wait3A_333 = arith.constant 0 : i32
      %dma_wait3A_334 = arith.constant 0 : i32
      %dma_wait3A_335 = tpu.memref_slice %arg18[%dma_wait3A_333, %dma_wait3A_334] : memref<1024x16xf32, #tpu.memory_space<vmem>> -> memref<128x16xf32, #tpu.memory_space<vmem>>
      %dma_wait3A_336 = arith.constant 0 : i32
      %dma_wait3A_337 = tpu.memref_slice %arg14[%dma_wait3A_336] : memref<1024xi32, #tpu.memory_space<vmem>> -> memref<128xi32, #tpu.memory_space<vmem>>
      %dma_wait3A_338 = arith.constant 0 : i32
      %dma_wait3A_339 = arith.constant 0 : i32
      %dma_wait3A_340 = tpu.memref_slice %arg2[%dma_wait3A_338, %dma_wait3A_339] : memref<10000x16xf32, #tpu.memory_space<hbm>> -> memref<10000x16xf32, #tpu.memory_space<hbm>>
      tpu.wait_indirect_dma semaphore(%arg20 : memref<!tpu.dma_semaphore, #tpu.memory_space<semaphore_mem>>) src(%dma_wait3A_340 : memref<10000x16xf32, #tpu.memory_space<hbm>>) dst(%dma_wait3A_335 : memref<128x16xf32, #tpu.memory_space<vmem>>)
      %dma_wait3A_341 = arith.constant 128 : i32
      %dma_wait3A_342 = arith.constant 0 : i32
      %dma_wait3A_343 = tpu.memref_slice %arg17[%dma_wait3A_341, %dma_wait3A_342] : memref<1024x16xf32, #tpu.memory_space<vmem>> -> memref<128x16xf32, #tpu.memory_space<vmem>>
      %dma_wait3A_344 = arith.constant 128 : i32
      %dma_wait3A_345 = tpu.memref_slice %arg13[%dma_wait3A_344] : memref<1024xi32, #tpu.memory_space<vmem>> -> memref<128xi32, #tpu.memory_space<vmem>>
      %dma_wait3A_346 = arith.constant 0 : i32
      %dma_wait3A_347 = arith.constant 0 : i32
      %dma_wait3A_348 = tpu.memref_slice %arg2[%dma_wait3A_346, %dma_wait3A_347] : memref<10000x16xf32, #tpu.memory_space<hbm>> -> memref<10000x16xf32, #tpu.memory_space<hbm>>
      tpu.wait_indirect_dma semaphore(%arg20 : memref<!tpu.dma_semaphore, #tpu.memory_space<semaphore_mem>>) src(%dma_wait3A_348 : memref<10000x16xf32, #tpu.memory_space<hbm>>) dst(%dma_wait3A_343 : memref<128x16xf32, #tpu.memory_space<vmem>>)
      %dma_wait3A_349 = arith.constant 128 : i32
      %dma_wait3A_350 = arith.constant 0 : i32
      %dma_wait3A_351 = tpu.memref_slice %arg18[%dma_wait3A_349, %dma_wait3A_350] : memref<1024x16xf32, #tpu.memory_space<vmem>> -> memref<128x16xf32, #tpu.memory_space<vmem>>
      %dma_wait3A_352 = arith.constant 128 : i32
      %dma_wait3A_353 = tpu.memref_slice %arg14[%dma_wait3A_352] : memref<1024xi32, #tpu.memory_space<vmem>> -> memref<128xi32, #tpu.memory_space<vmem>>
      %dma_wait3A_354 = arith.constant 0 : i32
      %dma_wait3A_355 = arith.constant 0 : i32
      %dma_wait3A_356 = tpu.memref_slice %arg2[%dma_wait3A_354, %dma_wait3A_355] : memref<10000x16xf32, #tpu.memory_space<hbm>> -> memref<10000x16xf32, #tpu.memory_space<hbm>>
      tpu.wait_indirect_dma semaphore(%arg20 : memref<!tpu.dma_semaphore, #tpu.memory_space<semaphore_mem>>) src(%dma_wait3A_356 : memref<10000x16xf32, #tpu.memory_space<hbm>>) dst(%dma_wait3A_351 : memref<128x16xf32, #tpu.memory_space<vmem>>)
      %dma_wait3A_357 = arith.constant 256 : i32
      %dma_wait3A_358 = arith.constant 0 : i32
      %dma_wait3A_359 = tpu.memref_slice %arg17[%dma_wait3A_357, %dma_wait3A_358] : memref<1024x16xf32, #tpu.memory_space<vmem>> -> memref<128x16xf32, #tpu.memory_space<vmem>>
      %dma_wait3A_360 = arith.constant 256 : i32
      %dma_wait3A_361 = tpu.memref_slice %arg13[%dma_wait3A_360] : memref<1024xi32, #tpu.memory_space<vmem>> -> memref<128xi32, #tpu.memory_space<vmem>>
      %dma_wait3A_362 = arith.constant 0 : i32
      %dma_wait3A_363 = arith.constant 0 : i32
      %dma_wait3A_364 = tpu.memref_slice %arg2[%dma_wait3A_362, %dma_wait3A_363] : memref<10000x16xf32, #tpu.memory_space<hbm>> -> memref<10000x16xf32, #tpu.memory_space<hbm>>
      tpu.wait_indirect_dma semaphore(%arg20 : memref<!tpu.dma_semaphore, #tpu.memory_space<semaphore_mem>>) src(%dma_wait3A_364 : memref<10000x16xf32, #tpu.memory_space<hbm>>) dst(%dma_wait3A_359 : memref<128x16xf32, #tpu.memory_space<vmem>>)
      %dma_wait3A_365 = arith.constant 256 : i32
      %dma_wait3A_366 = arith.constant 0 : i32
      %dma_wait3A_367 = tpu.memref_slice %arg18[%dma_wait3A_365, %dma_wait3A_366] : memref<1024x16xf32, #tpu.memory_space<vmem>> -> memref<128x16xf32, #tpu.memory_space<vmem>>
      %dma_wait3A_368 = arith.constant 256 : i32
      %dma_wait3A_369 = tpu.memref_slice %arg14[%dma_wait3A_368] : memref<1024xi32, #tpu.memory_space<vmem>> -> memref<128xi32, #tpu.memory_space<vmem>>
      %dma_wait3A_370 = arith.constant 0 : i32
      %dma_wait3A_371 = arith.constant 0 : i32
      %dma_wait3A_372 = tpu.memref_slice %arg2[%dma_wait3A_370, %dma_wait3A_371] : memref<10000x16xf32, #tpu.memory_space<hbm>> -> memref<10000x16xf32, #tpu.memory_space<hbm>>
      tpu.wait_indirect_dma semaphore(%arg20 : memref<!tpu.dma_semaphore, #tpu.memory_space<semaphore_mem>>) src(%dma_wait3A_372 : memref<10000x16xf32, #tpu.memory_space<hbm>>) dst(%dma_wait3A_367 : memref<128x16xf32, #tpu.memory_space<vmem>>)
      %dma_wait3A_373 = arith.constant 384 : i32
      %dma_wait3A_374 = arith.constant 0 : i32
      %dma_wait3A_375 = tpu.memref_slice %arg17[%dma_wait3A_373, %dma_wait3A_374] : memref<1024x16xf32, #tpu.memory_space<vmem>> -> memref<128x16xf32, #tpu.memory_space<vmem>>
      %dma_wait3A_376 = arith.constant 384 : i32
      %dma_wait3A_377 = tpu.memref_slice %arg13[%dma_wait3A_376] : memref<1024xi32, #tpu.memory_space<vmem>> -> memref<128xi32, #tpu.memory_space<vmem>>
      %dma_wait3A_378 = arith.constant 0 : i32
      %dma_wait3A_379 = arith.constant 0 : i32
      %dma_wait3A_380 = tpu.memref_slice %arg2[%dma_wait3A_378, %dma_wait3A_379] : memref<10000x16xf32, #tpu.memory_space<hbm>> -> memref<10000x16xf32, #tpu.memory_space<hbm>>
      tpu.wait_indirect_dma semaphore(%arg20 : memref<!tpu.dma_semaphore, #tpu.memory_space<semaphore_mem>>) src(%dma_wait3A_380 : memref<10000x16xf32, #tpu.memory_space<hbm>>) dst(%dma_wait3A_375 : memref<128x16xf32, #tpu.memory_space<vmem>>)
      %dma_wait3A_381 = arith.constant 384 : i32
      %dma_wait3A_382 = arith.constant 0 : i32
      %dma_wait3A_383 = tpu.memref_slice %arg18[%dma_wait3A_381, %dma_wait3A_382] : memref<1024x16xf32, #tpu.memory_space<vmem>> -> memref<128x16xf32, #tpu.memory_space<vmem>>
      %dma_wait3A_384 = arith.constant 384 : i32
      %dma_wait3A_385 = tpu.memref_slice %arg14[%dma_wait3A_384] : memref<1024xi32, #tpu.memory_space<vmem>> -> memref<128xi32, #tpu.memory_space<vmem>>
      %dma_wait3A_386 = arith.constant 0 : i32
      %dma_wait3A_387 = arith.constant 0 : i32
      %dma_wait3A_388 = tpu.memref_slice %arg2[%dma_wait3A_386, %dma_wait3A_387] : memref<10000x16xf32, #tpu.memory_space<hbm>> -> memref<10000x16xf32, #tpu.memory_space<hbm>>
      tpu.wait_indirect_dma semaphore(%arg20 : memref<!tpu.dma_semaphore, #tpu.memory_space<semaphore_mem>>) src(%dma_wait3A_388 : memref<10000x16xf32, #tpu.memory_space<hbm>>) dst(%dma_wait3A_383 : memref<128x16xf32, #tpu.memory_space<vmem>>)
      %dma_wait3A_389 = arith.constant 512 : i32
      %dma_wait3A_390 = arith.constant 0 : i32
      %dma_wait3A_391 = tpu.memref_slice %arg17[%dma_wait3A_389, %dma_wait3A_390] : memref<1024x16xf32, #tpu.memory_space<vmem>> -> memref<128x16xf32, #tpu.memory_space<vmem>>
      %dma_wait3A_392 = arith.constant 512 : i32
      %dma_wait3A_393 = tpu.memref_slice %arg13[%dma_wait3A_392] : memref<1024xi32, #tpu.memory_space<vmem>> -> memref<128xi32, #tpu.memory_space<vmem>>
      %dma_wait3A_394 = arith.constant 0 : i32
      %dma_wait3A_395 = arith.constant 0 : i32
      %dma_wait3A_396 = tpu.memref_slice %arg2[%dma_wait3A_394, %dma_wait3A_395] : memref<10000x16xf32, #tpu.memory_space<hbm>> -> memref<10000x16xf32, #tpu.memory_space<hbm>>
      tpu.wait_indirect_dma semaphore(%arg20 : memref<!tpu.dma_semaphore, #tpu.memory_space<semaphore_mem>>) src(%dma_wait3A_396 : memref<10000x16xf32, #tpu.memory_space<hbm>>) dst(%dma_wait3A_391 : memref<128x16xf32, #tpu.memory_space<vmem>>)
      %dma_wait3A_397 = arith.constant 512 : i32
      %dma_wait3A_398 = arith.constant 0 : i32
      %dma_wait3A_399 = tpu.memref_slice %arg18[%dma_wait3A_397, %dma_wait3A_398] : memref<1024x16xf32, #tpu.memory_space<vmem>> -> memref<128x16xf32, #tpu.memory_space<vmem>>
      %dma_wait3A_400 = arith.constant 512 : i32
      %dma_wait3A_401 = tpu.memref_slice %arg14[%dma_wait3A_400] : memref<1024xi32, #tpu.memory_space<vmem>> -> memref<128xi32, #tpu.memory_space<vmem>>
      %dma_wait3A_402 = arith.constant 0 : i32
      %dma_wait3A_403 = arith.constant 0 : i32
      %dma_wait3A_404 = tpu.memref_slice %arg2[%dma_wait3A_402, %dma_wait3A_403] : memref<10000x16xf32, #tpu.memory_space<hbm>> -> memref<10000x16xf32, #tpu.memory_space<hbm>>
      tpu.wait_indirect_dma semaphore(%arg20 : memref<!tpu.dma_semaphore, #tpu.memory_space<semaphore_mem>>) src(%dma_wait3A_404 : memref<10000x16xf32, #tpu.memory_space<hbm>>) dst(%dma_wait3A_399 : memref<128x16xf32, #tpu.memory_space<vmem>>)
      %dma_wait3A_405 = arith.constant 640 : i32
      %dma_wait3A_406 = arith.constant 0 : i32
      %dma_wait3A_407 = tpu.memref_slice %arg17[%dma_wait3A_405, %dma_wait3A_406] : memref<1024x16xf32, #tpu.memory_space<vmem>> -> memref<128x16xf32, #tpu.memory_space<vmem>>
      %dma_wait3A_408 = arith.constant 640 : i32
      %dma_wait3A_409 = tpu.memref_slice %arg13[%dma_wait3A_408] : memref<1024xi32, #tpu.memory_space<vmem>> -> memref<128xi32, #tpu.memory_space<vmem>>
      %dma_wait3A_410 = arith.constant 0 : i32
      %dma_wait3A_411 = arith.constant 0 : i32
      %dma_wait3A_412 = tpu.memref_slice %arg2[%dma_wait3A_410, %dma_wait3A_411] : memref<10000x16xf32, #tpu.memory_space<hbm>> -> memref<10000x16xf32, #tpu.memory_space<hbm>>
      tpu.wait_indirect_dma semaphore(%arg20 : memref<!tpu.dma_semaphore, #tpu.memory_space<semaphore_mem>>) src(%dma_wait3A_412 : memref<10000x16xf32, #tpu.memory_space<hbm>>) dst(%dma_wait3A_407 : memref<128x16xf32, #tpu.memory_space<vmem>>)
      %dma_wait3A_413 = arith.constant 640 : i32
      %dma_wait3A_414 = arith.constant 0 : i32
      %dma_wait3A_415 = tpu.memref_slice %arg18[%dma_wait3A_413, %dma_wait3A_414] : memref<1024x16xf32, #tpu.memory_space<vmem>> -> memref<128x16xf32, #tpu.memory_space<vmem>>
      %dma_wait3A_416 = arith.constant 640 : i32
      %dma_wait3A_417 = tpu.memref_slice %arg14[%dma_wait3A_416] : memref<1024xi32, #tpu.memory_space<vmem>> -> memref<128xi32, #tpu.memory_space<vmem>>
      %dma_wait3A_418 = arith.constant 0 : i32
      %dma_wait3A_419 = arith.constant 0 : i32
      %dma_wait3A_420 = tpu.memref_slice %arg2[%dma_wait3A_418, %dma_wait3A_419] : memref<10000x16xf32, #tpu.memory_space<hbm>> -> memref<10000x16xf32, #tpu.memory_space<hbm>>
      tpu.wait_indirect_dma semaphore(%arg20 : memref<!tpu.dma_semaphore, #tpu.memory_space<semaphore_mem>>) src(%dma_wait3A_420 : memref<10000x16xf32, #tpu.memory_space<hbm>>) dst(%dma_wait3A_415 : memref<128x16xf32, #tpu.memory_space<vmem>>)
      %dma_wait3A_421 = arith.constant 768 : i32
      %dma_wait3A_422 = arith.constant 0 : i32
      %dma_wait3A_423 = tpu.memref_slice %arg17[%dma_wait3A_421, %dma_wait3A_422] : memref<1024x16xf32, #tpu.memory_space<vmem>> -> memref<128x16xf32, #tpu.memory_space<vmem>>
      %dma_wait3A_424 = arith.constant 768 : i32
      %dma_wait3A_425 = tpu.memref_slice %arg13[%dma_wait3A_424] : memref<1024xi32, #tpu.memory_space<vmem>> -> memref<128xi32, #tpu.memory_space<vmem>>
      %dma_wait3A_426 = arith.constant 0 : i32
      %dma_wait3A_427 = arith.constant 0 : i32
      %dma_wait3A_428 = tpu.memref_slice %arg2[%dma_wait3A_426, %dma_wait3A_427] : memref<10000x16xf32, #tpu.memory_space<hbm>> -> memref<10000x16xf32, #tpu.memory_space<hbm>>
      tpu.wait_indirect_dma semaphore(%arg20 : memref<!tpu.dma_semaphore, #tpu.memory_space<semaphore_mem>>) src(%dma_wait3A_428 : memref<10000x16xf32, #tpu.memory_space<hbm>>) dst(%dma_wait3A_423 : memref<128x16xf32, #tpu.memory_space<vmem>>)
      %dma_wait3A_429 = arith.constant 768 : i32
      %dma_wait3A_430 = arith.constant 0 : i32
      %dma_wait3A_431 = tpu.memref_slice %arg18[%dma_wait3A_429, %dma_wait3A_430] : memref<1024x16xf32, #tpu.memory_space<vmem>> -> memref<128x16xf32, #tpu.memory_space<vmem>>
      %dma_wait3A_432 = arith.constant 768 : i32
      %dma_wait3A_433 = tpu.memref_slice %arg14[%dma_wait3A_432] : memref<1024xi32, #tpu.memory_space<vmem>> -> memref<128xi32, #tpu.memory_space<vmem>>
      %dma_wait3A_434 = arith.constant 0 : i32
      %dma_wait3A_435 = arith.constant 0 : i32
      %dma_wait3A_436 = tpu.memref_slice %arg2[%dma_wait3A_434, %dma_wait3A_435] : memref<10000x16xf32, #tpu.memory_space<hbm>> -> memref<10000x16xf32, #tpu.memory_space<hbm>>
      tpu.wait_indirect_dma semaphore(%arg20 : memref<!tpu.dma_semaphore, #tpu.memory_space<semaphore_mem>>) src(%dma_wait3A_436 : memref<10000x16xf32, #tpu.memory_space<hbm>>) dst(%dma_wait3A_431 : memref<128x16xf32, #tpu.memory_space<vmem>>)
      %dma_wait3A_437 = arith.constant 896 : i32
      %dma_wait3A_438 = arith.constant 0 : i32
      %dma_wait3A_439 = tpu.memref_slice %arg17[%dma_wait3A_437, %dma_wait3A_438] : memref<1024x16xf32, #tpu.memory_space<vmem>> -> memref<128x16xf32, #tpu.memory_space<vmem>>
      %dma_wait3A_440 = arith.constant 896 : i32
      %dma_wait3A_441 = tpu.memref_slice %arg13[%dma_wait3A_440] : memref<1024xi32, #tpu.memory_space<vmem>> -> memref<128xi32, #tpu.memory_space<vmem>>
      %dma_wait3A_442 = arith.constant 0 : i32
      %dma_wait3A_443 = arith.constant 0 : i32
      %dma_wait3A_444 = tpu.memref_slice %arg2[%dma_wait3A_442, %dma_wait3A_443] : memref<10000x16xf32, #tpu.memory_space<hbm>> -> memref<10000x16xf32, #tpu.memory_space<hbm>>
      tpu.wait_indirect_dma semaphore(%arg20 : memref<!tpu.dma_semaphore, #tpu.memory_space<semaphore_mem>>) src(%dma_wait3A_444 : memref<10000x16xf32, #tpu.memory_space<hbm>>) dst(%dma_wait3A_439 : memref<128x16xf32, #tpu.memory_space<vmem>>)
      %dma_wait3A_445 = arith.constant 896 : i32
      %dma_wait3A_446 = arith.constant 0 : i32
      %dma_wait3A_447 = tpu.memref_slice %arg18[%dma_wait3A_445, %dma_wait3A_446] : memref<1024x16xf32, #tpu.memory_space<vmem>> -> memref<128x16xf32, #tpu.memory_space<vmem>>
      %dma_wait3A_448 = arith.constant 896 : i32
      %dma_wait3A_449 = tpu.memref_slice %arg14[%dma_wait3A_448] : memref<1024xi32, #tpu.memory_space<vmem>> -> memref<128xi32, #tpu.memory_space<vmem>>
      %dma_wait3A_450 = arith.constant 0 : i32
      %dma_wait3A_451 = arith.constant 0 : i32
      %dma_wait3A_452 = tpu.memref_slice %arg2[%dma_wait3A_450, %dma_wait3A_451] : memref<10000x16xf32, #tpu.memory_space<hbm>> -> memref<10000x16xf32, #tpu.memory_space<hbm>>
      tpu.wait_indirect_dma semaphore(%arg20 : memref<!tpu.dma_semaphore, #tpu.memory_space<semaphore_mem>>) src(%dma_wait3A_452 : memref<10000x16xf32, #tpu.memory_space<hbm>>) dst(%dma_wait3A_447 : memref<128x16xf32, #tpu.memory_space<vmem>>)
      %dma_start3A_453 = arith.constant 0 : i32
      %dma_start3A_454 = arith.constant 0 : i32
      %dma_start3A_455 = arith.constant 0 : i32
      %dma_start3A_456 = arith.constant 0 : i32
      %dma_start3A_457 = tpu.memref_slice %arg17[%dma_start3A_455, %dma_start3A_456] : memref<1024x16xf32, #tpu.memory_space<vmem>> -> memref<128x16xf32, #tpu.memory_space<vmem>>
      %dma_start3A_458 = arith.constant 0 : i32
      %dma_start3A_459 = tpu.memref_slice %arg16[%dma_start3A_453, %dma_start3A_454, %dma_start3A_458] : memref<8x1x128xi32, #tpu.memory_space<vmem>> -> memref<1x1x128xi32, #tpu.memory_space<vmem>>
      %dma_start3A_460 = tpu.memref_squeeze %dma_start3A_459 : memref<1x1x128xi32, #tpu.memory_space<vmem>> -> memref<128xi32, #tpu.memory_space<vmem>>
      %dma_start3A_461 = arith.constant 0 : i32
      %dma_start3A_462 = arith.constant 0 : i32
      %dma_start3A_463 = tpu.memref_slice %arg7[%dma_start3A_461, %dma_start3A_462] : memref<164864x16xf32, #tpu.memory_space<hbm>> -> memref<164864x16xf32, #tpu.memory_space<hbm>>
      tpu.enqueue_indirect_dma source(%dma_start3A_457 : memref<128x16xf32, #tpu.memory_space<vmem>>) target(%dma_start3A_463 : memref<164864x16xf32, #tpu.memory_space<hbm>>) offsets(%dma_start3A_460 : memref<128xi32, #tpu.memory_space<vmem>>) semaphore(%arg21 : memref<!tpu.dma_semaphore, #tpu.memory_space<semaphore_mem>>)
      %dma_start3A_464 = arith.constant 0 : i32
      %dma_start3A_465 = arith.constant 0 : i32
      %dma_start3A_466 = arith.constant 0 : i32
      %dma_start3A_467 = arith.constant 0 : i32
      %dma_start3A_468 = tpu.memref_slice %arg18[%dma_start3A_466, %dma_start3A_467] : memref<1024x16xf32, #tpu.memory_space<vmem>> -> memref<128x16xf32, #tpu.memory_space<vmem>>
      %dma_start3A_469 = arith.constant 0 : i32
      %dma_start3A_470 = tpu.memref_slice %arg16[%dma_start3A_464, %dma_start3A_465, %dma_start3A_469] : memref<8x1x128xi32, #tpu.memory_space<vmem>> -> memref<1x1x128xi32, #tpu.memory_space<vmem>>
      %dma_start3A_471 = tpu.memref_squeeze %dma_start3A_470 : memref<1x1x128xi32, #tpu.memory_space<vmem>> -> memref<128xi32, #tpu.memory_space<vmem>>
      %dma_start3A_472 = arith.constant 0 : i32
      %dma_start3A_473 = arith.constant 0 : i32
      %dma_start3A_474 = tpu.memref_slice %arg8[%dma_start3A_472, %dma_start3A_473] : memref<164864x16xf32, #tpu.memory_space<hbm>> -> memref<164864x16xf32, #tpu.memory_space<hbm>>
      tpu.enqueue_indirect_dma source(%dma_start3A_468 : memref<128x16xf32, #tpu.memory_space<vmem>>) target(%dma_start3A_474 : memref<164864x16xf32, #tpu.memory_space<hbm>>) offsets(%dma_start3A_471 : memref<128xi32, #tpu.memory_space<vmem>>) semaphore(%arg21 : memref<!tpu.dma_semaphore, #tpu.memory_space<semaphore_mem>>)
      %dma_start3A_475 = arith.constant 1 : i32
      %dma_start3A_476 = arith.constant 0 : i32
      %dma_start3A_477 = arith.constant 128 : i32
      %dma_start3A_478 = arith.constant 0 : i32
      %dma_start3A_479 = tpu.memref_slice %arg17[%dma_start3A_477, %dma_start3A_478] : memref<1024x16xf32, #tpu.memory_space<vmem>> -> memref<128x16xf32, #tpu.memory_space<vmem>>
      %dma_start3A_480 = arith.constant 0 : i32
      %dma_start3A_481 = tpu.memref_slice %arg16[%dma_start3A_475, %dma_start3A_476, %dma_start3A_480] : memref<8x1x128xi32, #tpu.memory_space<vmem>> -> memref<1x1x128xi32, #tpu.memory_space<vmem>>
      %dma_start3A_482 = tpu.memref_squeeze %dma_start3A_481 : memref<1x1x128xi32, #tpu.memory_space<vmem>> -> memref<128xi32, #tpu.memory_space<vmem>>
      %dma_start3A_483 = arith.constant 0 : i32
      %dma_start3A_484 = arith.constant 0 : i32
      %dma_start3A_485 = tpu.memref_slice %arg7[%dma_start3A_483, %dma_start3A_484] : memref<164864x16xf32, #tpu.memory_space<hbm>> -> memref<164864x16xf32, #tpu.memory_space<hbm>>
      tpu.enqueue_indirect_dma source(%dma_start3A_479 : memref<128x16xf32, #tpu.memory_space<vmem>>) target(%dma_start3A_485 : memref<164864x16xf32, #tpu.memory_space<hbm>>) offsets(%dma_start3A_482 : memref<128xi32, #tpu.memory_space<vmem>>) semaphore(%arg21 : memref<!tpu.dma_semaphore, #tpu.memory_space<semaphore_mem>>)
      %dma_start3A_486 = arith.constant 1 : i32
      %dma_start3A_487 = arith.constant 0 : i32
      %dma_start3A_488 = arith.constant 128 : i32
      %dma_start3A_489 = arith.constant 0 : i32
      %dma_start3A_490 = tpu.memref_slice %arg18[%dma_start3A_488, %dma_start3A_489] : memref<1024x16xf32, #tpu.memory_space<vmem>> -> memref<128x16xf32, #tpu.memory_space<vmem>>
      %dma_start3A_491 = arith.constant 0 : i32
      %dma_start3A_492 = tpu.memref_slice %arg16[%dma_start3A_486, %dma_start3A_487, %dma_start3A_491] : memref<8x1x128xi32, #tpu.memory_space<vmem>> -> memref<1x1x128xi32, #tpu.memory_space<vmem>>
      %dma_start3A_493 = tpu.memref_squeeze %dma_start3A_492 : memref<1x1x128xi32, #tpu.memory_space<vmem>> -> memref<128xi32, #tpu.memory_space<vmem>>
      %dma_start3A_494 = arith.constant 0 : i32
      %dma_start3A_495 = arith.constant 0 : i32
      %dma_start3A_496 = tpu.memref_slice %arg8[%dma_start3A_494, %dma_start3A_495] : memref<164864x16xf32, #tpu.memory_space<hbm>> -> memref<164864x16xf32, #tpu.memory_space<hbm>>
      tpu.enqueue_indirect_dma source(%dma_start3A_490 : memref<128x16xf32, #tpu.memory_space<vmem>>) target(%dma_start3A_496 : memref<164864x16xf32, #tpu.memory_space<hbm>>) offsets(%dma_start3A_493 : memref<128xi32, #tpu.memory_space<vmem>>) semaphore(%arg21 : memref<!tpu.dma_semaphore, #tpu.memory_space<semaphore_mem>>)
      %dma_start3A_497 = arith.constant 2 : i32
      %dma_start3A_498 = arith.constant 0 : i32
      %dma_start3A_499 = arith.constant 256 : i32
      %dma_start3A_500 = arith.constant 0 : i32
      %dma_start3A_501 = tpu.memref_slice %arg17[%dma_start3A_499, %dma_start3A_500] : memref<1024x16xf32, #tpu.memory_space<vmem>> -> memref<128x16xf32, #tpu.memory_space<vmem>>
      %dma_start3A_502 = arith.constant 0 : i32
      %dma_start3A_503 = tpu.memref_slice %arg16[%dma_start3A_497, %dma_start3A_498, %dma_start3A_502] : memref<8x1x128xi32, #tpu.memory_space<vmem>> -> memref<1x1x128xi32, #tpu.memory_space<vmem>>
      %dma_start3A_504 = tpu.memref_squeeze %dma_start3A_503 : memref<1x1x128xi32, #tpu.memory_space<vmem>> -> memref<128xi32, #tpu.memory_space<vmem>>
      %dma_start3A_505 = arith.constant 0 : i32
      %dma_start3A_506 = arith.constant 0 : i32
      %dma_start3A_507 = tpu.memref_slice %arg7[%dma_start3A_505, %dma_start3A_506] : memref<164864x16xf32, #tpu.memory_space<hbm>> -> memref<164864x16xf32, #tpu.memory_space<hbm>>
      tpu.enqueue_indirect_dma source(%dma_start3A_501 : memref<128x16xf32, #tpu.memory_space<vmem>>) target(%dma_start3A_507 : memref<164864x16xf32, #tpu.memory_space<hbm>>) offsets(%dma_start3A_504 : memref<128xi32, #tpu.memory_space<vmem>>) semaphore(%arg21 : memref<!tpu.dma_semaphore, #tpu.memory_space<semaphore_mem>>)
      %dma_start3A_508 = arith.constant 2 : i32
      %dma_start3A_509 = arith.constant 0 : i32
      %dma_start3A_510 = arith.constant 256 : i32
      %dma_start3A_511 = arith.constant 0 : i32
      %dma_start3A_512 = tpu.memref_slice %arg18[%dma_start3A_510, %dma_start3A_511] : memref<1024x16xf32, #tpu.memory_space<vmem>> -> memref<128x16xf32, #tpu.memory_space<vmem>>
      %dma_start3A_513 = arith.constant 0 : i32
      %dma_start3A_514 = tpu.memref_slice %arg16[%dma_start3A_508, %dma_start3A_509, %dma_start3A_513] : memref<8x1x128xi32, #tpu.memory_space<vmem>> -> memref<1x1x128xi32, #tpu.memory_space<vmem>>
      %dma_start3A_515 = tpu.memref_squeeze %dma_start3A_514 : memref<1x1x128xi32, #tpu.memory_space<vmem>> -> memref<128xi32, #tpu.memory_space<vmem>>
      %dma_start3A_516 = arith.constant 0 : i32
      %dma_start3A_517 = arith.constant 0 : i32
      %dma_start3A_518 = tpu.memref_slice %arg8[%dma_start3A_516, %dma_start3A_517] : memref<164864x16xf32, #tpu.memory_space<hbm>> -> memref<164864x16xf32, #tpu.memory_space<hbm>>
      tpu.enqueue_indirect_dma source(%dma_start3A_512 : memref<128x16xf32, #tpu.memory_space<vmem>>) target(%dma_start3A_518 : memref<164864x16xf32, #tpu.memory_space<hbm>>) offsets(%dma_start3A_515 : memref<128xi32, #tpu.memory_space<vmem>>) semaphore(%arg21 : memref<!tpu.dma_semaphore, #tpu.memory_space<semaphore_mem>>)
      %dma_start3A_519 = arith.constant 3 : i32
      %dma_start3A_520 = arith.constant 0 : i32
      %dma_start3A_521 = arith.constant 384 : i32
      %dma_start3A_522 = arith.constant 0 : i32
      %dma_start3A_523 = tpu.memref_slice %arg17[%dma_start3A_521, %dma_start3A_522] : memref<1024x16xf32, #tpu.memory_space<vmem>> -> memref<128x16xf32, #tpu.memory_space<vmem>>
      %dma_start3A_524 = arith.constant 0 : i32
      %dma_start3A_525 = tpu.memref_slice %arg16[%dma_start3A_519, %dma_start3A_520, %dma_start3A_524] : memref<8x1x128xi32, #tpu.memory_space<vmem>> -> memref<1x1x128xi32, #tpu.memory_space<vmem>>
      %dma_start3A_526 = tpu.memref_squeeze %dma_start3A_525 : memref<1x1x128xi32, #tpu.memory_space<vmem>> -> memref<128xi32, #tpu.memory_space<vmem>>
      %dma_start3A_527 = arith.constant 0 : i32
      %dma_start3A_528 = arith.constant 0 : i32
      %dma_start3A_529 = tpu.memref_slice %arg7[%dma_start3A_527, %dma_start3A_528] : memref<164864x16xf32, #tpu.memory_space<hbm>> -> memref<164864x16xf32, #tpu.memory_space<hbm>>
      tpu.enqueue_indirect_dma source(%dma_start3A_523 : memref<128x16xf32, #tpu.memory_space<vmem>>) target(%dma_start3A_529 : memref<164864x16xf32, #tpu.memory_space<hbm>>) offsets(%dma_start3A_526 : memref<128xi32, #tpu.memory_space<vmem>>) semaphore(%arg21 : memref<!tpu.dma_semaphore, #tpu.memory_space<semaphore_mem>>)
      %dma_start3A_530 = arith.constant 3 : i32
      %dma_start3A_531 = arith.constant 0 : i32
      %dma_start3A_532 = arith.constant 384 : i32
      %dma_start3A_533 = arith.constant 0 : i32
      %dma_start3A_534 = tpu.memref_slice %arg18[%dma_start3A_532, %dma_start3A_533] : memref<1024x16xf32, #tpu.memory_space<vmem>> -> memref<128x16xf32, #tpu.memory_space<vmem>>
      %dma_start3A_535 = arith.constant 0 : i32
      %dma_start3A_536 = tpu.memref_slice %arg16[%dma_start3A_530, %dma_start3A_531, %dma_start3A_535] : memref<8x1x128xi32, #tpu.memory_space<vmem>> -> memref<1x1x128xi32, #tpu.memory_space<vmem>>
      %dma_start3A_537 = tpu.memref_squeeze %dma_start3A_536 : memref<1x1x128xi32, #tpu.memory_space<vmem>> -> memref<128xi32, #tpu.memory_space<vmem>>
      %dma_start3A_538 = arith.constant 0 : i32
      %dma_start3A_539 = arith.constant 0 : i32
      %dma_start3A_540 = tpu.memref_slice %arg8[%dma_start3A_538, %dma_start3A_539] : memref<164864x16xf32, #tpu.memory_space<hbm>> -> memref<164864x16xf32, #tpu.memory_space<hbm>>
      tpu.enqueue_indirect_dma source(%dma_start3A_534 : memref<128x16xf32, #tpu.memory_space<vmem>>) target(%dma_start3A_540 : memref<164864x16xf32, #tpu.memory_space<hbm>>) offsets(%dma_start3A_537 : memref<128xi32, #tpu.memory_space<vmem>>) semaphore(%arg21 : memref<!tpu.dma_semaphore, #tpu.memory_space<semaphore_mem>>)
      %dma_start3A_541 = arith.constant 4 : i32
      %dma_start3A_542 = arith.constant 0 : i32
      %dma_start3A_543 = arith.constant 512 : i32
      %dma_start3A_544 = arith.constant 0 : i32
      %dma_start3A_545 = tpu.memref_slice %arg17[%dma_start3A_543, %dma_start3A_544] : memref<1024x16xf32, #tpu.memory_space<vmem>> -> memref<128x16xf32, #tpu.memory_space<vmem>>
      %dma_start3A_546 = arith.constant 0 : i32
      %dma_start3A_547 = tpu.memref_slice %arg16[%dma_start3A_541, %dma_start3A_542, %dma_start3A_546] : memref<8x1x128xi32, #tpu.memory_space<vmem>> -> memref<1x1x128xi32, #tpu.memory_space<vmem>>
      %dma_start3A_548 = tpu.memref_squeeze %dma_start3A_547 : memref<1x1x128xi32, #tpu.memory_space<vmem>> -> memref<128xi32, #tpu.memory_space<vmem>>
      %dma_start3A_549 = arith.constant 0 : i32
      %dma_start3A_550 = arith.constant 0 : i32
      %dma_start3A_551 = tpu.memref_slice %arg7[%dma_start3A_549, %dma_start3A_550] : memref<164864x16xf32, #tpu.memory_space<hbm>> -> memref<164864x16xf32, #tpu.memory_space<hbm>>
      tpu.enqueue_indirect_dma source(%dma_start3A_545 : memref<128x16xf32, #tpu.memory_space<vmem>>) target(%dma_start3A_551 : memref<164864x16xf32, #tpu.memory_space<hbm>>) offsets(%dma_start3A_548 : memref<128xi32, #tpu.memory_space<vmem>>) semaphore(%arg21 : memref<!tpu.dma_semaphore, #tpu.memory_space<semaphore_mem>>)
      %dma_start3A_552 = arith.constant 4 : i32
      %dma_start3A_553 = arith.constant 0 : i32
      %dma_start3A_554 = arith.constant 512 : i32
      %dma_start3A_555 = arith.constant 0 : i32
      %dma_start3A_556 = tpu.memref_slice %arg18[%dma_start3A_554, %dma_start3A_555] : memref<1024x16xf32, #tpu.memory_space<vmem>> -> memref<128x16xf32, #tpu.memory_space<vmem>>
      %dma_start3A_557 = arith.constant 0 : i32
      %dma_start3A_558 = tpu.memref_slice %arg16[%dma_start3A_552, %dma_start3A_553, %dma_start3A_557] : memref<8x1x128xi32, #tpu.memory_space<vmem>> -> memref<1x1x128xi32, #tpu.memory_space<vmem>>
      %dma_start3A_559 = tpu.memref_squeeze %dma_start3A_558 : memref<1x1x128xi32, #tpu.memory_space<vmem>> -> memref<128xi32, #tpu.memory_space<vmem>>
      %dma_start3A_560 = arith.constant 0 : i32
      %dma_start3A_561 = arith.constant 0 : i32
      %dma_start3A_562 = tpu.memref_slice %arg8[%dma_start3A_560, %dma_start3A_561] : memref<164864x16xf32, #tpu.memory_space<hbm>> -> memref<164864x16xf32, #tpu.memory_space<hbm>>
      tpu.enqueue_indirect_dma source(%dma_start3A_556 : memref<128x16xf32, #tpu.memory_space<vmem>>) target(%dma_start3A_562 : memref<164864x16xf32, #tpu.memory_space<hbm>>) offsets(%dma_start3A_559 : memref<128xi32, #tpu.memory_space<vmem>>) semaphore(%arg21 : memref<!tpu.dma_semaphore, #tpu.memory_space<semaphore_mem>>)
      %dma_start3A_563 = arith.constant 5 : i32
      %dma_start3A_564 = arith.constant 0 : i32
      %dma_start3A_565 = arith.constant 640 : i32
      %dma_start3A_566 = arith.constant 0 : i32
      %dma_start3A_567 = tpu.memref_slice %arg17[%dma_start3A_565, %dma_start3A_566] : memref<1024x16xf32, #tpu.memory_space<vmem>> -> memref<128x16xf32, #tpu.memory_space<vmem>>
      %dma_start3A_568 = arith.constant 0 : i32
      %dma_start3A_569 = tpu.memref_slice %arg16[%dma_start3A_563, %dma_start3A_564, %dma_start3A_568] : memref<8x1x128xi32, #tpu.memory_space<vmem>> -> memref<1x1x128xi32, #tpu.memory_space<vmem>>
      %dma_start3A_570 = tpu.memref_squeeze %dma_start3A_569 : memref<1x1x128xi32, #tpu.memory_space<vmem>> -> memref<128xi32, #tpu.memory_space<vmem>>
      %dma_start3A_571 = arith.constant 0 : i32
      %dma_start3A_572 = arith.constant 0 : i32
      %dma_start3A_573 = tpu.memref_slice %arg7[%dma_start3A_571, %dma_start3A_572] : memref<164864x16xf32, #tpu.memory_space<hbm>> -> memref<164864x16xf32, #tpu.memory_space<hbm>>
      tpu.enqueue_indirect_dma source(%dma_start3A_567 : memref<128x16xf32, #tpu.memory_space<vmem>>) target(%dma_start3A_573 : memref<164864x16xf32, #tpu.memory_space<hbm>>) offsets(%dma_start3A_570 : memref<128xi32, #tpu.memory_space<vmem>>) semaphore(%arg21 : memref<!tpu.dma_semaphore, #tpu.memory_space<semaphore_mem>>)
      %dma_start3A_574 = arith.constant 5 : i32
      %dma_start3A_575 = arith.constant 0 : i32
      %dma_start3A_576 = arith.constant 640 : i32
      %dma_start3A_577 = arith.constant 0 : i32
      %dma_start3A_578 = tpu.memref_slice %arg18[%dma_start3A_576, %dma_start3A_577] : memref<1024x16xf32, #tpu.memory_space<vmem>> -> memref<128x16xf32, #tpu.memory_space<vmem>>
      %dma_start3A_579 = arith.constant 0 : i32
      %dma_start3A_580 = tpu.memref_slice %arg16[%dma_start3A_574, %dma_start3A_575, %dma_start3A_579] : memref<8x1x128xi32, #tpu.memory_space<vmem>> -> memref<1x1x128xi32, #tpu.memory_space<vmem>>
      %dma_start3A_581 = tpu.memref_squeeze %dma_start3A_580 : memref<1x1x128xi32, #tpu.memory_space<vmem>> -> memref<128xi32, #tpu.memory_space<vmem>>
      %dma_start3A_582 = arith.constant 0 : i32
      %dma_start3A_583 = arith.constant 0 : i32
      %dma_start3A_584 = tpu.memref_slice %arg8[%dma_start3A_582, %dma_start3A_583] : memref<164864x16xf32, #tpu.memory_space<hbm>> -> memref<164864x16xf32, #tpu.memory_space<hbm>>
      tpu.enqueue_indirect_dma source(%dma_start3A_578 : memref<128x16xf32, #tpu.memory_space<vmem>>) target(%dma_start3A_584 : memref<164864x16xf32, #tpu.memory_space<hbm>>) offsets(%dma_start3A_581 : memref<128xi32, #tpu.memory_space<vmem>>) semaphore(%arg21 : memref<!tpu.dma_semaphore, #tpu.memory_space<semaphore_mem>>)
      %dma_start3A_585 = arith.constant 6 : i32
      %dma_start3A_586 = arith.constant 0 : i32
      %dma_start3A_587 = arith.constant 768 : i32
      %dma_start3A_588 = arith.constant 0 : i32
      %dma_start3A_589 = tpu.memref_slice %arg17[%dma_start3A_587, %dma_start3A_588] : memref<1024x16xf32, #tpu.memory_space<vmem>> -> memref<128x16xf32, #tpu.memory_space<vmem>>
      %dma_start3A_590 = arith.constant 0 : i32
      %dma_start3A_591 = tpu.memref_slice %arg16[%dma_start3A_585, %dma_start3A_586, %dma_start3A_590] : memref<8x1x128xi32, #tpu.memory_space<vmem>> -> memref<1x1x128xi32, #tpu.memory_space<vmem>>
      %dma_start3A_592 = tpu.memref_squeeze %dma_start3A_591 : memref<1x1x128xi32, #tpu.memory_space<vmem>> -> memref<128xi32, #tpu.memory_space<vmem>>
      %dma_start3A_593 = arith.constant 0 : i32
      %dma_start3A_594 = arith.constant 0 : i32
      %dma_start3A_595 = tpu.memref_slice %arg7[%dma_start3A_593, %dma_start3A_594] : memref<164864x16xf32, #tpu.memory_space<hbm>> -> memref<164864x16xf32, #tpu.memory_space<hbm>>
      tpu.enqueue_indirect_dma source(%dma_start3A_589 : memref<128x16xf32, #tpu.memory_space<vmem>>) target(%dma_start3A_595 : memref<164864x16xf32, #tpu.memory_space<hbm>>) offsets(%dma_start3A_592 : memref<128xi32, #tpu.memory_space<vmem>>) semaphore(%arg21 : memref<!tpu.dma_semaphore, #tpu.memory_space<semaphore_mem>>)
      %dma_start3A_596 = arith.constant 6 : i32
      %dma_start3A_597 = arith.constant 0 : i32
      %dma_start3A_598 = arith.constant 768 : i32
      %dma_start3A_599 = arith.constant 0 : i32
      %dma_start3A_600 = tpu.memref_slice %arg18[%dma_start3A_598, %dma_start3A_599] : memref<1024x16xf32, #tpu.memory_space<vmem>> -> memref<128x16xf32, #tpu.memory_space<vmem>>
      %dma_start3A_601 = arith.constant 0 : i32
      %dma_start3A_602 = tpu.memref_slice %arg16[%dma_start3A_596, %dma_start3A_597, %dma_start3A_601] : memref<8x1x128xi32, #tpu.memory_space<vmem>> -> memref<1x1x128xi32, #tpu.memory_space<vmem>>
      %dma_start3A_603 = tpu.memref_squeeze %dma_start3A_602 : memref<1x1x128xi32, #tpu.memory_space<vmem>> -> memref<128xi32, #tpu.memory_space<vmem>>
      %dma_start3A_604 = arith.constant 0 : i32
      %dma_start3A_605 = arith.constant 0 : i32
      %dma_start3A_606 = tpu.memref_slice %arg8[%dma_start3A_604, %dma_start3A_605] : memref<164864x16xf32, #tpu.memory_space<hbm>> -> memref<164864x16xf32, #tpu.memory_space<hbm>>
      tpu.enqueue_indirect_dma source(%dma_start3A_600 : memref<128x16xf32, #tpu.memory_space<vmem>>) target(%dma_start3A_606 : memref<164864x16xf32, #tpu.memory_space<hbm>>) offsets(%dma_start3A_603 : memref<128xi32, #tpu.memory_space<vmem>>) semaphore(%arg21 : memref<!tpu.dma_semaphore, #tpu.memory_space<semaphore_mem>>)
      %dma_start3A_607 = arith.constant 7 : i32
      %dma_start3A_608 = arith.constant 0 : i32
      %dma_start3A_609 = arith.constant 896 : i32
      %dma_start3A_610 = arith.constant 0 : i32
      %dma_start3A_611 = tpu.memref_slice %arg17[%dma_start3A_609, %dma_start3A_610] : memref<1024x16xf32, #tpu.memory_space<vmem>> -> memref<128x16xf32, #tpu.memory_space<vmem>>
      %dma_start3A_612 = arith.constant 0 : i32
      %dma_start3A_613 = tpu.memref_slice %arg16[%dma_start3A_607, %dma_start3A_608, %dma_start3A_612] : memref<8x1x128xi32, #tpu.memory_space<vmem>> -> memref<1x1x128xi32, #tpu.memory_space<vmem>>
      %dma_start3A_614 = tpu.memref_squeeze %dma_start3A_613 : memref<1x1x128xi32, #tpu.memory_space<vmem>> -> memref<128xi32, #tpu.memory_space<vmem>>
      %dma_start3A_615 = arith.constant 0 : i32
      %dma_start3A_616 = arith.constant 0 : i32
      %dma_start3A_617 = tpu.memref_slice %arg7[%dma_start3A_615, %dma_start3A_616] : memref<164864x16xf32, #tpu.memory_space<hbm>> -> memref<164864x16xf32, #tpu.memory_space<hbm>>
      tpu.enqueue_indirect_dma source(%dma_start3A_611 : memref<128x16xf32, #tpu.memory_space<vmem>>) target(%dma_start3A_617 : memref<164864x16xf32, #tpu.memory_space<hbm>>) offsets(%dma_start3A_614 : memref<128xi32, #tpu.memory_space<vmem>>) semaphore(%arg21 : memref<!tpu.dma_semaphore, #tpu.memory_space<semaphore_mem>>)
      %dma_start3A_618 = arith.constant 7 : i32
      %dma_start3A_619 = arith.constant 0 : i32
      %dma_start3A_620 = arith.constant 896 : i32
      %dma_start3A_621 = arith.constant 0 : i32
      %dma_start3A_622 = tpu.memref_slice %arg18[%dma_start3A_620, %dma_start3A_621] : memref<1024x16xf32, #tpu.memory_space<vmem>> -> memref<128x16xf32, #tpu.memory_space<vmem>>
      %dma_start3A_623 = arith.constant 0 : i32
      %dma_start3A_624 = tpu.memref_slice %arg16[%dma_start3A_618, %dma_start3A_619, %dma_start3A_623] : memref<8x1x128xi32, #tpu.memory_space<vmem>> -> memref<1x1x128xi32, #tpu.memory_space<vmem>>
      %dma_start3A_625 = tpu.memref_squeeze %dma_start3A_624 : memref<1x1x128xi32, #tpu.memory_space<vmem>> -> memref<128xi32, #tpu.memory_space<vmem>>
      %dma_start3A_626 = arith.constant 0 : i32
      %dma_start3A_627 = arith.constant 0 : i32
      %dma_start3A_628 = tpu.memref_slice %arg8[%dma_start3A_626, %dma_start3A_627] : memref<164864x16xf32, #tpu.memory_space<hbm>> -> memref<164864x16xf32, #tpu.memory_space<hbm>>
      tpu.enqueue_indirect_dma source(%dma_start3A_622 : memref<128x16xf32, #tpu.memory_space<vmem>>) target(%dma_start3A_628 : memref<164864x16xf32, #tpu.memory_space<hbm>>) offsets(%dma_start3A_625 : memref<128xi32, #tpu.memory_space<vmem>>) semaphore(%arg21 : memref<!tpu.dma_semaphore, #tpu.memory_space<semaphore_mem>>)
      %mul3A_629 = arith.constant 40 : i32
      %mul3A_630 = arith.muli %add3A, %mul3A_629 : i32
      %mul3A_631 = arith.constant 8 : i32
      %mul3A_632 = arith.muli %scan3A_141, %mul3A_631 : i32
      %add3A_633 = arith.addi %mul3A_630, %mul3A_632 : i32
      "tpu.region"() ({
        %run_scoped3A = tpu.sem_alloc : memref<!tpu.dma_semaphore, #tpu.memory_space<semaphore_mem>>
        %dma_start3A_810 = arith.constant 0 : i32
        %dma_start3A_811 = arith.constant 0 : i32
        %dma_start3A_812 = tpu.memref_slice %arg9[%add3A_633, %dma_start3A_810, %dma_start3A_811] : memref<1280x1x128xi32, #tpu.memory_space<hbm>> -> memref<8x1x128xi32, #tpu.memory_space<hbm>>
        %dma_start3A_813 = arith.constant 0 : i32
        %dma_start3A_814 = arith.constant 0 : i32
        %dma_start3A_815 = tpu.memref_slice %arg9[%add3A_633, %dma_start3A_813, %dma_start3A_814] : memref<1280x1x128xi32, #tpu.memory_space<hbm>> -> memref<8x1x128xi32, #tpu.memory_space<hbm>>
        tpu.enqueue_dma source(%arg16 : memref<8x1x128xi32, #tpu.memory_space<vmem>>) target(%dma_start3A_815 : memref<8x1x128xi32, #tpu.memory_space<hbm>>) target_semaphore(%run_scoped3A : memref<!tpu.dma_semaphore, #tpu.memory_space<semaphore_mem>>)
        %dma_wait3A_816 = arith.constant 0 : i32
        %dma_wait3A_817 = arith.constant 0 : i32
        %dma_wait3A_818 = tpu.memref_slice %arg9[%add3A_633, %dma_wait3A_816, %dma_wait3A_817] : memref<1280x1x128xi32, #tpu.memory_space<hbm>> -> memref<8x1x128xi32, #tpu.memory_space<hbm>>
        %dma_wait3A_819 = arith.constant 0 : i32
        %dma_wait3A_820 = arith.constant 0 : i32
        %dma_wait3A_821 = tpu.memref_slice %arg9[%add3A_633, %dma_wait3A_819, %dma_wait3A_820] : memref<1280x1x128xi32, #tpu.memory_space<hbm>> -> memref<8x1x128xi32, #tpu.memory_space<hbm>>
        tpu.wait_dma2 semaphore(%run_scoped3A : memref<!tpu.dma_semaphore, #tpu.memory_space<semaphore_mem>>) src(%arg16 : memref<8x1x128xi32, #tpu.memory_space<vmem>>) dst(%dma_wait3A_821 : memref<8x1x128xi32, #tpu.memory_space<hbm>>)
        tpu.yield
      }) : () -> ()
      %dma_wait3A_634 = arith.constant 0 : i32
      %dma_wait3A_635 = arith.constant 0 : i32
      %dma_wait3A_636 = arith.constant 0 : i32
      %dma_wait3A_637 = arith.constant 0 : i32
      %dma_wait3A_638 = tpu.memref_slice %arg17[%dma_wait3A_636, %dma_wait3A_637] : memref<1024x16xf32, #tpu.memory_space<vmem>> -> memref<128x16xf32, #tpu.memory_space<vmem>>
      %dma_wait3A_639 = arith.constant 0 : i32
      %dma_wait3A_640 = tpu.memref_slice %arg16[%dma_wait3A_634, %dma_wait3A_635, %dma_wait3A_639] : memref<8x1x128xi32, #tpu.memory_space<vmem>> -> memref<1x1x128xi32, #tpu.memory_space<vmem>>
      %dma_wait3A_641 = tpu.memref_squeeze %dma_wait3A_640 : memref<1x1x128xi32, #tpu.memory_space<vmem>> -> memref<128xi32, #tpu.memory_space<vmem>>
      %dma_wait3A_642 = arith.constant 0 : i32
      %dma_wait3A_643 = arith.constant 0 : i32
      %dma_wait3A_644 = tpu.memref_slice %arg7[%dma_wait3A_642, %dma_wait3A_643] : memref<164864x16xf32, #tpu.memory_space<hbm>> -> memref<164864x16xf32, #tpu.memory_space<hbm>>
      tpu.wait_indirect_dma semaphore(%arg21 : memref<!tpu.dma_semaphore, #tpu.memory_space<semaphore_mem>>) src(%dma_wait3A_638 : memref<128x16xf32, #tpu.memory_space<vmem>>) dst(%dma_wait3A_644 : memref<164864x16xf32, #tpu.memory_space<hbm>>)
      %dma_wait3A_645 = arith.constant 0 : i32
      %dma_wait3A_646 = arith.constant 0 : i32
      %dma_wait3A_647 = arith.constant 0 : i32
      %dma_wait3A_648 = arith.constant 0 : i32
      %dma_wait3A_649 = tpu.memref_slice %arg18[%dma_wait3A_647, %dma_wait3A_648] : memref<1024x16xf32, #tpu.memory_space<vmem>> -> memref<128x16xf32, #tpu.memory_space<vmem>>
      %dma_wait3A_650 = arith.constant 0 : i32
      %dma_wait3A_651 = tpu.memref_slice %arg16[%dma_wait3A_645, %dma_wait3A_646, %dma_wait3A_650] : memref<8x1x128xi32, #tpu.memory_space<vmem>> -> memref<1x1x128xi32, #tpu.memory_space<vmem>>
      %dma_wait3A_652 = tpu.memref_squeeze %dma_wait3A_651 : memref<1x1x128xi32, #tpu.memory_space<vmem>> -> memref<128xi32, #tpu.memory_space<vmem>>
      %dma_wait3A_653 = arith.constant 0 : i32
      %dma_wait3A_654 = arith.constant 0 : i32
      %dma_wait3A_655 = tpu.memref_slice %arg8[%dma_wait3A_653, %dma_wait3A_654] : memref<164864x16xf32, #tpu.memory_space<hbm>> -> memref<164864x16xf32, #tpu.memory_space<hbm>>
      tpu.wait_indirect_dma semaphore(%arg21 : memref<!tpu.dma_semaphore, #tpu.memory_space<semaphore_mem>>) src(%dma_wait3A_649 : memref<128x16xf32, #tpu.memory_space<vmem>>) dst(%dma_wait3A_655 : memref<164864x16xf32, #tpu.memory_space<hbm>>)
      %dma_wait3A_656 = arith.constant 1 : i32
      %dma_wait3A_657 = arith.constant 0 : i32
      %dma_wait3A_658 = arith.constant 128 : i32
      %dma_wait3A_659 = arith.constant 0 : i32
      %dma_wait3A_660 = tpu.memref_slice %arg17[%dma_wait3A_658, %dma_wait3A_659] : memref<1024x16xf32, #tpu.memory_space<vmem>> -> memref<128x16xf32, #tpu.memory_space<vmem>>
      %dma_wait3A_661 = arith.constant 0 : i32
      %dma_wait3A_662 = tpu.memref_slice %arg16[%dma_wait3A_656, %dma_wait3A_657, %dma_wait3A_661] : memref<8x1x128xi32, #tpu.memory_space<vmem>> -> memref<1x1x128xi32, #tpu.memory_space<vmem>>
      %dma_wait3A_663 = tpu.memref_squeeze %dma_wait3A_662 : memref<1x1x128xi32, #tpu.memory_space<vmem>> -> memref<128xi32, #tpu.memory_space<vmem>>
      %dma_wait3A_664 = arith.constant 0 : i32
      %dma_wait3A_665 = arith.constant 0 : i32
      %dma_wait3A_666 = tpu.memref_slice %arg7[%dma_wait3A_664, %dma_wait3A_665] : memref<164864x16xf32, #tpu.memory_space<hbm>> -> memref<164864x16xf32, #tpu.memory_space<hbm>>
      tpu.wait_indirect_dma semaphore(%arg21 : memref<!tpu.dma_semaphore, #tpu.memory_space<semaphore_mem>>) src(%dma_wait3A_660 : memref<128x16xf32, #tpu.memory_space<vmem>>) dst(%dma_wait3A_666 : memref<164864x16xf32, #tpu.memory_space<hbm>>)
      %dma_wait3A_667 = arith.constant 1 : i32
      %dma_wait3A_668 = arith.constant 0 : i32
      %dma_wait3A_669 = arith.constant 128 : i32
      %dma_wait3A_670 = arith.constant 0 : i32
      %dma_wait3A_671 = tpu.memref_slice %arg18[%dma_wait3A_669, %dma_wait3A_670] : memref<1024x16xf32, #tpu.memory_space<vmem>> -> memref<128x16xf32, #tpu.memory_space<vmem>>
      %dma_wait3A_672 = arith.constant 0 : i32
      %dma_wait3A_673 = tpu.memref_slice %arg16[%dma_wait3A_667, %dma_wait3A_668, %dma_wait3A_672] : memref<8x1x128xi32, #tpu.memory_space<vmem>> -> memref<1x1x128xi32, #tpu.memory_space<vmem>>
      %dma_wait3A_674 = tpu.memref_squeeze %dma_wait3A_673 : memref<1x1x128xi32, #tpu.memory_space<vmem>> -> memref<128xi32, #tpu.memory_space<vmem>>
      %dma_wait3A_675 = arith.constant 0 : i32
      %dma_wait3A_676 = arith.constant 0 : i32
      %dma_wait3A_677 = tpu.memref_slice %arg8[%dma_wait3A_675, %dma_wait3A_676] : memref<164864x16xf32, #tpu.memory_space<hbm>> -> memref<164864x16xf32, #tpu.memory_space<hbm>>
      tpu.wait_indirect_dma semaphore(%arg21 : memref<!tpu.dma_semaphore, #tpu.memory_space<semaphore_mem>>) src(%dma_wait3A_671 : memref<128x16xf32, #tpu.memory_space<vmem>>) dst(%dma_wait3A_677 : memref<164864x16xf32, #tpu.memory_space<hbm>>)
      %dma_wait3A_678 = arith.constant 2 : i32
      %dma_wait3A_679 = arith.constant 0 : i32
      %dma_wait3A_680 = arith.constant 256 : i32
      %dma_wait3A_681 = arith.constant 0 : i32
      %dma_wait3A_682 = tpu.memref_slice %arg17[%dma_wait3A_680, %dma_wait3A_681] : memref<1024x16xf32, #tpu.memory_space<vmem>> -> memref<128x16xf32, #tpu.memory_space<vmem>>
      %dma_wait3A_683 = arith.constant 0 : i32
      %dma_wait3A_684 = tpu.memref_slice %arg16[%dma_wait3A_678, %dma_wait3A_679, %dma_wait3A_683] : memref<8x1x128xi32, #tpu.memory_space<vmem>> -> memref<1x1x128xi32, #tpu.memory_space<vmem>>
      %dma_wait3A_685 = tpu.memref_squeeze %dma_wait3A_684 : memref<1x1x128xi32, #tpu.memory_space<vmem>> -> memref<128xi32, #tpu.memory_space<vmem>>
      %dma_wait3A_686 = arith.constant 0 : i32
      %dma_wait3A_687 = arith.constant 0 : i32
      %dma_wait3A_688 = tpu.memref_slice %arg7[%dma_wait3A_686, %dma_wait3A_687] : memref<164864x16xf32, #tpu.memory_space<hbm>> -> memref<164864x16xf32, #tpu.memory_space<hbm>>
      tpu.wait_indirect_dma semaphore(%arg21 : memref<!tpu.dma_semaphore, #tpu.memory_space<semaphore_mem>>) src(%dma_wait3A_682 : memref<128x16xf32, #tpu.memory_space<vmem>>) dst(%dma_wait3A_688 : memref<164864x16xf32, #tpu.memory_space<hbm>>)
      %dma_wait3A_689 = arith.constant 2 : i32
      %dma_wait3A_690 = arith.constant 0 : i32
      %dma_wait3A_691 = arith.constant 256 : i32
      %dma_wait3A_692 = arith.constant 0 : i32
      %dma_wait3A_693 = tpu.memref_slice %arg18[%dma_wait3A_691, %dma_wait3A_692] : memref<1024x16xf32, #tpu.memory_space<vmem>> -> memref<128x16xf32, #tpu.memory_space<vmem>>
      %dma_wait3A_694 = arith.constant 0 : i32
      %dma_wait3A_695 = tpu.memref_slice %arg16[%dma_wait3A_689, %dma_wait3A_690, %dma_wait3A_694] : memref<8x1x128xi32, #tpu.memory_space<vmem>> -> memref<1x1x128xi32, #tpu.memory_space<vmem>>
      %dma_wait3A_696 = tpu.memref_squeeze %dma_wait3A_695 : memref<1x1x128xi32, #tpu.memory_space<vmem>> -> memref<128xi32, #tpu.memory_space<vmem>>
      %dma_wait3A_697 = arith.constant 0 : i32
      %dma_wait3A_698 = arith.constant 0 : i32
      %dma_wait3A_699 = tpu.memref_slice %arg8[%dma_wait3A_697, %dma_wait3A_698] : memref<164864x16xf32, #tpu.memory_space<hbm>> -> memref<164864x16xf32, #tpu.memory_space<hbm>>
      tpu.wait_indirect_dma semaphore(%arg21 : memref<!tpu.dma_semaphore, #tpu.memory_space<semaphore_mem>>) src(%dma_wait3A_693 : memref<128x16xf32, #tpu.memory_space<vmem>>) dst(%dma_wait3A_699 : memref<164864x16xf32, #tpu.memory_space<hbm>>)
      %dma_wait3A_700 = arith.constant 3 : i32
      %dma_wait3A_701 = arith.constant 0 : i32
      %dma_wait3A_702 = arith.constant 384 : i32
      %dma_wait3A_703 = arith.constant 0 : i32
      %dma_wait3A_704 = tpu.memref_slice %arg17[%dma_wait3A_702, %dma_wait3A_703] : memref<1024x16xf32, #tpu.memory_space<vmem>> -> memref<128x16xf32, #tpu.memory_space<vmem>>
      %dma_wait3A_705 = arith.constant 0 : i32
      %dma_wait3A_706 = tpu.memref_slice %arg16[%dma_wait3A_700, %dma_wait3A_701, %dma_wait3A_705] : memref<8x1x128xi32, #tpu.memory_space<vmem>> -> memref<1x1x128xi32, #tpu.memory_space<vmem>>
      %dma_wait3A_707 = tpu.memref_squeeze %dma_wait3A_706 : memref<1x1x128xi32, #tpu.memory_space<vmem>> -> memref<128xi32, #tpu.memory_space<vmem>>
      %dma_wait3A_708 = arith.constant 0 : i32
      %dma_wait3A_709 = arith.constant 0 : i32
      %dma_wait3A_710 = tpu.memref_slice %arg7[%dma_wait3A_708, %dma_wait3A_709] : memref<164864x16xf32, #tpu.memory_space<hbm>> -> memref<164864x16xf32, #tpu.memory_space<hbm>>
      tpu.wait_indirect_dma semaphore(%arg21 : memref<!tpu.dma_semaphore, #tpu.memory_space<semaphore_mem>>) src(%dma_wait3A_704 : memref<128x16xf32, #tpu.memory_space<vmem>>) dst(%dma_wait3A_710 : memref<164864x16xf32, #tpu.memory_space<hbm>>)
      %dma_wait3A_711 = arith.constant 3 : i32
      %dma_wait3A_712 = arith.constant 0 : i32
      %dma_wait3A_713 = arith.constant 384 : i32
      %dma_wait3A_714 = arith.constant 0 : i32
      %dma_wait3A_715 = tpu.memref_slice %arg18[%dma_wait3A_713, %dma_wait3A_714] : memref<1024x16xf32, #tpu.memory_space<vmem>> -> memref<128x16xf32, #tpu.memory_space<vmem>>
      %dma_wait3A_716 = arith.constant 0 : i32
      %dma_wait3A_717 = tpu.memref_slice %arg16[%dma_wait3A_711, %dma_wait3A_712, %dma_wait3A_716] : memref<8x1x128xi32, #tpu.memory_space<vmem>> -> memref<1x1x128xi32, #tpu.memory_space<vmem>>
      %dma_wait3A_718 = tpu.memref_squeeze %dma_wait3A_717 : memref<1x1x128xi32, #tpu.memory_space<vmem>> -> memref<128xi32, #tpu.memory_space<vmem>>
      %dma_wait3A_719 = arith.constant 0 : i32
      %dma_wait3A_720 = arith.constant 0 : i32
      %dma_wait3A_721 = tpu.memref_slice %arg8[%dma_wait3A_719, %dma_wait3A_720] : memref<164864x16xf32, #tpu.memory_space<hbm>> -> memref<164864x16xf32, #tpu.memory_space<hbm>>
      tpu.wait_indirect_dma semaphore(%arg21 : memref<!tpu.dma_semaphore, #tpu.memory_space<semaphore_mem>>) src(%dma_wait3A_715 : memref<128x16xf32, #tpu.memory_space<vmem>>) dst(%dma_wait3A_721 : memref<164864x16xf32, #tpu.memory_space<hbm>>)
      %dma_wait3A_722 = arith.constant 4 : i32
      %dma_wait3A_723 = arith.constant 0 : i32
      %dma_wait3A_724 = arith.constant 512 : i32
      %dma_wait3A_725 = arith.constant 0 : i32
      %dma_wait3A_726 = tpu.memref_slice %arg17[%dma_wait3A_724, %dma_wait3A_725] : memref<1024x16xf32, #tpu.memory_space<vmem>> -> memref<128x16xf32, #tpu.memory_space<vmem>>
      %dma_wait3A_727 = arith.constant 0 : i32
      %dma_wait3A_728 = tpu.memref_slice %arg16[%dma_wait3A_722, %dma_wait3A_723, %dma_wait3A_727] : memref<8x1x128xi32, #tpu.memory_space<vmem>> -> memref<1x1x128xi32, #tpu.memory_space<vmem>>
      %dma_wait3A_729 = tpu.memref_squeeze %dma_wait3A_728 : memref<1x1x128xi32, #tpu.memory_space<vmem>> -> memref<128xi32, #tpu.memory_space<vmem>>
      %dma_wait3A_730 = arith.constant 0 : i32
      %dma_wait3A_731 = arith.constant 0 : i32
      %dma_wait3A_732 = tpu.memref_slice %arg7[%dma_wait3A_730, %dma_wait3A_731] : memref<164864x16xf32, #tpu.memory_space<hbm>> -> memref<164864x16xf32, #tpu.memory_space<hbm>>
      tpu.wait_indirect_dma semaphore(%arg21 : memref<!tpu.dma_semaphore, #tpu.memory_space<semaphore_mem>>) src(%dma_wait3A_726 : memref<128x16xf32, #tpu.memory_space<vmem>>) dst(%dma_wait3A_732 : memref<164864x16xf32, #tpu.memory_space<hbm>>)
      %dma_wait3A_733 = arith.constant 4 : i32
      %dma_wait3A_734 = arith.constant 0 : i32
      %dma_wait3A_735 = arith.constant 512 : i32
      %dma_wait3A_736 = arith.constant 0 : i32
      %dma_wait3A_737 = tpu.memref_slice %arg18[%dma_wait3A_735, %dma_wait3A_736] : memref<1024x16xf32, #tpu.memory_space<vmem>> -> memref<128x16xf32, #tpu.memory_space<vmem>>
      %dma_wait3A_738 = arith.constant 0 : i32
      %dma_wait3A_739 = tpu.memref_slice %arg16[%dma_wait3A_733, %dma_wait3A_734, %dma_wait3A_738] : memref<8x1x128xi32, #tpu.memory_space<vmem>> -> memref<1x1x128xi32, #tpu.memory_space<vmem>>
      %dma_wait3A_740 = tpu.memref_squeeze %dma_wait3A_739 : memref<1x1x128xi32, #tpu.memory_space<vmem>> -> memref<128xi32, #tpu.memory_space<vmem>>
      %dma_wait3A_741 = arith.constant 0 : i32
      %dma_wait3A_742 = arith.constant 0 : i32
      %dma_wait3A_743 = tpu.memref_slice %arg8[%dma_wait3A_741, %dma_wait3A_742] : memref<164864x16xf32, #tpu.memory_space<hbm>> -> memref<164864x16xf32, #tpu.memory_space<hbm>>
      tpu.wait_indirect_dma semaphore(%arg21 : memref<!tpu.dma_semaphore, #tpu.memory_space<semaphore_mem>>) src(%dma_wait3A_737 : memref<128x16xf32, #tpu.memory_space<vmem>>) dst(%dma_wait3A_743 : memref<164864x16xf32, #tpu.memory_space<hbm>>)
      %dma_wait3A_744 = arith.constant 5 : i32
      %dma_wait3A_745 = arith.constant 0 : i32
      %dma_wait3A_746 = arith.constant 640 : i32
      %dma_wait3A_747 = arith.constant 0 : i32
      %dma_wait3A_748 = tpu.memref_slice %arg17[%dma_wait3A_746, %dma_wait3A_747] : memref<1024x16xf32, #tpu.memory_space<vmem>> -> memref<128x16xf32, #tpu.memory_space<vmem>>
      %dma_wait3A_749 = arith.constant 0 : i32
      %dma_wait3A_750 = tpu.memref_slice %arg16[%dma_wait3A_744, %dma_wait3A_745, %dma_wait3A_749] : memref<8x1x128xi32, #tpu.memory_space<vmem>> -> memref<1x1x128xi32, #tpu.memory_space<vmem>>
      %dma_wait3A_751 = tpu.memref_squeeze %dma_wait3A_750 : memref<1x1x128xi32, #tpu.memory_space<vmem>> -> memref<128xi32, #tpu.memory_space<vmem>>
      %dma_wait3A_752 = arith.constant 0 : i32
      %dma_wait3A_753 = arith.constant 0 : i32
      %dma_wait3A_754 = tpu.memref_slice %arg7[%dma_wait3A_752, %dma_wait3A_753] : memref<164864x16xf32, #tpu.memory_space<hbm>> -> memref<164864x16xf32, #tpu.memory_space<hbm>>
      tpu.wait_indirect_dma semaphore(%arg21 : memref<!tpu.dma_semaphore, #tpu.memory_space<semaphore_mem>>) src(%dma_wait3A_748 : memref<128x16xf32, #tpu.memory_space<vmem>>) dst(%dma_wait3A_754 : memref<164864x16xf32, #tpu.memory_space<hbm>>)
      %dma_wait3A_755 = arith.constant 5 : i32
      %dma_wait3A_756 = arith.constant 0 : i32
      %dma_wait3A_757 = arith.constant 640 : i32
      %dma_wait3A_758 = arith.constant 0 : i32
      %dma_wait3A_759 = tpu.memref_slice %arg18[%dma_wait3A_757, %dma_wait3A_758] : memref<1024x16xf32, #tpu.memory_space<vmem>> -> memref<128x16xf32, #tpu.memory_space<vmem>>
      %dma_wait3A_760 = arith.constant 0 : i32
      %dma_wait3A_761 = tpu.memref_slice %arg16[%dma_wait3A_755, %dma_wait3A_756, %dma_wait3A_760] : memref<8x1x128xi32, #tpu.memory_space<vmem>> -> memref<1x1x128xi32, #tpu.memory_space<vmem>>
      %dma_wait3A_762 = tpu.memref_squeeze %dma_wait3A_761 : memref<1x1x128xi32, #tpu.memory_space<vmem>> -> memref<128xi32, #tpu.memory_space<vmem>>
      %dma_wait3A_763 = arith.constant 0 : i32
      %dma_wait3A_764 = arith.constant 0 : i32
      %dma_wait3A_765 = tpu.memref_slice %arg8[%dma_wait3A_763, %dma_wait3A_764] : memref<164864x16xf32, #tpu.memory_space<hbm>> -> memref<164864x16xf32, #tpu.memory_space<hbm>>
      tpu.wait_indirect_dma semaphore(%arg21 : memref<!tpu.dma_semaphore, #tpu.memory_space<semaphore_mem>>) src(%dma_wait3A_759 : memref<128x16xf32, #tpu.memory_space<vmem>>) dst(%dma_wait3A_765 : memref<164864x16xf32, #tpu.memory_space<hbm>>)
      %dma_wait3A_766 = arith.constant 6 : i32
      %dma_wait3A_767 = arith.constant 0 : i32
      %dma_wait3A_768 = arith.constant 768 : i32
      %dma_wait3A_769 = arith.constant 0 : i32
      %dma_wait3A_770 = tpu.memref_slice %arg17[%dma_wait3A_768, %dma_wait3A_769] : memref<1024x16xf32, #tpu.memory_space<vmem>> -> memref<128x16xf32, #tpu.memory_space<vmem>>
      %dma_wait3A_771 = arith.constant 0 : i32
      %dma_wait3A_772 = tpu.memref_slice %arg16[%dma_wait3A_766, %dma_wait3A_767, %dma_wait3A_771] : memref<8x1x128xi32, #tpu.memory_space<vmem>> -> memref<1x1x128xi32, #tpu.memory_space<vmem>>
      %dma_wait3A_773 = tpu.memref_squeeze %dma_wait3A_772 : memref<1x1x128xi32, #tpu.memory_space<vmem>> -> memref<128xi32, #tpu.memory_space<vmem>>
      %dma_wait3A_774 = arith.constant 0 : i32
      %dma_wait3A_775 = arith.constant 0 : i32
      %dma_wait3A_776 = tpu.memref_slice %arg7[%dma_wait3A_774, %dma_wait3A_775] : memref<164864x16xf32, #tpu.memory_space<hbm>> -> memref<164864x16xf32, #tpu.memory_space<hbm>>
      tpu.wait_indirect_dma semaphore(%arg21 : memref<!tpu.dma_semaphore, #tpu.memory_space<semaphore_mem>>) src(%dma_wait3A_770 : memref<128x16xf32, #tpu.memory_space<vmem>>) dst(%dma_wait3A_776 : memref<164864x16xf32, #tpu.memory_space<hbm>>)
      %dma_wait3A_777 = arith.constant 6 : i32
      %dma_wait3A_778 = arith.constant 0 : i32
      %dma_wait3A_779 = arith.constant 768 : i32
      %dma_wait3A_780 = arith.constant 0 : i32
      %dma_wait3A_781 = tpu.memref_slice %arg18[%dma_wait3A_779, %dma_wait3A_780] : memref<1024x16xf32, #tpu.memory_space<vmem>> -> memref<128x16xf32, #tpu.memory_space<vmem>>
      %dma_wait3A_782 = arith.constant 0 : i32
      %dma_wait3A_783 = tpu.memref_slice %arg16[%dma_wait3A_777, %dma_wait3A_778, %dma_wait3A_782] : memref<8x1x128xi32, #tpu.memory_space<vmem>> -> memref<1x1x128xi32, #tpu.memory_space<vmem>>
      %dma_wait3A_784 = tpu.memref_squeeze %dma_wait3A_783 : memref<1x1x128xi32, #tpu.memory_space<vmem>> -> memref<128xi32, #tpu.memory_space<vmem>>
      %dma_wait3A_785 = arith.constant 0 : i32
      %dma_wait3A_786 = arith.constant 0 : i32
      %dma_wait3A_787 = tpu.memref_slice %arg8[%dma_wait3A_785, %dma_wait3A_786] : memref<164864x16xf32, #tpu.memory_space<hbm>> -> memref<164864x16xf32, #tpu.memory_space<hbm>>
      tpu.wait_indirect_dma semaphore(%arg21 : memref<!tpu.dma_semaphore, #tpu.memory_space<semaphore_mem>>) src(%dma_wait3A_781 : memref<128x16xf32, #tpu.memory_space<vmem>>) dst(%dma_wait3A_787 : memref<164864x16xf32, #tpu.memory_space<hbm>>)
      %dma_wait3A_788 = arith.constant 7 : i32
      %dma_wait3A_789 = arith.constant 0 : i32
      %dma_wait3A_790 = arith.constant 896 : i32
      %dma_wait3A_791 = arith.constant 0 : i32
      %dma_wait3A_792 = tpu.memref_slice %arg17[%dma_wait3A_790, %dma_wait3A_791] : memref<1024x16xf32, #tpu.memory_space<vmem>> -> memref<128x16xf32, #tpu.memory_space<vmem>>
      %dma_wait3A_793 = arith.constant 0 : i32
      %dma_wait3A_794 = tpu.memref_slice %arg16[%dma_wait3A_788, %dma_wait3A_789, %dma_wait3A_793] : memref<8x1x128xi32, #tpu.memory_space<vmem>> -> memref<1x1x128xi32, #tpu.memory_space<vmem>>
      %dma_wait3A_795 = tpu.memref_squeeze %dma_wait3A_794 : memref<1x1x128xi32, #tpu.memory_space<vmem>> -> memref<128xi32, #tpu.memory_space<vmem>>
      %dma_wait3A_796 = arith.constant 0 : i32
      %dma_wait3A_797 = arith.constant 0 : i32
      %dma_wait3A_798 = tpu.memref_slice %arg7[%dma_wait3A_796, %dma_wait3A_797] : memref<164864x16xf32, #tpu.memory_space<hbm>> -> memref<164864x16xf32, #tpu.memory_space<hbm>>
      tpu.wait_indirect_dma semaphore(%arg21 : memref<!tpu.dma_semaphore, #tpu.memory_space<semaphore_mem>>) src(%dma_wait3A_792 : memref<128x16xf32, #tpu.memory_space<vmem>>) dst(%dma_wait3A_798 : memref<164864x16xf32, #tpu.memory_space<hbm>>)
      %dma_wait3A_799 = arith.constant 7 : i32
      %dma_wait3A_800 = arith.constant 0 : i32
      %dma_wait3A_801 = arith.constant 896 : i32
      %dma_wait3A_802 = arith.constant 0 : i32
      %dma_wait3A_803 = tpu.memref_slice %arg18[%dma_wait3A_801, %dma_wait3A_802] : memref<1024x16xf32, #tpu.memory_space<vmem>> -> memref<128x16xf32, #tpu.memory_space<vmem>>
      %dma_wait3A_804 = arith.constant 0 : i32
      %dma_wait3A_805 = tpu.memref_slice %arg16[%dma_wait3A_799, %dma_wait3A_800, %dma_wait3A_804] : memref<8x1x128xi32, #tpu.memory_space<vmem>> -> memref<1x1x128xi32, #tpu.memory_space<vmem>>
      %dma_wait3A_806 = tpu.memref_squeeze %dma_wait3A_805 : memref<1x1x128xi32, #tpu.memory_space<vmem>> -> memref<128xi32, #tpu.memory_space<vmem>>
      %dma_wait3A_807 = arith.constant 0 : i32
      %dma_wait3A_808 = arith.constant 0 : i32
      %dma_wait3A_809 = tpu.memref_slice %arg8[%dma_wait3A_807, %dma_wait3A_808] : memref<164864x16xf32, #tpu.memory_space<hbm>> -> memref<164864x16xf32, #tpu.memory_space<hbm>>
      tpu.wait_indirect_dma semaphore(%arg21 : memref<!tpu.dma_semaphore, #tpu.memory_space<semaphore_mem>>) src(%dma_wait3A_803 : memref<128x16xf32, #tpu.memory_space<vmem>>) dst(%dma_wait3A_809 : memref<164864x16xf32, #tpu.memory_space<hbm>>)
      scf.yield %scan3A_197#0, %scan3A_197#1, %scan3A_197#2, %scan3A_197#3 : vector<16xi32>, vector<16xi32>, vector<16xi32>, vector<16xi32>
    }
    %scan3A_140 = arith.constant 5 : i32
    return
  }
}

module attributes {stable_mosaic.version = 14 : i64} {
  func.func @_tc_edge_body(%arg0: i32, %arg1: memref<644xi32, #tpu.memory_space<smem>>, %arg2: memref<256x16xf32, #tpu.memory_space<vmem>>, %arg3: memref<256x16xf32, #tpu.memory_space<vmem>>, %arg4: memref<1x32x128xf32, #tpu.memory_space<vmem>>, %arg5: memref<1x1x128xf32, #tpu.memory_space<vmem>>, %arg6: memref<1x1x128xf32, #tpu.memory_space<vmem>>, %arg7: memref<1x1x128xf32, #tpu.memory_space<vmem>>, %arg8: memref<1x128x128xf32, #tpu.memory_space<vmem>>, %arg9: memref<1x1x128xf32, #tpu.memory_space<vmem>>, %arg10: memref<1x1x128xf32, #tpu.memory_space<vmem>>, %arg11: memref<1x1x128xf32, #tpu.memory_space<vmem>>, %arg12: memref<256x128xf32, #tpu.memory_space<vmem>>) attributes {dimension_semantics = [#tpu.dimension_semantics<arbitrary>], iteration_bounds = array<i64: 644>, scalar_prefetch = 1 : i64, scratch_operands = 0 : i64, tpu.core_type = #tpu.core_type<tc>, window_params = [{transform_indices = @transform_0, window_bounds = array<i64: 256, 16>}, {transform_indices = @transform_1, window_bounds = array<i64: 256, 16>}, {transform_indices = @transform_2, window_bounds = array<i64: 1, 32, 128>}, {transform_indices = @transform_3, window_bounds = array<i64: 1, 1, 128>}, {transform_indices = @transform_4, window_bounds = array<i64: 1, 1, 128>}, {transform_indices = @transform_5, window_bounds = array<i64: 1, 1, 128>}, {transform_indices = @transform_6, window_bounds = array<i64: 1, 128, 128>}, {transform_indices = @transform_7, window_bounds = array<i64: 1, 1, 128>}, {transform_indices = @transform_8, window_bounds = array<i64: 1, 1, 128>}, {transform_indices = @transform_9, window_bounds = array<i64: 1, 1, 128>}, {transform_indices = @transform_10, window_bounds = array<i64: 256, 128>}]} {
    %get3A = arith.constant 0 : index
    %get3A_0 = arith.constant 0 : index
    %get3A_1 = vector.load %arg2[%get3A, %get3A_0] : memref<256x16xf32, #tpu.memory_space<vmem>>, vector<256x16xf32>
    %get3A_2 = arith.constant 0 : index
    %get3A_3 = arith.constant 0 : index
    %get3A_4 = vector.load %arg3[%get3A_2, %get3A_3] : memref<256x16xf32, #tpu.memory_space<vmem>>, vector<256x16xf32>
    %concatenate3A = tpu.concatenate %get3A_1, %get3A_4 in 1 : vector<256x16xf32>, vector<256x16xf32> -> vector<256x32xf32>
    %get3A_5 = arith.constant 0 : index
    %get3A_6 = arith.constant 0 : index
    %get3A_7 = arith.constant 0 : index
    %get3A_8 = vector.load %arg4[%get3A_5, %get3A_6, %get3A_7] : memref<1x32x128xf32, #tpu.memory_space<vmem>>, vector<1x32x128xf32>
    %get3A_9 = vector.shape_cast %get3A_8 : vector<1x32x128xf32> to vector<32x128xf32>
    %dot_general3A = arith.constant dense<0.000000e+00> : vector<256x128xf32>
    %dot_general3A_10 = tpu.matmul %concatenate3A, %get3A_9, %dot_general3A {dimension_numbers = #tpu.dot_dimension_numbers<[1], [0], [0], [1], [0, 0, 1, 1], [], []>, transpose_lhs_hint = false} : vector<256x32xf32>, vector<32x128xf32>, vector<256x128xf32> -> vector<256x128xf32>
    %get3A_11 = arith.constant 0 : index
    %get3A_12 = arith.constant 0 : index
    %get3A_13 = arith.constant 0 : index
    %get3A_14 = vector.load %arg5[%get3A_11, %get3A_12, %get3A_13] : memref<1x1x128xf32, #tpu.memory_space<vmem>>, vector<1x1x128xf32>
    %get3A_15 = vector.shape_cast %get3A_14 : vector<1x1x128xf32> to vector<1x128xf32>
    %add3A = vector.broadcast %get3A_15 : vector<1x128xf32> to vector<256x128xf32>
    %add3A_16 = arith.addf %dot_general3A_10, %add3A : vector<256x128xf32>
    %get3A_17 = arith.constant 0 : index
    %get3A_18 = arith.constant 0 : index
    %get3A_19 = arith.constant 0 : index
    %get3A_20 = vector.load %arg6[%get3A_17, %get3A_18, %get3A_19] : memref<1x1x128xf32, #tpu.memory_space<vmem>>, vector<1x1x128xf32>
    %get3A_21 = vector.shape_cast %get3A_20 : vector<1x1x128xf32> to vector<1x128xf32>
    %get3A_22 = arith.constant 0 : index
    %get3A_23 = arith.constant 0 : index
    %get3A_24 = arith.constant 0 : index
    %get3A_25 = vector.load %arg7[%get3A_22, %get3A_23, %get3A_24] : memref<1x1x128xf32, #tpu.memory_space<vmem>>, vector<1x1x128xf32>
    %get3A_26 = vector.shape_cast %get3A_25 : vector<1x1x128xf32> to vector<1x128xf32>
    %reduce_sum3A = arith.constant dense<0.000000e+00> : vector<256xf32>
    %reduce_sum3A_27 = vector.multi_reduction <add>, %add3A_16, %reduce_sum3A [1] : vector<256x128xf32> to vector<256xf32>
    %broadcast_in_dim3A = vector.shape_cast %reduce_sum3A_27 : vector<256xf32> to vector<256x1xf32>
    %div3A = arith.constant 1.280000e+02 : f32
    %div3A_28 = vector.broadcast %div3A : f32 to vector<256x1xf32>
    %div3A_29 = arith.divf %broadcast_in_dim3A, %div3A_28 : vector<256x1xf32>
    %sub3A = vector.broadcast %div3A_29 : vector<256x1xf32> to vector<256x128xf32>
    %sub3A_30 = arith.subf %add3A_16, %sub3A : vector<256x128xf32>
    %sub3A_31 = vector.broadcast %div3A_29 : vector<256x1xf32> to vector<256x128xf32>
    %sub3A_32 = arith.subf %add3A_16, %sub3A_31 : vector<256x128xf32>
    %mul3A = arith.mulf %sub3A_30, %sub3A_32 : vector<256x128xf32>
    %reduce_sum3A_33 = arith.constant dense<0.000000e+00> : vector<256xf32>
    %reduce_sum3A_34 = vector.multi_reduction <add>, %mul3A, %reduce_sum3A_33 [1] : vector<256x128xf32> to vector<256xf32>
    %broadcast_in_dim3A_35 = vector.shape_cast %reduce_sum3A_34 : vector<256xf32> to vector<256x1xf32>
    %div3A_36 = arith.constant 1.280000e+02 : f32
    %div3A_37 = vector.broadcast %div3A_36 : f32 to vector<256x1xf32>
    %div3A_38 = arith.divf %broadcast_in_dim3A_35, %div3A_37 : vector<256x1xf32>
    %sub3A_39 = vector.broadcast %div3A_29 : vector<256x1xf32> to vector<256x128xf32>
    %sub3A_40 = arith.subf %add3A_16, %sub3A_39 : vector<256x128xf32>
    %add3A_41 = arith.constant 9.99999974E-6 : f32
    %add3A_42 = vector.broadcast %add3A_41 : f32 to vector<256x1xf32>
    %add3A_43 = arith.addf %div3A_38, %add3A_42 : vector<256x1xf32>
    %sqrt3A = math.sqrt %add3A_43 : vector<256x1xf32>
    %div3A_44 = vector.broadcast %sqrt3A : vector<256x1xf32> to vector<256x128xf32>
    %div3A_45 = arith.divf %sub3A_40, %div3A_44 : vector<256x128xf32>
    %mul3A_46 = vector.broadcast %get3A_21 : vector<1x128xf32> to vector<256x128xf32>
    %mul3A_47 = arith.mulf %div3A_45, %mul3A_46 : vector<256x128xf32>
    %add3A_48 = vector.broadcast %get3A_26 : vector<1x128xf32> to vector<256x128xf32>
    %add3A_49 = arith.addf %mul3A_47, %add3A_48 : vector<256x128xf32>
    %max3A = arith.constant 0.000000e+00 : f32
    %max3A_50 = vector.broadcast %max3A : f32 to vector<256x128xf32>
    %max3A_51 = arith.maximumf %add3A_49, %max3A_50 : vector<256x128xf32>
    %get3A_52 = arith.constant 0 : index
    %get3A_53 = arith.constant 0 : index
    %get3A_54 = arith.constant 0 : index
    %get3A_55 = vector.load %arg8[%get3A_52, %get3A_53, %get3A_54] : memref<1x128x128xf32, #tpu.memory_space<vmem>>, vector<1x128x128xf32>
    %get3A_56 = vector.shape_cast %get3A_55 : vector<1x128x128xf32> to vector<128x128xf32>
    %dot_general3A_57 = arith.constant dense<0.000000e+00> : vector<256x128xf32>
    %dot_general3A_58 = tpu.matmul %max3A_51, %get3A_56, %dot_general3A_57 {dimension_numbers = #tpu.dot_dimension_numbers<[1], [0], [0], [1], [0, 0, 1, 1], [], []>, transpose_lhs_hint = false} : vector<256x128xf32>, vector<128x128xf32>, vector<256x128xf32> -> vector<256x128xf32>
    %get3A_59 = arith.constant 0 : index
    %get3A_60 = arith.constant 0 : index
    %get3A_61 = arith.constant 0 : index
    %get3A_62 = vector.load %arg9[%get3A_59, %get3A_60, %get3A_61] : memref<1x1x128xf32, #tpu.memory_space<vmem>>, vector<1x1x128xf32>
    %get3A_63 = vector.shape_cast %get3A_62 : vector<1x1x128xf32> to vector<1x128xf32>
    %add3A_64 = vector.broadcast %get3A_63 : vector<1x128xf32> to vector<256x128xf32>
    %add3A_65 = arith.addf %dot_general3A_58, %add3A_64 : vector<256x128xf32>
    %get3A_66 = arith.constant 0 : index
    %get3A_67 = arith.constant 0 : index
    %get3A_68 = arith.constant 0 : index
    %get3A_69 = vector.load %arg10[%get3A_66, %get3A_67, %get3A_68] : memref<1x1x128xf32, #tpu.memory_space<vmem>>, vector<1x1x128xf32>
    %get3A_70 = vector.shape_cast %get3A_69 : vector<1x1x128xf32> to vector<1x128xf32>
    %get3A_71 = arith.constant 0 : index
    %get3A_72 = arith.constant 0 : index
    %get3A_73 = arith.constant 0 : index
    %get3A_74 = vector.load %arg11[%get3A_71, %get3A_72, %get3A_73] : memref<1x1x128xf32, #tpu.memory_space<vmem>>, vector<1x1x128xf32>
    %get3A_75 = vector.shape_cast %get3A_74 : vector<1x1x128xf32> to vector<1x128xf32>
    %reduce_sum3A_76 = arith.constant dense<0.000000e+00> : vector<256xf32>
    %reduce_sum3A_77 = vector.multi_reduction <add>, %add3A_65, %reduce_sum3A_76 [1] : vector<256x128xf32> to vector<256xf32>
    %broadcast_in_dim3A_78 = vector.shape_cast %reduce_sum3A_77 : vector<256xf32> to vector<256x1xf32>
    %div3A_79 = arith.constant 1.280000e+02 : f32
    %div3A_80 = vector.broadcast %div3A_79 : f32 to vector<256x1xf32>
    %div3A_81 = arith.divf %broadcast_in_dim3A_78, %div3A_80 : vector<256x1xf32>
    %sub3A_82 = vector.broadcast %div3A_81 : vector<256x1xf32> to vector<256x128xf32>
    %sub3A_83 = arith.subf %add3A_65, %sub3A_82 : vector<256x128xf32>
    %sub3A_84 = vector.broadcast %div3A_81 : vector<256x1xf32> to vector<256x128xf32>
    %sub3A_85 = arith.subf %add3A_65, %sub3A_84 : vector<256x128xf32>
    %mul3A_86 = arith.mulf %sub3A_83, %sub3A_85 : vector<256x128xf32>
    %reduce_sum3A_87 = arith.constant dense<0.000000e+00> : vector<256xf32>
    %reduce_sum3A_88 = vector.multi_reduction <add>, %mul3A_86, %reduce_sum3A_87 [1] : vector<256x128xf32> to vector<256xf32>
    %broadcast_in_dim3A_89 = vector.shape_cast %reduce_sum3A_88 : vector<256xf32> to vector<256x1xf32>
    %div3A_90 = arith.constant 1.280000e+02 : f32
    %div3A_91 = vector.broadcast %div3A_90 : f32 to vector<256x1xf32>
    %div3A_92 = arith.divf %broadcast_in_dim3A_89, %div3A_91 : vector<256x1xf32>
    %sub3A_93 = vector.broadcast %div3A_81 : vector<256x1xf32> to vector<256x128xf32>
    %sub3A_94 = arith.subf %add3A_65, %sub3A_93 : vector<256x128xf32>
    %add3A_95 = arith.constant 9.99999974E-6 : f32
    %add3A_96 = vector.broadcast %add3A_95 : f32 to vector<256x1xf32>
    %add3A_97 = arith.addf %div3A_92, %add3A_96 : vector<256x1xf32>
    %sqrt3A_98 = math.sqrt %add3A_97 : vector<256x1xf32>
    %div3A_99 = vector.broadcast %sqrt3A_98 : vector<256x1xf32> to vector<256x128xf32>
    %div3A_100 = arith.divf %sub3A_94, %div3A_99 : vector<256x128xf32>
    %mul3A_101 = vector.broadcast %get3A_70 : vector<1x128xf32> to vector<256x128xf32>
    %mul3A_102 = arith.mulf %div3A_100, %mul3A_101 : vector<256x128xf32>
    %add3A_103 = vector.broadcast %get3A_75 : vector<1x128xf32> to vector<256x128xf32>
    %add3A_104 = arith.addf %mul3A_102, %add3A_103 : vector<256x128xf32>
    %tanh3A = math.tanh %add3A_104 : vector<256x128xf32>
    %get3A_105 = arith.index_cast %arg0 : i32 to index
    %get3A_106 = memref.load %arg1[%get3A_105] : memref<644xi32, #tpu.memory_space<smem>>
    %eq3A = arith.constant 3 : i32
    %eq3A_107 = arith.cmpi eq, %get3A_106, %eq3A : i32
    %broadcast_in_dim3A_108 = arith.constant 0.000000e+00 : f32
    %broadcast_in_dim3A_109 = vector.broadcast %broadcast_in_dim3A_108 : f32 to vector<256x128xf32>
    %select_n3A = arith.select %eq3A_107, %broadcast_in_dim3A_109, %tanh3A : vector<256x128xf32>
    %swap3A = arith.constant 0 : index
    %swap3A_110 = arith.constant 0 : index
    %swap3A_111 = vector.load %arg12[%swap3A, %swap3A_110] : memref<256x128xf32, #tpu.memory_space<vmem>>, vector<256x128xf32>
    tpu.vector_store %arg12[%swap3A, %swap3A_110], %select_n3A {strides = array<i32>} : memref<256x128xf32, #tpu.memory_space<vmem>>, vector<256x128xf32>,
    return
  }
  func.func @transform_0(%arg0: i32, %arg1: memref<644xi32, #tpu.memory_space<smem>>) -> (i32, i32) {
    %c0_i32 = arith.constant 0 : i32
    %c0_i32_0 = arith.constant 0 : i32
    return %arg0, %c0_i32 : i32, i32
  }
  func.func @transform_1(%arg0: i32, %arg1: memref<644xi32, #tpu.memory_space<smem>>) -> (i32, i32) {
    %c0_i32 = arith.constant 0 : i32
    %c0_i32_0 = arith.constant 0 : i32
    return %arg0, %c0_i32 : i32, i32
  }
  func.func @transform_2(%arg0: i32, %arg1: memref<644xi32, #tpu.memory_space<smem>>) -> (i32, i32, i32) {
    %get3A = arith.index_cast %arg0 : i32 to index
    %get3A_0 = memref.load %arg1[%get3A] : memref<644xi32, #tpu.memory_space<smem>>
    %c0_i32 = arith.constant 0 : i32
    %c0_i32_1 = arith.constant 0 : i32
    %c0_i32_2 = arith.constant 0 : i32
    return %get3A_0, %c0_i32, %c0_i32_1 : i32, i32, i32
  }
  func.func @transform_3(%arg0: i32, %arg1: memref<644xi32, #tpu.memory_space<smem>>) -> (i32, i32, i32) {
    %get3A = arith.index_cast %arg0 : i32 to index
    %get3A_0 = memref.load %arg1[%get3A] : memref<644xi32, #tpu.memory_space<smem>>
    %c0_i32 = arith.constant 0 : i32
    %c0_i32_1 = arith.constant 0 : i32
    %c0_i32_2 = arith.constant 0 : i32
    return %get3A_0, %c0_i32, %c0_i32_1 : i32, i32, i32
  }
  func.func @transform_4(%arg0: i32, %arg1: memref<644xi32, #tpu.memory_space<smem>>) -> (i32, i32, i32) {
    %get3A = arith.index_cast %arg0 : i32 to index
    %get3A_0 = memref.load %arg1[%get3A] : memref<644xi32, #tpu.memory_space<smem>>
    %c0_i32 = arith.constant 0 : i32
    %c0_i32_1 = arith.constant 0 : i32
    %c0_i32_2 = arith.constant 0 : i32
    return %get3A_0, %c0_i32, %c0_i32_1 : i32, i32, i32
  }
  func.func @transform_5(%arg0: i32, %arg1: memref<644xi32, #tpu.memory_space<smem>>) -> (i32, i32, i32) {
    %get3A = arith.index_cast %arg0 : i32 to index
    %get3A_0 = memref.load %arg1[%get3A] : memref<644xi32, #tpu.memory_space<smem>>
    %c0_i32 = arith.constant 0 : i32
    %c0_i32_1 = arith.constant 0 : i32
    %c0_i32_2 = arith.constant 0 : i32
    return %get3A_0, %c0_i32, %c0_i32_1 : i32, i32, i32
  }
  func.func @transform_6(%arg0: i32, %arg1: memref<644xi32, #tpu.memory_space<smem>>) -> (i32, i32, i32) {
    %get3A = arith.index_cast %arg0 : i32 to index
    %get3A_0 = memref.load %arg1[%get3A] : memref<644xi32, #tpu.memory_space<smem>>
    %c0_i32 = arith.constant 0 : i32
    %c0_i32_1 = arith.constant 0 : i32
    %c0_i32_2 = arith.constant 0 : i32
    return %get3A_0, %c0_i32, %c0_i32_1 : i32, i32, i32
  }
  func.func @transform_7(%arg0: i32, %arg1: memref<644xi32, #tpu.memory_space<smem>>) -> (i32, i32, i32) {
    %get3A = arith.index_cast %arg0 : i32 to index
    %get3A_0 = memref.load %arg1[%get3A] : memref<644xi32, #tpu.memory_space<smem>>
    %c0_i32 = arith.constant 0 : i32
    %c0_i32_1 = arith.constant 0 : i32
    %c0_i32_2 = arith.constant 0 : i32
    return %get3A_0, %c0_i32, %c0_i32_1 : i32, i32, i32
  }
  func.func @transform_8(%arg0: i32, %arg1: memref<644xi32, #tpu.memory_space<smem>>) -> (i32, i32, i32) {
    %get3A = arith.index_cast %arg0 : i32 to index
    %get3A_0 = memref.load %arg1[%get3A] : memref<644xi32, #tpu.memory_space<smem>>
    %c0_i32 = arith.constant 0 : i32
    %c0_i32_1 = arith.constant 0 : i32
    %c0_i32_2 = arith.constant 0 : i32
    return %get3A_0, %c0_i32, %c0_i32_1 : i32, i32, i32
  }
  func.func @transform_9(%arg0: i32, %arg1: memref<644xi32, #tpu.memory_space<smem>>) -> (i32, i32, i32) {
    %get3A = arith.index_cast %arg0 : i32 to index
    %get3A_0 = memref.load %arg1[%get3A] : memref<644xi32, #tpu.memory_space<smem>>
    %c0_i32 = arith.constant 0 : i32
    %c0_i32_1 = arith.constant 0 : i32
    %c0_i32_2 = arith.constant 0 : i32
    return %get3A_0, %c0_i32, %c0_i32_1 : i32, i32, i32
  }
  func.func @transform_10(%arg0: i32, %arg1: memref<644xi32, #tpu.memory_space<smem>>) -> (i32, i32) {
    %c0_i32 = arith.constant 0 : i32
    %c0_i32_0 = arith.constant 0 : i32
    return %arg0, %c0_i32 : i32, i32
  }
}

module attributes {stable_mosaic.version = 14 : i64} {
  func.func @_tc_node_body(%arg0: i32, %arg1: memref<400x16xf32, #tpu.memory_space<vmem>>, %arg2: memref<400x1xi32, #tpu.memory_space<vmem>>, %arg3: memref<2x16x128xf32, #tpu.memory_space<vmem>>, %arg4: memref<2x128xf32, #tpu.memory_space<vmem>>, %arg5: memref<2x128xf32, #tpu.memory_space<vmem>>, %arg6: memref<2x128xf32, #tpu.memory_space<vmem>>, %arg7: memref<2x128x128xf32, #tpu.memory_space<vmem>>, %arg8: memref<2x128xf32, #tpu.memory_space<vmem>>, %arg9: memref<2x128xf32, #tpu.memory_space<vmem>>, %arg10: memref<2x128xf32, #tpu.memory_space<vmem>>, %arg11: memref<400x128xf32, #tpu.memory_space<vmem>>) attributes {dimension_semantics = [#tpu.dimension_semantics<arbitrary>], iteration_bounds = array<i64: 25>, scalar_prefetch = 0 : i64, scratch_operands = 0 : i64, tpu.core_type = #tpu.core_type<tc>, window_params = [{transform_indices = @transform_0, window_bounds = array<i64: 400, 16>}, {transform_indices = @transform_1, window_bounds = array<i64: 400, 1>}, {pipeline_mode = #tpu.pipeline_mode<synchronous>, transform_indices = @transform_2, window_bounds = array<i64: 2, 16, 128>}, {pipeline_mode = #tpu.pipeline_mode<synchronous>, transform_indices = @transform_3, window_bounds = array<i64: 2, 128>}, {pipeline_mode = #tpu.pipeline_mode<synchronous>, transform_indices = @transform_4, window_bounds = array<i64: 2, 128>}, {pipeline_mode = #tpu.pipeline_mode<synchronous>, transform_indices = @transform_5, window_bounds = array<i64: 2, 128>}, {pipeline_mode = #tpu.pipeline_mode<synchronous>, transform_indices = @transform_6, window_bounds = array<i64: 2, 128, 128>}, {pipeline_mode = #tpu.pipeline_mode<synchronous>, transform_indices = @transform_7, window_bounds = array<i64: 2, 128>}, {pipeline_mode = #tpu.pipeline_mode<synchronous>, transform_indices = @transform_8, window_bounds = array<i64: 2, 128>}, {pipeline_mode = #tpu.pipeline_mode<synchronous>, transform_indices = @transform_9, window_bounds = array<i64: 2, 128>}, {transform_indices = @transform_10, window_bounds = array<i64: 400, 128>}]} {
    %get3A = arith.constant 0 : index
    %get3A_0 = arith.constant 0 : index
    %get3A_1 = vector.load %arg1[%get3A, %get3A_0] : memref<400x16xf32, #tpu.memory_space<vmem>>, vector<400x16xf32>
    %get3A_2 = arith.constant 0 : index
    %get3A_3 = arith.constant 0 : index
    %get3A_4 = vector.load %arg2[%get3A_2, %get3A_3] : memref<400x1xi32, #tpu.memory_space<vmem>>, vector<400x1xi32>
    %get3A_5 = arith.constant 0 : index
    %get3A_6 = arith.constant 0 : index
    %get3A_7 = arith.constant 0 : index
    %get3A_8 = vector.load %arg3[%get3A_5, %get3A_6, %get3A_7] : memref<2x16x128xf32, #tpu.memory_space<vmem>>, vector<1x16x128xf32>
    %get3A_9 = vector.shape_cast %get3A_8 : vector<1x16x128xf32> to vector<16x128xf32>
    %dot_general3A = arith.constant dense<0.000000e+00> : vector<400x128xf32>
    %dot_general3A_10 = tpu.matmul %get3A_1, %get3A_9, %dot_general3A {dimension_numbers = #tpu.dot_dimension_numbers<[1], [0], [0], [1], [0, 0, 1, 1], [], []>, transpose_lhs_hint = false} : vector<400x16xf32>, vector<16x128xf32>, vector<400x128xf32> -> vector<400x128xf32>
    %get3A_11 = arith.constant 0 : index
    %get3A_12 = arith.constant 0 : index
    %get3A_13 = vector.load %arg4[%get3A_11, %get3A_12] : memref<2x128xf32, #tpu.memory_space<vmem>>, vector<1x128xf32>
    %get3A_14 = vector.shape_cast %get3A_13 : vector<1x128xf32> to vector<128xf32>
    %broadcast_in_dim3A = vector.shape_cast %get3A_14 : vector<128xf32> to vector<1x128xf32>
    %add3A = vector.broadcast %broadcast_in_dim3A : vector<1x128xf32> to vector<400x128xf32>
    %add3A_15 = arith.addf %dot_general3A_10, %add3A : vector<400x128xf32>
    %get3A_16 = arith.constant 0 : index
    %get3A_17 = arith.constant 0 : index
    %get3A_18 = vector.load %arg5[%get3A_16, %get3A_17] : memref<2x128xf32, #tpu.memory_space<vmem>>, vector<1x128xf32>
    %get3A_19 = vector.shape_cast %get3A_18 : vector<1x128xf32> to vector<128xf32>
    %get3A_20 = arith.constant 0 : index
    %get3A_21 = arith.constant 0 : index
    %get3A_22 = vector.load %arg6[%get3A_20, %get3A_21] : memref<2x128xf32, #tpu.memory_space<vmem>>, vector<1x128xf32>
    %get3A_23 = vector.shape_cast %get3A_22 : vector<1x128xf32> to vector<128xf32>
    %reduce_sum3A = arith.constant dense<0.000000e+00> : vector<400xf32>
    %reduce_sum3A_24 = vector.multi_reduction <add>, %add3A_15, %reduce_sum3A [1] : vector<400x128xf32> to vector<400xf32>
    %broadcast_in_dim3A_25 = vector.shape_cast %reduce_sum3A_24 : vector<400xf32> to vector<400x1xf32>
    %div3A = arith.constant 1.280000e+02 : f32
    %div3A_26 = vector.broadcast %div3A : f32 to vector<400x1xf32>
    %div3A_27 = arith.divf %broadcast_in_dim3A_25, %div3A_26 : vector<400x1xf32>
    %sub3A = vector.broadcast %div3A_27 : vector<400x1xf32> to vector<400x128xf32>
    %sub3A_28 = arith.subf %add3A_15, %sub3A : vector<400x128xf32>
    %sub3A_29 = vector.broadcast %div3A_27 : vector<400x1xf32> to vector<400x128xf32>
    %sub3A_30 = arith.subf %add3A_15, %sub3A_29 : vector<400x128xf32>
    %mul3A = arith.mulf %sub3A_28, %sub3A_30 : vector<400x128xf32>
    %reduce_sum3A_31 = arith.constant dense<0.000000e+00> : vector<400xf32>
    %reduce_sum3A_32 = vector.multi_reduction <add>, %mul3A, %reduce_sum3A_31 [1] : vector<400x128xf32> to vector<400xf32>
    %broadcast_in_dim3A_33 = vector.shape_cast %reduce_sum3A_32 : vector<400xf32> to vector<400x1xf32>
    %div3A_34 = arith.constant 1.280000e+02 : f32
    %div3A_35 = vector.broadcast %div3A_34 : f32 to vector<400x1xf32>
    %div3A_36 = arith.divf %broadcast_in_dim3A_33, %div3A_35 : vector<400x1xf32>
    %sub3A_37 = vector.broadcast %div3A_27 : vector<400x1xf32> to vector<400x128xf32>
    %sub3A_38 = arith.subf %add3A_15, %sub3A_37 : vector<400x128xf32>
    %add3A_39 = arith.constant 9.99999974E-6 : f32
    %add3A_40 = vector.broadcast %add3A_39 : f32 to vector<400x1xf32>
    %add3A_41 = arith.addf %div3A_36, %add3A_40 : vector<400x1xf32>
    %sqrt3A = math.sqrt %add3A_41 : vector<400x1xf32>
    %div3A_42 = vector.broadcast %sqrt3A : vector<400x1xf32> to vector<400x128xf32>
    %div3A_43 = arith.divf %sub3A_38, %div3A_42 : vector<400x128xf32>
    %broadcast_in_dim3A_44 = vector.shape_cast %get3A_19 : vector<128xf32> to vector<1x128xf32>
    %mul3A_45 = vector.broadcast %broadcast_in_dim3A_44 : vector<1x128xf32> to vector<400x128xf32>
    %mul3A_46 = arith.mulf %div3A_43, %mul3A_45 : vector<400x128xf32>
    %broadcast_in_dim3A_47 = vector.shape_cast %get3A_23 : vector<128xf32> to vector<1x128xf32>
    %add3A_48 = vector.broadcast %broadcast_in_dim3A_47 : vector<1x128xf32> to vector<400x128xf32>
    %add3A_49 = arith.addf %mul3A_46, %add3A_48 : vector<400x128xf32>
    %max3A = arith.constant 0.000000e+00 : f32
    %max3A_50 = vector.broadcast %max3A : f32 to vector<400x128xf32>
    %max3A_51 = arith.maximumf %add3A_49, %max3A_50 : vector<400x128xf32>
    %get3A_52 = arith.constant 0 : index
    %get3A_53 = arith.constant 0 : index
    %get3A_54 = arith.constant 0 : index
    %get3A_55 = vector.load %arg7[%get3A_52, %get3A_53, %get3A_54] : memref<2x128x128xf32, #tpu.memory_space<vmem>>, vector<1x128x128xf32>
    %get3A_56 = vector.shape_cast %get3A_55 : vector<1x128x128xf32> to vector<128x128xf32>
    %dot_general3A_57 = arith.constant dense<0.000000e+00> : vector<400x128xf32>
    %dot_general3A_58 = tpu.matmul %max3A_51, %get3A_56, %dot_general3A_57 {dimension_numbers = #tpu.dot_dimension_numbers<[1], [0], [0], [1], [0, 0, 1, 1], [], []>, transpose_lhs_hint = false} : vector<400x128xf32>, vector<128x128xf32>, vector<400x128xf32> -> vector<400x128xf32>
    %get3A_59 = arith.constant 0 : index
    %get3A_60 = arith.constant 0 : index
    %get3A_61 = vector.load %arg8[%get3A_59, %get3A_60] : memref<2x128xf32, #tpu.memory_space<vmem>>, vector<1x128xf32>
    %get3A_62 = vector.shape_cast %get3A_61 : vector<1x128xf32> to vector<128xf32>
    %broadcast_in_dim3A_63 = vector.shape_cast %get3A_62 : vector<128xf32> to vector<1x128xf32>
    %add3A_64 = vector.broadcast %broadcast_in_dim3A_63 : vector<1x128xf32> to vector<400x128xf32>
    %add3A_65 = arith.addf %dot_general3A_58, %add3A_64 : vector<400x128xf32>
    %get3A_66 = arith.constant 0 : index
    %get3A_67 = arith.constant 0 : index
    %get3A_68 = vector.load %arg9[%get3A_66, %get3A_67] : memref<2x128xf32, #tpu.memory_space<vmem>>, vector<1x128xf32>
    %get3A_69 = vector.shape_cast %get3A_68 : vector<1x128xf32> to vector<128xf32>
    %get3A_70 = arith.constant 0 : index
    %get3A_71 = arith.constant 0 : index
    %get3A_72 = vector.load %arg10[%get3A_70, %get3A_71] : memref<2x128xf32, #tpu.memory_space<vmem>>, vector<1x128xf32>
    %get3A_73 = vector.shape_cast %get3A_72 : vector<1x128xf32> to vector<128xf32>
    %reduce_sum3A_74 = arith.constant dense<0.000000e+00> : vector<400xf32>
    %reduce_sum3A_75 = vector.multi_reduction <add>, %add3A_65, %reduce_sum3A_74 [1] : vector<400x128xf32> to vector<400xf32>
    %broadcast_in_dim3A_76 = vector.shape_cast %reduce_sum3A_75 : vector<400xf32> to vector<400x1xf32>
    %div3A_77 = arith.constant 1.280000e+02 : f32
    %div3A_78 = vector.broadcast %div3A_77 : f32 to vector<400x1xf32>
    %div3A_79 = arith.divf %broadcast_in_dim3A_76, %div3A_78 : vector<400x1xf32>
    %sub3A_80 = vector.broadcast %div3A_79 : vector<400x1xf32> to vector<400x128xf32>
    %sub3A_81 = arith.subf %add3A_65, %sub3A_80 : vector<400x128xf32>
    %sub3A_82 = vector.broadcast %div3A_79 : vector<400x1xf32> to vector<400x128xf32>
    %sub3A_83 = arith.subf %add3A_65, %sub3A_82 : vector<400x128xf32>
    %mul3A_84 = arith.mulf %sub3A_81, %sub3A_83 : vector<400x128xf32>
    %reduce_sum3A_85 = arith.constant dense<0.000000e+00> : vector<400xf32>
    %reduce_sum3A_86 = vector.multi_reduction <add>, %mul3A_84, %reduce_sum3A_85 [1] : vector<400x128xf32> to vector<400xf32>
    %broadcast_in_dim3A_87 = vector.shape_cast %reduce_sum3A_86 : vector<400xf32> to vector<400x1xf32>
    %div3A_88 = arith.constant 1.280000e+02 : f32
    %div3A_89 = vector.broadcast %div3A_88 : f32 to vector<400x1xf32>
    %div3A_90 = arith.divf %broadcast_in_dim3A_87, %div3A_89 : vector<400x1xf32>
    %sub3A_91 = vector.broadcast %div3A_79 : vector<400x1xf32> to vector<400x128xf32>
    %sub3A_92 = arith.subf %add3A_65, %sub3A_91 : vector<400x128xf32>
    %add3A_93 = arith.constant 9.99999974E-6 : f32
    %add3A_94 = vector.broadcast %add3A_93 : f32 to vector<400x1xf32>
    %add3A_95 = arith.addf %div3A_90, %add3A_94 : vector<400x1xf32>
    %sqrt3A_96 = math.sqrt %add3A_95 : vector<400x1xf32>
    %div3A_97 = vector.broadcast %sqrt3A_96 : vector<400x1xf32> to vector<400x128xf32>
    %div3A_98 = arith.divf %sub3A_92, %div3A_97 : vector<400x128xf32>
    %broadcast_in_dim3A_99 = vector.shape_cast %get3A_69 : vector<128xf32> to vector<1x128xf32>
    %mul3A_100 = vector.broadcast %broadcast_in_dim3A_99 : vector<1x128xf32> to vector<400x128xf32>
    %mul3A_101 = arith.mulf %div3A_98, %mul3A_100 : vector<400x128xf32>
    %broadcast_in_dim3A_102 = vector.shape_cast %get3A_73 : vector<128xf32> to vector<1x128xf32>
    %add3A_103 = vector.broadcast %broadcast_in_dim3A_102 : vector<1x128xf32> to vector<400x128xf32>
    %add3A_104 = arith.addf %mul3A_101, %add3A_103 : vector<400x128xf32>
    %tanh3A = math.tanh %add3A_104 : vector<400x128xf32>
    %get3A_105 = arith.constant 1 : index
    %get3A_106 = arith.constant 0 : index
    %get3A_107 = arith.constant 0 : index
    %get3A_108 = vector.load %arg3[%get3A_105, %get3A_106, %get3A_107] : memref<2x16x128xf32, #tpu.memory_space<vmem>>, vector<1x16x128xf32>
    %get3A_109 = vector.shape_cast %get3A_108 : vector<1x16x128xf32> to vector<16x128xf32>
    %dot_general3A_110 = arith.constant dense<0.000000e+00> : vector<400x128xf32>
    %dot_general3A_111 = tpu.matmul %get3A_1, %get3A_109, %dot_general3A_110 {dimension_numbers = #tpu.dot_dimension_numbers<[1], [0], [0], [1], [0, 0, 1, 1], [], []>, transpose_lhs_hint = false} : vector<400x16xf32>, vector<16x128xf32>, vector<400x128xf32> -> vector<400x128xf32>
    %get3A_112 = arith.constant 1 : index
    %get3A_113 = arith.constant 0 : index
    %get3A_114 = vector.load %arg4[%get3A_112, %get3A_113] : memref<2x128xf32, #tpu.memory_space<vmem>>, vector<1x128xf32>
    %get3A_115 = vector.shape_cast %get3A_114 : vector<1x128xf32> to vector<128xf32>
    %broadcast_in_dim3A_116 = vector.shape_cast %get3A_115 : vector<128xf32> to vector<1x128xf32>
    %add3A_117 = vector.broadcast %broadcast_in_dim3A_116 : vector<1x128xf32> to vector<400x128xf32>
    %add3A_118 = arith.addf %dot_general3A_111, %add3A_117 : vector<400x128xf32>
    %get3A_119 = arith.constant 1 : index
    %get3A_120 = arith.constant 0 : index
    %get3A_121 = vector.load %arg5[%get3A_119, %get3A_120] : memref<2x128xf32, #tpu.memory_space<vmem>>, vector<1x128xf32>
    %get3A_122 = vector.shape_cast %get3A_121 : vector<1x128xf32> to vector<128xf32>
    %get3A_123 = arith.constant 1 : index
    %get3A_124 = arith.constant 0 : index
    %get3A_125 = vector.load %arg6[%get3A_123, %get3A_124] : memref<2x128xf32, #tpu.memory_space<vmem>>, vector<1x128xf32>
    %get3A_126 = vector.shape_cast %get3A_125 : vector<1x128xf32> to vector<128xf32>
    %reduce_sum3A_127 = arith.constant dense<0.000000e+00> : vector<400xf32>
    %reduce_sum3A_128 = vector.multi_reduction <add>, %add3A_118, %reduce_sum3A_127 [1] : vector<400x128xf32> to vector<400xf32>
    %broadcast_in_dim3A_129 = vector.shape_cast %reduce_sum3A_128 : vector<400xf32> to vector<400x1xf32>
    %div3A_130 = arith.constant 1.280000e+02 : f32
    %div3A_131 = vector.broadcast %div3A_130 : f32 to vector<400x1xf32>
    %div3A_132 = arith.divf %broadcast_in_dim3A_129, %div3A_131 : vector<400x1xf32>
    %sub3A_133 = vector.broadcast %div3A_132 : vector<400x1xf32> to vector<400x128xf32>
    %sub3A_134 = arith.subf %add3A_118, %sub3A_133 : vector<400x128xf32>
    %sub3A_135 = vector.broadcast %div3A_132 : vector<400x1xf32> to vector<400x128xf32>
    %sub3A_136 = arith.subf %add3A_118, %sub3A_135 : vector<400x128xf32>
    %mul3A_137 = arith.mulf %sub3A_134, %sub3A_136 : vector<400x128xf32>
    %reduce_sum3A_138 = arith.constant dense<0.000000e+00> : vector<400xf32>
    %reduce_sum3A_139 = vector.multi_reduction <add>, %mul3A_137, %reduce_sum3A_138 [1] : vector<400x128xf32> to vector<400xf32>
    %broadcast_in_dim3A_140 = vector.shape_cast %reduce_sum3A_139 : vector<400xf32> to vector<400x1xf32>
    %div3A_141 = arith.constant 1.280000e+02 : f32
    %div3A_142 = vector.broadcast %div3A_141 : f32 to vector<400x1xf32>
    %div3A_143 = arith.divf %broadcast_in_dim3A_140, %div3A_142 : vector<400x1xf32>
    %sub3A_144 = vector.broadcast %div3A_132 : vector<400x1xf32> to vector<400x128xf32>
    %sub3A_145 = arith.subf %add3A_118, %sub3A_144 : vector<400x128xf32>
    %add3A_146 = arith.constant 9.99999974E-6 : f32
    %add3A_147 = vector.broadcast %add3A_146 : f32 to vector<400x1xf32>
    %add3A_148 = arith.addf %div3A_143, %add3A_147 : vector<400x1xf32>
    %sqrt3A_149 = math.sqrt %add3A_148 : vector<400x1xf32>
    %div3A_150 = vector.broadcast %sqrt3A_149 : vector<400x1xf32> to vector<400x128xf32>
    %div3A_151 = arith.divf %sub3A_145, %div3A_150 : vector<400x128xf32>
    %broadcast_in_dim3A_152 = vector.shape_cast %get3A_122 : vector<128xf32> to vector<1x128xf32>
    %mul3A_153 = vector.broadcast %broadcast_in_dim3A_152 : vector<1x128xf32> to vector<400x128xf32>
    %mul3A_154 = arith.mulf %div3A_151, %mul3A_153 : vector<400x128xf32>
    %broadcast_in_dim3A_155 = vector.shape_cast %get3A_126 : vector<128xf32> to vector<1x128xf32>
    %add3A_156 = vector.broadcast %broadcast_in_dim3A_155 : vector<1x128xf32> to vector<400x128xf32>
    %add3A_157 = arith.addf %mul3A_154, %add3A_156 : vector<400x128xf32>
    %max3A_158 = arith.constant 0.000000e+00 : f32
    %max3A_159 = vector.broadcast %max3A_158 : f32 to vector<400x128xf32>
    %max3A_160 = arith.maximumf %add3A_157, %max3A_159 : vector<400x128xf32>
    %get3A_161 = arith.constant 1 : index
    %get3A_162 = arith.constant 0 : index
    %get3A_163 = arith.constant 0 : index
    %get3A_164 = vector.load %arg7[%get3A_161, %get3A_162, %get3A_163] : memref<2x128x128xf32, #tpu.memory_space<vmem>>, vector<1x128x128xf32>
    %get3A_165 = vector.shape_cast %get3A_164 : vector<1x128x128xf32> to vector<128x128xf32>
    %dot_general3A_166 = arith.constant dense<0.000000e+00> : vector<400x128xf32>
    %dot_general3A_167 = tpu.matmul %max3A_160, %get3A_165, %dot_general3A_166 {dimension_numbers = #tpu.dot_dimension_numbers<[1], [0], [0], [1], [0, 0, 1, 1], [], []>, transpose_lhs_hint = false} : vector<400x128xf32>, vector<128x128xf32>, vector<400x128xf32> -> vector<400x128xf32>
    %get3A_168 = arith.constant 1 : index
    %get3A_169 = arith.constant 0 : index
    %get3A_170 = vector.load %arg8[%get3A_168, %get3A_169] : memref<2x128xf32, #tpu.memory_space<vmem>>, vector<1x128xf32>
    %get3A_171 = vector.shape_cast %get3A_170 : vector<1x128xf32> to vector<128xf32>
    %broadcast_in_dim3A_172 = vector.shape_cast %get3A_171 : vector<128xf32> to vector<1x128xf32>
    %add3A_173 = vector.broadcast %broadcast_in_dim3A_172 : vector<1x128xf32> to vector<400x128xf32>
    %add3A_174 = arith.addf %dot_general3A_167, %add3A_173 : vector<400x128xf32>
    %get3A_175 = arith.constant 1 : index
    %get3A_176 = arith.constant 0 : index
    %get3A_177 = vector.load %arg9[%get3A_175, %get3A_176] : memref<2x128xf32, #tpu.memory_space<vmem>>, vector<1x128xf32>
    %get3A_178 = vector.shape_cast %get3A_177 : vector<1x128xf32> to vector<128xf32>
    %get3A_179 = arith.constant 1 : index
    %get3A_180 = arith.constant 0 : index
    %get3A_181 = vector.load %arg10[%get3A_179, %get3A_180] : memref<2x128xf32, #tpu.memory_space<vmem>>, vector<1x128xf32>
    %get3A_182 = vector.shape_cast %get3A_181 : vector<1x128xf32> to vector<128xf32>
    %reduce_sum3A_183 = arith.constant dense<0.000000e+00> : vector<400xf32>
    %reduce_sum3A_184 = vector.multi_reduction <add>, %add3A_174, %reduce_sum3A_183 [1] : vector<400x128xf32> to vector<400xf32>
    %broadcast_in_dim3A_185 = vector.shape_cast %reduce_sum3A_184 : vector<400xf32> to vector<400x1xf32>
    %div3A_186 = arith.constant 1.280000e+02 : f32
    %div3A_187 = vector.broadcast %div3A_186 : f32 to vector<400x1xf32>
    %div3A_188 = arith.divf %broadcast_in_dim3A_185, %div3A_187 : vector<400x1xf32>
    %sub3A_189 = vector.broadcast %div3A_188 : vector<400x1xf32> to vector<400x128xf32>
    %sub3A_190 = arith.subf %add3A_174, %sub3A_189 : vector<400x128xf32>
    %sub3A_191 = vector.broadcast %div3A_188 : vector<400x1xf32> to vector<400x128xf32>
    %sub3A_192 = arith.subf %add3A_174, %sub3A_191 : vector<400x128xf32>
    %mul3A_193 = arith.mulf %sub3A_190, %sub3A_192 : vector<400x128xf32>
    %reduce_sum3A_194 = arith.constant dense<0.000000e+00> : vector<400xf32>
    %reduce_sum3A_195 = vector.multi_reduction <add>, %mul3A_193, %reduce_sum3A_194 [1] : vector<400x128xf32> to vector<400xf32>
    %broadcast_in_dim3A_196 = vector.shape_cast %reduce_sum3A_195 : vector<400xf32> to vector<400x1xf32>
    %div3A_197 = arith.constant 1.280000e+02 : f32
    %div3A_198 = vector.broadcast %div3A_197 : f32 to vector<400x1xf32>
    %div3A_199 = arith.divf %broadcast_in_dim3A_196, %div3A_198 : vector<400x1xf32>
    %sub3A_200 = vector.broadcast %div3A_188 : vector<400x1xf32> to vector<400x128xf32>
    %sub3A_201 = arith.subf %add3A_174, %sub3A_200 : vector<400x128xf32>
    %add3A_202 = arith.constant 9.99999974E-6 : f32
    %add3A_203 = vector.broadcast %add3A_202 : f32 to vector<400x1xf32>
    %add3A_204 = arith.addf %div3A_199, %add3A_203 : vector<400x1xf32>
    %sqrt3A_205 = math.sqrt %add3A_204 : vector<400x1xf32>
    %div3A_206 = vector.broadcast %sqrt3A_205 : vector<400x1xf32> to vector<400x128xf32>
    %div3A_207 = arith.divf %sub3A_201, %div3A_206 : vector<400x128xf32>
    %broadcast_in_dim3A_208 = vector.shape_cast %get3A_178 : vector<128xf32> to vector<1x128xf32>
    %mul3A_209 = vector.broadcast %broadcast_in_dim3A_208 : vector<1x128xf32> to vector<400x128xf32>
    %mul3A_210 = arith.mulf %div3A_207, %mul3A_209 : vector<400x128xf32>
    %broadcast_in_dim3A_211 = vector.shape_cast %get3A_182 : vector<128xf32> to vector<1x128xf32>
    %add3A_212 = vector.broadcast %broadcast_in_dim3A_211 : vector<1x128xf32> to vector<400x128xf32>
    %add3A_213 = arith.addf %mul3A_210, %add3A_212 : vector<400x128xf32>
    %tanh3A_214 = math.tanh %add3A_213 : vector<400x128xf32>
    %ge3A = arith.constant 3 : i32
    %ge3A_215 = vector.broadcast %ge3A : i32 to vector<400x1xi32>
    %ge3A_216 = arith.cmpi sge, %get3A_4, %ge3A_215 : vector<400x1xi32>
    %broadcast_in_dim3A_217 = vector.shape_cast %ge3A_216 : vector<400x1xi1> to vector<400x1xi1>
    %broadcast_in_dim3A_218 = vector.broadcast %broadcast_in_dim3A_217 : vector<400x1xi1> to vector<400x128xi1>
    %select_n3A = arith.select %broadcast_in_dim3A_218, %tanh3A_214, %tanh3A : vector<400x128xi1>, vector<400x128xf32>
    %swap3A = arith.constant 0 : index
    %swap3A_219 = arith.constant 0 : index
    %swap3A_220 = vector.load %arg11[%swap3A, %swap3A_219] : memref<400x128xf32, #tpu.memory_space<vmem>>, vector<400x128xf32>
    tpu.vector_store %arg11[%swap3A, %swap3A_219], %select_n3A {strides = array<i32>} : memref<400x128xf32, #tpu.memory_space<vmem>>, vector<400x128xf32>,
    return
  }
  func.func @transform_0(%arg0: i32) -> (i32, i32) {
    %c0_i32 = arith.constant 0 : i32
    %c0_i32_0 = arith.constant 0 : i32
    return %arg0, %c0_i32 : i32, i32
  }
  func.func @transform_1(%arg0: i32) -> (i32, i32) {
    %c0_i32 = arith.constant 0 : i32
    %c0_i32_0 = arith.constant 0 : i32
    return %arg0, %c0_i32 : i32, i32
  }
  func.func @transform_2(%arg0: i32) -> (i32, i32, i32) {
    %c0_i32 = arith.constant 0 : i32
    %c0_i32_0 = arith.constant 0 : i32
    %c0_i32_1 = arith.constant 0 : i32
    %c0_i32_2 = arith.constant 0 : i32
    return %c0_i32, %c0_i32_0, %c0_i32_1 : i32, i32, i32
  }
  func.func @transform_3(%arg0: i32) -> (i32, i32) {
    %c0_i32 = arith.constant 0 : i32
    %c0_i32_0 = arith.constant 0 : i32
    %c0_i32_1 = arith.constant 0 : i32
    return %c0_i32, %c0_i32_0 : i32, i32
  }
  func.func @transform_4(%arg0: i32) -> (i32, i32) {
    %c0_i32 = arith.constant 0 : i32
    %c0_i32_0 = arith.constant 0 : i32
    %c0_i32_1 = arith.constant 0 : i32
    return %c0_i32, %c0_i32_0 : i32, i32
  }
  func.func @transform_5(%arg0: i32) -> (i32, i32) {
    %c0_i32 = arith.constant 0 : i32
    %c0_i32_0 = arith.constant 0 : i32
    %c0_i32_1 = arith.constant 0 : i32
    return %c0_i32, %c0_i32_0 : i32, i32
  }
  func.func @transform_6(%arg0: i32) -> (i32, i32, i32) {
    %c0_i32 = arith.constant 0 : i32
    %c0_i32_0 = arith.constant 0 : i32
    %c0_i32_1 = arith.constant 0 : i32
    %c0_i32_2 = arith.constant 0 : i32
    return %c0_i32, %c0_i32_0, %c0_i32_1 : i32, i32, i32
  }
  func.func @transform_7(%arg0: i32) -> (i32, i32) {
    %c0_i32 = arith.constant 0 : i32
    %c0_i32_0 = arith.constant 0 : i32
    %c0_i32_1 = arith.constant 0 : i32
    return %c0_i32, %c0_i32_0 : i32, i32
  }
  func.func @transform_8(%arg0: i32) -> (i32, i32) {
    %c0_i32 = arith.constant 0 : i32
    %c0_i32_0 = arith.constant 0 : i32
    %c0_i32_1 = arith.constant 0 : i32
    return %c0_i32, %c0_i32_0 : i32, i32
  }
  func.func @transform_9(%arg0: i32) -> (i32, i32) {
    %c0_i32 = arith.constant 0 : i32
    %c0_i32_0 = arith.constant 0 : i32
    %c0_i32_1 = arith.constant 0 : i32
    return %c0_i32, %c0_i32_0 : i32, i32
  }
  func.func @transform_10(%arg0: i32) -> (i32, i32) {
    %c0_i32 = arith.constant 0 : i32
    %c0_i32_0 = arith.constant 0 : i32
    return %arg0, %c0_i32 : i32, i32
  }
}

</mosaic_0001>

<sc_bundles>
// kernel: kernel.10.cloned.1.call-start
scs
__scs_entry_jumppad:
0x0: {  	(pc) =	sbr.rel $0x88, $3  }
0x1: {  	(tag) =	ssettag $0x0;
	lr =	simm.s32 $0x1  }
0x2: {  	[smem:$0x3F76] =	sst lr;
	_ =	strace $0xD0000000  }
0x3: {  	_ = 	snop  }
0x4: {  	_ = 	snop  }
0x5: {  	_ = 	snop  }
0x6: {  	_ = 	snop  }
0x7: {  	_ = 	snop  }
__scs_overlays_trampoline_lowered:
0x8: {  	[smem:$0x3F85] =	sst s0  }
0x9: {  	[smem:$0x3F86] =	sst s1  }
0xa: {  	[smem:$0x3F87] =	sst s2  }
0xb: {  	[smem:$0x3F88] =	sst s3  }
0xc: {  	[smem:$0x3F89] =	sst s4  }
0xd: {  	[smem:$0x3F8A] =	sst s5  }
0xe: {  	[smem:$0x3F8B] =	sst s6  }
0xf: {  	[smem:$0x3F8C] =	sst s7  }
0x10: {  	[smem:$0x3F8D] =	sst s8  }
0x11: {  	[smem:$0x3F8E] =	sst s9;
	s0 =	simm.s32 @!p0 $0x0  }
0x12: {  	s1 =	sld [smem:$0x3F74];
	s0 =	simm.s32 @p0 $0x1  }
0x13: {  	[smem:$0x3F8F] =	sst s0;
	s0 =	simm.s32 @!p1 $0x0  }
0x14: {  	s2 =	sld [smem:$0x3F73];
	s0 =	simm.s32 @p1 $0x1  }
0x15: {  	[smem:$0x3F90] =	sst s0;
	s0 =	simm.s32 @!p2 $0x0  }
0x16: {  	s3 =	sld [smem:$0x3FDB];
	s0 =	simm.s32 @p2 $0x1  }
0x17: {  	s4 =	simm.s32 $0x1BF5;
	[smem:$0x3F92] =	sst s0  }
0x18: {  	s0 =	sld [smem:$0x3F75];
	_ =	swait.ge [sflag:s4], $0x0  }
0x19: {  	s7 =	sld [smem:$0x3F76]  }
0x1a: {  	s8 =	sadd.s32 $0xFFFFE003, lr  }
0x1b: {  	s9 =	sadd.s32 $0xFFFFFEF7, lr;
	s5 =	simm.s32 $0xFFFFFFFF;
	p2 =	slt.u32 s8, $0xFFFFF086  }
0x1c: {  	p1 =	slt.u32 s9, $0xF7A;
	s5 =	simm.s32 @!p2 $0x0  }
0x1d: {  	s5 =	simm.s32 @p1 $0x1;
	p0 =	seq.s32 s7, s2  }
0x1e: {  	s7 =	smul.u32 @!p0 $0xF7A, s2;
	p2 =	seq.s32 @!p0 s5, $0x0  }
0x1f: {  	s9 =	smul.u32 $0xF7A, s1;
	s8 =	simm.s32 @!p0 $0x1BF5;
	p2 =	por !p2, p0  }
0x20: {  	[sflag:s8] =	ssyncset.s32 @!p0 $0xFFFFF086;
	s6 =	sadd.s32 @!p0 s3, s7;
	s7 =	simm.s32 @!p0 $0x108  }
0x21: {  	s3 =	sadd.s32 s3, s9;
	s6 =	sadd.s32 @!p0 $0x88, s6;
	s7 =	simm.s32 @p2 $0x1082  }
0x22: {  	[simem:s7], [sflag:s8] =	dma.local @!p0 [hbm:s6], $0xF7A  }
0x23: {  	s9 =	sor.u32 $0xD0000000, s2;
	s6 =	simm.s32 $0x108;
	_ =	swait.ge @!p0 [sflag:s8], $0x0  }
0x24: {  	s3 =	sadd.s32 $0x88, s3;
	s6 =	simm.s32 @!p1 $0x1082;
	[sflag:s4] =	ssyncset.s32 $0xFFFFF086  }
0x25: {  	[simem:s6], [sflag:s4] =	dma.local [hbm:s3], $0xF7A  }
0x26: {  	[smem:$0x3F76] =	sst s1;
	(tag) =	ssettag s2;
	_ =	strace s9  }
0x27: {  	s1 =	sld [smem:$0x3F86]  }
0x28: {  	s2 =	sld [smem:$0x3F87]  }
0x29: {  	s4 =	sld [smem:$0x3F89]  }
0x2a: {  	p0 =	seq.s32 s5, $0x0;
	s5 =	sld [smem:$0x3F8A]  }
0x2b: {  	s6 =	sld [smem:$0x3F8B]  }
0x2c: {  	s7 =	sld [smem:$0x3F8C]  }
0x2d: {  	s3 =	simm.s32 $0x108;
	s8 =	sld [smem:$0x3F8D]  }
0x2e: {  	s3 =	simm.s32 @!p0 $0x1082;
	s9 =	sld [smem:$0x3F8E]  }
0x2f: {  	lr =	sadd.s32 s0, s3;
	s0 =	sld [smem:$0x3F85]  }
0x30: {  	s3 =	sld [smem:$0x3F88]  }
0x31: {  	[smem:$0x3F91] =	sst s10  }
0x32: {  	s10 =	sld [smem:$0x3F8F];
	_ =	sdelay $0x3  }
0x33: {  	p0 =	seq.s32 s10, $0x1;
	s10 =	sld [smem:$0x3F91];
	_ =	sdelay $0x3  }
0x34: {  	[smem:$0x3F91] =	sst s10  }
0x35: {  	s10 =	sld [smem:$0x3F90];
	_ =	sdelay $0x3  }
0x36: {  	p1 =	seq.s32 s10, $0x1;
	s10 =	sld [smem:$0x3F91];
	_ =	sdelay $0x3  }
0x37: {  	[smem:$0x3F91] =	sst s10  }
0x38: {  	s10 =	sld [smem:$0x3F92]  }
0x39: {  	_ = 	snop;
	(pc) =	sbr.ind lr, $3  }
0x3a: {  	_ = 	snop  }
0x3b: {  	_ = 	snop  }
0x3c: {  	p2 =	seq.s32 s10, $0x1;
	s10 =	sld [smem:$0x3F91]  }
0x3d: {  	_ =	shalt  }
0x3e: {  	_ =	shalt  }
0x3f: {  	_ =	shalt  }
0x40: {  	_ =	shalt  }
0x41: {  	_ =	shalt  }
0x42: {  	_ =	shalt  }
0x43: {  	_ =	shalt  }
0x44: {  	_ =	shalt  }
0x45: {  	_ =	shalt  }
0x46: {  	_ =	shalt  }
0x47: {  	_ =	shalt  }
0x48: {  	_ =	shalt  }
0x49: {  	_ =	shalt  }
0x4a: {  	_ =	shalt  }
0x4b: {  	_ =	shalt  }
0x4c: {  	_ =	shalt  }
0x4d: {  	_ =	shalt  }
0x4e: {  	_ =	shalt  }
0x4f: {  	_ =	shalt  }
0x50: {  	_ =	shalt  }
0x51: {  	_ =	shalt  }
0x52: {  	_ =	shalt  }
0x53: {  	_ =	shalt  }
0x54: {  	_ =	shalt  }
0x55: {  	_ =	shalt  }
0x56: {  	_ =	shalt  }
0x57: {  	_ =	shalt  }
0x58: {  	_ =	shalt  }
0x59: {  	_ =	shalt  }
0x5a: {  	_ =	shalt  }
0x5b: {  	_ =	shalt  }
0x5c: {  	_ =	shalt  }
0x5d: {  	_ =	shalt  }
0x5e: {  	_ =	shalt  }
0x5f: {  	_ =	shalt  }
0x60: {  	_ =	shalt  }
0x61: {  	_ =	shalt  }
0x62: {  	_ =	shalt  }
0x63: {  	_ =	shalt  }
0x64: {  	_ =	shalt  }
0x65: {  	_ =	shalt  }
0x66: {  	_ =	shalt  }
0x67: {  	_ =	shalt  }
0x68: {  	_ =	shalt  }
0x69: {  	_ =	shalt  }
0x6a: {  	_ =	shalt  }
0x6b: {  	_ =	shalt  }
0x6c: {  	_ =	shalt  }
0x6d: {  	_ =	shalt  }
0x6e: {  	_ =	shalt  }
0x6f: {  	_ =	shalt  }
0x70: {  	_ =	shalt  }
0x71: {  	_ =	shalt  }
0x72: {  	_ =	shalt  }
0x73: {  	_ =	shalt  }
0x74: {  	_ =	shalt  }
0x75: {  	_ =	shalt  }
0x76: {  	_ =	shalt  }
0x77: {  	_ =	shalt  }
0x78: {  	_ =	shalt  }
0x79: {  	_ =	shalt  }
0x7a: {  	_ =	shalt  }
0x7b: {  	_ =	shalt  }
0x7c: {  	_ =	shalt  }
0x7d: {  	_ =	shalt  }
0x7e: {  	_ =	shalt  }
0x7f: {  	_ =	shalt  }
0x80: {  	_ =	shalt  }
0x81: {  	_ =	shalt  }
0x82: {  	_ =	shalt  }
0x83: {  	_ =	shalt  }
0x84: {  	_ =	shalt  }
0x85: {  	_ =	shalt  }
0x86: {  	_ =	shalt  }
0x87: {  	_ =	shalt  }
.Lfunc_end0:
.L_simem_size_0:
called_computation.1_lowered:
.L_overlay_start_0:
0x88: {  	s2 =	sld [smem:$0x3FD9]  }
0x89: {  	s3 =	sld [smem:$0x3FFE];
	_ =	sdelay $0x1  }
0x8a: {  	s1 =	srdreg.scid  }
0x8b: {  	s0 =	sand.u32 $0x1, s1  }
0x8c: {  	s14 =	sshll.u32 s0, $0xA;
	s2 =	sadd.s32 s3, s2  }
0x8d: {  	s2 =	sadd.s32 s2, s14  }
0x8e: {  	[smem:$0x3F9D] =	sst s2  }
0x8f: {  	_ = 	snop  }
0x90: {  	s2 =	sld [smem:$0x3FD0];
	_ =	sdelay $0x2  }
0x91: {  	s15 =	simm.s32 $0xA;
	s4 =	simm.s32 $0x10  }
0x92: {  	[smem:s4], [sflag:s15] =	dma.local [hbm:s2], $0x1  }
0x93: {  	_ =	swait.eq [sflag:s15], $0x1  }
0x94: {  	[sflag:s15] =	ssyncset.done $0x0  }
0x95: {  	[sflag:s15] =	ssyncadd.s32 $0xFFFFFFFF  }
0x96: {  	s16 =	sld [smem:$0x11];
	(tm) =	ssettm $0x1  }
0x97: {  	s17 =	sld [smem:$0x3FFB];
	_ =	sdelay $0x3  }
0x98: {  	_ =	strace s17  }
0x99: {  	s3 =	sld [smem:$0x3FFC];
	_ =	sdelay $0x3  }
0x9a: {  	_ =	strace s3  }
0x9b: {  	s3 =	sld [smem:$0x3FFD];
	_ =	sdelay $0x3  }
0x9c: {  	_ =	strace s3  }
0x9d: {  	_ =	strace $0x8FFFFFFF  }
0x9e: {  	s18 =	sld [smem:$0x3FDB];
	_ =	sdelay $0x1  }
0x9f: {  	s19 =	simm.s32 $_scs_section_size  }
0xa0: {  	s5 =	simm.s32 $_size__tile_overlayer_lowered;
	s6 =	simm.s32 $_tile_overlayer_lowered  }
0xa1: {  	s22 =	simm.s32 $0x1BFF;
	s21 =	sshll.u32 s6, $0x1;
	s3 =	sadd.s32 s19, s18  }
0xa2: {  	s7 =	simm.s32 $0x0;
	s20 =	sshll.u32 s5, $0x1;
	s5 =	sadd.s32 s21, s3  }
0xa3: {  	[timem:s7], [sflag:s22] =	dma.local [hbm:s5], s20  }
0xa4: {  	_ =	swait.ge [sflag:s22], s20  }
0xa5: {  	s4 =	ssub.s32 $0x0, s20;
	[sflag:s22] =	ssyncset.done $0x0  }
0xa6: {  	[sflag:s22] =	ssyncadd.s32 s4;
	_ =	sdelay $0x1  }
0xa7: {  	s23 =	simm.s32 $0x1B8B  }
0xa8: {  	_ =	swait.ge [sflag:s23], $0x1  }
0xa9: {  	[sflag:s23] =	ssyncset.done $0x0  }
0xaa: {  	s25 =	simm.s32 $0x1B8E;
	s24 =	sld [smem:$0x3FFE];
	[sflag:s23] =	ssyncadd.s32 $0xFFFFFFFF  }
0xab: {  	s26 =	simm.s32 $execute0_lowered;
	[smem:$0x3FD2] =	sst s25  }
0xac: {  	s5 =	sshll.u32 s26, $0x1;
	_ =	strace $0x80000049;
	[dreg:$0x1] =	wrdreg $0xFFFFFFFF  }
0xad: {  	s28 =	simm.s32 $_size_execute0_lowered;
	s3 =	sadd.s32 s3, s5;
	[dreg:$0x0] =	wrdreg $0x0  }
0xae: {  	s5 =	sshll.u32 s28, $0x1;
	[dreg:$0x2] =	wrdreg s3  }
0xaf: {  	[dreg:$0x3] =	wrdreg s5  }
0xb0: {  	[dreg:$0x4] =	wrdreg $0xC0  }
0xb1: {  	_ =	task [dreg:s7], $0x5FFFF  }
0xb2: {  	[dreg:$0x1] =	wrdreg $0xFFFFFFFF  }
0xb3: {  	[dreg:$0x0] =	wrdreg $0x60  }
0xb4: {  	[dreg:$0x2] =	wrdreg s24  }
0xb5: {  	[dreg:$0x3] =	wrdreg s16  }
0xb6: {  	[dreg:$0x4] =	wrdreg $0x9  }
0xb7: {  	_ =	task.clear_ibuf [dreg:s7], $0x5FFFF;
	_ =	strace $0x90000049  }
0xb8: {  	s29 =	simm.s32 $0x9;
	_ =	strace $0x8000004B  }
0xb9: {  	_ =	swait.ge [sflag:s29], $0x1  }
0xba: {  	[sflag:s29] =	ssyncadd.s32 $0xFFFFFFFF  }
0xbb: {  	_ =	strace $0x9000004B  }
0xbc: {  	_ =	sfence  }
0xbd: {  	s30 =	sld [smem:$0x0];
	_ =	sdelay $0x2  }
0xbe: {  	s31 =	sshll.u32 s1, $0xD;
	s1 =	sshrl.u32 s1, $0x2  }
0xbf: {  	s3 =	sand.u32 $0x4000, s31;
	s1 =	sadd.s32 s1, s30  }
0xc0: {  	s0 =	sor.u32 s3, s0;
	s1 =	sshll.u32 s1, $0x11  }
0xc1: {  	s0 =	sor.u32 s1, s0  }
0xc2: {  	s0 =	sadd.s32 $0x8F2B, s0  }
0xc3: {  	[sflag:s0] =	ssyncadd.remote.s32 $0x1  }
0xc4: {  	_ =	sfence.sel $0xFFFF  }
0xc5: {  	[dreg:$0x0] =	wrdreg $0xFFFFFFFF;
	(pc) =	sbr.abs _section_cstart, $3  }
0xc6: {  	[dreg:$0x1] =	wrdreg $0xFFFFFFFF  }
0xc7: {  	_ =	task.clear_ibuf [dreg:s7], $0x2FFFF;
	_ =	strace $0x9FFFFFFF  }
0xc8: {  	(tm) =	ssettm $0x7FFFFFFF  }
0xc9: {  	_ =	shalt  }
tec
execute0_lowered:
.L_overlay_start_1:
0x0: {  	(tag) =	ssettag $0x1  }
0x1: {  	v3 =	vlaneseq.u32  }
0x2: {  	v12 =	vmul.u32 $0x100, v3  }
0x3: {  	s0 =	rddreg [dreg:$0x0];
	s4 =	simm.s32 $0x0  }
0x4: {  	[smem:$0x7FF] =	sst s4;
	v1 =	vor.u32 $0x1000, v12  }
0x5: {  	s2 =	rddreg [dreg:$0x1];
	_ =	strace $0x8000004A;
	[tilespmem:$0x1FE50] =	vst v1;
	v1 =	vor.u32 $0x2000, v12  }
0x6: {  	[tilespmem:$0x1FE60] =	vst v1;
	v1 =	vor.u32 $0x3000, v12  }
0x7: {  	[tilespmem:$0x1FE70] =	vst v1;
	v1 =	vor.u32 $0x4000, v12  }
0x8: {  	[tilespmem:$0x1FE80] =	vst v1;
	v1 =	vor.u32 $0x5000, v12  }
0x9: {  	[tilespmem:$0x1FE90] =	vst v1;
	v1 =	vor.u32 $0x6000, v12  }
0xa: {  	[tilespmem:$0x1FEA0] =	vst v1;
	v1 =	vor.u32 $0x7000, v12  }
0xb: {  	[tilespmem:$0x1FEB0] =	vst v1;
	v1 =	vor.u32 $0x8000, v12  }
0xc: {  	[tilespmem:$0x1FEC0] =	vst v1;
	v1 =	vor.u32 $0x9000, v12  }
0xd: {  	[tilespmem:$0x1FED0] =	vst v1;
	v1 =	vor.u32 $0xA000, v12  }
0xe: {  	[tilespmem:$0x1FEE0] =	vst v1;
	v1 =	vor.u32 $0xB000, v12  }
0xf: {  	[tilespmem:$0x1FEF0] =	vst v1;
	v1 =	vor.u32 $0xC000, v12  }
0x10: {  	s1 =	srdreg.scid;
	s3 =	stileid.u32;
	s14 =	simm.s32 $0x3;
	[tilespmem:$0x1FF00] =	vst v1;
	v1 =	vor.u32 $0xD000, v12  }
0x11: {  	v7 =	vimm.s32 $0xF;
	s19 =	simm.s32 $0x220;
	s20 =	simm.s32 $0x80;
	s17 =	simm.s32 $0x11A0;
	[tilespmem:$0x1FF10] =	vst v1;
	v1 =	vor.u32 $0xE000, v12  }
0x12: {  	v8 =	vimm.s32 $0x1F;
	s18 =	simm.s32 $0x2;
	s1 =	sand.u32 $0x1, s1;
	s3 =	sshll.u32 s3, $0x1;
	v2 =	vmul.u32 $0x10, v3;
	[tilespmem:$0x1FF20] =	vst v1;
	v1 =	vor.u32 $0xF000, v12  }
0x13: {  	v16 =	vimm.s32 $0x3;
	v57 =	vimm.s32 $0x1;
	s21 =	simm.s32 $0x0;
	s30 =	simm.s32 $0x6220;
	s3 =	sor.u32 s1, s3;
	[tilespmem:$0x1FF30] =	vst v1;
	v1 =	vor.u32 $0x10000, v12  }
0x14: {  	s16 =	simm.s32 $0x2A20;
	s15 =	simm.s32 $0x6A20;
	s28 =	simm.s32 $0x3220;
	v0 =	vmov s3;
	v36 =	vor.u32 $0x100, v2;
	[tilespmem:$0x1FF40] =	vst v1;
	v1 =	vor.u32 $0x11000, v12  }
0x15: {  	s8 =	simm.s32 $0x7220;
	s7 =	simm.s32 $0x8220;
	s5 =	sadd.s32 $0xC400, s0;
	v37 =	vor.u32 $0x1, v2;
	v38 =	vor.u32 $0x101, v2;
	[tilespmem:$0x1FF50] =	vst v1;
	v1 =	vor.u32 $0x12000, v12  }
0x16: {  	s10 =	simm.s32 $0x4A20;
	s23 =	sadd.s32 $0x7400, s0;
	[dreg:$0x3] =	wrdreg s5;
	v39 =	vor.u32 $0x2, v2;
	v40 =	vor.u32 $0x102, v2;
	[tilespmem:$0x1FF60] =	vst v1;
	v1 =	vor.u32 $0x13000, v12  }
0x17: {  	s12 =	simm.s32 $0x8A20;
	s24 =	sadd.s32 $0x11400, s0;
	[dreg:$0x4] =	wrdreg s23;
	v41 =	vor.u32 $0x3, v2;
	v42 =	vor.u32 $0x103, v2;
	[tilespmem:$0x1FF70] =	vst v1;
	v1 =	vor.u32 $0x14000, v12  }
0x18: {  	s4 =	sadd.s32 $0x16600, s0;
	s25 =	sadd.s32 $0x16400, s0;
	[dreg:$0x5] =	wrdreg s24;
	v44 =	vor.u32 $0x1C000, v12;
	v45 =	vor.u32 $0x1D000, v12;
	[tilespmem:$0x1FF80] =	vst v1;
	v1 =	vor.u32 $0x15000, v12  }
0x19: {  	s9 =	sadd.s32 $0x1B600, s0;
	s6 =	sadd.s32 $0x6C000, s0;
	[dreg:$0x6] =	wrdreg s25;
	v46 =	vor.u32 $0x1E000, v12;
	v47 =	vor.u32 $0x1F000, v12;
	[tilespmem:$0x1FF90] =	vst v1;
	v1 =	vor.u32 $0x16000, v12  }
0x1a: {  	s0 =	sadd.s32 $0x6BE00, s0;
	s1 =	ssub.s32 $0x2, s1;
	[dreg:$0x7] =	wrdreg s6;
	v48 =	vor.u32 $0x20000, v12;
	v49 =	vor.u32 $0x21000, v12;
	[tilespmem:$0x1FFA0] =	vst v1;
	v1 =	vor.u32 $0x17000, v12  }
0x1b: {  	[dreg:$0x8] =	wrdreg s0;
	s23 =	simm.s32 $0x1;
	s25 =	simm.s32 $0x2220;
	v50 =	vor.u32 $0x22000, v12;
	v51 =	vor.u32 $0x23000, v12;
	[tilespmem:$0x1FFB0] =	vst v1;
	v1 =	vor.u32 $0x18000, v12  }
0x1c: {  	s5 =	simm.s32 $0x7A20;
	s26 =	sshrl.u32 s1, $0x1;
	s31 =	smul.u32 $0x1400, s3;
	v52 =	vor.u32 $0x24000, v12;
	v53 =	vor.u32 $0x25000, v12;
	[tilespmem:$0x1FFC0] =	vst v1;
	v1 =	vor.u32 $0x19000, v12  }
0x1d: {  	s6 =	simm.s32 $0x4220;
	p0 =	sne.s32 s3, $0x0;
	v54 =	vor.u32 $0x26000, v12;
	v55 =	vor.u32 $0x27000, v12;
	s29 =	ssub.s32 s1, s26;
	[tilespmem:$0x1FFD0] =	vst v1;
	v1 =	vor.u32 $0x1A000, v12  }
0x1e: {  	v56 =	vor.u32 $0x28000, v12;
	s3 =	simm.s32 $0x0;
	v32 =	vshll.u32 v0, $0x4;
	[dreg:$0x9] =	wrdreg s31;
	s0 =	smax.u32 s29, $0x1;
	[tilespmem:$0x1FFE0] =	vst v1;
	v1 =	vor.u32 $0x1B000, v12  }
0x1f: {  	s26 =	simm.s32 $0x620;
	v33 =	vor.u32 $0x1, v32;
	v34 =	vor.u32 $0x2, v32;
	v35 =	vor.u32 $0x3, v32;
	[dreg:$0xa] =	wrdreg s0;
	s0 =	simm.s32 $0xE20;
	[tilespmem:$0x1FFF0] =	vst v1  }
.LBB2_1:
0x20: {  	[dreg:$0xb] =	wrdreg s3  }
0x21: {  	s1 =	simm.s32 $0x0;
	s11 =	rddreg [dreg:$0x6]  }
0x22: {  	[tilespmem:s1], [sflag:$0x3] =	stream.linear.gather [hbm4b:s11+s1], $0x200, $0x38;
	[tilespmem:$0x94B0] =	vst v63  }
0x23: {  	_ =	swait.ge [sflag:s14], $0x200  }
0x24: {  	[sflag:s14] =	ssyncset.done $0x0  }
0x25: {  	[sflag:s14] =	ssyncadd.s32 $0xFFFFFE00  }
0x26: {  	v3 =	vld.idx.msk [tilespmem:v2+s1+$0x0], $0xffff;
	_ =	sdelay $0x4  }
0x27: {  	(xrf0) =	vadd.scan.msk.s32 $0xffff, v3  }
0x28: {  	v3 =	vld.idx.msk [tilespmem:v36+s1+$0x0], $0xffff;
	_ =	sdelay $0x4  }
0x29: {  	v4, _, _ =	vpop (xrf0);
	(xrf0) =	vadd.scan.msk.s32 $0xffff, v3  }
0x2a: {  	s31 =	simm.s32 $0x200;
	[tilespmem:$0x200] =	vst v4  }
0x2b: {  	v3 =	vld.idx.msk [tilespmem:v7+s31+$0x0], $0xffff;
	_ =	sdelay $0x3  }
0x2c: {  	v4, _, _ =	vpop (xrf0)  }
0x2d: {  	v3 =	vadd.s32 v3, v4  }
0x2e: {  	[tilespmem:$0x210] =	vst v3  }
0x2f: {  	v3 =	vld.idx.msk [tilespmem:v37+s1+$0x0], $0xffff;
	_ =	sdelay $0x4  }
0x30: {  	(xrf0) =	vadd.scan.msk.s32 $0xffff, v3  }
0x31: {  	v3 =	vld.idx.msk [tilespmem:v38+s1+$0x0], $0xffff;
	_ =	sdelay $0x3  }
0x32: {  	v4 =	vld.idx.msk [tilespmem:v8+s31+$0x0], $0xffff  }
0x33: {  	v58 =	vld.idx.msk [tilespmem:v0+s31+$0x0], $0xffff;
	v5, _, _ =	vpop (xrf0);
	(xrf0) =	vadd.scan.msk.s32 $0xffff, v3  }
0x34: {  	v59 =	vld.idx.msk [tilespmem:v32+s1+$0x0], $0xffff;
	[tilespmem:$0x200] =	vst v5  }
0x35: {  	v3 =	vld.idx.msk [tilespmem:v7+s31+$0x0], $0xffff;
	_ =	sdelay $0x3  }
0x36: {  	v5, _, _ =	vpop (xrf0)  }
0x37: {  	v3 =	vadd.s32 v3, v5  }
0x38: {  	[tilespmem:$0x210] =	vst v3  }
0x39: {  	v3 =	vld.idx.msk [tilespmem:v39+s1+$0x0], $0xffff;
	_ =	sdelay $0x4  }
0x3a: {  	(xrf0) =	vadd.scan.msk.s32 $0xffff, v3  }
0x3b: {  	v3 =	vld.idx.msk [tilespmem:v40+s1+$0x0], $0xffff;
	_ =	sdelay $0x3  }
0x3c: {  	v5 =	vld.idx.msk [tilespmem:v8+s31+$0x0], $0xffff  }
0x3d: {  	v61 =	vld.idx.msk [tilespmem:v0+s31+$0x0], $0xffff;
	v6, _, _ =	vpop (xrf0);
	(xrf0) =	vadd.scan.msk.s32 $0xffff, v3  }
0x3e: {  	v60 =	vld.idx.msk [tilespmem:v33+s1+$0x0], $0xffff;
	[tilespmem:$0x200] =	vst v6  }
0x3f: {  	v3 =	vld.idx.msk [tilespmem:v7+s31+$0x0], $0xffff;
	_ =	sdelay $0x3  }
0x40: {  	v6, _, _ =	vpop (xrf0)  }
0x41: {  	v3 =	vadd.s32 v3, v6  }
0x42: {  	[tilespmem:$0x210] =	vst v3  }
0x43: {  	v3 =	vld.idx.msk [tilespmem:v41+s1+$0x0], $0xffff;
	_ =	sdelay $0x4  }
0x44: {  	(xrf0) =	vadd.scan.msk.s32 $0xffff, v3  }
0x45: {  	v3 =	vld.idx.msk [tilespmem:v42+s1+$0x0], $0xffff;
	_ =	sdelay $0x3  }
0x46: {  	v6 =	vld.idx.msk [tilespmem:v8+s31+$0x0], $0xffff  }
0x47: {  	v63 =	vld.idx.msk [tilespmem:v0+s31+$0x0], $0xffff;
	v9, _, _ =	vpop (xrf0);
	(xrf0) =	vadd.scan.msk.s32 $0xffff, v3  }
0x48: {  	v62 =	vld.idx.msk [tilespmem:v34+s1+$0x0], $0xffff;
	[tilespmem:$0x200] =	vst v9  }
0x49: {  	v3 =	vld.idx.msk [tilespmem:v7+s31+$0x0], $0xffff;
	_ =	sdelay $0x2  }
0x4a: {  	v9 =	vadd.s32 $0xFF, v4  }
.Ltmp0:
0x4b: {  	v10 =	vor.u32 $0xFF, v9;
	v4, _, _ =	vpop (xrf0);
	(pc) =	sbr.rel @p0 .LBB2_3-.Ltmp0, $4  }
0x4c: {  	v10 =	vadd.s32 v5, v10;
	v3 =	vadd.s32 v3, v4  }
0x4d: {  	[tilespmem:$0x210] =	vst v3;
	v3 =	vor.u32 $0xFF, v10  }
0x4e: {  	v4 =	vld.idx.msk [tilespmem:v0+s31+$0x0], $0xffff;
	v11 =	vadd.s32 v6, v3  }
0x4f: {  	v5 =	vand.u32 $0xFFFFFF00, v9;
	v3 =	vld.idx.msk [tilespmem:v35+s1+$0x0], $0xffff;
	v6 =	vand.u32 $0xFFFFFF00, v10;
	v9 =	vand.u32 $0xFFFFFF00, v11  }
0x50: {  	v1 =	vld [tilespmem:$0x1FE50];
	_ =	sdelay $0x4  }
0x51: {  	vm5 =	vgt.s32 v5, v1;
	vm6 =	vgt.s32 v9, v1;
	vm2 =	vgt.s32 v6, v1;
	v1 =	vld [tilespmem:$0x1FE60];
	_ =	sdelay $0x1  }
0x52: {  	vm0 =	vgt.s32 v9, v12;
	v29 =	vld [tilespmem:$0x1FEA0]  }
0x53: {  	vm1 =	vgt.s32 v6, v12;
	v43 =	vld [tilespmem:$0x1FEE0];
	v10 =	vsel vm0, $0x2, v16  }
0x54: {  	vm4 =	vgt.s32 v5, v12;
	v10 =	vsel vm1, $0x1, v10;
	v11 =	vsel vm6, $0x2, v16  }
0x55: {  	v10 =	vsel vm4, $0x0, v10;
	v11 =	vsel vm2, $0x1, v11;
	vm7 =	vgt.s32 v9, v1  }
0x56: {  	vm8 =	vgt.s32 v6, v1;
	vm9 =	vgt.s32 v5, v1;
	v1 =	vld [tilespmem:$0x1FE70];
	v13 =	vsel vm7, $0x2, v16  }
0x57: {  	v24 =	vld [tilespmem:$0x1FEB0];
	vm7 =	vgt.s32 v9, v29;
	v13 =	vsel vm8, $0x1, v13;
	vm8 =	vgt.s32 v6, v29  }
0x58: {  	v17 =	vsel vm7, $0x2, v16;
	vm7 =	vgt.s32 v9, v43;
	v13 =	vsel vm9, $0x0, v13  }
0x59: {  	vm9 =	vgt.s32 v5, v29;
	v17 =	vsel vm8, $0x1, v17;
	vm8 =	vgt.s32 v6, v43  }
0x5a: {  	v21 =	vsel vm7, $0x2, v16;
	v17 =	vsel vm9, $0x0, v17;
	vm9 =	vgt.s32 v5, v43  }
0x5b: {  	vm10 =	vgt.s32 v5, v1;
	vm11 =	vgt.s32 v9, v1;
	vm12 =	vgt.s32 v6, v1;
	v1 =	vld [tilespmem:$0x1FE80]  }
0x5c: {  	v21 =	vsel vm8, $0x1, v21;
	v43 =	vld [tilespmem:$0x1FF20];
	v14 =	vsel vm11, $0x2, v16;
	vm11 =	vgt.s32 v9, v24  }
0x5d: {  	v25 =	vld [tilespmem:$0x1FEC0];
	v14 =	vsel vm12, $0x1, v14;
	vm12 =	vgt.s32 v6, v24;
	v18 =	vsel vm11, $0x2, v16  }
0x5e: {  	v14 =	vsel vm10, $0x0, v14;
	vm10 =	vgt.s32 v5, v24;
	v18 =	vsel vm12, $0x1, v18  }
0x5f: {  	v11 =	vsel vm5, $0x0, v11;
	v21 =	vsel vm9, $0x0, v21;
	v24 =	vld [tilespmem:$0x1FEF0];
	v18 =	vsel vm10, $0x0, v18  }
0x60: {  	vm13 =	vgt.s32 v9, v1;
	vm14 =	vgt.s32 v6, v1;
	vm15 =	vgt.s32 v5, v1;
	v1 =	vld [tilespmem:$0x1FE90]  }
0x61: {  	vm7 =	vgt.s32 v9, v43;
	vm8 =	vgt.s32 v6, v43;
	v15 =	vsel vm13, $0x2, v16  }
0x62: {  	v26 =	vld [tilespmem:$0x1FED0];
	vm13 =	vgt.s32 v9, v25;
	v15 =	vsel vm14, $0x1, v15;
	vm14 =	vgt.s32 v6, v25  }
0x63: {  	v19 =	vsel vm13, $0x2, v16;
	v15 =	vsel vm15, $0x0, v15;
	vm15 =	vgt.s32 v5, v25;
	v25 =	vld [tilespmem:$0x1FF00]  }
0x64: {  	vm9 =	vgt.s32 v5, v43;
	v19 =	vsel vm14, $0x1, v19;
	vm10 =	vgt.s32 v5, v24  }
0x65: {  	v43 =	vld [tilespmem:$0x1FF40];
	vm11 =	vgt.s32 v9, v24;
	v19 =	vsel vm15, $0x0, v19;
	vm5 =	vgt.s32 v9, v1  }
0x66: {  	vm4 =	vgt.s32 v5, v1;
	vm6 =	vgt.s32 v6, v1;
	v1 =	vsel vm5, $0x2, v16  }
0x67: {  	vm5 =	vgt.s32 v9, v26;
	v1 =	vsel vm6, $0x1, v1;
	vm6 =	vgt.s32 v6, v26  }
0x68: {  	v1 =	vsel vm4, $0x0, v1;
	vm4 =	vgt.s32 v5, v26;
	vm13 =	vgt.s32 v9, v25;
	v26 =	vld [tilespmem:$0x1FF10]  }
0x69: {  	v20 =	vsel vm5, $0x2, v16;
	vm14 =	vgt.s32 v6, v25;
	v23 =	vsel vm13, $0x2, v16  }
0x6a: {  	v30 =	vld [tilespmem:$0x1FF60];
	vm15 =	vgt.s32 v5, v25;
	vm13 =	vgt.s32 v9, v43;
	v23 =	vsel vm14, $0x1, v23  }
0x6b: {  	vm14 =	vgt.s32 v6, v43;
	v23 =	vsel vm15, $0x0, v23;
	vm15 =	vgt.s32 v5, v43;
	v43 =	vld [tilespmem:$0x1FF50]  }
0x6c: {  	vm12 =	vgt.s32 v6, v24;
	v22 =	vsel vm11, $0x2, v16;
	v20 =	vsel vm6, $0x1, v20  }
0x6d: {  	v25 =	vsel vm7, $0x2, v16;
	v20 =	vsel vm4, $0x0, v20;
	vm5 =	vgt.s32 v9, v26  }
0x6e: {  	vm4 =	vgt.s32 v5, v26;
	vm6 =	vgt.s32 v6, v26;
	v26 =	vld [tilespmem:$0x1FF30];
	v24 =	vsel vm5, $0x2, v16  }
0x6f: {  	vm7 =	vgt.s32 v9, v30;
	v25 =	vsel vm8, $0x1, v25;
	v24 =	vsel vm6, $0x1, v24  }
0x70: {  	vm8 =	vgt.s32 v6, v30;
	v24 =	vsel vm4, $0x0, v24;
	vm4 =	vgt.s32 v5, v43  }
0x71: {  	vm5 =	vgt.s32 v9, v43;
	vm6 =	vgt.s32 v6, v43;
	v43 =	vsel vm7, $0x2, v16  }
0x72: {  	v22 =	vsel vm12, $0x1, v22;
	v29 =	vsel vm8, $0x1, v43;
	v43 =	vld [tilespmem:$0x1FF70]  }
0x73: {  	v22 =	vsel vm10, $0x0, v22;
	v25 =	vsel vm9, $0x0, v25;
	vm11 =	vgt.s32 v9, v26  }
0x74: {  	[tilespmem:$0x9240] =	vst v13;
	v13 =	vld [tilespmem:$0x1FFB0];
	vm10 =	vgt.s32 v5, v26;
	vm12 =	vgt.s32 v6, v26;
	v26 =	vsel vm11, $0x2, v16  }
0x75: {  	v27 =	vsel vm13, $0x2, v16;
	vm9 =	vgt.s32 v5, v30;
	v26 =	vsel vm12, $0x1, v26  }
0x76: {  	v27 =	vsel vm14, $0x1, v27;
	v28 =	vsel vm5, $0x2, v16;
	v26 =	vsel vm10, $0x0, v26  }
0x77: {  	vm10 =	vgt.s32 v5, v43;
	vm11 =	vgt.s32 v9, v43;
	vm12 =	vgt.s32 v6, v43;
	v43 =	vld [tilespmem:$0x1FF80]  }
0x78: {  	[tilespmem:$0x9250] =	vst v14;
	v14 =	vld [tilespmem:$0x1FFC0];
	v27 =	vsel vm15, $0x0, v27;
	v28 =	vsel vm6, $0x1, v28;
	v30 =	vsel vm11, $0x2, v16  }
0x79: {  	vm11 =	vgt.s32 v9, v13;
	v30 =	vsel vm12, $0x1, v30;
	vm12 =	vgt.s32 v6, v13  }
0x7a: {  	v30 =	vsel vm10, $0x0, v30;
	vm10 =	vgt.s32 v5, v13;
	v13 =	vsel vm11, $0x2, v16  }
0x7b: {  	[tilespmem:$0x9270] =	vst v1;
	v29 =	vsel vm9, $0x0, v29;
	v28 =	vsel vm4, $0x0, v28;
	v1 =	vsel vm12, $0x1, v13  }
0x7c: {  	vm13 =	vgt.s32 v9, v43;
	vm14 =	vgt.s32 v6, v43;
	vm15 =	vgt.s32 v5, v43  }
0x7d: {  	v43 =	vld [tilespmem:$0x1FF90];
	v1 =	vsel vm10, $0x0, v1;
	v31 =	vsel vm13, $0x2, v16;
	vm13 =	vgt.s32 v9, v14  }
0x7e: {  	v31 =	vsel vm14, $0x1, v31;
	vm14 =	vgt.s32 v6, v14;
	v13 =	vsel vm13, $0x2, v16  }
0x7f: {  	vm13 =	vgt.s32 v9, v44;
	v31 =	vsel vm15, $0x0, v31;
	vm15 =	vgt.s32 v5, v14  }
0x80: {  	[tilespmem:$0x9290] =	vst v18;
	v13 =	vsel vm14, $0x1, v13;
	v14 =	vld [tilespmem:$0x1FFD0];
	vm14 =	vgt.s32 v6, v44;
	v18 =	vsel vm13, $0x2, v16  }
0x81: {  	[tilespmem:$0x9220] =	vst v10;
	vm13 =	vgt.s32 v9, v48;
	v13 =	vsel vm15, $0x0, v13;
	vm15 =	vgt.s32 v5, v44  }
0x82: {  	[tilespmem:$0x9230] =	vst v11;
	vm4 =	vgt.s32 v5, v43;
	vm5 =	vgt.s32 v9, v43;
	vm6 =	vgt.s32 v6, v43;
	v43 =	vld [tilespmem:$0x1FFA0]  }
0x83: {  	[tilespmem:$0x9280] =	vst v17;
	v18 =	vsel vm14, $0x1, v18;
	vm14 =	vgt.s32 v6, v48;
	v10 =	vsel vm5, $0x2, v16  }
0x84: {  	[tilespmem:$0x92C0] =	vst v21;
	v18 =	vsel vm15, $0x0, v18;
	vm15 =	vgt.s32 v5, v48;
	v10 =	vsel vm6, $0x1, v10  }
0x85: {  	v17 =	vld [tilespmem:$0x1FFE0];
	[tilespmem:$0x9260] =	vst v15;
	v10 =	vsel vm4, $0x0, v10;
	vm4 =	vgt.s32 v5, v14;
	vm5 =	vgt.s32 v9, v14  }
0x86: {  	[tilespmem:$0x92A0] =	vst v19;
	vm6 =	vgt.s32 v6, v14;
	v14 =	vsel vm5, $0x2, v16;
	vm5 =	vgt.s32 v9, v45  }
0x87: {  	[tilespmem:$0x92D0] =	vst v22;
	vm7 =	vgt.s32 v9, v43;
	vm8 =	vgt.s32 v6, v43;
	vm9 =	vgt.s32 v5, v43  }
0x88: {  	[tilespmem:$0x92B0] =	vst v20;
	v14 =	vsel vm6, $0x1, v14;
	vm6 =	vgt.s32 v6, v45;
	v19 =	vsel vm5, $0x2, v16  }
0x89: {  	[tilespmem:$0x9300] =	vst v25;
	v43 =	vsel vm13, $0x2, v16;
	vm5 =	vgt.s32 v9, v49;
	vm13 =	vgt.s32 v9, v52  }
0x8a: {  	[tilespmem:$0x92E0] =	vst v23;
	v11 =	vsel vm7, $0x2, v16;
	vm7 =	vgt.s32 v9, v17;
	v14 =	vsel vm4, $0x0, v14  }
0x8b: {  	[tilespmem:$0x9320] =	vst v27;
	vm4 =	vgt.s32 v5, v45;
	v19 =	vsel vm6, $0x1, v19;
	vm6 =	vgt.s32 v6, v49  }
0x8c: {  	[tilespmem:$0x92F0] =	vst v24;
	v11 =	vsel vm8, $0x1, v11;
	vm8 =	vgt.s32 v6, v17;
	v15 =	vsel vm7, $0x2, v16  }
0x8d: {  	[tilespmem:$0x9340] =	vst v29;
	vm7 =	vgt.s32 v9, v46;
	v19 =	vsel vm4, $0x0, v19;
	vm4 =	vgt.s32 v5, v49  }
0x8e: {  	[tilespmem:$0x9330] =	vst v28;
	v11 =	vsel vm9, $0x0, v11;
	vm9 =	vgt.s32 v5, v17;
	v15 =	vsel vm8, $0x1, v15  }
0x8f: {  	[tilespmem:$0x9310] =	vst v26;
	vm8 =	vgt.s32 v6, v46;
	v28 =	vsel vm7, $0x2, v16;
	vm7 =	vgt.s32 v9, v50  }
0x90: {  	[tilespmem:$0x93A0] =	vst v13;
	v15 =	vsel vm9, $0x0, v15;
	vm9 =	vgt.s32 v5, v46;
	v20 =	vsel vm8, $0x1, v28  }
0x91: {  	[tilespmem:$0x9380] =	vst v11;
	v11 =	vsel vm14, $0x1, v43;
	vm8 =	vgt.s32 v6, v50;
	v13 =	vsel vm7, $0x2, v16  }
0x92: {  	[tilespmem:$0x9350] =	vst v30;
	vm14 =	vgt.s32 v6, v52;
	vm7 =	vgt.s32 v9, v54;
	v20 =	vsel vm9, $0x0, v20  }
0x93: {  	[tilespmem:$0x9390] =	vst v1;
	v1 =	vsel vm15, $0x0, v11;
	v11 =	vsel vm5, $0x2, v16;
	vm9 =	vgt.s32 v5, v50  }
0x94: {  	v17 =	vld [tilespmem:$0x1FFF0];
	[tilespmem:$0x93C0] =	vst v15;
	v13 =	vsel vm8, $0x1, v13;
	v15 =	vsel vm13, $0x2, v16;
	vm15 =	vgt.s32 v5, v52  }
0x95: {  	[tilespmem:$0x9360] =	vst v31;
	vm5 =	vgt.s32 v9, v53;
	vm8 =	vgt.s32 v6, v54;
	vm13 =	vgt.s32 v9, v56  }
0x96: {  	[tilespmem:$0x93E0] =	vst v18;
	v11 =	vsel vm6, $0x1, v11;
	v13 =	vsel vm9, $0x0, v13;
	v15 =	vsel vm14, $0x1, v15  }
0x97: {  	[tilespmem:$0x9420] =	vst v1;
	vm6 =	vgt.s32 v6, v53;
	v1 =	vsel vm5, $0x2, v16;
	vm9 =	vgt.s32 v5, v54  }
0x98: {  	[tilespmem:$0x9370] =	vst v10;
	vm14 =	vgt.s32 v6, v56;
	v11 =	vsel vm4, $0x0, v11;
	vm4 =	vgt.s32 v5, v53  }
0x99: {  	[tilespmem:$0x93B0] =	vst v14;
	v1 =	vsel vm6, $0x1, v1;
	vm10 =	vgt.s32 v5, v17;
	vm11 =	vgt.s32 v9, v17  }
0x9a: {  	vm12 =	vgt.s32 v6, v17;
	[tilespmem:$0x9430] =	vst v11;
	v11 =	vsel vm7, $0x2, v16;
	v1 =	vsel vm4, $0x0, v1  }
0x9b: {  	[tilespmem:$0x93F0] =	vst v19;
	v17 =	vsel vm11, $0x2, v16;
	vm11 =	vgt.s32 v9, v47;
	v11 =	vsel vm8, $0x1, v11  }
0x9c: {  	[tilespmem:$0x9400] =	vst v20;
	v17 =	vsel vm12, $0x1, v17;
	vm12 =	vgt.s32 v6, v47;
	v31 =	vsel vm11, $0x2, v16  }
0x9d: {  	[tilespmem:$0x9440] =	vst v13;
	vm11 =	vgt.s32 v9, v51;
	v11 =	vsel vm9, $0x0, v11;
	v17 =	vsel vm10, $0x0, v17  }
0x9e: {  	[tilespmem:$0x9470] =	vst v1;
	vm10 =	vgt.s32 v5, v47;
	v10 =	vsel vm12, $0x1, v31;
	vm12 =	vgt.s32 v6, v51  }
0x9f: {  	v14 =	vsel vm11, $0x2, v16;
	vm11 =	vgt.s32 v9, v55;
	[tilespmem:$0x9480] =	vst v11;
	v10 =	vsel vm10, $0x0, v10  }
0xa0: {  	vm10 =	vgt.s32 v5, v51;
	v14 =	vsel vm12, $0x1, v14;
	[tilespmem:$0x9410] =	vst v10;
	v10 =	vsel vm15, $0x0, v15  }
0xa1: {  	vm12 =	vgt.s32 v6, v55;
	v14 =	vsel vm10, $0x0, v14;
	[tilespmem:$0x9460] =	vst v10;
	v10 =	vsel vm11, $0x2, v16  }
0xa2: {  	[tilespmem:$0x93D0] =	vst v17;
	vm10 =	vgt.s32 v5, v55;
	v1 =	vsel vm12, $0x1, v10;
	v10 =	vsel vm13, $0x2, v16  }
0xa3: {  	vm15 =	vgt.s32 v5, v56;
	[tilespmem:$0x9450] =	vst v14;
	v1 =	vsel vm10, $0x0, v1;
	v10 =	vsel vm14, $0x1, v10  }
0xa4: {  	[tilespmem:$0x9490] =	vst v1;
	v1 =	vsel vm15, $0x0, v10  }
0xa5: {  	s1 =	simm.s32 $0x0;
	s11 =	rddreg [dreg:$0x8];
	s13 =	simm.s32 $0x9220;
	[tilespmem:$0x94A0] =	vst v1  }
0xa6: {  	[hbm4b:s11+s1] =	stream.linear.scatter [tilespmem:s13], [sflag:$0x3], $0x290, $0x38;
	[tilespmem:$0x94B0] =	vst v63  }
0xa7: {  	_ =	swait.ge [sflag:s14], $0x290  }
0xa8: {  	[sflag:s14] =	ssyncset.done $0x0  }
0xa9: {  	[sflag:s14] =	ssyncadd.s32 $0xFFFFFD70  }
.LBB2_3:
0xaa: {  	_ =	sdelay $0x1  }
0xab: {  	v58 =	vsub.s32 v58, v59  }
0xac: {  	v1 =	vadd.s32 v5, v61;
	v5 =	vadd.s32 v6, v63;
	v4 =	vadd.s32 v9, v4  }
0xad: {  	s22 =	simm.s32 $0x0;
	v59 =	vsub.s32 v1, v60;
	v60 =	vsub.s32 v5, v62;
	v3 =	vsub.s32 v4, v3  }
.LBB2_4:
0xae: {  	s1 =	sshll.u32 s22, $0xA;
	s11 =	rddreg [dreg:$0x9]  }
0xaf: {  	s1 =	sadd.s32 s11, s1  }
0xb0: {  	s13 =	rddreg [dreg:$0x3];
	s24 =	sshrl.u32 s1, $0x3  }
0xb1: {  	s1 =	sadd.s32 s13, s24  }
0xb2: {  	[tilespmem:s19], [sflag:$0x3] =	stream.linear.gather [hbm4b:s1+s21], $0x400, $0x38;
	[tilespmem:$0x94B0] =	vst v63  }
0xb3: {  	_ =	swait.ge [sflag:s14], $0x400  }
0xb4: {  	[sflag:s14] =	ssyncset.done $0x0;
	s19 =	rddreg [dreg:$0x4]  }
0xb5: {  	[sflag:s14] =	ssyncadd.s32 $0xFFFFFC00;
	s1 =	sadd.s32 s19, s24  }
0xb6: {  	[tilespmem:s26], [sflag:$0x3] =	stream.linear.gather [hbm4b:s1+s21], $0x400, $0x38;
	[tilespmem:$0x94B0] =	vst v63  }
0xb7: {  	_ =	swait.ge [sflag:s14], $0x400  }
0xb8: {  	[sflag:s14] =	ssyncset.done $0x0;
	s26 =	rddreg [dreg:$0x5]  }
0xb9: {  	s31 =	simm.s32 $0xA20;
	[sflag:s14] =	ssyncadd.s32 $0xFFFFFC00;
	s1 =	sadd.s32 s26, s24  }
0xba: {  	[tilespmem:s31], [sflag:$0x3] =	stream.linear.gather [hbm4b:s1+s21], $0x400, $0x38;
	[tilespmem:$0x94B0] =	vst v63  }
0xbb: {  	_ =	swait.ge [sflag:s14], $0x400  }
0xbc: {  	[sflag:s14] =	ssyncset.done $0x0  }
0xbd: {  	s26 =	simm.s32 $0x0;
	[sflag:s14] =	ssyncadd.s32 $0xFFFFFC00  }
0xbe: {  	v1 =	vld [tilespmem:s26+$0xA20];
	_ =	sdelay $0x2  }
0xbf: {  	s29 =	simm.s32 $0x10  }
0xc0: {  	v10 =	vld [tilespmem:s29+$0xA20]  }
0xc1: {  	vm0 =	veq.s32 v1, $0x2  }
0xc2: {  	vm1 =	veq.s32 v1, $0x1;
	(xrf0) =	vadd.scan.msk.s32 vm0, v57  }
0xc3: {  	vm2 =	veq.s32 v1, $0x3;
	(xrf0) =	vadd.scan.msk.s32 vm1, v57  }
0xc4: {  	vm3 =	veq.s32 v1, $0x0;
	v1 =	vmpcnt.ones.xlane vm2;
	(xrf0) =	vadd.scan.msk.s32 vm2, v57  }
0xc5: {  	vm6 =	veq.s32 v10, $0x3;
	v11 =	vmpcnt.ones.xlane vm3  }
0xc6: {  	v4 =	vmpcnt.ones.xlane vm0;
	v5 =	vmpcnt.ones.xlane vm1;
	vm4 =	vmmov vm0;
	(xrf0) =	vadd.scan.msk.s32 vm3, v57  }
0xc7: {  	vm5 =	vmmov vm1;
	vm0 =	veq.s32 v10, $0x2;
	v62 =	vmpcnt.ones.xlane vm6  }
0xc8: {  	vm1 =	veq.s32 v10, $0x1;
	v6 =	vadd.s32 v60, v4;
	v9 =	vadd.s32 v3, v1;
	v1, _, _ =	vpop (xrf0)  }
0xc9: {  	v4 =	vadd.s32 v58, v11;
	vm2 =	vmmov vm3;
	vm3 =	veq.s32 v10, $0x0;
	v11, _, _ =	vpop (xrf0)  }
0xca: {  	v5 =	vadd.s32 v59, v5;
	v14 =	vmpcnt.ones.xlane vm1;
	v63 =	vmpcnt.ones.xlane vm3;
	(xrf0) =	vadd.scan.msk.s32 vm0, v57;
	v13, _, _ =	vpop (xrf0)  }
0xcb: {  	v61 =	vmovc v6;
	v1 =	vadd.s32 v60, v1;
	v60 =	vmpcnt.ones.xlane vm0;
	(xrf0) =	vadd.scan.msk.s32 vm1, v57;
	v3 =	vadd.s32 v3, v13  }
0xcc: {  	s1 =	simm.s32 $0x20;
	v11 =	vadd.s32 v59, v11;
	(xrf0) =	vadd.scan.msk.s32 vm6, v57;
	v59 =	vmov v9;
	v13, _, _ =	vpop (xrf0);
	v1 =	vsel vm4, v1, v3  }
0xcd: {  	s11 =	simm.s32 $0xC0;
	(xrf0) =	vadd.scan.msk.s32 vm3, v57;
	v10 =	vadd.s32 v58, v13;
	v58 =	vld [tilespmem:s1+$0xA20];
	v3 =	vadd.s32 v5, v14;
	v11 =	vsel vm5, v11, v1  }
.LBB2_5:
0xce: {  	v6 =	vadd.s32 v6, v60  }
0xcf: {  	p1 =	sne.s32 s11, $0x1C0;
	v9 =	vadd.s32 v9, v62;
	v1 =	vsel vm2, v10, v11;
	v10 =	vmovc v4;
	v11 =	vmovc v5;
	v5 =	vmov v3;
	s13 =	smov.u32 s11;
	s11 =	sadd.s32 $0x40, s11  }
0xd0: {  	vm5 =	vmmov vm0;
	v4 =	vadd.s32 v4, v63;
	v1 =	vadd.s32 $0xFFFFFFFF, v1  }
0xd1: {  	vm4 =	vmmov vm1;
	vm2 =	vmmov vm3;
	v13, _, _ =	vpop (xrf0);
	[tilespmem:s26+$0xE20] =	vst v1;
	s26 =	smov.u32 s29;
	s29 =	smov.u32 s1  }
.Ltmp1:
0xd2: {  	vm0 =	veq.s32 v58, $0x2;
	vm6 =	veq.s32 v58, $0x3;
	v1 =	vadd.s32 v61, v13;
	v13, _, _ =	vpop (xrf0);
	(pc) =	sbr.rel @p1 .LBB2_5-.Ltmp1, $4  }
0xd3: {  	vm1 =	veq.s32 v58, $0x1;
	v60 =	vmpcnt.ones.xlane vm0;
	(xrf0) =	vadd.scan.msk.s32 vm0, v57;
	v11 =	vadd.s32 v11, v13;
	v13, _, _ =	vpop (xrf0)  }
0xd4: {  	s1 =	sshra.s32 s13, $0x2;
	v14 =	vmpcnt.ones.xlane vm1;
	v62 =	vmpcnt.ones.xlane vm6;
	(xrf0) =	vadd.scan.msk.s32 vm1, v57;
	v13 =	vadd.s32 v59, v13;
	v15, _, _ =	vpop (xrf0)  }
0xd5: {  	vm3 =	veq.s32 v58, $0x0;
	v61 =	vmovc v6;
	v58 =	vld [tilespmem:s1+$0xA20];
	(xrf0) =	vadd.scan.msk.s32 vm6, v57;
	v10 =	vadd.s32 v10, v15;
	v1 =	vsel vm5, v1, v13  }
0xd6: {  	v63 =	vmpcnt.ones.xlane vm3;
	v59 =	vmovc v9;
	v3 =	vadd.s32 v3, v14;
	(xrf0) =	vadd.scan.msk.s32 vm3, v57;
	v11 =	vsel vm4, v11, v1  }
0xd7: {  	_ =	sdelay $0x2  }
0xd8: {  	vm4 =	veq.s32 v58, $0x2  }
0xd9: {  	v1, _, _ =	vpop (xrf0);
	vm6 =	veq.s32 v58, $0x1;
	(xrf0) =	vadd.scan.msk.s32 vm4, v57  }
0xda: {  	vm5 =	veq.s32 v58, $0x3;
	v13, _, _ =	vpop (xrf0);
	(xrf0) =	vadd.scan.msk.s32 vm6, v57  }
0xdb: {  	v10 =	vsel vm2, v10, v11;
	v11, _, _ =	vpop (xrf0);
	(xrf0) =	vadd.scan.msk.s32 vm5, v57  }
0xdc: {  	vm7 =	veq.s32 v58, $0x0;
	v11 =	vadd.s32 v59, v11  }
0xdd: {  	v5 =	vadd.s32 v5, v13;
	v14, _, _ =	vpop (xrf0);
	(xrf0) =	vadd.scan.msk.s32 vm7, v57  }
0xde: {  	vm0 =	vmmov vm0;
	v1 =	vadd.s32 v61, v1;
	v13 =	vadd.s32 v4, v14  }
0xdf: {  	v6 =	vadd.s32 v6, v60;
	vm1 =	vmmov vm1;
	v1 =	vsel vm0, v1, v11;
	v11, _, _ =	vpop (xrf0)  }
0xe0: {  	v9 =	vadd.s32 v9, v62;
	vm0 =	vmmov vm3;
	v1 =	vsel vm1, v5, v1;
	v5, _, _ =	vpop (xrf0)  }
0xe1: {  	v10 =	vadd.s32 $0xFFFFFFFF, v10;
	v4 =	vadd.s32 v4, v63;
	v1 =	vsel vm0, v13, v1;
	v13, _, _ =	vpop (xrf0)  }
0xe2: {  	vm0 =	vmmov vm4;
	v11 =	vadd.s32 v6, v11;
	v13 =	vadd.s32 v9, v13  }
0xe3: {  	vm1 =	vmmov vm6;
	v5 =	vadd.s32 v3, v5;
	v14, _, _ =	vpop (xrf0);
	v11 =	vsel vm0, v11, v13  }
0xe4: {  	vm0 =	vmmov vm7;
	v13 =	vadd.s32 v4, v14;
	v5 =	vsel vm1, v5, v11  }
0xe5: {  	[tilespmem:s26+$0xE20] =	vst v10;
	v1 =	vadd.s32 $0xFFFFFFFF, v1;
	v5 =	vsel vm0, v13, v5  }
0xe6: {  	[tilespmem:s29+$0xE20] =	vst v1;
	v1 =	vadd.s32 $0xFFFFFFFF, v5  }
0xe7: {  	s26 =	simm.s32 $0x0;
	[tilespmem:s1+$0xE20] =	vst v1  }
0xe8: {  	v1 =	vld [tilespmem:s26+$0xAA0];
	_ =	sdelay $0x2  }
0xe9: {  	s29 =	simm.s32 $0x10  }
0xea: {  	v15 =	vld [tilespmem:s29+$0xAA0]  }
0xeb: {  	v11 =	vmpcnt.ones.xlane vm5;
	v13 =	vmpcnt.ones.xlane vm7;
	vm0 =	veq.s32 v1, $0x2  }
0xec: {  	v10 =	vmpcnt.ones.xlane vm4;
	v5 =	vmpcnt.ones.xlane vm6;
	vm1 =	veq.s32 v1, $0x1;
	(xrf0) =	vadd.scan.msk.s32 vm0, v57  }
0xed: {  	v11 =	vadd.s32 v9, v11;
	v13 =	vadd.s32 v4, v13;
	vm2 =	veq.s32 v1, $0x3;
	(xrf0) =	vadd.scan.msk.s32 vm1, v57  }
0xee: {  	vm3 =	veq.s32 v1, $0x0;
	v1 =	vadd.s32 v6, v10;
	v10 =	vmpcnt.ones.xlane vm2;
	(xrf0) =	vadd.scan.msk.s32 vm2, v57  }
0xef: {  	v3 =	vadd.s32 v3, v5;
	vm15 =	veq.s32 v15, $0x3;
	v14 =	vmpcnt.ones.xlane vm0  }
0xf0: {  	v5 =	vmpcnt.ones.xlane vm1;
	v17 =	vmpcnt.ones.xlane vm3;
	vm4 =	vmmov vm0;
	(xrf0) =	vadd.scan.msk.s32 vm3, v57  }
0xf1: {  	vm5 =	vmmov vm1;
	vm0 =	veq.s32 v15, $0x2;
	v61 =	vmpcnt.ones.xlane vm15  }
0xf2: {  	vm1 =	veq.s32 v15, $0x1;
	v59 =	vmpcnt.ones.xlane vm0;
	v9 =	vadd.s32 v11, v10;
	v10, _, _ =	vpop (xrf0)  }
0xf3: {  	v5 =	vadd.s32 v3, v5;
	v6 =	vadd.s32 v1, v14;
	v1 =	vadd.s32 v1, v10;
	v10, _, _ =	vpop (xrf0)  }
0xf4: {  	v4 =	vadd.s32 v13, v17;
	vm2 =	vmmov vm3;
	(xrf0) =	vadd.scan.msk.s32 vm0, v57;
	v14 =	vadd.s32 v3, v10;
	v3, _, _ =	vpop (xrf0)  }
0xf5: {  	s31 =	simm.s32 $0x20;
	v17 =	vmpcnt.ones.xlane vm1;
	vm3 =	veq.s32 v15, $0x0;
	v62 =	vmovc v6;
	(xrf0) =	vadd.scan.msk.s32 vm1, v57;
	v3 =	vadd.s32 v11, v3  }
0xf6: {  	v58 =	vld [tilespmem:s31+$0xAA0];
	v60 =	vmov v9;
	v63 =	vmpcnt.ones.xlane vm3;
	(xrf0) =	vadd.scan.msk.s32 vm15, v57;
	v10, _, _ =	vpop (xrf0);
	v1 =	vsel vm4, v1, v3  }
0xf7: {  	s13 =	simm.s32 $0xC0;
	s11 =	simm.s32 $0x0;
	s1 =	simm.s32 $0x10;
	(xrf0) =	vadd.scan.msk.s32 vm3, v57;
	v10 =	vadd.s32 v13, v10;
	v3 =	vadd.s32 v5, v17;
	v11 =	vsel vm5, v14, v1  }
.LBB2_7:
0xf8: {  	p1 =	sne.s32 s13, $0x1C0;
	v6 =	vadd.s32 v6, v59;
	v9 =	vadd.s32 v9, v61;
	v1 =	vsel vm2, v10, v11;
	v10 =	vmovc v4;
	s19 =	smov.u32 s13;
	s13 =	sadd.s32 $0x40, s13  }
0xf9: {  	v11 =	vmovc v5;
	v5 =	vmovc v3;
	vm5 =	vmmov vm0;
	v4 =	vadd.s32 v4, v63;
	v1 =	vadd.s32 $0xFFFFFFFF, v1  }
0xfa: {  	vm4 =	vmmov vm1;
	vm2 =	vmmov vm3;
	v13, _, _ =	vpop (xrf0);
	[tilespmem:s11+$0xEA0] =	vst v1;
	s11 =	smov.u32 s1;
	s1 =	smov.u32 s31  }
.Ltmp2:
0xfb: {  	vm0 =	veq.s32 v58, $0x2;
	vm6 =	veq.s32 v58, $0x3;
	v1 =	vadd.s32 v62, v13;
	v13, _, _ =	vpop (xrf0);
	(pc) =	sbr.rel @p1 .LBB2_7-.Ltmp2, $4  }
0xfc: {  	vm1 =	veq.s32 v58, $0x1;
	v59 =	vmpcnt.ones.xlane vm0;
	(xrf0) =	vadd.scan.msk.s32 vm0, v57;
	v11 =	vadd.s32 v11, v13;
	v13, _, _ =	vpop (xrf0)  }
0xfd: {  	s31 =	sshra.s32 s19, $0x2;
	v14 =	vmpcnt.ones.xlane vm1;
	v61 =	vmpcnt.ones.xlane vm6;
	(xrf0) =	vadd.scan.msk.s32 vm1, v57;
	v13 =	vadd.s32 v60, v13;
	v15, _, _ =	vpop (xrf0)  }
0xfe: {  	vm3 =	veq.s32 v58, $0x0;
	v62 =	vmovc v6;
	v58 =	vld [tilespmem:s31+$0xAA0];
	(xrf0) =	vadd.scan.msk.s32 vm6, v57;
	v10 =	vadd.s32 v10, v15;
	v1 =	vsel vm5, v1, v13  }
0xff: {  	v63 =	vmpcnt.ones.xlane vm3;
	v60 =	vmovc v9;
	v3 =	vadd.s32 v3, v14;
	(xrf0) =	vadd.scan.msk.s32 vm3, v57;
	v11 =	vsel vm4, v11, v1  }
0x100: {  	_ =	sdelay $0x2  }
0x101: {  	vm4 =	veq.s32 v58, $0x2  }
0x102: {  	v1, _, _ =	vpop (xrf0);
	vm6 =	veq.s32 v58, $0x1;
	(xrf0) =	vadd.scan.msk.s32 vm4, v57  }
0x103: {  	vm5 =	veq.s32 v58, $0x3;
	v13, _, _ =	vpop (xrf0);
	(xrf0) =	vadd.scan.msk.s32 vm6, v57  }
0x104: {  	v10 =	vsel vm2, v10, v11;
	v11, _, _ =	vpop (xrf0);
	(xrf0) =	vadd.scan.msk.s32 vm5, v57  }
0x105: {  	vm7 =	veq.s32 v58, $0x0;
	v11 =	vadd.s32 v60, v11  }
0x106: {  	v5 =	vadd.s32 v5, v13;
	v14, _, _ =	vpop (xrf0);
	(xrf0) =	vadd.scan.msk.s32 vm7, v57  }
0x107: {  	vm0 =	vmmov vm0;
	v1 =	vadd.s32 v62, v1;
	v13 =	vadd.s32 v4, v14  }
0x108: {  	v6 =	vadd.s32 v6, v59;
	vm1 =	vmmov vm1;
	v1 =	vsel vm0, v1, v11;
	v11, _, _ =	vpop (xrf0)  }
0x109: {  	v9 =	vadd.s32 v9, v61;
	vm0 =	vmmov vm3;
	v1 =	vsel vm1, v5, v1;
	v5, _, _ =	vpop (xrf0)  }
0x10a: {  	v10 =	vadd.s32 $0xFFFFFFFF, v10;
	v4 =	vadd.s32 v4, v63;
	v1 =	vsel vm0, v13, v1;
	v13, _, _ =	vpop (xrf0)  }
0x10b: {  	vm0 =	vmmov vm4;
	v11 =	vadd.s32 v6, v11;
	v13 =	vadd.s32 v9, v13  }
0x10c: {  	vm1 =	vmmov vm6;
	v5 =	vadd.s32 v3, v5;
	v14, _, _ =	vpop (xrf0);
	v11 =	vsel vm0, v11, v13  }
0x10d: {  	vm0 =	vmmov vm7;
	v13 =	vadd.s32 v4, v14;
	v5 =	vsel vm1, v5, v11  }
0x10e: {  	[tilespmem:s11+$0xEA0] =	vst v10;
	v1 =	vadd.s32 $0xFFFFFFFF, v1;
	v5 =	vsel vm0, v13, v5  }
0x10f: {  	[tilespmem:s1+$0xEA0] =	vst v1;
	v1 =	vadd.s32 $0xFFFFFFFF, v5  }
0x110: {  	[tilespmem:s31+$0xEA0] =	vst v1  }
0x111: {  	v1 =	vld [tilespmem:s26+$0xB20];
	_ =	sdelay $0x3  }
0x112: {  	v15 =	vld [tilespmem:s29+$0xB20]  }
0x113: {  	v11 =	vmpcnt.ones.xlane vm5;
	v13 =	vmpcnt.ones.xlane vm7;
	vm0 =	veq.s32 v1, $0x2  }
0x114: {  	v10 =	vmpcnt.ones.xlane vm4;
	v5 =	vmpcnt.ones.xlane vm6;
	vm1 =	veq.s32 v1, $0x1;
	(xrf0) =	vadd.scan.msk.s32 vm0, v57  }
0x115: {  	v11 =	vadd.s32 v9, v11;
	v13 =	vadd.s32 v4, v13;
	vm2 =	veq.s32 v1, $0x3;
	(xrf0) =	vadd.scan.msk.s32 vm1, v57  }
0x116: {  	vm3 =	veq.s32 v1, $0x0;
	v1 =	vadd.s32 v6, v10;
	v10 =	vmpcnt.ones.xlane vm2;
	(xrf0) =	vadd.scan.msk.s32 vm2, v57  }
0x117: {  	v3 =	vadd.s32 v3, v5;
	vm15 =	veq.s32 v15, $0x3;
	v14 =	vmpcnt.ones.xlane vm0  }
0x118: {  	v5 =	vmpcnt.ones.xlane vm1;
	v17 =	vmpcnt.ones.xlane vm3;
	vm4 =	vmmov vm0;
	(xrf0) =	vadd.scan.msk.s32 vm3, v57  }
0x119: {  	vm5 =	vmmov vm1;
	vm0 =	veq.s32 v15, $0x2;
	v62 =	vmpcnt.ones.xlane vm15  }
0x11a: {  	vm1 =	veq.s32 v15, $0x1;
	v59 =	vmpcnt.ones.xlane vm0;
	v9 =	vadd.s32 v11, v10;
	v10, _, _ =	vpop (xrf0)  }
0x11b: {  	v5 =	vadd.s32 v3, v5;
	v6 =	vadd.s32 v1, v14;
	v1 =	vadd.s32 v1, v10;
	v10, _, _ =	vpop (xrf0)  }
0x11c: {  	v4 =	vadd.s32 v13, v17;
	vm2 =	vmmov vm3;
	(xrf0) =	vadd.scan.msk.s32 vm0, v57;
	v14 =	vadd.s32 v3, v10;
	v3, _, _ =	vpop (xrf0)  }
0x11d: {  	v17 =	vmpcnt.ones.xlane vm1;
	vm3 =	veq.s32 v15, $0x0;
	v61 =	vmovc v6;
	(xrf0) =	vadd.scan.msk.s32 vm1, v57;
	v3 =	vadd.s32 v11, v3  }
0x11e: {  	s1 =	simm.s32 $0x20;
	v60 =	vmov v9;
	v63 =	vmpcnt.ones.xlane vm3;
	(xrf0) =	vadd.scan.msk.s32 vm15, v57;
	v10, _, _ =	vpop (xrf0);
	v1 =	vsel vm4, v1, v3  }
0x11f: {  	s11 =	simm.s32 $0xC0;
	v58 =	vld [tilespmem:s1+$0xB20];
	(xrf0) =	vadd.scan.msk.s32 vm3, v57;
	v10 =	vadd.s32 v13, v10;
	v3 =	vadd.s32 v5, v17;
	v11 =	vsel vm5, v14, v1  }
.LBB2_9:
0x120: {  	v6 =	vadd.s32 v6, v59  }
0x121: {  	p1 =	sne.s32 s11, $0x1C0;
	v9 =	vadd.s32 v9, v62;
	v1 =	vsel vm2, v10, v11;
	v10 =	vmovc v4;
	v11 =	vmovc v5;
	v5 =	vmov v3;
	s13 =	smov.u32 s11;
	s11 =	sadd.s32 $0x40, s11  }
0x122: {  	vm5 =	vmmov vm0;
	v4 =	vadd.s32 v4, v63;
	v1 =	vadd.s32 $0xFFFFFFFF, v1  }
0x123: {  	vm4 =	vmmov vm1;
	vm2 =	vmmov vm3;
	v13, _, _ =	vpop (xrf0);
	[tilespmem:s26+$0xF20] =	vst v1;
	s26 =	smov.u32 s29;
	s29 =	smov.u32 s1  }
.Ltmp3:
0x124: {  	vm0 =	veq.s32 v58, $0x2;
	vm6 =	veq.s32 v58, $0x3;
	v1 =	vadd.s32 v61, v13;
	v13, _, _ =	vpop (xrf0);
	(pc) =	sbr.rel @p1 .LBB2_9-.Ltmp3, $4  }
0x125: {  	vm1 =	veq.s32 v58, $0x1;
	v59 =	vmpcnt.ones.xlane vm0;
	(xrf0) =	vadd.scan.msk.s32 vm0, v57;
	v11 =	vadd.s32 v11, v13;
	v13, _, _ =	vpop (xrf0)  }
0x126: {  	s1 =	sshra.s32 s13, $0x2;
	v14 =	vmpcnt.ones.xlane vm1;
	v62 =	vmpcnt.ones.xlane vm6;
	(xrf0) =	vadd.scan.msk.s32 vm1, v57;
	v13 =	vadd.s32 v60, v13;
	v15, _, _ =	vpop (xrf0)  }
0x127: {  	vm3 =	veq.s32 v58, $0x0;
	v61 =	vmovc v6;
	v58 =	vld [tilespmem:s1+$0xB20];
	(xrf0) =	vadd.scan.msk.s32 vm6, v57;
	v10 =	vadd.s32 v10, v15;
	v1 =	vsel vm5, v1, v13  }
0x128: {  	v63 =	vmpcnt.ones.xlane vm3;
	v60 =	vmovc v9;
	v3 =	vadd.s32 v3, v14;
	(xrf0) =	vadd.scan.msk.s32 vm3, v57;
	v11 =	vsel vm4, v11, v1  }
0x129: {  	_ =	sdelay $0x2  }
0x12a: {  	vm4 =	veq.s32 v58, $0x2  }
0x12b: {  	v1, _, _ =	vpop (xrf0);
	vm6 =	veq.s32 v58, $0x1;
	(xrf0) =	vadd.scan.msk.s32 vm4, v57  }
0x12c: {  	vm5 =	veq.s32 v58, $0x3;
	v13, _, _ =	vpop (xrf0);
	(xrf0) =	vadd.scan.msk.s32 vm6, v57  }
0x12d: {  	v10 =	vsel vm2, v10, v11;
	v11, _, _ =	vpop (xrf0);
	(xrf0) =	vadd.scan.msk.s32 vm5, v57  }
0x12e: {  	vm7 =	veq.s32 v58, $0x0;
	v11 =	vadd.s32 v60, v11  }
0x12f: {  	v5 =	vadd.s32 v5, v13;
	v14, _, _ =	vpop (xrf0);
	(xrf0) =	vadd.scan.msk.s32 vm7, v57  }
0x130: {  	vm0 =	vmmov vm0;
	v1 =	vadd.s32 v61, v1;
	v13 =	vadd.s32 v4, v14  }
0x131: {  	v6 =	vadd.s32 v6, v59;
	vm1 =	vmmov vm1;
	v1 =	vsel vm0, v1, v11;
	v11, _, _ =	vpop (xrf0)  }
0x132: {  	v9 =	vadd.s32 v9, v62;
	vm0 =	vmmov vm3;
	v1 =	vsel vm1, v5, v1;
	v5, _, _ =	vpop (xrf0)  }
0x133: {  	v10 =	vadd.s32 $0xFFFFFFFF, v10;
	v4 =	vadd.s32 v4, v63;
	v1 =	vsel vm0, v13, v1;
	v13, _, _ =	vpop (xrf0)  }
0x134: {  	vm0 =	vmmov vm4;
	v11 =	vadd.s32 v6, v11;
	v13 =	vadd.s32 v9, v13  }
0x135: {  	vm1 =	vmmov vm6;
	v5 =	vadd.s32 v3, v5;
	v14, _, _ =	vpop (xrf0);
	v11 =	vsel vm0, v11, v13  }
0x136: {  	vm0 =	vmmov vm7;
	v13 =	vadd.s32 v4, v14;
	v5 =	vsel vm1, v5, v11  }
0x137: {  	[tilespmem:s26+$0xF20] =	vst v10;
	v1 =	vadd.s32 $0xFFFFFFFF, v1;
	v5 =	vsel vm0, v13, v5  }
0x138: {  	[tilespmem:s29+$0xF20] =	vst v1;
	v1 =	vadd.s32 $0xFFFFFFFF, v5  }
0x139: {  	s26 =	simm.s32 $0x0;
	[tilespmem:s1+$0xF20] =	vst v1  }
0x13a: {  	v1 =	vld [tilespmem:s26+$0xBA0];
	_ =	sdelay $0x2  }
0x13b: {  	s29 =	simm.s32 $0x10  }
0x13c: {  	v15 =	vld [tilespmem:s29+$0xBA0]  }
0x13d: {  	v11 =	vmpcnt.ones.xlane vm5;
	v13 =	vmpcnt.ones.xlane vm7;
	vm0 =	veq.s32 v1, $0x2  }
0x13e: {  	v10 =	vmpcnt.ones.xlane vm4;
	v5 =	vmpcnt.ones.xlane vm6;
	vm1 =	veq.s32 v1, $0x1;
	(xrf0) =	vadd.scan.msk.s32 vm0, v57  }
0x13f: {  	v11 =	vadd.s32 v9, v11;
	v13 =	vadd.s32 v4, v13;
	vm2 =	veq.s32 v1, $0x3;
	(xrf0) =	vadd.scan.msk.s32 vm1, v57  }
0x140: {  	vm3 =	veq.s32 v1, $0x0;
	v1 =	vadd.s32 v6, v10;
	v10 =	vmpcnt.ones.xlane vm2;
	(xrf0) =	vadd.scan.msk.s32 vm2, v57  }
0x141: {  	v3 =	vadd.s32 v3, v5;
	vm15 =	veq.s32 v15, $0x3;
	v14 =	vmpcnt.ones.xlane vm0  }
0x142: {  	v5 =	vmpcnt.ones.xlane vm1;
	v17 =	vmpcnt.ones.xlane vm3;
	vm4 =	vmmov vm0;
	(xrf0) =	vadd.scan.msk.s32 vm3, v57  }
0x143: {  	vm5 =	vmmov vm1;
	vm0 =	veq.s32 v15, $0x2;
	v61 =	vmpcnt.ones.xlane vm15  }
0x144: {  	vm1 =	veq.s32 v15, $0x1;
	v59 =	vmpcnt.ones.xlane vm0;
	v9 =	vadd.s32 v11, v10;
	v10, _, _ =	vpop (xrf0)  }
0x145: {  	v5 =	vadd.s32 v3, v5;
	v6 =	vadd.s32 v1, v14;
	v1 =	vadd.s32 v1, v10;
	v10, _, _ =	vpop (xrf0)  }
0x146: {  	v4 =	vadd.s32 v13, v17;
	vm2 =	vmmov vm3;
	(xrf0) =	vadd.scan.msk.s32 vm0, v57;
	v14 =	vadd.s32 v3, v10;
	v3, _, _ =	vpop (xrf0)  }
0x147: {  	s31 =	simm.s32 $0x20;
	v17 =	vmpcnt.ones.xlane vm1;
	vm3 =	veq.s32 v15, $0x0;
	v62 =	vmovc v6;
	(xrf0) =	vadd.scan.msk.s32 vm1, v57;
	v3 =	vadd.s32 v11, v3  }
0x148: {  	v58 =	vld [tilespmem:s31+$0xBA0];
	v60 =	vmov v9;
	v63 =	vmpcnt.ones.xlane vm3;
	(xrf0) =	vadd.scan.msk.s32 vm15, v57;
	v10, _, _ =	vpop (xrf0);
	v1 =	vsel vm4, v1, v3  }
0x149: {  	s13 =	simm.s32 $0xC0;
	s11 =	simm.s32 $0x0;
	s1 =	simm.s32 $0x10;
	(xrf0) =	vadd.scan.msk.s32 vm3, v57;
	v10 =	vadd.s32 v13, v10;
	v3 =	vadd.s32 v5, v17;
	v11 =	vsel vm5, v14, v1  }
.LBB2_11:
0x14a: {  	p1 =	sne.s32 s13, $0x1C0;
	v6 =	vadd.s32 v6, v59;
	v9 =	vadd.s32 v9, v61;
	v1 =	vsel vm2, v10, v11;
	v10 =	vmovc v4;
	s19 =	smov.u32 s13;
	s13 =	sadd.s32 $0x40, s13  }
0x14b: {  	v11 =	vmovc v5;
	v5 =	vmovc v3;
	vm5 =	vmmov vm0;
	v4 =	vadd.s32 v4, v63;
	v1 =	vadd.s32 $0xFFFFFFFF, v1  }
0x14c: {  	vm4 =	vmmov vm1;
	vm2 =	vmmov vm3;
	v13, _, _ =	vpop (xrf0);
	[tilespmem:s11+$0xFA0] =	vst v1;
	s11 =	smov.u32 s1;
	s1 =	smov.u32 s31  }
.Ltmp4:
0x14d: {  	vm0 =	veq.s32 v58, $0x2;
	vm6 =	veq.s32 v58, $0x3;
	v1 =	vadd.s32 v62, v13;
	v13, _, _ =	vpop (xrf0);
	(pc) =	sbr.rel @p1 .LBB2_11-.Ltmp4, $4  }
0x14e: {  	vm1 =	veq.s32 v58, $0x1;
	v59 =	vmpcnt.ones.xlane vm0;
	(xrf0) =	vadd.scan.msk.s32 vm0, v57;
	v11 =	vadd.s32 v11, v13;
	v13, _, _ =	vpop (xrf0)  }
0x14f: {  	s31 =	sshra.s32 s19, $0x2;
	v14 =	vmpcnt.ones.xlane vm1;
	v61 =	vmpcnt.ones.xlane vm6;
	(xrf0) =	vadd.scan.msk.s32 vm1, v57;
	v13 =	vadd.s32 v60, v13;
	v15, _, _ =	vpop (xrf0)  }
0x150: {  	vm3 =	veq.s32 v58, $0x0;
	v62 =	vmovc v6;
	v58 =	vld [tilespmem:s31+$0xBA0];
	(xrf0) =	vadd.scan.msk.s32 vm6, v57;
	v10 =	vadd.s32 v10, v15;
	v1 =	vsel vm5, v1, v13  }
0x151: {  	v63 =	vmpcnt.ones.xlane vm3;
	v60 =	vmovc v9;
	v3 =	vadd.s32 v3, v14;
	(xrf0) =	vadd.scan.msk.s32 vm3, v57;
	v11 =	vsel vm4, v11, v1  }
0x152: {  	_ =	sdelay $0x2  }
0x153: {  	vm4 =	veq.s32 v58, $0x2  }
0x154: {  	v1, _, _ =	vpop (xrf0);
	vm6 =	veq.s32 v58, $0x1;
	(xrf0) =	vadd.scan.msk.s32 vm4, v57  }
0x155: {  	vm5 =	veq.s32 v58, $0x3;
	v13, _, _ =	vpop (xrf0);
	(xrf0) =	vadd.scan.msk.s32 vm6, v57  }
0x156: {  	v10 =	vsel vm2, v10, v11;
	v11, _, _ =	vpop (xrf0);
	(xrf0) =	vadd.scan.msk.s32 vm5, v57  }
0x157: {  	vm7 =	veq.s32 v58, $0x0;
	v11 =	vadd.s32 v60, v11  }
0x158: {  	v5 =	vadd.s32 v5, v13;
	v14, _, _ =	vpop (xrf0);
	(xrf0) =	vadd.scan.msk.s32 vm7, v57  }
0x159: {  	vm0 =	vmmov vm0;
	v1 =	vadd.s32 v62, v1;
	v13 =	vadd.s32 v4, v14  }
0x15a: {  	v6 =	vadd.s32 v6, v59;
	vm1 =	vmmov vm1;
	v1 =	vsel vm0, v1, v11;
	v11, _, _ =	vpop (xrf0)  }
0x15b: {  	v9 =	vadd.s32 v9, v61;
	vm0 =	vmmov vm3;
	v1 =	vsel vm1, v5, v1;
	v5, _, _ =	vpop (xrf0)  }
0x15c: {  	v10 =	vadd.s32 $0xFFFFFFFF, v10;
	v4 =	vadd.s32 v4, v63;
	v1 =	vsel vm0, v13, v1;
	v13, _, _ =	vpop (xrf0)  }
0x15d: {  	vm0 =	vmmov vm4;
	v11 =	vadd.s32 v6, v11;
	v13 =	vadd.s32 v9, v13  }
0x15e: {  	vm1 =	vmmov vm6;
	v5 =	vadd.s32 v3, v5;
	v14, _, _ =	vpop (xrf0);
	v11 =	vsel vm0, v11, v13  }
0x15f: {  	vm0 =	vmmov vm7;
	v13 =	vadd.s32 v4, v14;
	v5 =	vsel vm1, v5, v11  }
0x160: {  	[tilespmem:s11+$0xFA0] =	vst v10;
	v1 =	vadd.s32 $0xFFFFFFFF, v1;
	v5 =	vsel vm0, v13, v5  }
0x161: {  	[tilespmem:s1+$0xFA0] =	vst v1;
	v1 =	vadd.s32 $0xFFFFFFFF, v5  }
0x162: {  	[tilespmem:s31+$0xFA0] =	vst v1  }
0x163: {  	v1 =	vld [tilespmem:s26+$0xC20];
	_ =	sdelay $0x3  }
0x164: {  	v15 =	vld [tilespmem:s29+$0xC20]  }
0x165: {  	v11 =	vmpcnt.ones.xlane vm5;
	v13 =	vmpcnt.ones.xlane vm7;
	vm0 =	veq.s32 v1, $0x2  }
0x166: {  	v10 =	vmpcnt.ones.xlane vm4;
	v5 =	vmpcnt.ones.xlane vm6;
	vm1 =	veq.s32 v1, $0x1;
	(xrf0) =	vadd.scan.msk.s32 vm0, v57  }
0x167: {  	v11 =	vadd.s32 v9, v11;
	v13 =	vadd.s32 v4, v13;
	vm2 =	veq.s32 v1, $0x3;
	(xrf0) =	vadd.scan.msk.s32 vm1, v57  }
0x168: {  	vm3 =	veq.s32 v1, $0x0;
	v1 =	vadd.s32 v6, v10;
	v10 =	vmpcnt.ones.xlane vm2;
	(xrf0) =	vadd.scan.msk.s32 vm2, v57  }
0x169: {  	v3 =	vadd.s32 v3, v5;
	vm15 =	veq.s32 v15, $0x3;
	v14 =	vmpcnt.ones.xlane vm0  }
0x16a: {  	v5 =	vmpcnt.ones.xlane vm1;
	v17 =	vmpcnt.ones.xlane vm3;
	vm4 =	vmmov vm0;
	(xrf0) =	vadd.scan.msk.s32 vm3, v57  }
0x16b: {  	vm5 =	vmmov vm1;
	vm0 =	veq.s32 v15, $0x2;
	v62 =	vmpcnt.ones.xlane vm15  }
0x16c: {  	vm1 =	veq.s32 v15, $0x1;
	v59 =	vmpcnt.ones.xlane vm0;
	v9 =	vadd.s32 v11, v10;
	v10, _, _ =	vpop (xrf0)  }
0x16d: {  	v5 =	vadd.s32 v3, v5;
	v6 =	vadd.s32 v1, v14;
	v1 =	vadd.s32 v1, v10;
	v10, _, _ =	vpop (xrf0)  }
0x16e: {  	v4 =	vadd.s32 v13, v17;
	vm2 =	vmmov vm3;
	(xrf0) =	vadd.scan.msk.s32 vm0, v57;
	v14 =	vadd.s32 v3, v10;
	v3, _, _ =	vpop (xrf0)  }
0x16f: {  	v17 =	vmpcnt.ones.xlane vm1;
	vm3 =	veq.s32 v15, $0x0;
	v61 =	vmovc v6;
	(xrf0) =	vadd.scan.msk.s32 vm1, v57;
	v3 =	vadd.s32 v11, v3  }
0x170: {  	s1 =	simm.s32 $0x20;
	v60 =	vmov v9;
	v63 =	vmpcnt.ones.xlane vm3;
	(xrf0) =	vadd.scan.msk.s32 vm15, v57;
	v10, _, _ =	vpop (xrf0);
	v1 =	vsel vm4, v1, v3  }
0x171: {  	s11 =	simm.s32 $0xC0;
	v58 =	vld [tilespmem:s1+$0xC20];
	(xrf0) =	vadd.scan.msk.s32 vm3, v57;
	v10 =	vadd.s32 v13, v10;
	v3 =	vadd.s32 v5, v17;
	v11 =	vsel vm5, v14, v1  }
.LBB2_13:
0x172: {  	v6 =	vadd.s32 v6, v59  }
0x173: {  	p1 =	sne.s32 s11, $0x1C0;
	v9 =	vadd.s32 v9, v62;
	v1 =	vsel vm2, v10, v11;
	v10 =	vmovc v4;
	v11 =	vmovc v5;
	v5 =	vmov v3;
	s13 =	smov.u32 s11;
	s11 =	sadd.s32 $0x40, s11  }
0x174: {  	vm5 =	vmmov vm0;
	v4 =	vadd.s32 v4, v63;
	v1 =	vadd.s32 $0xFFFFFFFF, v1  }
0x175: {  	vm4 =	vmmov vm1;
	vm2 =	vmmov vm3;
	v13, _, _ =	vpop (xrf0);
	[tilespmem:s26+$0x1020] =	vst v1;
	s26 =	smov.u32 s29;
	s29 =	smov.u32 s1  }
.Ltmp5:
0x176: {  	vm0 =	veq.s32 v58, $0x2;
	vm6 =	veq.s32 v58, $0x3;
	v1 =	vadd.s32 v61, v13;
	v13, _, _ =	vpop (xrf0);
	(pc) =	sbr.rel @p1 .LBB2_13-.Ltmp5, $4  }
0x177: {  	vm1 =	veq.s32 v58, $0x1;
	v59 =	vmpcnt.ones.xlane vm0;
	(xrf0) =	vadd.scan.msk.s32 vm0, v57;
	v11 =	vadd.s32 v11, v13;
	v13, _, _ =	vpop (xrf0)  }
0x178: {  	s1 =	sshra.s32 s13, $0x2;
	v14 =	vmpcnt.ones.xlane vm1;
	v62 =	vmpcnt.ones.xlane vm6;
	(xrf0) =	vadd.scan.msk.s32 vm1, v57;
	v13 =	vadd.s32 v60, v13;
	v15, _, _ =	vpop (xrf0)  }
0x179: {  	vm3 =	veq.s32 v58, $0x0;
	v61 =	vmovc v6;
	v58 =	vld [tilespmem:s1+$0xC20];
	(xrf0) =	vadd.scan.msk.s32 vm6, v57;
	v10 =	vadd.s32 v10, v15;
	v1 =	vsel vm5, v1, v13  }
0x17a: {  	v63 =	vmpcnt.ones.xlane vm3;
	v60 =	vmovc v9;
	v3 =	vadd.s32 v3, v14;
	(xrf0) =	vadd.scan.msk.s32 vm3, v57;
	v11 =	vsel vm4, v11, v1  }
0x17b: {  	_ =	sdelay $0x2  }
0x17c: {  	vm4 =	veq.s32 v58, $0x2  }
0x17d: {  	v1, _, _ =	vpop (xrf0);
	vm6 =	veq.s32 v58, $0x1;
	(xrf0) =	vadd.scan.msk.s32 vm4, v57  }
0x17e: {  	vm5 =	veq.s32 v58, $0x3;
	v13, _, _ =	vpop (xrf0);
	(xrf0) =	vadd.scan.msk.s32 vm6, v57  }
0x17f: {  	v10 =	vsel vm2, v10, v11;
	v11, _, _ =	vpop (xrf0);
	(xrf0) =	vadd.scan.msk.s32 vm5, v57  }
0x180: {  	vm7 =	veq.s32 v58, $0x0;
	v11 =	vadd.s32 v60, v11  }
0x181: {  	v5 =	vadd.s32 v5, v13;
	v14, _, _ =	vpop (xrf0);
	(xrf0) =	vadd.scan.msk.s32 vm7, v57  }
0x182: {  	vm0 =	vmmov vm0;
	v1 =	vadd.s32 v61, v1;
	v13 =	vadd.s32 v4, v14  }
0x183: {  	v6 =	vadd.s32 v6, v59;
	vm1 =	vmmov vm1;
	v1 =	vsel vm0, v1, v11;
	v11, _, _ =	vpop (xrf0)  }
0x184: {  	v9 =	vadd.s32 v9, v62;
	vm0 =	vmmov vm3;
	v1 =	vsel vm1, v5, v1;
	v5, _, _ =	vpop (xrf0)  }
0x185: {  	v10 =	vadd.s32 $0xFFFFFFFF, v10;
	v4 =	vadd.s32 v4, v63;
	v1 =	vsel vm0, v13, v1;
	v13, _, _ =	vpop (xrf0)  }
0x186: {  	vm0 =	vmmov vm4;
	v11 =	vadd.s32 v6, v11;
	v13 =	vadd.s32 v9, v13  }
0x187: {  	vm1 =	vmmov vm6;
	v5 =	vadd.s32 v3, v5;
	v14, _, _ =	vpop (xrf0);
	v11 =	vsel vm0, v11, v13  }
0x188: {  	vm0 =	vmmov vm7;
	v13 =	vadd.s32 v4, v14;
	v5 =	vsel vm1, v5, v11  }
0x189: {  	[tilespmem:s26+$0x1020] =	vst v10;
	v1 =	vadd.s32 $0xFFFFFFFF, v1;
	v5 =	vsel vm0, v13, v5  }
0x18a: {  	[tilespmem:s29+$0x1020] =	vst v1;
	v1 =	vadd.s32 $0xFFFFFFFF, v5  }
0x18b: {  	s26 =	simm.s32 $0x0;
	[tilespmem:s1+$0x1020] =	vst v1  }
0x18c: {  	v1 =	vld [tilespmem:s26+$0xCA0];
	_ =	sdelay $0x2  }
0x18d: {  	s29 =	simm.s32 $0x10  }
0x18e: {  	v15 =	vld [tilespmem:s29+$0xCA0]  }
0x18f: {  	v11 =	vmpcnt.ones.xlane vm5;
	v13 =	vmpcnt.ones.xlane vm7;
	vm0 =	veq.s32 v1, $0x2  }
0x190: {  	v10 =	vmpcnt.ones.xlane vm4;
	v5 =	vmpcnt.ones.xlane vm6;
	vm1 =	veq.s32 v1, $0x1;
	(xrf0) =	vadd.scan.msk.s32 vm0, v57  }
0x191: {  	v11 =	vadd.s32 v9, v11;
	v13 =	vadd.s32 v4, v13;
	vm2 =	veq.s32 v1, $0x3;
	(xrf0) =	vadd.scan.msk.s32 vm1, v57  }
0x192: {  	vm3 =	veq.s32 v1, $0x0;
	v1 =	vadd.s32 v6, v10;
	v10 =	vmpcnt.ones.xlane vm2;
	(xrf0) =	vadd.scan.msk.s32 vm2, v57  }
0x193: {  	v3 =	vadd.s32 v3, v5;
	vm15 =	veq.s32 v15, $0x3;
	v14 =	vmpcnt.ones.xlane vm0  }
0x194: {  	v5 =	vmpcnt.ones.xlane vm1;
	v17 =	vmpcnt.ones.xlane vm3;
	vm4 =	vmmov vm0;
	(xrf0) =	vadd.scan.msk.s32 vm3, v57  }
0x195: {  	vm5 =	vmmov vm1;
	vm0 =	veq.s32 v15, $0x2;
	v61 =	vmpcnt.ones.xlane vm15  }
0x196: {  	vm1 =	veq.s32 v15, $0x1;
	v59 =	vmpcnt.ones.xlane vm0;
	v9 =	vadd.s32 v11, v10;
	v10, _, _ =	vpop (xrf0)  }
0x197: {  	v5 =	vadd.s32 v3, v5;
	v6 =	vadd.s32 v1, v14;
	v1 =	vadd.s32 v1, v10;
	v10, _, _ =	vpop (xrf0)  }
0x198: {  	v4 =	vadd.s32 v13, v17;
	vm2 =	vmmov vm3;
	(xrf0) =	vadd.scan.msk.s32 vm0, v57;
	v14 =	vadd.s32 v3, v10;
	v3, _, _ =	vpop (xrf0)  }
0x199: {  	s31 =	simm.s32 $0x20;
	v17 =	vmpcnt.ones.xlane vm1;
	vm3 =	veq.s32 v15, $0x0;
	v62 =	vmovc v6;
	(xrf0) =	vadd.scan.msk.s32 vm1, v57;
	v3 =	vadd.s32 v11, v3  }
0x19a: {  	v58 =	vld [tilespmem:s31+$0xCA0];
	v60 =	vmov v9;
	v63 =	vmpcnt.ones.xlane vm3;
	(xrf0) =	vadd.scan.msk.s32 vm15, v57;
	v10, _, _ =	vpop (xrf0);
	v1 =	vsel vm4, v1, v3  }
0x19b: {  	s13 =	simm.s32 $0xC0;
	s11 =	simm.s32 $0x0;
	s1 =	simm.s32 $0x10;
	(xrf0) =	vadd.scan.msk.s32 vm3, v57;
	v10 =	vadd.s32 v13, v10;
	v3 =	vadd.s32 v5, v17;
	v11 =	vsel vm5, v14, v1  }
.LBB2_15:
0x19c: {  	p1 =	sne.s32 s13, $0x1C0;
	v6 =	vadd.s32 v6, v59;
	v9 =	vadd.s32 v9, v61;
	v1 =	vsel vm2, v10, v11;
	v10 =	vmovc v4;
	s19 =	smov.u32 s13;
	s13 =	sadd.s32 $0x40, s13  }
0x19d: {  	v11 =	vmovc v5;
	v5 =	vmovc v3;
	vm5 =	vmmov vm0;
	v4 =	vadd.s32 v4, v63;
	v1 =	vadd.s32 $0xFFFFFFFF, v1  }
0x19e: {  	vm4 =	vmmov vm1;
	vm2 =	vmmov vm3;
	v13, _, _ =	vpop (xrf0);
	[tilespmem:s11+$0x10A0] =	vst v1;
	s11 =	smov.u32 s1;
	s1 =	smov.u32 s31  }
.Ltmp6:
0x19f: {  	vm0 =	veq.s32 v58, $0x2;
	vm6 =	veq.s32 v58, $0x3;
	v1 =	vadd.s32 v62, v13;
	v13, _, _ =	vpop (xrf0);
	(pc) =	sbr.rel @p1 .LBB2_15-.Ltmp6, $4  }
0x1a0: {  	vm1 =	veq.s32 v58, $0x1;
	v59 =	vmpcnt.ones.xlane vm0;
	(xrf0) =	vadd.scan.msk.s32 vm0, v57;
	v11 =	vadd.s32 v11, v13;
	v13, _, _ =	vpop (xrf0)  }
0x1a1: {  	s31 =	sshra.s32 s19, $0x2;
	v14 =	vmpcnt.ones.xlane vm1;
	v61 =	vmpcnt.ones.xlane vm6;
	(xrf0) =	vadd.scan.msk.s32 vm1, v57;
	v13 =	vadd.s32 v60, v13;
	v15, _, _ =	vpop (xrf0)  }
0x1a2: {  	vm3 =	veq.s32 v58, $0x0;
	v62 =	vmovc v6;
	v58 =	vld [tilespmem:s31+$0xCA0];
	(xrf0) =	vadd.scan.msk.s32 vm6, v57;
	v10 =	vadd.s32 v10, v15;
	v1 =	vsel vm5, v1, v13  }
0x1a3: {  	v63 =	vmpcnt.ones.xlane vm3;
	v60 =	vmovc v9;
	v3 =	vadd.s32 v3, v14;
	(xrf0) =	vadd.scan.msk.s32 vm3, v57;
	v11 =	vsel vm4, v11, v1  }
0x1a4: {  	_ =	sdelay $0x2  }
0x1a5: {  	vm4 =	veq.s32 v58, $0x2  }
0x1a6: {  	v1, _, _ =	vpop (xrf0);
	vm6 =	veq.s32 v58, $0x1;
	(xrf0) =	vadd.scan.msk.s32 vm4, v57  }
0x1a7: {  	vm5 =	veq.s32 v58, $0x3;
	v13, _, _ =	vpop (xrf0);
	(xrf0) =	vadd.scan.msk.s32 vm6, v57  }
0x1a8: {  	v10 =	vsel vm2, v10, v11;
	v11, _, _ =	vpop (xrf0);
	(xrf0) =	vadd.scan.msk.s32 vm5, v57  }
0x1a9: {  	vm7 =	veq.s32 v58, $0x0;
	v11 =	vadd.s32 v60, v11  }
0x1aa: {  	v5 =	vadd.s32 v5, v13;
	v14, _, _ =	vpop (xrf0);
	(xrf0) =	vadd.scan.msk.s32 vm7, v57  }
0x1ab: {  	vm0 =	vmmov vm0;
	v1 =	vadd.s32 v62, v1;
	v13 =	vadd.s32 v4, v14  }
0x1ac: {  	v6 =	vadd.s32 v6, v59;
	vm1 =	vmmov vm1;
	v1 =	vsel vm0, v1, v11;
	v11, _, _ =	vpop (xrf0)  }
0x1ad: {  	v9 =	vadd.s32 v9, v61;
	vm0 =	vmmov vm3;
	v1 =	vsel vm1, v5, v1;
	v5, _, _ =	vpop (xrf0)  }
0x1ae: {  	v10 =	vadd.s32 $0xFFFFFFFF, v10;
	v4 =	vadd.s32 v4, v63;
	v1 =	vsel vm0, v13, v1;
	v13, _, _ =	vpop (xrf0)  }
0x1af: {  	vm0 =	vmmov vm4;
	v11 =	vadd.s32 v6, v11;
	v13 =	vadd.s32 v9, v13  }
0x1b0: {  	vm1 =	vmmov vm6;
	v5 =	vadd.s32 v3, v5;
	v14, _, _ =	vpop (xrf0);
	v11 =	vsel vm0, v11, v13  }
0x1b1: {  	vm0 =	vmmov vm7;
	v13 =	vadd.s32 v4, v14;
	v5 =	vsel vm1, v5, v11  }
0x1b2: {  	[tilespmem:s11+$0x10A0] =	vst v10;
	v1 =	vadd.s32 $0xFFFFFFFF, v1;
	v5 =	vsel vm0, v13, v5  }
0x1b3: {  	[tilespmem:s1+$0x10A0] =	vst v1;
	v1 =	vadd.s32 $0xFFFFFFFF, v5  }
0x1b4: {  	[tilespmem:s31+$0x10A0] =	vst v1  }
0x1b5: {  	v1 =	vld [tilespmem:s26+$0xD20];
	_ =	sdelay $0x3  }
0x1b6: {  	v15 =	vld [tilespmem:s29+$0xD20]  }
0x1b7: {  	v11 =	vmpcnt.ones.xlane vm5;
	v13 =	vmpcnt.ones.xlane vm7;
	vm0 =	veq.s32 v1, $0x2  }
0x1b8: {  	v10 =	vmpcnt.ones.xlane vm4;
	v5 =	vmpcnt.ones.xlane vm6;
	vm1 =	veq.s32 v1, $0x1;
	(xrf0) =	vadd.scan.msk.s32 vm0, v57  }
0x1b9: {  	v11 =	vadd.s32 v9, v11;
	v13 =	vadd.s32 v4, v13;
	vm2 =	veq.s32 v1, $0x3;
	(xrf0) =	vadd.scan.msk.s32 vm1, v57  }
0x1ba: {  	vm3 =	veq.s32 v1, $0x0;
	v1 =	vadd.s32 v6, v10;
	v10 =	vmpcnt.ones.xlane vm2;
	(xrf0) =	vadd.scan.msk.s32 vm2, v57  }
0x1bb: {  	v3 =	vadd.s32 v3, v5;
	vm15 =	veq.s32 v15, $0x3;
	v14 =	vmpcnt.ones.xlane vm0  }
0x1bc: {  	v5 =	vmpcnt.ones.xlane vm1;
	v17 =	vmpcnt.ones.xlane vm3;
	vm4 =	vmmov vm0;
	(xrf0) =	vadd.scan.msk.s32 vm3, v57  }
0x1bd: {  	vm5 =	vmmov vm1;
	vm0 =	veq.s32 v15, $0x2;
	v62 =	vmpcnt.ones.xlane vm15  }
0x1be: {  	vm1 =	veq.s32 v15, $0x1;
	v59 =	vmpcnt.ones.xlane vm0;
	v9 =	vadd.s32 v11, v10;
	v10, _, _ =	vpop (xrf0)  }
0x1bf: {  	v5 =	vadd.s32 v3, v5;
	v6 =	vadd.s32 v1, v14;
	v1 =	vadd.s32 v1, v10;
	v10, _, _ =	vpop (xrf0)  }
0x1c0: {  	v4 =	vadd.s32 v13, v17;
	vm2 =	vmmov vm3;
	(xrf0) =	vadd.scan.msk.s32 vm0, v57;
	v14 =	vadd.s32 v3, v10;
	v3, _, _ =	vpop (xrf0)  }
0x1c1: {  	s1 =	simm.s32 $0x20;
	v17 =	vmpcnt.ones.xlane vm1;
	vm3 =	veq.s32 v15, $0x0;
	v61 =	vmovc v6;
	(xrf0) =	vadd.scan.msk.s32 vm1, v57;
	v3 =	vadd.s32 v11, v3  }
0x1c2: {  	v58 =	vld [tilespmem:s1+$0xD20];
	v60 =	vmov v9;
	v63 =	vmpcnt.ones.xlane vm3;
	(xrf0) =	vadd.scan.msk.s32 vm15, v57;
	v10, _, _ =	vpop (xrf0);
	v1 =	vsel vm4, v1, v3  }
0x1c3: {  	s11 =	simm.s32 $0xC0;
	(xrf0) =	vadd.scan.msk.s32 vm3, v57;
	v10 =	vadd.s32 v13, v10;
	v3 =	vadd.s32 v5, v17;
	v11 =	vsel vm5, v14, v1  }
.LBB2_17:
0x1c4: {  	p1 =	sne.s32 s11, $0x1C0;
	v6 =	vadd.s32 v6, v59;
	v9 =	vadd.s32 v9, v62;
	v1 =	vsel vm2, v10, v11;
	v10 =	vmovc v4;
	s13 =	smov.u32 s11;
	s11 =	sadd.s32 $0x40, s11  }
0x1c5: {  	v11 =	vmovc v5;
	v5 =	vmovc v3;
	vm5 =	vmmov vm0;
	v4 =	vadd.s32 v4, v63;
	v1 =	vadd.s32 $0xFFFFFFFF, v1  }
0x1c6: {  	vm4 =	vmmov vm1;
	vm2 =	vmmov vm3;
	v13, _, _ =	vpop (xrf0);
	[tilespmem:s26+$0x1120] =	vst v1;
	s26 =	smov.u32 s29;
	s29 =	smov.u32 s1  }
.Ltmp7:
0x1c7: {  	vm0 =	veq.s32 v58, $0x2;
	vm6 =	veq.s32 v58, $0x3;
	v1 =	vadd.s32 v61, v13;
	v13, _, _ =	vpop (xrf0);
	(pc) =	sbr.rel @p1 .LBB2_17-.Ltmp7, $4  }
0x1c8: {  	vm1 =	veq.s32 v58, $0x1;
	v59 =	vmpcnt.ones.xlane vm0;
	(xrf0) =	vadd.scan.msk.s32 vm0, v57;
	v11 =	vadd.s32 v11, v13;
	v13, _, _ =	vpop (xrf0)  }
0x1c9: {  	s1 =	sshra.s32 s13, $0x2;
	v14 =	vmpcnt.ones.xlane vm1;
	v62 =	vmpcnt.ones.xlane vm6;
	(xrf0) =	vadd.scan.msk.s32 vm1, v57;
	v13 =	vadd.s32 v60, v13;
	v15, _, _ =	vpop (xrf0)  }
0x1ca: {  	vm3 =	veq.s32 v58, $0x0;
	v61 =	vmovc v6;
	v58 =	vld [tilespmem:s1+$0xD20];
	(xrf0) =	vadd.scan.msk.s32 vm6, v57;
	v10 =	vadd.s32 v10, v15;
	v1 =	vsel vm5, v1, v13  }
0x1cb: {  	v63 =	vmpcnt.ones.xlane vm3;
	v60 =	vmovc v9;
	v3 =	vadd.s32 v3, v14;
	(xrf0) =	vadd.scan.msk.s32 vm3, v57;
	v11 =	vsel vm4, v11, v1  }
0x1cc: {  	_ =	sdelay $0x2  }
0x1cd: {  	vm4 =	veq.s32 v58, $0x2  }
0x1ce: {  	v1, _, _ =	vpop (xrf0);
	vm6 =	veq.s32 v58, $0x1;
	(xrf0) =	vadd.scan.msk.s32 vm4, v57  }
0x1cf: {  	vm5 =	veq.s32 v58, $0x3;
	v13, _, _ =	vpop (xrf0);
	(xrf0) =	vadd.scan.msk.s32 vm6, v57  }
0x1d0: {  	v10 =	vsel vm2, v10, v11;
	v11, _, _ =	vpop (xrf0);
	(xrf0) =	vadd.scan.msk.s32 vm5, v57  }
0x1d1: {  	vm7 =	veq.s32 v58, $0x0;
	v11 =	vadd.s32 v60, v11  }
0x1d2: {  	v5 =	vadd.s32 v5, v13;
	v14, _, _ =	vpop (xrf0);
	(xrf0) =	vadd.scan.msk.s32 vm7, v57  }
0x1d3: {  	vm0 =	vmmov vm0;
	v1 =	vadd.s32 v61, v1;
	v13 =	vadd.s32 v4, v14  }
0x1d4: {  	v6 =	vadd.s32 v6, v59;
	vm1 =	vmmov vm1;
	v1 =	vsel vm0, v1, v11;
	v11, _, _ =	vpop (xrf0)  }
0x1d5: {  	v9 =	vadd.s32 v9, v62;
	vm15 =	vmmov vm3;
	v1 =	vsel vm1, v5, v1;
	v5, _, _ =	vpop (xrf0)  }
0x1d6: {  	v10 =	vadd.s32 $0xFFFFFFFF, v10;
	vm9 =	vmmov vm4;
	v1 =	vsel vm15, v13, v1;
	v13, _, _ =	vpop (xrf0)  }
0x1d7: {  	vm10 =	vmmov vm6;
	v11 =	vadd.s32 v6, v11;
	v13 =	vadd.s32 v9, v13  }
0x1d8: {  	v4 =	vadd.s32 v4, v63;
	v5 =	vadd.s32 v3, v5;
	v14, _, _ =	vpop (xrf0);
	v11 =	vsel vm9, v11, v13  }
0x1d9: {  	vm11 =	vmmov vm7;
	v13 =	vadd.s32 v4, v14;
	v5 =	vsel vm10, v5, v11  }
0x1da: {  	[tilespmem:s26+$0x1120] =	vst v10;
	v1 =	vadd.s32 $0xFFFFFFFF, v1;
	v5 =	vsel vm11, v13, v5  }
0x1db: {  	[tilespmem:s29+$0x1120] =	vst v1;
	v1 =	vadd.s32 $0xFFFFFFFF, v5  }
0x1dc: {  	s26 =	simm.s32 $0x0;
	[tilespmem:s1+$0x1120] =	vst v1  }
0x1dd: {  	v1 =	vld [tilespmem:s26+$0xDA0];
	_ =	sdelay $0x2  }
0x1de: {  	s29 =	simm.s32 $0x10  }
0x1df: {  	v11 =	vmpcnt.ones.xlane vm5;
	v15 =	vld [tilespmem:s29+$0xDA0]  }
0x1e0: {  	v10 =	vmpcnt.ones.xlane vm4;
	v13 =	vmpcnt.ones.xlane vm7;
	vm12 =	veq.s32 v1, $0x2  }
0x1e1: {  	v5 =	vmpcnt.ones.xlane vm6;
	v11 =	vadd.s32 v9, v11;
	vm13 =	veq.s32 v1, $0x1;
	(xrf0) =	vadd.scan.msk.s32 vm12, v57  }
0x1e2: {  	v13 =	vadd.s32 v4, v13;
	vm14 =	veq.s32 v1, $0x3;
	vm3 =	veq.s32 v1, $0x0;
	(xrf0) =	vadd.scan.msk.s32 vm13, v57  }
0x1e3: {  	v3 =	vadd.s32 v3, v5;
	v1 =	vadd.s32 v6, v10;
	v10 =	vmpcnt.ones.xlane vm3;
	(xrf0) =	vadd.scan.msk.s32 vm14, v57  }
0x1e4: {  	vm4 =	veq.s32 v15, $0x2;
	vm15 =	veq.s32 v15, $0x3;
	vm5 =	veq.s32 v15, $0x1  }
0x1e5: {  	vm7 =	veq.s32 v15, $0x0;
	v5 =	vmpcnt.ones.xlane vm12;
	v6 =	vmpcnt.ones.xlane vm14;
	(xrf0) =	vadd.scan.msk.s32 vm3, v57  }
0x1e6: {  	v14 =	vmpcnt.ones.xlane vm13;
	vm0 =	vmmov vm12;
	vm1 =	vmmov vm13  }
0x1e7: {  	v4 =	vadd.s32 v1, v5;
	v5 =	vadd.s32 v11, v6;
	v6 =	vadd.s32 v13, v10;
	v10, _, _ =	vpop (xrf0)  }
0x1e8: {  	vm6 =	vmmov vm3;
	v59 =	vmpcnt.ones.xlane vm4;
	v1 =	vadd.s32 v1, v10;
	v10, _, _ =	vpop (xrf0)  }
0x1e9: {  	v17 =	vmpcnt.ones.xlane vm5;
	v9 =	vadd.s32 v3, v14;
	(xrf0) =	vadd.scan.msk.s32 vm4, v57;
	v14 =	vadd.s32 v3, v10;
	v3, _, _ =	vpop (xrf0)  }
0x1ea: {  	s1 =	simm.s32 $0x20;
	v62 =	vmpcnt.ones.xlane vm15;
	v63 =	vmpcnt.ones.xlane vm7;
	(xrf0) =	vadd.scan.msk.s32 vm5, v57;
	v3 =	vadd.s32 v11, v3  }
0x1eb: {  	v58 =	vld [tilespmem:s1+$0xDA0];
	v61 =	vmov v4;
	v60 =	vmov v5;
	(xrf0) =	vadd.scan.msk.s32 vm15, v57;
	v10, _, _ =	vpop (xrf0);
	v1 =	vsel vm0, v1, v3  }
0x1ec: {  	s11 =	simm.s32 $0xC0;
	s19 =	simm.s32 $0x220;
	(xrf0) =	vadd.scan.msk.s32 vm7, v57;
	v10 =	vadd.s32 v13, v10;
	v3 =	vadd.s32 v9, v17;
	v11 =	vsel vm1, v14, v1  }
.LBB2_19:
0x1ed: {  	p1 =	sne.s32 s11, $0x1C0;
	v4 =	vadd.s32 v4, v59;
	v5 =	vadd.s32 v5, v62;
	v1 =	vsel vm6, v10, v11;
	v10 =	vmovc v6;
	s13 =	smov.u32 s11;
	s11 =	sadd.s32 $0x40, s11  }
0x1ee: {  	v11 =	vmovc v9;
	v9 =	vmovc v3;
	vm1 =	vmmov vm4;
	v6 =	vadd.s32 v6, v63;
	v1 =	vadd.s32 $0xFFFFFFFF, v1  }
0x1ef: {  	vm0 =	vmmov vm5;
	vm6 =	vmmov vm7;
	v13, _, _ =	vpop (xrf0);
	[tilespmem:s26+$0x11A0] =	vst v1;
	s26 =	smov.u32 s29;
	s29 =	smov.u32 s1  }
.Ltmp8:
0x1f0: {  	vm4 =	veq.s32 v58, $0x2;
	vm2 =	veq.s32 v58, $0x3;
	v1 =	vadd.s32 v61, v13;
	v13, _, _ =	vpop (xrf0);
	(pc) =	sbr.rel @p1 .LBB2_19-.Ltmp8, $4  }
0x1f1: {  	vm5 =	veq.s32 v58, $0x1;
	v59 =	vmpcnt.ones.xlane vm4;
	(xrf0) =	vadd.scan.msk.s32 vm4, v57;
	v11 =	vadd.s32 v11, v13;
	v13, _, _ =	vpop (xrf0)  }
0x1f2: {  	s1 =	sshra.s32 s13, $0x2;
	v14 =	vmpcnt.ones.xlane vm5;
	v62 =	vmpcnt.ones.xlane vm2;
	(xrf0) =	vadd.scan.msk.s32 vm5, v57;
	v13 =	vadd.s32 v60, v13;
	v15, _, _ =	vpop (xrf0)  }
0x1f3: {  	vm7 =	veq.s32 v58, $0x0;
	v61 =	vmovc v4;
	v58 =	vld [tilespmem:s1+$0xDA0];
	(xrf0) =	vadd.scan.msk.s32 vm2, v57;
	v10 =	vadd.s32 v10, v15;
	v1 =	vsel vm1, v1, v13  }
0x1f4: {  	v63 =	vmpcnt.ones.xlane vm7;
	v60 =	vmovc v5;
	v3 =	vadd.s32 v3, v14;
	(xrf0) =	vadd.scan.msk.s32 vm7, v57;
	v11 =	vsel vm0, v11, v1  }
0x1f5: {  	_ =	sdelay $0x2  }
0x1f6: {  	vm0 =	veq.s32 v58, $0x2  }
0x1f7: {  	v1, _, _ =	vpop (xrf0);
	vm2 =	veq.s32 v58, $0x1;
	(xrf0) =	vadd.scan.msk.s32 vm0, v57  }
0x1f8: {  	vm1 =	veq.s32 v58, $0x3;
	v13, _, _ =	vpop (xrf0);
	(xrf0) =	vadd.scan.msk.s32 vm2, v57  }
0x1f9: {  	v10 =	vsel vm6, v10, v11;
	v11, _, _ =	vpop (xrf0);
	(xrf0) =	vadd.scan.msk.s32 vm1, v57  }
0x1fa: {  	vm3 =	veq.s32 v58, $0x0;
	v11 =	vadd.s32 v60, v11  }
0x1fb: {  	v9 =	vadd.s32 v9, v13;
	v14, _, _ =	vpop (xrf0);
	(xrf0) =	vadd.scan.msk.s32 vm3, v57  }
0x1fc: {  	vm4 =	vmmov vm4;
	v1 =	vadd.s32 v61, v1;
	v13 =	vadd.s32 v6, v14  }
0x1fd: {  	v4 =	vadd.s32 v4, v59;
	vm5 =	vmmov vm5;
	v1 =	vsel vm4, v1, v11;
	v11, _, _ =	vpop (xrf0)  }
0x1fe: {  	v5 =	vadd.s32 v5, v62;
	vm12 =	vmmov vm7;
	v1 =	vsel vm5, v9, v1;
	v9, _, _ =	vpop (xrf0)  }
0x1ff: {  	v10 =	vadd.s32 $0xFFFFFFFF, v10;
	vm13 =	vmmov vm0;
	v1 =	vsel vm12, v13, v1;
	v13, _, _ =	vpop (xrf0)  }
0x200: {  	vm14 =	vmmov vm2;
	v11 =	vadd.s32 v4, v11;
	v13 =	vadd.s32 v5, v13  }
0x201: {  	v6 =	vadd.s32 v6, v63;
	v9 =	vadd.s32 v3, v9;
	v14, _, _ =	vpop (xrf0);
	v11 =	vsel vm13, v11, v13  }
0x202: {  	vm15 =	vmmov vm3;
	v13 =	vadd.s32 v6, v14;
	v9 =	vsel vm14, v9, v11  }
0x203: {  	[tilespmem:s26+$0x11A0] =	vst v10;
	v1 =	vadd.s32 $0xFFFFFFFF, v1;
	v9 =	vsel vm15, v13, v9  }
0x204: {  	[tilespmem:s29+$0x11A0] =	vst v1;
	v1 =	vadd.s32 $0xFFFFFFFF, v9  }
0x205: {  	[tilespmem:s1+$0x11A0] =	vst v1;
	s1 =	simm.s32 $0x1220  }
0x206: {  	[tilespmem:s1], [sflag:$0x1] =	stream.indirect.gather [hbm4b:s4+s20], $0x10, s19, s20, $0xb8;
	[tilespmem:$0x94B0] =	vst v63  }
0x207: {  	s11 =	simm.s32 $0x5220;
	s26 =	simm.s32 $0x620  }
0x208: {  	[tilespmem:s11], [sflag:$0x1] =	stream.indirect.gather [hbm4b:s4+s20], $0x10, s26, s20, $0xb8;
	[tilespmem:$0x94B0] =	vst v63  }
0x209: {  	s13 =	simm.s32 $0x2A0;
	s29 =	simm.s32 $0x1A20  }
0x20a: {  	[tilespmem:s29], [sflag:$0x1] =	stream.indirect.gather [hbm4b:s4+s20], $0x10, s13, s20, $0xb8;
	[tilespmem:$0x94B0] =	vst v63  }
0x20b: {  	s3 =	simm.s32 $0x6A0;
	s31 =	simm.s32 $0x5A20  }
0x20c: {  	[tilespmem:s31], [sflag:$0x1] =	stream.indirect.gather [hbm4b:s4+s20], $0x10, s3, s20, $0xb8;
	[tilespmem:$0x94B0] =	vst v63  }
0x20d: {  	s3 =	simm.s32 $0x320  }
0x20e: {  	[tilespmem:s25], [sflag:$0x1] =	stream.indirect.gather [hbm4b:s4+s20], $0x10, s3, s20, $0xb8;
	[tilespmem:$0x94B0] =	vst v63  }
0x20f: {  	s3 =	simm.s32 $0x720  }
0x210: {  	[tilespmem:s30], [sflag:$0x1] =	stream.indirect.gather [hbm4b:s4+s20], $0x10, s3, s20, $0xb8;
	[tilespmem:$0x94B0] =	vst v63  }
0x211: {  	s3 =	simm.s32 $0x3A0  }
0x212: {  	[tilespmem:s16], [sflag:$0x1] =	stream.indirect.gather [hbm4b:s4+s20], $0x10, s3, s20, $0xb8;
	[tilespmem:$0x94B0] =	vst v63  }
0x213: {  	s3 =	simm.s32 $0x7A0  }
0x214: {  	[tilespmem:s15], [sflag:$0x1] =	stream.indirect.gather [hbm4b:s4+s20], $0x10, s3, s20, $0xb8;
	[tilespmem:$0x94B0] =	vst v63  }
0x215: {  	s3 =	simm.s32 $0x420  }
0x216: {  	[tilespmem:s28], [sflag:$0x1] =	stream.indirect.gather [hbm4b:s4+s20], $0x10, s3, s20, $0xb8;
	[tilespmem:$0x94B0] =	vst v63  }
0x217: {  	s3 =	simm.s32 $0x820  }
0x218: {  	[tilespmem:s8], [sflag:$0x1] =	stream.indirect.gather [hbm4b:s4+s20], $0x10, s3, s20, $0xb8;
	[tilespmem:$0x94B0] =	vst v63  }
0x219: {  	s13 =	simm.s32 $0x4A0;
	s3 =	simm.s32 $0x3A20  }
0x21a: {  	[tilespmem:s3], [sflag:$0x1] =	stream.indirect.gather [hbm4b:s4+s20], $0x10, s13, s20, $0xb8;
	[tilespmem:$0x94B0] =	vst v63  }
0x21b: {  	s13 =	simm.s32 $0x8A0  }
0x21c: {  	[tilespmem:s5], [sflag:$0x1] =	stream.indirect.gather [hbm4b:s4+s20], $0x10, s13, s20, $0xb8;
	[tilespmem:$0x94B0] =	vst v63  }
0x21d: {  	s13 =	simm.s32 $0x520  }
0x21e: {  	[tilespmem:s6], [sflag:$0x1] =	stream.indirect.gather [hbm4b:s4+s20], $0x10, s13, s20, $0xb8;
	[tilespmem:$0x94B0] =	vst v63  }
0x21f: {  	s13 =	simm.s32 $0x920  }
0x220: {  	[tilespmem:s7], [sflag:$0x1] =	stream.indirect.gather [hbm4b:s4+s20], $0x10, s13, s20, $0xb8;
	[tilespmem:$0x94B0] =	vst v63  }
0x221: {  	s13 =	simm.s32 $0x5A0  }
0x222: {  	[tilespmem:s10], [sflag:$0x1] =	stream.indirect.gather [hbm4b:s4+s20], $0x10, s13, s20, $0xb8;
	[tilespmem:$0x94B0] =	vst v63  }
0x223: {  	s13 =	simm.s32 $0x9A0  }
0x224: {  	[tilespmem:s12], [sflag:$0x1] =	stream.indirect.gather [hbm4b:s4+s20], $0x10, s13, s20, $0xb8;
	[tilespmem:$0x94B0] =	vst v63  }
0x225: {  	_ =	swait.ge [sflag:s23], $0x800  }
0x226: {  	[sflag:s23] =	ssyncset.done $0x0  }
0x227: {  	[sflag:s23] =	ssyncadd.s32 $0xFFFFF800  }
0x228: {  	_ =	swait.ge [sflag:s23], $0x800  }
0x229: {  	[sflag:s23] =	ssyncset.done $0x0  }
0x22a: {  	[sflag:s23] =	ssyncadd.s32 $0xFFFFF800  }
0x22b: {  	_ =	swait.ge [sflag:s23], $0x800  }
0x22c: {  	[sflag:s23] =	ssyncset.done $0x0  }
0x22d: {  	[sflag:s23] =	ssyncadd.s32 $0xFFFFF800  }
0x22e: {  	_ =	swait.ge [sflag:s23], $0x800  }
0x22f: {  	[sflag:s23] =	ssyncset.done $0x0  }
0x230: {  	[sflag:s23] =	ssyncadd.s32 $0xFFFFF800  }
0x231: {  	_ =	swait.ge [sflag:s23], $0x800  }
0x232: {  	[sflag:s23] =	ssyncset.done $0x0  }
0x233: {  	[sflag:s23] =	ssyncadd.s32 $0xFFFFF800  }
0x234: {  	_ =	swait.ge [sflag:s23], $0x800  }
0x235: {  	[sflag:s23] =	ssyncset.done $0x0  }
0x236: {  	[sflag:s23] =	ssyncadd.s32 $0xFFFFF800  }
0x237: {  	_ =	swait.ge [sflag:s23], $0x800  }
0x238: {  	[sflag:s23] =	ssyncset.done $0x0  }
0x239: {  	[sflag:s23] =	ssyncadd.s32 $0xFFFFF800  }
0x23a: {  	_ =	swait.ge [sflag:s23], $0x800  }
0x23b: {  	[sflag:s23] =	ssyncset.done $0x0  }
0x23c: {  	[sflag:s23] =	ssyncadd.s32 $0xFFFFF800  }
0x23d: {  	_ =	swait.ge [sflag:s23], $0x800  }
0x23e: {  	[sflag:s23] =	ssyncset.done $0x0  }
0x23f: {  	[sflag:s23] =	ssyncadd.s32 $0xFFFFF800  }
0x240: {  	_ =	swait.ge [sflag:s23], $0x800  }
0x241: {  	[sflag:s23] =	ssyncset.done $0x0  }
0x242: {  	[sflag:s23] =	ssyncadd.s32 $0xFFFFF800  }
0x243: {  	_ =	swait.ge [sflag:s23], $0x800  }
0x244: {  	[sflag:s23] =	ssyncset.done $0x0  }
0x245: {  	[sflag:s23] =	ssyncadd.s32 $0xFFFFF800  }
0x246: {  	_ =	swait.ge [sflag:s23], $0x800  }
0x247: {  	[sflag:s23] =	ssyncset.done $0x0  }
0x248: {  	[sflag:s23] =	ssyncadd.s32 $0xFFFFF800  }
0x249: {  	_ =	swait.ge [sflag:s23], $0x800  }
0x24a: {  	[sflag:s23] =	ssyncset.done $0x0  }
0x24b: {  	[sflag:s23] =	ssyncadd.s32 $0xFFFFF800  }
0x24c: {  	_ =	swait.ge [sflag:s23], $0x800  }
0x24d: {  	[sflag:s23] =	ssyncset.done $0x0  }
0x24e: {  	[sflag:s23] =	ssyncadd.s32 $0xFFFFF800  }
0x24f: {  	_ =	swait.ge [sflag:s23], $0x800  }
0x250: {  	[sflag:s23] =	ssyncset.done $0x0  }
0x251: {  	[sflag:s23] =	ssyncadd.s32 $0xFFFFF800  }
0x252: {  	_ =	swait.ge [sflag:s23], $0x800  }
0x253: {  	[sflag:s23] =	ssyncset.done $0x0  }
0x254: {  	[sflag:s23] =	ssyncadd.s32 $0xFFFFF800  }
0x255: {  	[hbm4b:s2+s20] =	stream.indirect.scatter [tilespmem:s1], [sflag:$0x2], $0x10, s0, s20, $0xb8;
	[tilespmem:$0x94B0] =	vst v63  }
0x256: {  	_ = 	snop  }
0x257: {  	[hbm4b:s9+s20] =	stream.indirect.scatter [tilespmem:s11], [sflag:$0x2], $0x10, s0, s20, $0xb8;
	[tilespmem:$0x94B0] =	vst v63  }
0x258: {  	s11 =	simm.s32 $0xEA0  }
0x259: {  	[hbm4b:s2+s20] =	stream.indirect.scatter [tilespmem:s29], [sflag:$0x2], $0x10, s11, s20, $0xb8;
	[tilespmem:$0x94B0] =	vst v63  }
0x25a: {  	_ = 	snop  }
0x25b: {  	[hbm4b:s9+s20] =	stream.indirect.scatter [tilespmem:s31], [sflag:$0x2], $0x10, s11, s20, $0xb8;
	[tilespmem:$0x94B0] =	vst v63  }
0x25c: {  	s13 =	simm.s32 $0xF20  }
0x25d: {  	[hbm4b:s2+s20] =	stream.indirect.scatter [tilespmem:s25], [sflag:$0x2], $0x10, s13, s20, $0xb8;
	[tilespmem:$0x94B0] =	vst v63  }
0x25e: {  	_ = 	snop  }
0x25f: {  	[hbm4b:s9+s20] =	stream.indirect.scatter [tilespmem:s30], [sflag:$0x2], $0x10, s13, s20, $0xb8;
	[tilespmem:$0x94B0] =	vst v63  }
0x260: {  	s29 =	simm.s32 $0xFA0  }
0x261: {  	[hbm4b:s2+s20] =	stream.indirect.scatter [tilespmem:s16], [sflag:$0x2], $0x10, s29, s20, $0xb8;
	[tilespmem:$0x94B0] =	vst v63  }
0x262: {  	_ = 	snop  }
0x263: {  	[hbm4b:s9+s20] =	stream.indirect.scatter [tilespmem:s15], [sflag:$0x2], $0x10, s29, s20, $0xb8;
	[tilespmem:$0x94B0] =	vst v63  }
0x264: {  	s31 =	simm.s32 $0x1020  }
0x265: {  	[hbm4b:s2+s20] =	stream.indirect.scatter [tilespmem:s28], [sflag:$0x2], $0x10, s31, s20, $0xb8;
	[tilespmem:$0x94B0] =	vst v63  }
0x266: {  	_ = 	snop  }
0x267: {  	[hbm4b:s9+s20] =	stream.indirect.scatter [tilespmem:s8], [sflag:$0x2], $0x10, s31, s20, $0xb8;
	[tilespmem:$0x94B0] =	vst v63  }
0x268: {  	s11 =	simm.s32 $0x10A0  }
0x269: {  	[hbm4b:s2+s20] =	stream.indirect.scatter [tilespmem:s3], [sflag:$0x2], $0x10, s11, s20, $0xb8;
	[tilespmem:$0x94B0] =	vst v63  }
0x26a: {  	_ = 	snop  }
0x26b: {  	[hbm4b:s9+s20] =	stream.indirect.scatter [tilespmem:s5], [sflag:$0x2], $0x10, s11, s20, $0xb8;
	[tilespmem:$0x94B0] =	vst v63  }
0x26c: {  	s13 =	simm.s32 $0x1120  }
0x26d: {  	[hbm4b:s2+s20] =	stream.indirect.scatter [tilespmem:s6], [sflag:$0x2], $0x10, s13, s20, $0xb8;
	[tilespmem:$0x94B0] =	vst v63  }
0x26e: {  	_ = 	snop  }
0x26f: {  	[hbm4b:s9+s20] =	stream.indirect.scatter [tilespmem:s7], [sflag:$0x2], $0x10, s13, s20, $0xb8;
	[tilespmem:$0x94B0] =	vst v63  }
0x270: {  	_ = 	snop  }
0x271: {  	[hbm4b:s2+s20] =	stream.indirect.scatter [tilespmem:s10], [sflag:$0x2], $0x10, s17, s20, $0xb8;
	[tilespmem:$0x94B0] =	vst v63  }
0x272: {  	s29 =	rddreg [dreg:$0x7]  }
0x273: {  	[hbm4b:s9+s20] =	stream.indirect.scatter [tilespmem:s12], [sflag:$0x2], $0x10, s17, s20, $0xb8;
	[tilespmem:$0x94B0] =	vst v63  }
0x274: {  	s1 =	sadd.s32 s29, s24;
	s31 =	simm.s32 $0x0  }
0x275: {  	[hbm4b:s1+s31] =	stream.linear.scatter [tilespmem:s0], [sflag:$0x3], $0x400, $0x38;
	[tilespmem:$0x94B0] =	vst v63  }
0x276: {  	_ =	swait.ge [sflag:s14], $0x400  }
0x277: {  	[sflag:s14] =	ssyncset.done $0x0  }
0x278: {  	[sflag:s14] =	ssyncadd.s32 $0xFFFFFC00  }
0x279: {  	_ =	swait.ge [sflag:s18], $0x800  }
0x27a: {  	[sflag:s18] =	ssyncset.done $0x0  }
0x27b: {  	[sflag:s18] =	ssyncadd.s32 $0xFFFFF800  }
0x27c: {  	_ =	swait.ge [sflag:s18], $0x800  }
0x27d: {  	[sflag:s18] =	ssyncset.done $0x0  }
0x27e: {  	[sflag:s18] =	ssyncadd.s32 $0xFFFFF800  }
0x27f: {  	_ =	swait.ge [sflag:s18], $0x800  }
0x280: {  	[sflag:s18] =	ssyncset.done $0x0  }
0x281: {  	[sflag:s18] =	ssyncadd.s32 $0xFFFFF800  }
0x282: {  	_ =	swait.ge [sflag:s18], $0x800  }
0x283: {  	[sflag:s18] =	ssyncset.done $0x0  }
0x284: {  	[sflag:s18] =	ssyncadd.s32 $0xFFFFF800  }
0x285: {  	_ =	swait.ge [sflag:s18], $0x800  }
0x286: {  	[sflag:s18] =	ssyncset.done $0x0  }
0x287: {  	[sflag:s18] =	ssyncadd.s32 $0xFFFFF800  }
0x288: {  	_ =	swait.ge [sflag:s18], $0x800  }
0x289: {  	[sflag:s18] =	ssyncset.done $0x0  }
0x28a: {  	[sflag:s18] =	ssyncadd.s32 $0xFFFFF800  }
0x28b: {  	_ =	swait.ge [sflag:s18], $0x800  }
0x28c: {  	[sflag:s18] =	ssyncset.done $0x0  }
0x28d: {  	[sflag:s18] =	ssyncadd.s32 $0xFFFFF800  }
0x28e: {  	_ =	swait.ge [sflag:s18], $0x800  }
0x28f: {  	[sflag:s18] =	ssyncset.done $0x0  }
0x290: {  	[sflag:s18] =	ssyncadd.s32 $0xFFFFF800  }
0x291: {  	_ =	swait.ge [sflag:s18], $0x800  }
0x292: {  	[sflag:s18] =	ssyncset.done $0x0  }
0x293: {  	[sflag:s18] =	ssyncadd.s32 $0xFFFFF800  }
0x294: {  	_ =	swait.ge [sflag:s18], $0x800  }
0x295: {  	[sflag:s18] =	ssyncset.done $0x0  }
0x296: {  	[sflag:s18] =	ssyncadd.s32 $0xFFFFF800  }
0x297: {  	_ =	swait.ge [sflag:s18], $0x800  }
0x298: {  	[sflag:s18] =	ssyncset.done $0x0  }
0x299: {  	[sflag:s18] =	ssyncadd.s32 $0xFFFFF800  }
0x29a: {  	_ =	swait.ge [sflag:s18], $0x800  }
0x29b: {  	[sflag:s18] =	ssyncset.done $0x0  }
0x29c: {  	[sflag:s18] =	ssyncadd.s32 $0xFFFFF800  }
0x29d: {  	_ =	swait.ge [sflag:s18], $0x800  }
0x29e: {  	[sflag:s18] =	ssyncset.done $0x0  }
0x29f: {  	[sflag:s18] =	ssyncadd.s32 $0xFFFFF800  }
0x2a0: {  	_ =	swait.ge [sflag:s18], $0x800  }
0x2a1: {  	[sflag:s18] =	ssyncset.done $0x0  }
0x2a2: {  	s22 =	sadd.s32 $0x1, s22;
	[sflag:s18] =	ssyncadd.s32 $0xFFFFF800  }
0x2a3: {  	p1 =	sne.s32 s22, $0x5;
	_ =	swait.ge [sflag:s18], $0x800  }
.Ltmp9:
0x2a4: {  	[sflag:s18] =	ssyncset.done $0x0;
	(pc) =	sbr.rel @p1 .LBB2_4-.Ltmp9, $4  }
0x2a5: {  	v10 =	vmpcnt.ones.xlane vm1;
	v11 =	vmpcnt.ones.xlane vm3;
	[sflag:s18] =	ssyncadd.s32 $0xFFFFF800  }
0x2a6: {  	v9 =	vmpcnt.ones.xlane vm2;
	v1 =	vmpcnt.ones.xlane vm0;
	_ =	swait.ge [sflag:s18], $0x800  }
0x2a7: {  	v58 =	vadd.s32 v6, v11;
	[sflag:s18] =	ssyncset.done $0x0  }
0x2a8: {  	v59 =	vadd.s32 v3, v9;
	v3 =	vadd.s32 v5, v10;
	v60 =	vadd.s32 v4, v1;
	[sflag:s18] =	ssyncadd.s32 $0xFFFFF800  }
0x2a9: {  	s3 =	rddreg [dreg:$0xb]  }
0x2aa: {  	s1 =	rddreg [dreg:$0xa];
	s3 =	sadd.s32 $0x1, s3  }
0x2ab: {  	p1 =	sne.s32 s3, s1  }
.Ltmp10:
0x2ac: {  	_ = 	snop;
	(pc) =	sbr.rel @p1 .LBB2_1-.Ltmp10, $1  }
0x2ad: {  	_ =	sdelay $0x3  }
0x2ae: {  	_ =	sfence.sel $0x180000  }
0x2af: {  	[bflag:$0x0] =	sbarrier.arrive $0xFFFF  }
0x2b0: {  	_ =	strace $0x9000004A  }
0x2b1: {  	s0 =	stileid.u32;
	[bflag:$0x2] =	sbarrier.arrive $0xFFFF  }
0x2b2: {  	p0 =	sne.s32 s0, $0x0;
	s0 =	rddreg [dreg:$0x2]  }
0x2b3: {  	s0 =	sadd.s32 @!p0 $0x100000, s0  }
0x2b4: {  	[sflag:s0] =	ssyncadd.tile.s32 @!p0 $0x1;
	_ =	shalt  }
.Lfunc_end2:
_tile_overlayer_lowered:
.L_overlay_start_2:
0x2b5: {  	(tag) =	ssettag $0x2  }
0x2b6: {  	s0 =	rddreg [dreg:$0x0];
	s2 =	stileid.u32  }
0x2b7: {  	s1 =	rddreg [dreg:$0x1];
	p0 =	sne.s32 s2, $0x0  }
0x2b8: {  	s3 =	rddreg [dreg:$0x2];
	[bflag:$0x3] =	sbarrier.arrive $0xFFFF;
	s2 =	simm.s32 @!p0 $0x1C03  }
0x2b9: {  	[timem:s3], [sflag:s2] =	dma.local @!p0 [hbm:s0], s1  }
0x2ba: {  	s0 =	simm.s32 @!p0 $0x3  }
0x2bb: {  	_ =	swait.ge @!p0 [sflag:s0], s1  }
0x2bc: {  	s1 =	ssub.s32 @!p0 $0x0, s1;
	[sflag:s0] =	ssyncset.done @!p0 $0x0  }
0x2bd: {  	[sflag:s0] =	ssyncadd.s32 @!p0 s1  }
0x2be: {  	[bflag:$0x3] =	sbarrier.arrive $0xFFFF  }
0x2bf: {  	_ =	shalt  }

// kernel: kernel.13.cloned.1.call-start
scs
__scs_entry_jumppad:
0x0: {  	(pc) =	sbr.rel $0x88, $3  }
0x1: {  	(tag) =	ssettag $0x0;
	lr =	simm.s32 $0x1  }
0x2: {  	[smem:$0x3F76] =	sst lr;
	_ =	strace $0xD0000000  }
0x3: {  	_ = 	snop  }
0x4: {  	_ = 	snop  }
0x5: {  	_ = 	snop  }
0x6: {  	_ = 	snop  }
0x7: {  	_ = 	snop  }
__scs_overlays_trampoline_lowered:
0x8: {  	[smem:$0x3F85] =	sst s0  }
0x9: {  	[smem:$0x3F86] =	sst s1  }
0xa: {  	[smem:$0x3F87] =	sst s2  }
0xb: {  	[smem:$0x3F88] =	sst s3  }
0xc: {  	[smem:$0x3F89] =	sst s4  }
0xd: {  	[smem:$0x3F8A] =	sst s5  }
0xe: {  	[smem:$0x3F8B] =	sst s6  }
0xf: {  	[smem:$0x3F8C] =	sst s7  }
0x10: {  	[smem:$0x3F8D] =	sst s8  }
0x11: {  	[smem:$0x3F8E] =	sst s9;
	s0 =	simm.s32 @!p0 $0x0  }
0x12: {  	s1 =	sld [smem:$0x3F74];
	s0 =	simm.s32 @p0 $0x1  }
0x13: {  	[smem:$0x3F8F] =	sst s0;
	s0 =	simm.s32 @!p1 $0x0  }
0x14: {  	s2 =	sld [smem:$0x3F73];
	s0 =	simm.s32 @p1 $0x1  }
0x15: {  	[smem:$0x3F90] =	sst s0;
	s0 =	simm.s32 @!p2 $0x0  }
0x16: {  	s3 =	sld [smem:$0x3FDB];
	s0 =	simm.s32 @p2 $0x1  }
0x17: {  	s4 =	simm.s32 $0x1BF5;
	[smem:$0x3F92] =	sst s0  }
0x18: {  	s0 =	sld [smem:$0x3F75];
	_ =	swait.ge [sflag:s4], $0x0  }
0x19: {  	s7 =	sld [smem:$0x3F76]  }
0x1a: {  	s8 =	sadd.s32 $0xFFFFE003, lr  }
0x1b: {  	s9 =	sadd.s32 $0xFFFFFEF7, lr;
	s5 =	simm.s32 $0xFFFFFFFF;
	p2 =	slt.u32 s8, $0xFFFFF086  }
0x1c: {  	p1 =	slt.u32 s9, $0xF7A;
	s5 =	simm.s32 @!p2 $0x0  }
0x1d: {  	s5 =	simm.s32 @p1 $0x1;
	p0 =	seq.s32 s7, s2  }
0x1e: {  	s7 =	smul.u32 @!p0 $0xF7A, s2;
	p2 =	seq.s32 @!p0 s5, $0x0  }
0x1f: {  	s9 =	smul.u32 $0xF7A, s1;
	s8 =	simm.s32 @!p0 $0x1BF5;
	p2 =	por !p2, p0  }
0x20: {  	[sflag:s8] =	ssyncset.s32 @!p0 $0xFFFFF086;
	s6 =	sadd.s32 @!p0 s3, s7;
	s7 =	simm.s32 @!p0 $0x108  }
0x21: {  	s3 =	sadd.s32 s3, s9;
	s6 =	sadd.s32 @!p0 $0x88, s6;
	s7 =	simm.s32 @p2 $0x1082  }
0x22: {  	[simem:s7], [sflag:s8] =	dma.local @!p0 [hbm:s6], $0xF7A  }
0x23: {  	s9 =	sor.u32 $0xD0000000, s2;
	s6 =	simm.s32 $0x108;
	_ =	swait.ge @!p0 [sflag:s8], $0x0  }
0x24: {  	s3 =	sadd.s32 $0x88, s3;
	s6 =	simm.s32 @!p1 $0x1082;
	[sflag:s4] =	ssyncset.s32 $0xFFFFF086  }
0x25: {  	[simem:s6], [sflag:s4] =	dma.local [hbm:s3], $0xF7A  }
0x26: {  	[smem:$0x3F76] =	sst s1;
	(tag) =	ssettag s2;
	_ =	strace s9  }
0x27: {  	s1 =	sld [smem:$0x3F86]  }
0x28: {  	s2 =	sld [smem:$0x3F87]  }
0x29: {  	s4 =	sld [smem:$0x3F89]  }
0x2a: {  	p0 =	seq.s32 s5, $0x0;
	s5 =	sld [smem:$0x3F8A]  }
0x2b: {  	s6 =	sld [smem:$0x3F8B]  }
0x2c: {  	s7 =	sld [smem:$0x3F8C]  }
0x2d: {  	s3 =	simm.s32 $0x108;
	s8 =	sld [smem:$0x3F8D]  }
0x2e: {  	s3 =	simm.s32 @!p0 $0x1082;
	s9 =	sld [smem:$0x3F8E]  }
0x2f: {  	lr =	sadd.s32 s0, s3;
	s0 =	sld [smem:$0x3F85]  }
0x30: {  	s3 =	sld [smem:$0x3F88]  }
0x31: {  	[smem:$0x3F91] =	sst s10  }
0x32: {  	s10 =	sld [smem:$0x3F8F];
	_ =	sdelay $0x3  }
0x33: {  	p0 =	seq.s32 s10, $0x1;
	s10 =	sld [smem:$0x3F91];
	_ =	sdelay $0x3  }
0x34: {  	[smem:$0x3F91] =	sst s10  }
0x35: {  	s10 =	sld [smem:$0x3F90];
	_ =	sdelay $0x3  }
0x36: {  	p1 =	seq.s32 s10, $0x1;
	s10 =	sld [smem:$0x3F91];
	_ =	sdelay $0x3  }
0x37: {  	[smem:$0x3F91] =	sst s10  }
0x38: {  	s10 =	sld [smem:$0x3F92]  }
0x39: {  	_ = 	snop;
	(pc) =	sbr.ind lr, $3  }
0x3a: {  	_ = 	snop  }
0x3b: {  	_ = 	snop  }
0x3c: {  	p2 =	seq.s32 s10, $0x1;
	s10 =	sld [smem:$0x3F91]  }
0x3d: {  	_ =	shalt  }
0x3e: {  	_ =	shalt  }
0x3f: {  	_ =	shalt  }
0x40: {  	_ =	shalt  }
0x41: {  	_ =	shalt  }
0x42: {  	_ =	shalt  }
0x43: {  	_ =	shalt  }
0x44: {  	_ =	shalt  }
0x45: {  	_ =	shalt  }
0x46: {  	_ =	shalt  }
0x47: {  	_ =	shalt  }
0x48: {  	_ =	shalt  }
0x49: {  	_ =	shalt  }
0x4a: {  	_ =	shalt  }
0x4b: {  	_ =	shalt  }
0x4c: {  	_ =	shalt  }
0x4d: {  	_ =	shalt  }
0x4e: {  	_ =	shalt  }
0x4f: {  	_ =	shalt  }
0x50: {  	_ =	shalt  }
0x51: {  	_ =	shalt  }
0x52: {  	_ =	shalt  }
0x53: {  	_ =	shalt  }
0x54: {  	_ =	shalt  }
0x55: {  	_ =	shalt  }
0x56: {  	_ =	shalt  }
0x57: {  	_ =	shalt  }
0x58: {  	_ =	shalt  }
0x59: {  	_ =	shalt  }
0x5a: {  	_ =	shalt  }
0x5b: {  	_ =	shalt  }
0x5c: {  	_ =	shalt  }
0x5d: {  	_ =	shalt  }
0x5e: {  	_ =	shalt  }
0x5f: {  	_ =	shalt  }
0x60: {  	_ =	shalt  }
0x61: {  	_ =	shalt  }
0x62: {  	_ =	shalt  }
0x63: {  	_ =	shalt  }
0x64: {  	_ =	shalt  }
0x65: {  	_ =	shalt  }
0x66: {  	_ =	shalt  }
0x67: {  	_ =	shalt  }
0x68: {  	_ =	shalt  }
0x69: {  	_ =	shalt  }
0x6a: {  	_ =	shalt  }
0x6b: {  	_ =	shalt  }
0x6c: {  	_ =	shalt  }
0x6d: {  	_ =	shalt  }
0x6e: {  	_ =	shalt  }
0x6f: {  	_ =	shalt  }
0x70: {  	_ =	shalt  }
0x71: {  	_ =	shalt  }
0x72: {  	_ =	shalt  }
0x73: {  	_ =	shalt  }
0x74: {  	_ =	shalt  }
0x75: {  	_ =	shalt  }
0x76: {  	_ =	shalt  }
0x77: {  	_ =	shalt  }
0x78: {  	_ =	shalt  }
0x79: {  	_ =	shalt  }
0x7a: {  	_ =	shalt  }
0x7b: {  	_ =	shalt  }
0x7c: {  	_ =	shalt  }
0x7d: {  	_ =	shalt  }
0x7e: {  	_ =	shalt  }
0x7f: {  	_ =	shalt  }
0x80: {  	_ =	shalt  }
0x81: {  	_ =	shalt  }
0x82: {  	_ =	shalt  }
0x83: {  	_ =	shalt  }
0x84: {  	_ =	shalt  }
0x85: {  	_ =	shalt  }
0x86: {  	_ =	shalt  }
0x87: {  	_ =	shalt  }
.Lfunc_end0:
.L_simem_size_0:
called_computation.2_lowered:
.L_overlay_start_0:
0x88: {  	s2 =	sld [smem:$0x3FD9]  }
0x89: {  	s3 =	sld [smem:$0x3FFE];
	_ =	sdelay $0x1  }
0x8a: {  	s1 =	srdreg.scid  }
0x8b: {  	s0 =	sand.u32 $0x1, s1  }
0x8c: {  	s16 =	sshll.u32 s0, $0xA;
	s2 =	sadd.s32 s3, s2  }
0x8d: {  	s2 =	sadd.s32 s2, s16  }
0x8e: {  	[smem:$0x3F9D] =	sst s2  }
0x8f: {  	_ = 	snop  }
0x90: {  	(tm) =	ssettm $0x1  }
0x91: {  	s17 =	sld [smem:$0x3FFB];
	_ =	sdelay $0x3  }
0x92: {  	_ =	strace s17  }
0x93: {  	s2 =	sld [smem:$0x3FFC];
	_ =	sdelay $0x3  }
0x94: {  	_ =	strace s2  }
0x95: {  	s2 =	sld [smem:$0x3FFD];
	_ =	sdelay $0x3  }
0x96: {  	_ =	strace s2  }
0x97: {  	_ =	strace $0x8FFFFFFF  }
0x98: {  	s18 =	sld [smem:$0x3FDB];
	_ =	sdelay $0x1  }
0x99: {  	s19 =	simm.s32 $_scs_section_size  }
0x9a: {  	s4 =	simm.s32 $_size__tile_overlayer_lowered;
	s5 =	simm.s32 $_tile_overlayer_lowered  }
0x9b: {  	s22 =	simm.s32 $0x1BFF;
	s21 =	sshll.u32 s5, $0x1;
	s2 =	sadd.s32 s19, s18  }
0x9c: {  	s6 =	simm.s32 $0x0;
	s20 =	sshll.u32 s4, $0x1;
	s4 =	sadd.s32 s21, s2  }
0x9d: {  	[timem:s6], [sflag:s22] =	dma.local [hbm:s4], s20  }
0x9e: {  	_ =	swait.ge [sflag:s22], s20  }
0x9f: {  	s3 =	ssub.s32 $0x0, s20;
	[sflag:s22] =	ssyncset.done $0x0  }
0xa0: {  	[sflag:s22] =	ssyncadd.s32 s3;
	_ =	sdelay $0x1  }
0xa1: {  	s23 =	simm.s32 $0x1B8B  }
0xa2: {  	_ =	swait.ge [sflag:s23], $0x1  }
0xa3: {  	[sflag:s23] =	ssyncset.done $0x0  }
0xa4: {  	s25 =	simm.s32 $0x1B8E;
	s24 =	sld [smem:$0x3FFE];
	[sflag:s23] =	ssyncadd.s32 $0xFFFFFFFF  }
0xa5: {  	s26 =	simm.s32 $execute0_lowered;
	[smem:$0x3FD2] =	sst s25  }
0xa6: {  	s4 =	sshll.u32 s26, $0x1;
	_ =	strace $0x8000004C;
	[dreg:$0x1] =	wrdreg $0xFFFFFFFF  }
0xa7: {  	s28 =	simm.s32 $_size_execute0_lowered;
	s2 =	sadd.s32 s2, s4;
	[dreg:$0x0] =	wrdreg $0x0  }
0xa8: {  	s4 =	sshll.u32 s28, $0x1;
	[dreg:$0x2] =	wrdreg s2  }
0xa9: {  	[dreg:$0x3] =	wrdreg s4  }
0xaa: {  	[dreg:$0x4] =	wrdreg $0xC0  }
0xab: {  	_ =	task [dreg:s6], $0x5FFFF  }
0xac: {  	[dreg:$0x1] =	wrdreg $0xFFFFFFFF  }
0xad: {  	[dreg:$0x0] =	wrdreg $0x60  }
0xae: {  	[dreg:$0x2] =	wrdreg s24  }
0xaf: {  	[dreg:$0x3] =	wrdreg $0x9  }
0xb0: {  	_ =	task.clear_ibuf [dreg:s6], $0x4FFFF;
	_ =	strace $0x9000004C  }
0xb1: {  	s29 =	simm.s32 $0x9;
	_ =	strace $0x8000004E  }
0xb2: {  	_ =	swait.ge [sflag:s29], $0x1  }
0xb3: {  	[sflag:s29] =	ssyncadd.s32 $0xFFFFFFFF  }
0xb4: {  	_ =	strace $0x9000004E  }
0xb5: {  	_ =	sfence  }
0xb6: {  	s30 =	sld [smem:$0x0];
	_ =	sdelay $0x2  }
0xb7: {  	s31 =	sshll.u32 s1, $0xD;
	s1 =	sshrl.u32 s1, $0x2  }
0xb8: {  	s3 =	sand.u32 $0x4000, s31;
	s1 =	sadd.s32 s1, s30  }
0xb9: {  	s0 =	sor.u32 s3, s0;
	s1 =	sshll.u32 s1, $0x11  }
0xba: {  	s0 =	sor.u32 s1, s0  }
0xbb: {  	s0 =	sadd.s32 $0x8F2B, s0  }
0xbc: {  	[sflag:s0] =	ssyncadd.remote.s32 $0x1  }
0xbd: {  	_ =	sfence.sel $0xFFFF  }
0xbe: {  	[dreg:$0x0] =	wrdreg $0xFFFFFFFF;
	(pc) =	sbr.abs _section_cstart, $3  }
0xbf: {  	[dreg:$0x1] =	wrdreg $0xFFFFFFFF  }
0xc0: {  	_ =	task.clear_ibuf [dreg:s6], $0x2FFFF;
	_ =	strace $0x9FFFFFFF  }
0xc1: {  	(tm) =	ssettm $0x7FFFFFFF  }
tec
execute0_lowered:
.L_overlay_start_1:
0x0: {  	(tag) =	ssettag $0x1  }
0x1: {  	s4 =	rddreg [dreg:$0x0]  }
0x2: {  	s0 =	rddreg [dreg:$0x1];
	s2 =	simm.s32 $0x0;
	s3 =	srdreg.scid  }
0x3: {  	s1 =	stileid.u32;
	s10 =	simm.s32 $0x4200;
	s11 =	simm.s32 $0x100  }
0x4: {  	s12 =	simm.s32 $0x8200;
	s13 =	simm.s32 $0x180;
	s14 =	simm.s32 $0xC200  }
0x5: {  	s15 =	simm.s32 $0x1;
	s16 =	simm.s32 $0x0;
	s6 =	smul.u32 $0x2800, s1  }
0x6: {  	[smem:$0x7FF] =	sst s2;
	s5 =	sand.u32 $0x1, s3;
	s8 =	smul.u32 $0x28000, s1  }
0x7: {  	s3 =	sadd.s32 $0x579000, s4;
	s7 =	smul.u32 $0x1400, s5;
	s9 =	ssub.s32 $0x2, s5  }
0x8: {  	_ =	strace $0x8000004D;
	s5 =	smul.u32 $0x14000, s5;
	s31 =	sshrl.u32 s9, $0x1  }
0x9: {  	s8 =	sadd.s32 s8, s4;
	s6 =	sadd.s32 s7, s6;
	s7 =	ssub.s32 s9, s31  }
0xa: {  	s5 =	sadd.s32 s5, s8;
	s8 =	simm.s32 $0x80;
	s6 =	sshrl.u32 s6, $0x3  }
0xb: {  	s9 =	simm.s32 $0x200;
	s5 =	sadd.s32 $0x71000, s5;
	s6 =	sadd.s32 s6, s4  }
0xc: {  	s4 =	smax.u32 s7, $0x1;
	s7 =	simm.s32 $0x2;
	s6 =	sadd.s32 $0x6C000, s6  }
.LBB2_1:
0xd: {  	s17 =	sadd.s32 $0x0, s6  }
0xe: {  	[tilespmem:s2], [sflag:$0x2] =	stream.linear.gather [hbm4b:s17+s2], $0x200, $0x38;
	[tilespmem:$0x10200] =	vst v63  }
0xf: {  	_ =	swait.ge [sflag:s7], $0x200  }
0x10: {  	[sflag:s7] =	ssyncset.done $0x0  }
0x11: {  	[sflag:s7] =	ssyncadd.s32 $0xFFFFFE00  }
0x12: {  	[tilespmem:s9], [sflag:$0x1] =	stream.indirect.gather [hbm4b:s3+s8], $0x80, s2, s8, $0xb8;
	[tilespmem:$0x10200] =	vst v63  }
0x13: {  	_ = 	snop  }
0x14: {  	[tilespmem:s10], [sflag:$0x1] =	stream.indirect.gather [hbm4b:s3+s8], $0x80, s8, s8, $0xb8;
	[tilespmem:$0x10200] =	vst v63  }
0x15: {  	_ = 	snop  }
0x16: {  	[tilespmem:s12], [sflag:$0x1] =	stream.indirect.gather [hbm4b:s3+s8], $0x80, s11, s8, $0xb8;
	[tilespmem:$0x10200] =	vst v63  }
0x17: {  	_ = 	snop  }
0x18: {  	[tilespmem:s14], [sflag:$0x1] =	stream.indirect.gather [hbm4b:s3+s8], $0x80, s13, s8, $0xb8;
	[tilespmem:$0x10200] =	vst v63  }
0x19: {  	_ =	swait.ge [sflag:s15], $0x4000  }
0x1a: {  	[sflag:s15] =	ssyncset.done $0x0  }
0x1b: {  	[sflag:s15] =	ssyncadd.s32 $0xFFFFC000  }
0x1c: {  	_ =	swait.ge [sflag:s15], $0x4000  }
0x1d: {  	[sflag:s15] =	ssyncset.done $0x0  }
0x1e: {  	[sflag:s15] =	ssyncadd.s32 $0xFFFFC000  }
0x1f: {  	_ =	swait.ge [sflag:s15], $0x4000  }
0x20: {  	[sflag:s15] =	ssyncset.done $0x0  }
0x21: {  	[sflag:s15] =	ssyncadd.s32 $0xFFFFC000  }
0x22: {  	_ =	swait.ge [sflag:s15], $0x4000  }
0x23: {  	[sflag:s15] =	ssyncset.done $0x0  }
0x24: {  	[sflag:s15] =	ssyncadd.s32 $0xFFFFC000  }
0x25: {  	[hbm4b:s5+s2] =	stream.linear.scatter [tilespmem:s9], [sflag:$0x2], $0x10000, $0x38;
	[tilespmem:$0x10200] =	vst v63  }
0x26: {  	s18 =	simm.s32 $0x40;
	_ =	swait.ge [sflag:s7], $0x10000  }
0x27: {  	s19 =	simm.s32 $0x80;
	s17 =	sadd.s32 $0x2000, s5;
	[sflag:s7] =	ssyncset.done $0x0  }
.LBB2_2:
0x28: {  	s20 =	sadd.s32 s18, s6  }
0x29: {  	[sflag:s7] =	ssyncadd.s32 $0xFFFF0000;
	s18 =	smov.u32 s19;
	s21 =	sadd.s32 $0x40, s19  }
0x2a: {  	[tilespmem:s2], [sflag:$0x2] =	stream.linear.gather [hbm4b:s20+s2], $0x200, $0x38;
	[tilespmem:$0x10200] =	vst v63  }
0x2b: {  	p0 =	sne.s32 s19, $0x240;
	_ =	swait.ge [sflag:s7], $0x200  }
0x2c: {  	[sflag:s7] =	ssyncset.done $0x0  }
0x2d: {  	[sflag:s7] =	ssyncadd.s32 $0xFFFFFE00  }
0x2e: {  	[tilespmem:s9], [sflag:$0x1] =	stream.indirect.gather [hbm4b:s3+s8], $0x80, s2, s8, $0xb8;
	[tilespmem:$0x10200] =	vst v63  }
0x2f: {  	_ = 	snop  }
0x30: {  	[tilespmem:s10], [sflag:$0x1] =	stream.indirect.gather [hbm4b:s3+s8], $0x80, s8, s8, $0xb8;
	[tilespmem:$0x10200] =	vst v63  }
0x31: {  	_ = 	snop  }
0x32: {  	[tilespmem:s12], [sflag:$0x1] =	stream.indirect.gather [hbm4b:s3+s8], $0x80, s11, s8, $0xb8;
	[tilespmem:$0x10200] =	vst v63  }
0x33: {  	_ = 	snop  }
0x34: {  	[tilespmem:s14], [sflag:$0x1] =	stream.indirect.gather [hbm4b:s3+s8], $0x80, s13, s8, $0xb8;
	[tilespmem:$0x10200] =	vst v63  }
0x35: {  	_ =	swait.ge [sflag:s15], $0x4000  }
0x36: {  	[sflag:s15] =	ssyncset.done $0x0  }
0x37: {  	[sflag:s15] =	ssyncadd.s32 $0xFFFFC000  }
0x38: {  	_ =	swait.ge [sflag:s15], $0x4000  }
0x39: {  	[sflag:s15] =	ssyncset.done $0x0  }
0x3a: {  	[sflag:s15] =	ssyncadd.s32 $0xFFFFC000  }
0x3b: {  	_ =	swait.ge [sflag:s15], $0x4000  }
0x3c: {  	[sflag:s15] =	ssyncset.done $0x0  }
0x3d: {  	[sflag:s15] =	ssyncadd.s32 $0xFFFFC000  }
0x3e: {  	_ =	swait.ge [sflag:s15], $0x4000  }
.Ltmp0:
0x3f: {  	[sflag:s15] =	ssyncset.done $0x0;
	(pc) =	sbr.rel @p0 .LBB2_2-.Ltmp0, $4  }
0x40: {  	[sflag:s15] =	ssyncadd.s32 $0xFFFFC000  }
0x41: {  	[hbm4b:s17+s2] =	stream.linear.scatter [tilespmem:s9], [sflag:$0x2], $0x10000, $0x38;
	[tilespmem:$0x10200] =	vst v63  }
0x42: {  	_ =	swait.ge [sflag:s7], $0x10000  }
0x43: {  	s19 =	smov.u32 s21;
	s17 =	sadd.s32 $0x2000, s17;
	[sflag:s7] =	ssyncset.done $0x0  }
0x44: {  	s18 =	sadd.s32 s18, s6;
	[sflag:s7] =	ssyncadd.s32 $0xFFFF0000  }
0x45: {  	[tilespmem:s2], [sflag:$0x2] =	stream.linear.gather [hbm4b:s18+s2], $0x200, $0x38;
	[tilespmem:$0x10200] =	vst v63  }
0x46: {  	_ =	swait.ge [sflag:s7], $0x200  }
0x47: {  	[sflag:s7] =	ssyncset.done $0x0  }
0x48: {  	[sflag:s7] =	ssyncadd.s32 $0xFFFFFE00  }
0x49: {  	[tilespmem:s9], [sflag:$0x1] =	stream.indirect.gather [hbm4b:s3+s8], $0x80, s2, s8, $0xb8;
	[tilespmem:$0x10200] =	vst v63  }
0x4a: {  	_ = 	snop  }
0x4b: {  	[tilespmem:s10], [sflag:$0x1] =	stream.indirect.gather [hbm4b:s3+s8], $0x80, s8, s8, $0xb8;
	[tilespmem:$0x10200] =	vst v63  }
0x4c: {  	_ = 	snop  }
0x4d: {  	[tilespmem:s12], [sflag:$0x1] =	stream.indirect.gather [hbm4b:s3+s8], $0x80, s11, s8, $0xb8;
	[tilespmem:$0x10200] =	vst v63  }
0x4e: {  	_ = 	snop  }
0x4f: {  	[tilespmem:s14], [sflag:$0x1] =	stream.indirect.gather [hbm4b:s3+s8], $0x80, s13, s8, $0xb8;
	[tilespmem:$0x10200] =	vst v63  }
0x50: {  	_ =	swait.ge [sflag:s15], $0x4000  }
0x51: {  	[sflag:s15] =	ssyncset.done $0x0  }
0x52: {  	[sflag:s15] =	ssyncadd.s32 $0xFFFFC000  }
0x53: {  	_ =	swait.ge [sflag:s15], $0x4000  }
0x54: {  	[sflag:s15] =	ssyncset.done $0x0  }
0x55: {  	[sflag:s15] =	ssyncadd.s32 $0xFFFFC000  }
0x56: {  	_ =	swait.ge [sflag:s15], $0x4000  }
0x57: {  	[sflag:s15] =	ssyncset.done $0x0  }
0x58: {  	[sflag:s15] =	ssyncadd.s32 $0xFFFFC000  }
0x59: {  	s16 =	sadd.s32 $0x1, s16;
	_ =	swait.ge [sflag:s15], $0x4000  }
0x5a: {  	p0 =	sne.s32 s16, s4;
	[sflag:s15] =	ssyncset.done $0x0  }
.Ltmp1:
0x5b: {  	[sflag:s15] =	ssyncadd.s32 $0xFFFFC000;
	(pc) =	sbr.rel @p0 .LBB2_1-.Ltmp1, $4  }
0x5c: {  	[hbm4b:s17+s2] =	stream.linear.scatter [tilespmem:s9], [sflag:$0x2], $0x10000, $0x38;
	[tilespmem:$0x10200] =	vst v63  }
0x5d: {  	_ =	swait.ge [sflag:s7], $0x10000  }
0x5e: {  	[sflag:s7] =	ssyncset.done $0x0  }
0x5f: {  	[sflag:s7] =	ssyncadd.s32 $0xFFFF0000  }
0x60: {  	_ =	sfence.sel $0x180000  }
0x61: {  	[bflag:$0x0] =	sbarrier.arrive $0xFFFF  }
0x62: {  	p0 =	sne.s32 s1, $0x0;
	_ =	strace $0x9000004D  }
0x63: {  	s0 =	sadd.s32 @!p0 $0x100000, s0;
	[bflag:$0x2] =	sbarrier.arrive $0xFFFF  }
0x64: {  	[sflag:s0] =	ssyncadd.tile.s32 @!p0 $0x1;
	_ =	shalt  }
.Lfunc_end2:
_tile_overlayer_lowered:
.L_overlay_start_2:
0x65: {  	(tag) =	ssettag $0x2  }
0x66: {  	s0 =	rddreg [dreg:$0x0];
	s2 =	stileid.u32  }
0x67: {  	s1 =	rddreg [dreg:$0x1];
	p0 =	sne.s32 s2, $0x0  }
0x68: {  	s3 =	rddreg [dreg:$0x2];
	[bflag:$0x3] =	sbarrier.arrive $0xFFFF;
	s2 =	simm.s32 @!p0 $0x1C02  }
0x69: {  	[timem:s3], [sflag:s2] =	dma.local @!p0 [hbm:s0], s1  }
0x6a: {  	s0 =	simm.s32 @!p0 $0x2  }
0x6b: {  	_ =	swait.ge @!p0 [sflag:s0], s1  }
0x6c: {  	s1 =	ssub.s32 @!p0 $0x0, s1;
	[sflag:s0] =	ssyncset.done @!p0 $0x0  }
0x6d: {  	[sflag:s0] =	ssyncadd.s32 @!p0 s1  }
0x6e: {  	[bflag:$0x3] =	sbarrier.arrive $0xFFFF  }
0x6f: {  	_ =	shalt  }

// kernel: kernel.7.cloned.1.call-start
scs
__scs_entry_jumppad:
0x0: {  	(pc) =	sbr.rel $0x88, $3  }
0x1: {  	(tag) =	ssettag $0x0;
	lr =	simm.s32 $0x1  }
0x2: {  	[smem:$0x3F76] =	sst lr;
	_ =	strace $0xD0000000  }
0x3: {  	_ = 	snop  }
0x4: {  	_ = 	snop  }
0x5: {  	_ = 	snop  }
0x6: {  	_ = 	snop  }
0x7: {  	_ = 	snop  }
__scs_overlays_trampoline_lowered:
0x8: {  	[smem:$0x3F85] =	sst s0  }
0x9: {  	[smem:$0x3F86] =	sst s1  }
0xa: {  	[smem:$0x3F87] =	sst s2  }
0xb: {  	[smem:$0x3F88] =	sst s3  }
0xc: {  	[smem:$0x3F89] =	sst s4  }
0xd: {  	[smem:$0x3F8A] =	sst s5  }
0xe: {  	[smem:$0x3F8B] =	sst s6  }
0xf: {  	[smem:$0x3F8C] =	sst s7  }
0x10: {  	[smem:$0x3F8D] =	sst s8  }
0x11: {  	[smem:$0x3F8E] =	sst s9;
	s0 =	simm.s32 @!p0 $0x0  }
0x12: {  	s1 =	sld [smem:$0x3F74];
	s0 =	simm.s32 @p0 $0x1  }
0x13: {  	[smem:$0x3F8F] =	sst s0;
	s0 =	simm.s32 @!p1 $0x0  }
0x14: {  	s2 =	sld [smem:$0x3F73];
	s0 =	simm.s32 @p1 $0x1  }
0x15: {  	[smem:$0x3F90] =	sst s0;
	s0 =	simm.s32 @!p2 $0x0  }
0x16: {  	s3 =	sld [smem:$0x3FDB];
	s0 =	simm.s32 @p2 $0x1  }
0x17: {  	s4 =	simm.s32 $0x1BF5;
	[smem:$0x3F92] =	sst s0  }
0x18: {  	s0 =	sld [smem:$0x3F75];
	_ =	swait.ge [sflag:s4], $0x0  }
0x19: {  	s7 =	sld [smem:$0x3F76]  }
0x1a: {  	s8 =	sadd.s32 $0xFFFFE003, lr  }
0x1b: {  	s9 =	sadd.s32 $0xFFFFFEF7, lr;
	s5 =	simm.s32 $0xFFFFFFFF;
	p2 =	slt.u32 s8, $0xFFFFF086  }
0x1c: {  	p1 =	slt.u32 s9, $0xF7A;
	s5 =	simm.s32 @!p2 $0x0  }
0x1d: {  	s5 =	simm.s32 @p1 $0x1;
	p0 =	seq.s32 s7, s2  }
0x1e: {  	s7 =	smul.u32 @!p0 $0xF7A, s2;
	p2 =	seq.s32 @!p0 s5, $0x0  }
0x1f: {  	s9 =	smul.u32 $0xF7A, s1;
	s8 =	simm.s32 @!p0 $0x1BF5;
	p2 =	por !p2, p0  }
0x20: {  	[sflag:s8] =	ssyncset.s32 @!p0 $0xFFFFF086;
	s6 =	sadd.s32 @!p0 s3, s7;
	s7 =	simm.s32 @!p0 $0x108  }
0x21: {  	s3 =	sadd.s32 s3, s9;
	s6 =	sadd.s32 @!p0 $0x88, s6;
	s7 =	simm.s32 @p2 $0x1082  }
0x22: {  	[simem:s7], [sflag:s8] =	dma.local @!p0 [hbm:s6], $0xF7A  }
0x23: {  	s9 =	sor.u32 $0xD0000000, s2;
	s6 =	simm.s32 $0x108;
	_ =	swait.ge @!p0 [sflag:s8], $0x0  }
0x24: {  	s3 =	sadd.s32 $0x88, s3;
	s6 =	simm.s32 @!p1 $0x1082;
	[sflag:s4] =	ssyncset.s32 $0xFFFFF086  }
0x25: {  	[simem:s6], [sflag:s4] =	dma.local [hbm:s3], $0xF7A  }
0x26: {  	[smem:$0x3F76] =	sst s1;
	(tag) =	ssettag s2;
	_ =	strace s9  }
0x27: {  	s1 =	sld [smem:$0x3F86]  }
0x28: {  	s2 =	sld [smem:$0x3F87]  }
0x29: {  	s4 =	sld [smem:$0x3F89]  }
0x2a: {  	p0 =	seq.s32 s5, $0x0;
	s5 =	sld [smem:$0x3F8A]  }
0x2b: {  	s6 =	sld [smem:$0x3F8B]  }
0x2c: {  	s7 =	sld [smem:$0x3F8C]  }
0x2d: {  	s3 =	simm.s32 $0x108;
	s8 =	sld [smem:$0x3F8D]  }
0x2e: {  	s3 =	simm.s32 @!p0 $0x1082;
	s9 =	sld [smem:$0x3F8E]  }
0x2f: {  	lr =	sadd.s32 s0, s3;
	s0 =	sld [smem:$0x3F85]  }
0x30: {  	s3 =	sld [smem:$0x3F88]  }
0x31: {  	[smem:$0x3F91] =	sst s10  }
0x32: {  	s10 =	sld [smem:$0x3F8F];
	_ =	sdelay $0x3  }
0x33: {  	p0 =	seq.s32 s10, $0x1;
	s10 =	sld [smem:$0x3F91];
	_ =	sdelay $0x3  }
0x34: {  	[smem:$0x3F91] =	sst s10  }
0x35: {  	s10 =	sld [smem:$0x3F90];
	_ =	sdelay $0x3  }
0x36: {  	p1 =	seq.s32 s10, $0x1;
	s10 =	sld [smem:$0x3F91];
	_ =	sdelay $0x3  }
0x37: {  	[smem:$0x3F91] =	sst s10  }
0x38: {  	s10 =	sld [smem:$0x3F92]  }
0x39: {  	_ = 	snop;
	(pc) =	sbr.ind lr, $3  }
0x3a: {  	_ = 	snop  }
0x3b: {  	_ = 	snop  }
0x3c: {  	p2 =	seq.s32 s10, $0x1;
	s10 =	sld [smem:$0x3F91]  }
0x3d: {  	_ =	shalt  }
0x3e: {  	_ =	shalt  }
0x3f: {  	_ =	shalt  }
0x40: {  	_ =	shalt  }
0x41: {  	_ =	shalt  }
0x42: {  	_ =	shalt  }
0x43: {  	_ =	shalt  }
0x44: {  	_ =	shalt  }
0x45: {  	_ =	shalt  }
0x46: {  	_ =	shalt  }
0x47: {  	_ =	shalt  }
0x48: {  	_ =	shalt  }
0x49: {  	_ =	shalt  }
0x4a: {  	_ =	shalt  }
0x4b: {  	_ =	shalt  }
0x4c: {  	_ =	shalt  }
0x4d: {  	_ =	shalt  }
0x4e: {  	_ =	shalt  }
0x4f: {  	_ =	shalt  }
0x50: {  	_ =	shalt  }
0x51: {  	_ =	shalt  }
0x52: {  	_ =	shalt  }
0x53: {  	_ =	shalt  }
0x54: {  	_ =	shalt  }
0x55: {  	_ =	shalt  }
0x56: {  	_ =	shalt  }
0x57: {  	_ =	shalt  }
0x58: {  	_ =	shalt  }
0x59: {  	_ =	shalt  }
0x5a: {  	_ =	shalt  }
0x5b: {  	_ =	shalt  }
0x5c: {  	_ =	shalt  }
0x5d: {  	_ =	shalt  }
0x5e: {  	_ =	shalt  }
0x5f: {  	_ =	shalt  }
0x60: {  	_ =	shalt  }
0x61: {  	_ =	shalt  }
0x62: {  	_ =	shalt  }
0x63: {  	_ =	shalt  }
0x64: {  	_ =	shalt  }
0x65: {  	_ =	shalt  }
0x66: {  	_ =	shalt  }
0x67: {  	_ =	shalt  }
0x68: {  	_ =	shalt  }
0x69: {  	_ =	shalt  }
0x6a: {  	_ =	shalt  }
0x6b: {  	_ =	shalt  }
0x6c: {  	_ =	shalt  }
0x6d: {  	_ =	shalt  }
0x6e: {  	_ =	shalt  }
0x6f: {  	_ =	shalt  }
0x70: {  	_ =	shalt  }
0x71: {  	_ =	shalt  }
0x72: {  	_ =	shalt  }
0x73: {  	_ =	shalt  }
0x74: {  	_ =	shalt  }
0x75: {  	_ =	shalt  }
0x76: {  	_ =	shalt  }
0x77: {  	_ =	shalt  }
0x78: {  	_ =	shalt  }
0x79: {  	_ =	shalt  }
0x7a: {  	_ =	shalt  }
0x7b: {  	_ =	shalt  }
0x7c: {  	_ =	shalt  }
0x7d: {  	_ =	shalt  }
0x7e: {  	_ =	shalt  }
0x7f: {  	_ =	shalt  }
0x80: {  	_ =	shalt  }
0x81: {  	_ =	shalt  }
0x82: {  	_ =	shalt  }
0x83: {  	_ =	shalt  }
0x84: {  	_ =	shalt  }
0x85: {  	_ =	shalt  }
0x86: {  	_ =	shalt  }
0x87: {  	_ =	shalt  }
.Lfunc_end0:
.L_simem_size_0:
called_computation_lowered:
.L_overlay_start_0:
0x88: {  	s2 =	sld [smem:$0x3FD9]  }
0x89: {  	s3 =	sld [smem:$0x3FFE];
	_ =	sdelay $0x1  }
0x8a: {  	s1 =	srdreg.scid  }
0x8b: {  	s0 =	sand.u32 $0x1, s1  }
0x8c: {  	s17 =	sshll.u32 s0, $0xA;
	s2 =	sadd.s32 s3, s2  }
0x8d: {  	s2 =	sadd.s32 s2, s17  }
0x8e: {  	[smem:$0x3F9D] =	sst s2  }
0x8f: {  	_ = 	snop  }
0x90: {  	s2 =	sld [smem:$0x3FC7];
	(tm) =	ssettm $0x1  }
0x91: {  	s18 =	sld [smem:$0x3FFB];
	_ =	sdelay $0x3  }
0x92: {  	_ =	strace s18  }
0x93: {  	s3 =	sld [smem:$0x3FFC];
	_ =	sdelay $0x3  }
0x94: {  	_ =	strace s3  }
0x95: {  	s3 =	sld [smem:$0x3FFD];
	_ =	sdelay $0x3  }
0x96: {  	_ =	strace s3  }
0x97: {  	_ =	strace $0x8FFFFFFF  }
0x98: {  	s19 =	sld [smem:$0x3FDB];
	_ =	sdelay $0x1  }
0x99: {  	s4 =	simm.s32 $_scs_section_size  }
0x9a: {  	s5 =	simm.s32 $_size__tile_overlayer_lowered;
	s6 =	simm.s32 $_tile_overlayer_lowered  }
0x9b: {  	s22 =	simm.s32 $0x1BFF;
	s21 =	sshll.u32 s6, $0x1;
	s3 =	sadd.s32 s4, s19  }
0x9c: {  	s7 =	simm.s32 $0x0;
	s20 =	sshll.u32 s5, $0x1;
	s5 =	sadd.s32 s21, s3  }
0x9d: {  	[timem:s7], [sflag:s22] =	dma.local [hbm:s5], s20  }
0x9e: {  	_ =	swait.ge [sflag:s22], s20  }
0x9f: {  	s4 =	ssub.s32 $0x0, s20;
	[sflag:s22] =	ssyncset.done $0x0  }
0xa0: {  	[sflag:s22] =	ssyncadd.s32 s4;
	_ =	sdelay $0x1  }
0xa1: {  	s23 =	simm.s32 $0x1B8B  }
0xa2: {  	_ =	swait.ge [sflag:s23], $0x1  }
0xa3: {  	[sflag:s23] =	ssyncset.done $0x0  }
0xa4: {  	s25 =	simm.s32 $0x1B8E;
	s24 =	sld [smem:$0x3FFE];
	[sflag:s23] =	ssyncadd.s32 $0xFFFFFFFF  }
0xa5: {  	s26 =	simm.s32 $execute0_lowered;
	[smem:$0x3FD2] =	sst s25  }
0xa6: {  	s5 =	sshll.u32 s26, $0x1;
	_ =	strace $0x80000046;
	[dreg:$0x1] =	wrdreg $0xFFFFFFFF  }
0xa7: {  	s28 =	simm.s32 $_size_execute0_lowered;
	s3 =	sadd.s32 s3, s5;
	[dreg:$0x0] =	wrdreg $0x0  }
0xa8: {  	s5 =	sshll.u32 s28, $0x1;
	[dreg:$0x2] =	wrdreg s3  }
0xa9: {  	[dreg:$0x3] =	wrdreg s5  }
0xaa: {  	[dreg:$0x4] =	wrdreg $0xC0  }
0xab: {  	_ =	task [dreg:s7], $0x5FFFF  }
0xac: {  	[dreg:$0x1] =	wrdreg $0xFFFFFFFF  }
0xad: {  	[dreg:$0x0] =	wrdreg $0x60  }
0xae: {  	[dreg:$0x2] =	wrdreg s24  }
0xaf: {  	[dreg:$0x3] =	wrdreg s2  }
0xb0: {  	[dreg:$0x4] =	wrdreg $0x9  }
0xb1: {  	_ =	task.clear_ibuf [dreg:s7], $0x5FFFF;
	_ =	strace $0x90000046  }
0xb2: {  	s29 =	simm.s32 $0x9;
	_ =	strace $0x80000048  }
0xb3: {  	_ =	swait.ge [sflag:s29], $0x1  }
0xb4: {  	[sflag:s29] =	ssyncadd.s32 $0xFFFFFFFF  }
0xb5: {  	_ =	strace $0x90000048  }
0xb6: {  	_ =	sfence  }
0xb7: {  	s30 =	sld [smem:$0x0];
	_ =	sdelay $0x2  }
0xb8: {  	s31 =	sshll.u32 s1, $0xD;
	s1 =	sshrl.u32 s1, $0x2  }
0xb9: {  	s3 =	sand.u32 $0x4000, s31;
	s1 =	sadd.s32 s1, s30  }
0xba: {  	s0 =	sor.u32 s3, s0;
	s1 =	sshll.u32 s1, $0x11  }
0xbb: {  	s0 =	sor.u32 s1, s0  }
0xbc: {  	s0 =	sadd.s32 $0x8F2B, s0  }
0xbd: {  	[sflag:s0] =	ssyncadd.remote.s32 $0x1  }
0xbe: {  	_ =	sfence.sel $0xFFFF  }
0xbf: {  	[dreg:$0x0] =	wrdreg $0xFFFFFFFF;
	(pc) =	sbr.abs _section_cstart, $3  }
0xc0: {  	[dreg:$0x1] =	wrdreg $0xFFFFFFFF  }
0xc1: {  	_ =	task.clear_ibuf [dreg:s7], $0x2FFFF;
	_ =	strace $0x9FFFFFFF  }
0xc2: {  	(tm) =	ssettm $0x7FFFFFFF  }
0xc3: {  	_ =	shalt  }
tec
execute0_lowered:
.L_overlay_start_1:
0x0: {  	(tag) =	ssettag $0x1  }
0x1: {  	s7 =	rddreg [dreg:$0x0]  }
0x2: {  	s1 =	rddreg [dreg:$0x1]  }
0x3: {  	s0 =	rddreg [dreg:$0x2];
	s3 =	simm.s32 $0x0  }
0x4: {  	s4 =	srdreg.scid;
	s2 =	stileid.u32;
	s12 =	simm.s32 $0x2B10  }
0x5: {  	s13 =	simm.s32 $0x2F10;
	s14 =	simm.s32 $0x3310;
	s15 =	simm.s32 $0x0  }
0x6: {  	[smem:$0x7FF] =	sst s3;
	s5 =	sand.u32 $0x1, s4;
	s6 =	sshll.u32 s2, $0x1  }
0x7: {  	s4 =	sadd.s32 $0xC400, s7;
	_ =	strace $0x80000047;
	s8 =	sor.u32 s5, s6  }
0x8: {  	s9 =	ssub.s32 $0x2, s5;
	s5 =	sadd.s32 $0x7400, s7;
	s10 =	sshll.u32 s8, $0x1  }
0x9: {  	s6 =	sadd.s32 $0x11400, s7;
	s11 =	sshrl.u32 s9, $0x1;
	s10 =	sadd.s32 s10, s7  }
0xa: {  	v0 =	vimm.s32 $0x0;
	vm0 =	vcmask $0x3F10;
	s9 =	ssub.s32 s9, s11;
	s7 =	smul.u32 $0x1400, s8;
	s11 =	simm.s32 $0x2710  }
0xb: {  	vm1 =	vcmask $0x3F0C;
	vm2 =	vcmask $0x3F08;
	vm3 =	vmmov $0x1;
	s8 =	sadd.s32 $0x16400, s10;
	s9 =	smax.u32 s9, $0x1;
	s10 =	simm.s32 $0x1  }
.LBB2_1:
0xc: {  	[tilespmem:s3], [sflag:$0x1] =	stream.linear.gather [hbm4b:s1+s3], $0x2710, $0x38;
	[tilespmem:$0x3320] =	vst v63  }
0xd: {  	_ =	swait.ge [sflag:s10], $0x2710  }
0xe: {  	v1 =	vimm.s32 $0x0;
	[sflag:s10] =	ssyncset.done $0x0  }
0xf: {  	v4 =	vimm.s32 $0x0;
	v2 =	vimm.s32 $0x0;
	v3 =	vimm.s32 $0x0;
	s16 =	simm.s32 $0x0;
	[sflag:s10] =	ssyncadd.s32 $0xFFFFD8F0  }
.LBB2_2:
0x10: {  	s17 =	sshll.u32 s16, $0xA  }
0x11: {  	s17 =	sadd.s32 s7, s17  }
0x12: {  	s17 =	sshrl.u32 s17, $0x3  }
0x13: {  	s19 =	simm.s32 $0x0;
	s18 =	sadd.s32 s4, s17  }
0x14: {  	[tilespmem:s11], [sflag:$0x1] =	stream.linear.gather [hbm4b:s18+s19], $0x400, $0x38;
	[tilespmem:$0x3320] =	vst v63  }
0x15: {  	_ =	swait.ge [sflag:s10], $0x400  }
0x16: {  	[sflag:s10] =	ssyncset.done $0x0  }
0x17: {  	s31 =	sadd.s32 s5, s17;
	[sflag:s10] =	ssyncadd.s32 $0xFFFFFC00  }
0x18: {  	[tilespmem:s12], [sflag:$0x1] =	stream.linear.gather [hbm4b:s31+s19], $0x400, $0x38;
	[tilespmem:$0x3320] =	vst v63  }
0x19: {  	_ =	swait.ge [sflag:s10], $0x400  }
0x1a: {  	[sflag:s10] =	ssyncset.done $0x0  }
0x1b: {  	s18 =	simm.s32 $0x0;
	[sflag:s10] =	ssyncadd.s32 $0xFFFFFC00  }
0x1c: {  	v5 =	vld [tilespmem:s18+$0x2B10]  }
0x1d: {  	v6 =	vld [tilespmem:s18+$0x2710];
	_ =	sdelay $0x6  }
0x1e: {  	v5 =	vld.idx.msk [tilespmem:v5+s3+$0x0], $0xffff  }
0x1f: {  	v6 =	vld.idx.msk [tilespmem:v6+s3+$0x0], $0xffff  }
0x20: {  	s20 =	simm.s32 $0x80;
	s19 =	simm.s32 $0x40  }
.LBB2_3:
0x21: {  	p0 =	sne.s32 s20, $0xFC0  }
0x22: {  	s21 =	sshra.s32 s19, $0x2;
	s19 =	smov.u32 s20  }
0x23: {  	v7 =	vld [tilespmem:s21+$0x2B10]  }
0x24: {  	vm5 =	vgt.s32 v5, $0x2;
	vm4 =	vgt.s32 v6, $0x2;
	v8 =	vld [tilespmem:s21+$0x2710]  }
0x25: {  	v6 =	vsel vm5, $0x1, v0;
	v5 =	vsel vm4, $0x2, v0  }
0x26: {  	v5 =	vor.u32 v6, v5  }
0x27: {  	vm6 =	veq.s32 v5, $0x2  }
0x28: {  	vm4 =	vmand vm4, vm5;
	v5 =	vsel vm6, $0x3, v5  }
0x29: {  	v6 =	vmpcnt.ones.xlane vm4;
	v5 =	vsel vm4, $0x2, v5  }
.Ltmp0:
0x2a: {  	vm4 =	veq.s32 v5, $0x0;
	vm5 =	veq.s32 v5, $0x1;
	vm6 =	veq.s32 v5, $0x3;
	[tilespmem:s18+$0x2F10] =	vst v5;
	s18 =	smov.u32 s21;
	(pc) =	sbr.rel @p0 .LBB2_3-.Ltmp0, $4  }
0x2b: {  	v4 =	vadd.s32 v4, v6;
	v9 =	vmpcnt.ones.xlane vm5;
	v5 =	vld.idx.msk [tilespmem:v7+s3+$0x0], $0xffff;
	v7 =	vmpcnt.ones.xlane vm4  }
0x2c: {  	v6 =	vld.idx.msk [tilespmem:v8+s3+$0x0], $0xffff;
	v8 =	vmpcnt.ones.xlane vm6  }
0x2d: {  	v2 =	vadd.s32 v2, v9;
	v3 =	vadd.s32 v3, v7  }
0x2e: {  	s20 =	sadd.s32 $0x40, s20;
	v1 =	vadd.s32 v1, v8  }
0x2f: {  	s19 =	sshra.s32 s19, $0x2  }
0x30: {  	v7 =	vld [tilespmem:s19+$0x2B10]  }
0x31: {  	v8 =	vld [tilespmem:s19+$0x2710];
	vm5 =	vgt.s32 v5, $0x2;
	vm4 =	vgt.s32 v6, $0x2  }
0x32: {  	v6 =	vsel vm5, $0x1, v0;
	v5 =	vsel vm4, $0x2, v0  }
0x33: {  	v5 =	vor.u32 v6, v5  }
0x34: {  	vm6 =	veq.s32 v5, $0x2  }
0x35: {  	vm4 =	vmand vm4, vm5;
	v5 =	vsel vm6, $0x3, v5  }
0x36: {  	v5 =	vsel vm4, $0x2, v5  }
0x37: {  	[tilespmem:s18+$0x2F10] =	vst v5  }
0x38: {  	v6 =	vld.idx.msk [tilespmem:v7+s3+$0x0], $0xffff  }
0x39: {  	v7 =	vld.idx.msk [tilespmem:v8+s3+$0x0], $0xffff;
	_ =	sdelay $0x4  }
0x3a: {  	vm5 =	vgt.s32 v7, $0x2;
	vm13 =	vgt.s32 v6, $0x2  }
0x3b: {  	v62 =	vmpcnt.ones.xlane vm4;
	v6 =	vsel vm5, $0x2, v0;
	v7 =	vsel vm13, $0x1, v0  }
0x3c: {  	vm4 =	veq.s32 v5, $0x0;
	v6 =	vor.u32 v7, v6  }
0x3d: {  	v4 =	vadd.s32 v4, v62;
	v7 =	vmpcnt.ones.xlane vm4;
	vm4 =	veq.s32 v6, $0x2  }
0x3e: {  	s16 =	sadd.s32 $0x1, s16;
	vm14 =	veq.s32 v5, $0x1;
	vm5 =	vmand vm5, vm13;
	v6 =	vsel vm4, $0x3, v6  }
0x3f: {  	p0 =	sne.s32 s16, $0x5;
	v9 =	vmpcnt.ones.xlane vm5;
	vm4 =	veq.s32 v5, $0x3;
	v6 =	vsel vm5, $0x2, v6  }
.Ltmp1:
0x40: {  	s17 =	sadd.s32 s6, s17;
	v5 =	vmpcnt.ones.xlane vm14;
	v63 =	vmpcnt.ones.xlane vm4;
	[tilespmem:s19+$0x2F10] =	vst v6;
	vm4 =	veq.s32 v6, $0x0;
	(pc) =	sbr.rel @p0 .LBB2_2-.Ltmp1, $4  }
0x41: {  	vm5 =	veq.s32 v6, $0x1;
	vm15 =	veq.s32 v6, $0x3;
	v6 =	vmpcnt.ones.xlane vm4;
	[hbm4b:s17+s3] =	stream.linear.scatter [tilespmem:s13], [sflag:$0x1], $0x400, $0x38;
	[tilespmem:$0x3320] =	vst v63  }
0x42: {  	v3 =	vadd.s32 v3, v7;
	v7 =	vmpcnt.ones.xlane vm5;
	v10 =	vmpcnt.ones.xlane vm15;
	_ =	swait.ge [sflag:s10], $0x400  }
0x43: {  	v4 =	vadd.s32 v4, v9;
	v2 =	vadd.s32 v2, v5;
	v1 =	vadd.s32 v1, v63;
	[sflag:s10] =	ssyncset.done $0x0  }
0x44: {  	v3 =	vadd.s32 v3, v6;
	v2 =	vadd.s32 v2, v7;
	v1 =	vadd.s32 v1, v10;
	[sflag:s10] =	ssyncadd.s32 $0xFFFFFC00  }
0x45: {  	v1 =	vsel vm0, $0x0, v1  }
0x46: {  	v1 =	vsel vm1, v1, v4  }
0x47: {  	s15 =	sadd.s32 $0x1, s15;
	v1 =	vsel vm2, v1, v2  }
0x48: {  	p0 =	sne.s32 s15, s9;
	v1 =	vsel vm3, v3, v1  }
.Ltmp2:
0x49: {  	[tilespmem:$0x3310] =	vst v1;
	(pc) =	sbr.rel @p0 .LBB2_1-.Ltmp2, $4  }
0x4a: {  	[hbm4b:s8+s3] =	stream.linear.scatter [tilespmem:s14], [sflag:$0x1], $0x10, $0x38;
	[tilespmem:$0x3320] =	vst v63  }
0x4b: {  	_ =	swait.ge [sflag:s10], $0x10  }
0x4c: {  	[sflag:s10] =	ssyncset.done $0x0  }
0x4d: {  	[sflag:s10] =	ssyncadd.s32 $0xFFFFFFF0  }
0x4e: {  	_ =	sfence.sel $0x180000  }
0x4f: {  	[bflag:$0x0] =	sbarrier.arrive $0xFFFF  }
0x50: {  	p0 =	sne.s32 s2, $0x0;
	_ =	strace $0x90000047  }
0x51: {  	s0 =	sadd.s32 @!p0 $0x100000, s0;
	[bflag:$0x2] =	sbarrier.arrive $0xFFFF  }
0x52: {  	[sflag:s0] =	ssyncadd.tile.s32 @!p0 $0x1;
	_ =	shalt  }
.Lfunc_end2:
_tile_overlayer_lowered:
.L_overlay_start_2:
0x53: {  	(tag) =	ssettag $0x2  }
0x54: {  	s0 =	rddreg [dreg:$0x0];
	s2 =	stileid.u32  }
0x55: {  	s1 =	rddreg [dreg:$0x1];
	p0 =	sne.s32 s2, $0x0  }
0x56: {  	s3 =	rddreg [dreg:$0x2];
	[bflag:$0x3] =	sbarrier.arrive $0xFFFF;
	s2 =	simm.s32 @!p0 $0x1C01  }
0x57: {  	[timem:s3], [sflag:s2] =	dma.local @!p0 [hbm:s0], s1  }
0x58: {  	s0 =	simm.s32 @!p0 $0x1  }
0x59: {  	_ =	swait.ge @!p0 [sflag:s0], s1  }
0x5a: {  	s1 =	ssub.s32 @!p0 $0x0, s1;
	[sflag:s0] =	ssyncset.done @!p0 $0x0  }
0x5b: {  	[sflag:s0] =	ssyncadd.s32 @!p0 s1  }
0x5c: {  	[bflag:$0x3] =	sbarrier.arrive $0xFFFF  }
0x5d: {  	_ =	shalt  }

</sc_bundles>
